<compile_context>
chip_gen: v7x
topology: tpu7x:2x2x1
jax: 0.10.2.dev20260603
libtpu: 0.0.44.dev20260713+nightly
codegen_flags: <defaults>
</compile_context>

<pallas_src>
import functools

import numpy as np
import jax
import jax.numpy as jnp
from jax import lax
from jax.experimental import pallas as pl
from jax.experimental.pallas import tpu as pltpu
from jax.experimental.pallas import tpu_sc as plsc

VOCAB_SIZE = 1000000
D_DIM = 64
BATCH_N = 4096
SEQ_L = 200


def _pe_table() -> np.ndarray:
    pos = np.arange(SEQ_L)[:, np.newaxis].astype(np.float64)
    i = np.arange(D_DIM)[np.newaxis, :].astype(np.float64)
    angle_rates = 1.0 / np.power(10000, 2 * (i // 2) / np.float32(D_DIM))
    angle_rads = pos * angle_rates
    angle_rads[:, 0::2] = np.sin(angle_rads[:, 0::2])
    angle_rads[:, 1::2] = np.cos(angle_rads[:, 1::2])
    return np.asarray(angle_rads, dtype=np.float32)


_PE_CONST = _pe_table()

_INFO = plsc.get_sparse_core_info()
_NC, _NS = _INFO.num_cores, _INFO.num_subcores
NW = _NC * _NS

N_ROWS = BATCH_N * SEQ_L
PER_W = N_ROWS // NW
SEQ_PER_CHUNK = 4
CHUNK = SEQ_PER_CHUNK * SEQ_L
NCHUNK = PER_W // CHUNK
_SUBS = [(0, 128), (128, 72)]
LANES = 16
VECS_PER_ROW = D_DIM // LANES


def _sc_embed(table, idx_flat, pe):
    mesh = plsc.VectorSubcoreMesh(core_axis_name="c", subcore_axis_name="s")

    @functools.partial(
        pl.kernel,
        mesh=mesh,
        out_type=jax.ShapeDtypeStruct((N_ROWS, D_DIM), jnp.float32),
        scratch_types=[
            pltpu.VMEM((SEQ_PER_CHUNK, SEQ_L), jnp.int32),
            pltpu.VMEM((SEQ_PER_CHUNK, SEQ_L), jnp.int32),
            pltpu.VMEM((CHUNK, D_DIM), jnp.float32),
            pltpu.VMEM((CHUNK, D_DIM), jnp.float32),
            pltpu.VMEM((SEQ_L, D_DIM), jnp.float32),
            pltpu.SemaphoreType.DMA,
            pltpu.SemaphoreType.DMA,
            pltpu.SemaphoreType.DMA,
            pltpu.SemaphoreType.DMA,
        ],
        compiler_params=pltpu.CompilerParams(use_tc_tiling_on_sc=False),
    )
    def body(table_hbm, idx_hbm, pe_hbm, out_hbm,
             idx_a, idx_b, rows_a, rows_b, pe_v,
             gsem_a, gsem_b, osem_a, osem_b):
        wid = lax.axis_index("s") * _NC + lax.axis_index("c")
        base = wid * PER_W
        pltpu.sync_copy(pe_hbm, pe_v)

        def fire(g, idx_v, rows_v, gsem):
            seq0 = base // SEQ_L + g * SEQ_PER_CHUNK
            pltpu.sync_copy(idx_hbm.at[pl.ds(seq0, SEQ_PER_CHUNK)], idx_v)
            for s in range(SEQ_PER_CHUNK):
                for off, ln in _SUBS:
                    pltpu.async_copy(
                        table_hbm.at[idx_v.at[s].at[pl.ds(off, ln)]],
                        rows_v.at[pl.ds(s * SEQ_L + off, ln)],
                        gsem,
                    )

        def wait_g(idx_v, rows_v, gsem):
            for s in range(SEQ_PER_CHUNK):
                for off, ln in _SUBS:
                    pltpu.make_async_copy(
                        table_hbm.at[idx_v.at[s].at[pl.ds(off, ln)]],
                        rows_v.at[pl.ds(s * SEQ_L + off, ln)],
                        gsem,
                    ).wait()

        def process(rows_v):
            def add_body(r, c2):
                for s in range(SEQ_PER_CHUNK):
                    row = s * SEQ_L + r
                    for j in range(VECS_PER_ROW):
                        sl = pl.ds(j * LANES, LANES)
                        rows_v[row, sl] = rows_v[row, sl] + pe_v[r, sl]
                return c2

            lax.fori_loop(0, SEQ_L, add_body, 0)

        def fire_out(g, rows_v, osem):
            pltpu.async_copy(
                rows_v, out_hbm.at[pl.ds(base + g * CHUNK, CHUNK)], osem)

        def wait_out(g, rows_v, osem):
            pltpu.make_async_copy(
                rows_v, out_hbm.at[pl.ds(base + g * CHUNK, CHUNK)],
                osem).wait()

        last = NCHUNK - 1

        fire(0, idx_a, rows_a, gsem_a)
        fire(1, idx_b, rows_b, gsem_b)
        wait_g(idx_a, rows_a, gsem_a)
        process(rows_a)
        fire_out(0, rows_a, osem_a)
        wait_g(idx_b, rows_b, gsem_b)
        process(rows_b)
        fire_out(1, rows_b, osem_b)
        wait_out(0, rows_a, osem_a)
        fire(2, idx_a, rows_a, gsem_a)
        wait_out(1, rows_b, osem_b)
        fire(3, idx_b, rows_b, gsem_b)

        def pair_body(p, carry):
            g0 = 2 * p
            wait_g(idx_a, rows_a, gsem_a)
            process(rows_a)
            fire_out(g0, rows_a, osem_a)
            wait_g(idx_b, rows_b, gsem_b)
            process(rows_b)
            fire_out(g0 + 1, rows_b, osem_b)
            wait_out(g0, rows_a, osem_a)
            fire(jnp.minimum(g0 + 2, last), idx_a, rows_a, gsem_a)
            wait_out(g0 + 1, rows_b, osem_b)
            fire(jnp.minimum(g0 + 3, last), idx_b, rows_b, gsem_b)
            return carry

        lax.fori_loop(1, NCHUNK // 2, pair_body, 0)

        wait_g(idx_a, rows_a, gsem_a)
        wait_g(idx_b, rows_b, gsem_b)

    return body(table, idx_flat, pe)


def kernel(inputs, table):
    pe = jnp.asarray(_PE_CONST)
    out = _sc_embed(table, inputs, pe)
    return out.reshape(BATCH_N, SEQ_L, D_DIM)

# --- scband reference (transcript-rebuilt; emitter-appended) ---
"""Pipeline reference for scband-embedder-23639499997312 (READ-ONLY COPY).

The authoritative reference and input builder live on the scoring server;
editing this copy changes nothing except your own understanding.
"""

import jax, jax.numpy as jnp
import numpy as np

VOCAB = 1000000
D_MODEL = 64
BATCH = 4096
SEQ = 200


def positional_encoding(position, d_model):
    pos = np.arange(position)[:, np.newaxis].astype(np.float64)
    i = np.arange(d_model)[np.newaxis, :].astype(np.float64)
    angle_rates = 1.0 / np.power(10000, 2 * (i // 2) / np.float32(d_model))
    angle_rads = pos * angle_rates
    angle_rads[:, 0::2] = np.sin(angle_rads[:, 0::2])
    angle_rads[:, 1::2] = np.cos(angle_rads[:, 1::2])
    pe = angle_rads[np.newaxis, ...]
    return jnp.asarray(pe, dtype=jnp.float32)


def setup_inputs(seed: int = 0) -> dict:
    key = jax.random.key(seed)
    k1, k2 = jax.random.split(key)
    inputs = jax.random.randint(k1, (BATCH, SEQ), 0, VOCAB, dtype=jnp.int32)
    # Embedding table parameter (keras Embedding default uniform init)
    table = jax.random.uniform(k2, (VOCAB, D_MODEL), dtype=jnp.float32, minval=-0.05, maxval=0.05)
    return {"inputs": inputs, "table": table}


def reference(inputs, table):
    # Embedding lookup (gather)
    input_embed = jnp.take(table, inputs, axis=0)  # [B, L, D]
    seq_lens = input_embed.shape[1]
    dim = input_embed.shape[2]
    pe = positional_encoding(seq_lens, dim)  # [1, L, D]
    input_embed = input_embed + pe
    return input_embed

if __name__ == "__main__":
    import jax
    _d = setup_inputs()
    print(jax.jit(kernel)(*tuple(_d.values())))

</pallas_src>

<mosaic_0001>
#map = affine_map<(d0, d1) -> (0, 0)>
module attributes {stable_mosaic.version = 14 : i64} {
  func.func @body(%arg0: i32, %arg1: i32, %arg2: memref<1000000x64xf32, #tpu.memory_space<hbm>>, %arg3: memref<4096x200xi32, #tpu.memory_space<hbm>>, %arg4: memref<200x64xf32, #tpu.memory_space<hbm>>, %arg5: memref<819200x64xf32, #tpu.memory_space<hbm>>, %arg6: memref<4x200xi32, #tpu.memory_space<vmem>>, %arg7: memref<4x200xi32, #tpu.memory_space<vmem>>, %arg8: memref<800x64xf32, #tpu.memory_space<vmem>>, %arg9: memref<800x64xf32, #tpu.memory_space<vmem>>, %arg10: memref<200x64xf32, #tpu.memory_space<vmem>>, %arg11: memref<!tpu.dma_semaphore, #tpu.memory_space<semaphore_mem>>, %arg12: memref<!tpu.dma_semaphore, #tpu.memory_space<semaphore_mem>>, %arg13: memref<!tpu.dma_semaphore, #tpu.memory_space<semaphore_mem>>, %arg14: memref<!tpu.dma_semaphore, #tpu.memory_space<semaphore_mem>>) attributes {dimension_semantics = [#tpu.dimension_semantics<core_parallel>, #tpu.dimension_semantics<subcore_parallel>], iteration_bounds = array<i64: 2, 16>, scalar_prefetch = 0 : i64, scratch_operands = 9 : i64, tpu.core_type = #tpu.core_type<sc_vector_subcore>, window_params = [{transform_indices = #map}, {transform_indices = #map}, {transform_indices = #map}, {transform_indices = #map}]} {
    %mul3A = arith.constant 2 : i32
    %mul3A_0 = arith.muli %arg1, %mul3A : i32
    %add3A = arith.addi %mul3A_0, %arg0 : i32
    %mul3A_1 = arith.constant 25600 : i32
    %mul3A_2 = arith.muli %add3A, %mul3A_1 : i32
    "tpu.region"() ({
      %run_scoped3A = tpu.sem_alloc : memref<!tpu.dma_semaphore, #tpu.memory_space<semaphore_mem>>
      tpu.enqueue_dma source(%arg4 : memref<200x64xf32, #tpu.memory_space<hbm>>) target(%arg10 : memref<200x64xf32, #tpu.memory_space<vmem>>) target_semaphore(%run_scoped3A : memref<!tpu.dma_semaphore, #tpu.memory_space<semaphore_mem>>)
      tpu.wait_dma2 semaphore(%run_scoped3A : memref<!tpu.dma_semaphore, #tpu.memory_space<semaphore_mem>>) src(%arg4 : memref<200x64xf32, #tpu.memory_space<hbm>>) dst(%arg10 : memref<200x64xf32, #tpu.memory_space<vmem>>)
      tpu.yield
    }) : () -> ()
    %jit3A = arith.constant 200 : i32
    %div3A = arith.divsi %mul3A_2, %jit3A : i32
    %sign3A = arith.constant 0 : i32
    %sign3A_3 = arith.cmpi sgt, %mul3A_2, %sign3A : i32
    %sign3A_4 = arith.extui %sign3A_3 : i1 to i32
    %sign3A_5 = arith.constant 0 : i32
    %sign3A_6 = arith.cmpi slt, %mul3A_2, %sign3A_5 : i32
    %sign3A_7 = arith.extui %sign3A_6 : i1 to i32
    %sign3A_8 = arith.subi %sign3A_4, %sign3A_7 : i32
    %sign3A_9 = arith.constant 0 : i32
    %sign3A_10 = arith.cmpi sgt, %jit3A, %sign3A_9 : i32
    %sign3A_11 = arith.extui %sign3A_10 : i1 to i32
    %sign3A_12 = arith.constant 0 : i32
    %sign3A_13 = arith.cmpi slt, %jit3A, %sign3A_12 : i32
    %sign3A_14 = arith.extui %sign3A_13 : i1 to i32
    %sign3A_15 = arith.subi %sign3A_11, %sign3A_14 : i32
    %ne3A = arith.cmpi ne, %sign3A_8, %sign3A_15 : i32
    %rem3A = arith.remsi %mul3A_2, %jit3A : i32
    %ne3A_16 = arith.constant 0 : i32
    %ne3A_17 = arith.cmpi ne, %rem3A, %ne3A_16 : i32
    %and3A = arith.andi %ne3A, %ne3A_17 : i1
    %sub3A = arith.constant 1 : i32
    %sub3A_18 = arith.subi %div3A, %sub3A : i32
    %select_n3A = arith.select %and3A, %sub3A_18, %div3A : i32
    %add3A_19 = arith.constant 0 : i32
    %add3A_20 = arith.addi %select_n3A, %add3A_19 : i32
    "tpu.region"() ({
      %run_scoped3A = tpu.sem_alloc : memref<!tpu.dma_semaphore, #tpu.memory_space<semaphore_mem>>
      %dma_start3A_906 = arith.constant 0 : i32
      %dma_start3A_907 = tpu.memref_slice %arg3[%add3A_20, %dma_start3A_906] : memref<4096x200xi32, #tpu.memory_space<hbm>> -> memref<4x200xi32, #tpu.memory_space<hbm>>
      %dma_start3A_908 = arith.constant 0 : i32
      %dma_start3A_909 = tpu.memref_slice %arg3[%add3A_20, %dma_start3A_908] : memref<4096x200xi32, #tpu.memory_space<hbm>> -> memref<4x200xi32, #tpu.memory_space<hbm>>
      tpu.enqueue_dma source(%dma_start3A_909 : memref<4x200xi32, #tpu.memory_space<hbm>>) target(%arg6 : memref<4x200xi32, #tpu.memory_space<vmem>>) target_semaphore(%run_scoped3A : memref<!tpu.dma_semaphore, #tpu.memory_space<semaphore_mem>>)
      %dma_wait3A_910 = arith.constant 0 : i32
      %dma_wait3A_911 = tpu.memref_slice %arg3[%add3A_20, %dma_wait3A_910] : memref<4096x200xi32, #tpu.memory_space<hbm>> -> memref<4x200xi32, #tpu.memory_space<hbm>>
      %dma_wait3A_912 = arith.constant 0 : i32
      %dma_wait3A_913 = tpu.memref_slice %arg3[%add3A_20, %dma_wait3A_912] : memref<4096x200xi32, #tpu.memory_space<hbm>> -> memref<4x200xi32, #tpu.memory_space<hbm>>
      tpu.wait_dma2 semaphore(%run_scoped3A : memref<!tpu.dma_semaphore, #tpu.memory_space<semaphore_mem>>) src(%dma_wait3A_913 : memref<4x200xi32, #tpu.memory_space<hbm>>) dst(%arg6 : memref<4x200xi32, #tpu.memory_space<vmem>>)
      tpu.yield
    }) : () -> ()
    %dma_start3A = arith.constant 0 : i32
    %dma_start3A_21 = arith.constant 0 : i32
    %dma_start3A_22 = arith.constant 0 : i32
    %dma_start3A_23 = tpu.memref_slice %arg8[%dma_start3A_21, %dma_start3A_22] : memref<800x64xf32, #tpu.memory_space<vmem>> -> memref<128x64xf32, #tpu.memory_space<vmem>>
    %dma_start3A_24 = arith.constant 0 : i32
    %dma_start3A_25 = tpu.memref_slice %arg6[%dma_start3A, %dma_start3A_24] : memref<4x200xi32, #tpu.memory_space<vmem>> -> memref<1x200xi32, #tpu.memory_space<vmem>>
    %dma_start3A_26 = tpu.memref_squeeze %dma_start3A_25 : memref<1x200xi32, #tpu.memory_space<vmem>> -> memref<200xi32, #tpu.memory_space<vmem>>
    %dma_start3A_27 = arith.constant 0 : i32
    %dma_start3A_28 = tpu.memref_slice %dma_start3A_26[%dma_start3A_27] : memref<200xi32, #tpu.memory_space<vmem>> -> memref<128xi32, #tpu.memory_space<vmem>>
    %dma_start3A_29 = arith.constant 0 : i32
    %dma_start3A_30 = arith.constant 0 : i32
    %dma_start3A_31 = tpu.memref_slice %arg2[%dma_start3A_29, %dma_start3A_30] : memref<1000000x64xf32, #tpu.memory_space<hbm>> -> memref<1000000x64xf32, #tpu.memory_space<hbm>>
    tpu.enqueue_indirect_dma source(%dma_start3A_31 : memref<1000000x64xf32, #tpu.memory_space<hbm>>) target(%dma_start3A_23 : memref<128x64xf32, #tpu.memory_space<vmem>>) offsets(%dma_start3A_28 : memref<128xi32, #tpu.memory_space<vmem>>) semaphore(%arg11 : memref<!tpu.dma_semaphore, #tpu.memory_space<semaphore_mem>>)
    %dma_start3A_32 = arith.constant 0 : i32
    %dma_start3A_33 = arith.constant 128 : i32
    %dma_start3A_34 = arith.constant 0 : i32
    %dma_start3A_35 = tpu.memref_slice %arg8[%dma_start3A_33, %dma_start3A_34] : memref<800x64xf32, #tpu.memory_space<vmem>> -> memref<72x64xf32, #tpu.memory_space<vmem>>
    %dma_start3A_36 = arith.constant 0 : i32
    %dma_start3A_37 = tpu.memref_slice %arg6[%dma_start3A_32, %dma_start3A_36] : memref<4x200xi32, #tpu.memory_space<vmem>> -> memref<1x200xi32, #tpu.memory_space<vmem>>
    %dma_start3A_38 = tpu.memref_squeeze %dma_start3A_37 : memref<1x200xi32, #tpu.memory_space<vmem>> -> memref<200xi32, #tpu.memory_space<vmem>>
    %dma_start3A_39 = arith.constant 128 : i32
    %dma_start3A_40 = tpu.memref_slice %dma_start3A_38[%dma_start3A_39] : memref<200xi32, #tpu.memory_space<vmem>> -> memref<72xi32, #tpu.memory_space<vmem>>
    %dma_start3A_41 = arith.constant 0 : i32
    %dma_start3A_42 = arith.constant 0 : i32
    %dma_start3A_43 = tpu.memref_slice %arg2[%dma_start3A_41, %dma_start3A_42] : memref<1000000x64xf32, #tpu.memory_space<hbm>> -> memref<1000000x64xf32, #tpu.memory_space<hbm>>
    tpu.enqueue_indirect_dma source(%dma_start3A_43 : memref<1000000x64xf32, #tpu.memory_space<hbm>>) target(%dma_start3A_35 : memref<72x64xf32, #tpu.memory_space<vmem>>) offsets(%dma_start3A_40 : memref<72xi32, #tpu.memory_space<vmem>>) semaphore(%arg11 : memref<!tpu.dma_semaphore, #tpu.memory_space<semaphore_mem>>)
    %dma_start3A_44 = arith.constant 1 : i32
    %dma_start3A_45 = arith.constant 200 : i32
    %dma_start3A_46 = arith.constant 0 : i32
    %dma_start3A_47 = tpu.memref_slice %arg8[%dma_start3A_45, %dma_start3A_46] : memref<800x64xf32, #tpu.memory_space<vmem>> -> memref<128x64xf32, #tpu.memory_space<vmem>>
    %dma_start3A_48 = arith.constant 0 : i32
    %dma_start3A_49 = tpu.memref_slice %arg6[%dma_start3A_44, %dma_start3A_48] : memref<4x200xi32, #tpu.memory_space<vmem>> -> memref<1x200xi32, #tpu.memory_space<vmem>>
    %dma_start3A_50 = tpu.memref_squeeze %dma_start3A_49 : memref<1x200xi32, #tpu.memory_space<vmem>> -> memref<200xi32, #tpu.memory_space<vmem>>
    %dma_start3A_51 = arith.constant 0 : i32
    %dma_start3A_52 = tpu.memref_slice %dma_start3A_50[%dma_start3A_51] : memref<200xi32, #tpu.memory_space<vmem>> -> memref<128xi32, #tpu.memory_space<vmem>>
    %dma_start3A_53 = arith.constant 0 : i32
    %dma_start3A_54 = arith.constant 0 : i32
    %dma_start3A_55 = tpu.memref_slice %arg2[%dma_start3A_53, %dma_start3A_54] : memref<1000000x64xf32, #tpu.memory_space<hbm>> -> memref<1000000x64xf32, #tpu.memory_space<hbm>>
    tpu.enqueue_indirect_dma source(%dma_start3A_55 : memref<1000000x64xf32, #tpu.memory_space<hbm>>) target(%dma_start3A_47 : memref<128x64xf32, #tpu.memory_space<vmem>>) offsets(%dma_start3A_52 : memref<128xi32, #tpu.memory_space<vmem>>) semaphore(%arg11 : memref<!tpu.dma_semaphore, #tpu.memory_space<semaphore_mem>>)
    %dma_start3A_56 = arith.constant 1 : i32
    %dma_start3A_57 = arith.constant 328 : i32
    %dma_start3A_58 = arith.constant 0 : i32
    %dma_start3A_59 = tpu.memref_slice %arg8[%dma_start3A_57, %dma_start3A_58] : memref<800x64xf32, #tpu.memory_space<vmem>> -> memref<72x64xf32, #tpu.memory_space<vmem>>
    %dma_start3A_60 = arith.constant 0 : i32
    %dma_start3A_61 = tpu.memref_slice %arg6[%dma_start3A_56, %dma_start3A_60] : memref<4x200xi32, #tpu.memory_space<vmem>> -> memref<1x200xi32, #tpu.memory_space<vmem>>
    %dma_start3A_62 = tpu.memref_squeeze %dma_start3A_61 : memref<1x200xi32, #tpu.memory_space<vmem>> -> memref<200xi32, #tpu.memory_space<vmem>>
    %dma_start3A_63 = arith.constant 128 : i32
    %dma_start3A_64 = tpu.memref_slice %dma_start3A_62[%dma_start3A_63] : memref<200xi32, #tpu.memory_space<vmem>> -> memref<72xi32, #tpu.memory_space<vmem>>
    %dma_start3A_65 = arith.constant 0 : i32
    %dma_start3A_66 = arith.constant 0 : i32
    %dma_start3A_67 = tpu.memref_slice %arg2[%dma_start3A_65, %dma_start3A_66] : memref<1000000x64xf32, #tpu.memory_space<hbm>> -> memref<1000000x64xf32, #tpu.memory_space<hbm>>
    tpu.enqueue_indirect_dma source(%dma_start3A_67 : memref<1000000x64xf32, #tpu.memory_space<hbm>>) target(%dma_start3A_59 : memref<72x64xf32, #tpu.memory_space<vmem>>) offsets(%dma_start3A_64 : memref<72xi32, #tpu.memory_space<vmem>>) semaphore(%arg11 : memref<!tpu.dma_semaphore, #tpu.memory_space<semaphore_mem>>)
    %dma_start3A_68 = arith.constant 2 : i32
    %dma_start3A_69 = arith.constant 400 : i32
    %dma_start3A_70 = arith.constant 0 : i32
    %dma_start3A_71 = tpu.memref_slice %arg8[%dma_start3A_69, %dma_start3A_70] : memref<800x64xf32, #tpu.memory_space<vmem>> -> memref<128x64xf32, #tpu.memory_space<vmem>>
    %dma_start3A_72 = arith.constant 0 : i32
    %dma_start3A_73 = tpu.memref_slice %arg6[%dma_start3A_68, %dma_start3A_72] : memref<4x200xi32, #tpu.memory_space<vmem>> -> memref<1x200xi32, #tpu.memory_space<vmem>>
    %dma_start3A_74 = tpu.memref_squeeze %dma_start3A_73 : memref<1x200xi32, #tpu.memory_space<vmem>> -> memref<200xi32, #tpu.memory_space<vmem>>
    %dma_start3A_75 = arith.constant 0 : i32
    %dma_start3A_76 = tpu.memref_slice %dma_start3A_74[%dma_start3A_75] : memref<200xi32, #tpu.memory_space<vmem>> -> memref<128xi32, #tpu.memory_space<vmem>>
    %dma_start3A_77 = arith.constant 0 : i32
    %dma_start3A_78 = arith.constant 0 : i32
    %dma_start3A_79 = tpu.memref_slice %arg2[%dma_start3A_77, %dma_start3A_78] : memref<1000000x64xf32, #tpu.memory_space<hbm>> -> memref<1000000x64xf32, #tpu.memory_space<hbm>>
    tpu.enqueue_indirect_dma source(%dma_start3A_79 : memref<1000000x64xf32, #tpu.memory_space<hbm>>) target(%dma_start3A_71 : memref<128x64xf32, #tpu.memory_space<vmem>>) offsets(%dma_start3A_76 : memref<128xi32, #tpu.memory_space<vmem>>) semaphore(%arg11 : memref<!tpu.dma_semaphore, #tpu.memory_space<semaphore_mem>>)
    %dma_start3A_80 = arith.constant 2 : i32
    %dma_start3A_81 = arith.constant 528 : i32
    %dma_start3A_82 = arith.constant 0 : i32
    %dma_start3A_83 = tpu.memref_slice %arg8[%dma_start3A_81, %dma_start3A_82] : memref<800x64xf32, #tpu.memory_space<vmem>> -> memref<72x64xf32, #tpu.memory_space<vmem>>
    %dma_start3A_84 = arith.constant 0 : i32
    %dma_start3A_85 = tpu.memref_slice %arg6[%dma_start3A_80, %dma_start3A_84] : memref<4x200xi32, #tpu.memory_space<vmem>> -> memref<1x200xi32, #tpu.memory_space<vmem>>
    %dma_start3A_86 = tpu.memref_squeeze %dma_start3A_85 : memref<1x200xi32, #tpu.memory_space<vmem>> -> memref<200xi32, #tpu.memory_space<vmem>>
    %dma_start3A_87 = arith.constant 128 : i32
    %dma_start3A_88 = tpu.memref_slice %dma_start3A_86[%dma_start3A_87] : memref<200xi32, #tpu.memory_space<vmem>> -> memref<72xi32, #tpu.memory_space<vmem>>
    %dma_start3A_89 = arith.constant 0 : i32
    %dma_start3A_90 = arith.constant 0 : i32
    %dma_start3A_91 = tpu.memref_slice %arg2[%dma_start3A_89, %dma_start3A_90] : memref<1000000x64xf32, #tpu.memory_space<hbm>> -> memref<1000000x64xf32, #tpu.memory_space<hbm>>
    tpu.enqueue_indirect_dma source(%dma_start3A_91 : memref<1000000x64xf32, #tpu.memory_space<hbm>>) target(%dma_start3A_83 : memref<72x64xf32, #tpu.memory_space<vmem>>) offsets(%dma_start3A_88 : memref<72xi32, #tpu.memory_space<vmem>>) semaphore(%arg11 : memref<!tpu.dma_semaphore, #tpu.memory_space<semaphore_mem>>)
    %dma_start3A_92 = arith.constant 3 : i32
    %dma_start3A_93 = arith.constant 600 : i32
    %dma_start3A_94 = arith.constant 0 : i32
    %dma_start3A_95 = tpu.memref_slice %arg8[%dma_start3A_93, %dma_start3A_94] : memref<800x64xf32, #tpu.memory_space<vmem>> -> memref<128x64xf32, #tpu.memory_space<vmem>>
    %dma_start3A_96 = arith.constant 0 : i32
    %dma_start3A_97 = tpu.memref_slice %arg6[%dma_start3A_92, %dma_start3A_96] : memref<4x200xi32, #tpu.memory_space<vmem>> -> memref<1x200xi32, #tpu.memory_space<vmem>>
    %dma_start3A_98 = tpu.memref_squeeze %dma_start3A_97 : memref<1x200xi32, #tpu.memory_space<vmem>> -> memref<200xi32, #tpu.memory_space<vmem>>
    %dma_start3A_99 = arith.constant 0 : i32
    %dma_start3A_100 = tpu.memref_slice %dma_start3A_98[%dma_start3A_99] : memref<200xi32, #tpu.memory_space<vmem>> -> memref<128xi32, #tpu.memory_space<vmem>>
    %dma_start3A_101 = arith.constant 0 : i32
    %dma_start3A_102 = arith.constant 0 : i32
    %dma_start3A_103 = tpu.memref_slice %arg2[%dma_start3A_101, %dma_start3A_102] : memref<1000000x64xf32, #tpu.memory_space<hbm>> -> memref<1000000x64xf32, #tpu.memory_space<hbm>>
    tpu.enqueue_indirect_dma source(%dma_start3A_103 : memref<1000000x64xf32, #tpu.memory_space<hbm>>) target(%dma_start3A_95 : memref<128x64xf32, #tpu.memory_space<vmem>>) offsets(%dma_start3A_100 : memref<128xi32, #tpu.memory_space<vmem>>) semaphore(%arg11 : memref<!tpu.dma_semaphore, #tpu.memory_space<semaphore_mem>>)
    %dma_start3A_104 = arith.constant 3 : i32
    %dma_start3A_105 = arith.constant 728 : i32
    %dma_start3A_106 = arith.constant 0 : i32
    %dma_start3A_107 = tpu.memref_slice %arg8[%dma_start3A_105, %dma_start3A_106] : memref<800x64xf32, #tpu.memory_space<vmem>> -> memref<72x64xf32, #tpu.memory_space<vmem>>
    %dma_start3A_108 = arith.constant 0 : i32
    %dma_start3A_109 = tpu.memref_slice %arg6[%dma_start3A_104, %dma_start3A_108] : memref<4x200xi32, #tpu.memory_space<vmem>> -> memref<1x200xi32, #tpu.memory_space<vmem>>
    %dma_start3A_110 = tpu.memref_squeeze %dma_start3A_109 : memref<1x200xi32, #tpu.memory_space<vmem>> -> memref<200xi32, #tpu.memory_space<vmem>>
    %dma_start3A_111 = arith.constant 128 : i32
    %dma_start3A_112 = tpu.memref_slice %dma_start3A_110[%dma_start3A_111] : memref<200xi32, #tpu.memory_space<vmem>> -> memref<72xi32, #tpu.memory_space<vmem>>
    %dma_start3A_113 = arith.constant 0 : i32
    %dma_start3A_114 = arith.constant 0 : i32
    %dma_start3A_115 = tpu.memref_slice %arg2[%dma_start3A_113, %dma_start3A_114] : memref<1000000x64xf32, #tpu.memory_space<hbm>> -> memref<1000000x64xf32, #tpu.memory_space<hbm>>
    tpu.enqueue_indirect_dma source(%dma_start3A_115 : memref<1000000x64xf32, #tpu.memory_space<hbm>>) target(%dma_start3A_107 : memref<72x64xf32, #tpu.memory_space<vmem>>) offsets(%dma_start3A_112 : memref<72xi32, #tpu.memory_space<vmem>>) semaphore(%arg11 : memref<!tpu.dma_semaphore, #tpu.memory_space<semaphore_mem>>)
    %jit3A_116 = arith.constant 200 : i32
    %div3A_117 = arith.divsi %mul3A_2, %jit3A_116 : i32
    %sign3A_118 = arith.constant 0 : i32
    %sign3A_119 = arith.cmpi sgt, %mul3A_2, %sign3A_118 : i32
    %sign3A_120 = arith.extui %sign3A_119 : i1 to i32
    %sign3A_121 = arith.constant 0 : i32
    %sign3A_122 = arith.cmpi slt, %mul3A_2, %sign3A_121 : i32
    %sign3A_123 = arith.extui %sign3A_122 : i1 to i32
    %sign3A_124 = arith.subi %sign3A_120, %sign3A_123 : i32
    %sign3A_125 = arith.constant 0 : i32
    %sign3A_126 = arith.cmpi sgt, %jit3A_116, %sign3A_125 : i32
    %sign3A_127 = arith.extui %sign3A_126 : i1 to i32
    %sign3A_128 = arith.constant 0 : i32
    %sign3A_129 = arith.cmpi slt, %jit3A_116, %sign3A_128 : i32
    %sign3A_130 = arith.extui %sign3A_129 : i1 to i32
    %sign3A_131 = arith.subi %sign3A_127, %sign3A_130 : i32
    %ne3A_132 = arith.cmpi ne, %sign3A_124, %sign3A_131 : i32
    %rem3A_133 = arith.remsi %mul3A_2, %jit3A_116 : i32
    %ne3A_134 = arith.constant 0 : i32
    %ne3A_135 = arith.cmpi ne, %rem3A_133, %ne3A_134 : i32
    %and3A_136 = arith.andi %ne3A_132, %ne3A_135 : i1
    %sub3A_137 = arith.constant 1 : i32
    %sub3A_138 = arith.subi %div3A_117, %sub3A_137 : i32
    %select_n3A_139 = arith.select %and3A_136, %sub3A_138, %div3A_117 : i32
    %add3A_140 = arith.constant 4 : i32
    %add3A_141 = arith.addi %select_n3A_139, %add3A_140 : i32
    "tpu.region"() ({
      %run_scoped3A = tpu.sem_alloc : memref<!tpu.dma_semaphore, #tpu.memory_space<semaphore_mem>>
      %dma_start3A_906 = arith.constant 0 : i32
      %dma_start3A_907 = tpu.memref_slice %arg3[%add3A_141, %dma_start3A_906] : memref<4096x200xi32, #tpu.memory_space<hbm>> -> memref<4x200xi32, #tpu.memory_space<hbm>>
      %dma_start3A_908 = arith.constant 0 : i32
      %dma_start3A_909 = tpu.memref_slice %arg3[%add3A_141, %dma_start3A_908] : memref<4096x200xi32, #tpu.memory_space<hbm>> -> memref<4x200xi32, #tpu.memory_space<hbm>>
      tpu.enqueue_dma source(%dma_start3A_909 : memref<4x200xi32, #tpu.memory_space<hbm>>) target(%arg7 : memref<4x200xi32, #tpu.memory_space<vmem>>) target_semaphore(%run_scoped3A : memref<!tpu.dma_semaphore, #tpu.memory_space<semaphore_mem>>)
      %dma_wait3A_910 = arith.constant 0 : i32
      %dma_wait3A_911 = tpu.memref_slice %arg3[%add3A_141, %dma_wait3A_910] : memref<4096x200xi32, #tpu.memory_space<hbm>> -> memref<4x200xi32, #tpu.memory_space<hbm>>
      %dma_wait3A_912 = arith.constant 0 : i32
      %dma_wait3A_913 = tpu.memref_slice %arg3[%add3A_141, %dma_wait3A_912] : memref<4096x200xi32, #tpu.memory_space<hbm>> -> memref<4x200xi32, #tpu.memory_space<hbm>>
      tpu.wait_dma2 semaphore(%run_scoped3A : memref<!tpu.dma_semaphore, #tpu.memory_space<semaphore_mem>>) src(%dma_wait3A_913 : memref<4x200xi32, #tpu.memory_space<hbm>>) dst(%arg7 : memref<4x200xi32, #tpu.memory_space<vmem>>)
      tpu.yield
    }) : () -> ()
    %dma_start3A_142 = arith.constant 0 : i32
    %dma_start3A_143 = arith.constant 0 : i32
    %dma_start3A_144 = arith.constant 0 : i32
    %dma_start3A_145 = tpu.memref_slice %arg9[%dma_start3A_143, %dma_start3A_144] : memref<800x64xf32, #tpu.memory_space<vmem>> -> memref<128x64xf32, #tpu.memory_space<vmem>>
    %dma_start3A_146 = arith.constant 0 : i32
    %dma_start3A_147 = tpu.memref_slice %arg7[%dma_start3A_142, %dma_start3A_146] : memref<4x200xi32, #tpu.memory_space<vmem>> -> memref<1x200xi32, #tpu.memory_space<vmem>>
    %dma_start3A_148 = tpu.memref_squeeze %dma_start3A_147 : memref<1x200xi32, #tpu.memory_space<vmem>> -> memref<200xi32, #tpu.memory_space<vmem>>
    %dma_start3A_149 = arith.constant 0 : i32
    %dma_start3A_150 = tpu.memref_slice %dma_start3A_148[%dma_start3A_149] : memref<200xi32, #tpu.memory_space<vmem>> -> memref<128xi32, #tpu.memory_space<vmem>>
    %dma_start3A_151 = arith.constant 0 : i32
    %dma_start3A_152 = arith.constant 0 : i32
    %dma_start3A_153 = tpu.memref_slice %arg2[%dma_start3A_151, %dma_start3A_152] : memref<1000000x64xf32, #tpu.memory_space<hbm>> -> memref<1000000x64xf32, #tpu.memory_space<hbm>>
    tpu.enqueue_indirect_dma source(%dma_start3A_153 : memref<1000000x64xf32, #tpu.memory_space<hbm>>) target(%dma_start3A_145 : memref<128x64xf32, #tpu.memory_space<vmem>>) offsets(%dma_start3A_150 : memref<128xi32, #tpu.memory_space<vmem>>) semaphore(%arg12 : memref<!tpu.dma_semaphore, #tpu.memory_space<semaphore_mem>>)
    %dma_start3A_154 = arith.constant 0 : i32
    %dma_start3A_155 = arith.constant 128 : i32
    %dma_start3A_156 = arith.constant 0 : i32
    %dma_start3A_157 = tpu.memref_slice %arg9[%dma_start3A_155, %dma_start3A_156] : memref<800x64xf32, #tpu.memory_space<vmem>> -> memref<72x64xf32, #tpu.memory_space<vmem>>
    %dma_start3A_158 = arith.constant 0 : i32
    %dma_start3A_159 = tpu.memref_slice %arg7[%dma_start3A_154, %dma_start3A_158] : memref<4x200xi32, #tpu.memory_space<vmem>> -> memref<1x200xi32, #tpu.memory_space<vmem>>
    %dma_start3A_160 = tpu.memref_squeeze %dma_start3A_159 : memref<1x200xi32, #tpu.memory_space<vmem>> -> memref<200xi32, #tpu.memory_space<vmem>>
    %dma_start3A_161 = arith.constant 128 : i32
    %dma_start3A_162 = tpu.memref_slice %dma_start3A_160[%dma_start3A_161] : memref<200xi32, #tpu.memory_space<vmem>> -> memref<72xi32, #tpu.memory_space<vmem>>
    %dma_start3A_163 = arith.constant 0 : i32
    %dma_start3A_164 = arith.constant 0 : i32
    %dma_start3A_165 = tpu.memref_slice %arg2[%dma_start3A_163, %dma_start3A_164] : memref<1000000x64xf32, #tpu.memory_space<hbm>> -> memref<1000000x64xf32, #tpu.memory_space<hbm>>
    tpu.enqueue_indirect_dma source(%dma_start3A_165 : memref<1000000x64xf32, #tpu.memory_space<hbm>>) target(%dma_start3A_157 : memref<72x64xf32, #tpu.memory_space<vmem>>) offsets(%dma_start3A_162 : memref<72xi32, #tpu.memory_space<vmem>>) semaphore(%arg12 : memref<!tpu.dma_semaphore, #tpu.memory_space<semaphore_mem>>)
    %dma_start3A_166 = arith.constant 1 : i32
    %dma_start3A_167 = arith.constant 200 : i32
    %dma_start3A_168 = arith.constant 0 : i32
    %dma_start3A_169 = tpu.memref_slice %arg9[%dma_start3A_167, %dma_start3A_168] : memref<800x64xf32, #tpu.memory_space<vmem>> -> memref<128x64xf32, #tpu.memory_space<vmem>>
    %dma_start3A_170 = arith.constant 0 : i32
    %dma_start3A_171 = tpu.memref_slice %arg7[%dma_start3A_166, %dma_start3A_170] : memref<4x200xi32, #tpu.memory_space<vmem>> -> memref<1x200xi32, #tpu.memory_space<vmem>>
    %dma_start3A_172 = tpu.memref_squeeze %dma_start3A_171 : memref<1x200xi32, #tpu.memory_space<vmem>> -> memref<200xi32, #tpu.memory_space<vmem>>
    %dma_start3A_173 = arith.constant 0 : i32
    %dma_start3A_174 = tpu.memref_slice %dma_start3A_172[%dma_start3A_173] : memref<200xi32, #tpu.memory_space<vmem>> -> memref<128xi32, #tpu.memory_space<vmem>>
    %dma_start3A_175 = arith.constant 0 : i32
    %dma_start3A_176 = arith.constant 0 : i32
    %dma_start3A_177 = tpu.memref_slice %arg2[%dma_start3A_175, %dma_start3A_176] : memref<1000000x64xf32, #tpu.memory_space<hbm>> -> memref<1000000x64xf32, #tpu.memory_space<hbm>>
    tpu.enqueue_indirect_dma source(%dma_start3A_177 : memref<1000000x64xf32, #tpu.memory_space<hbm>>) target(%dma_start3A_169 : memref<128x64xf32, #tpu.memory_space<vmem>>) offsets(%dma_start3A_174 : memref<128xi32, #tpu.memory_space<vmem>>) semaphore(%arg12 : memref<!tpu.dma_semaphore, #tpu.memory_space<semaphore_mem>>)
    %dma_start3A_178 = arith.constant 1 : i32
    %dma_start3A_179 = arith.constant 328 : i32
    %dma_start3A_180 = arith.constant 0 : i32
    %dma_start3A_181 = tpu.memref_slice %arg9[%dma_start3A_179, %dma_start3A_180] : memref<800x64xf32, #tpu.memory_space<vmem>> -> memref<72x64xf32, #tpu.memory_space<vmem>>
    %dma_start3A_182 = arith.constant 0 : i32
    %dma_start3A_183 = tpu.memref_slice %arg7[%dma_start3A_178, %dma_start3A_182] : memref<4x200xi32, #tpu.memory_space<vmem>> -> memref<1x200xi32, #tpu.memory_space<vmem>>
    %dma_start3A_184 = tpu.memref_squeeze %dma_start3A_183 : memref<1x200xi32, #tpu.memory_space<vmem>> -> memref<200xi32, #tpu.memory_space<vmem>>
    %dma_start3A_185 = arith.constant 128 : i32
    %dma_start3A_186 = tpu.memref_slice %dma_start3A_184[%dma_start3A_185] : memref<200xi32, #tpu.memory_space<vmem>> -> memref<72xi32, #tpu.memory_space<vmem>>
    %dma_start3A_187 = arith.constant 0 : i32
    %dma_start3A_188 = arith.constant 0 : i32
    %dma_start3A_189 = tpu.memref_slice %arg2[%dma_start3A_187, %dma_start3A_188] : memref<1000000x64xf32, #tpu.memory_space<hbm>> -> memref<1000000x64xf32, #tpu.memory_space<hbm>>
    tpu.enqueue_indirect_dma source(%dma_start3A_189 : memref<1000000x64xf32, #tpu.memory_space<hbm>>) target(%dma_start3A_181 : memref<72x64xf32, #tpu.memory_space<vmem>>) offsets(%dma_start3A_186 : memref<72xi32, #tpu.memory_space<vmem>>) semaphore(%arg12 : memref<!tpu.dma_semaphore, #tpu.memory_space<semaphore_mem>>)
    %dma_start3A_190 = arith.constant 2 : i32
    %dma_start3A_191 = arith.constant 400 : i32
    %dma_start3A_192 = arith.constant 0 : i32
    %dma_start3A_193 = tpu.memref_slice %arg9[%dma_start3A_191, %dma_start3A_192] : memref<800x64xf32, #tpu.memory_space<vmem>> -> memref<128x64xf32, #tpu.memory_space<vmem>>
    %dma_start3A_194 = arith.constant 0 : i32
    %dma_start3A_195 = tpu.memref_slice %arg7[%dma_start3A_190, %dma_start3A_194] : memref<4x200xi32, #tpu.memory_space<vmem>> -> memref<1x200xi32, #tpu.memory_space<vmem>>
    %dma_start3A_196 = tpu.memref_squeeze %dma_start3A_195 : memref<1x200xi32, #tpu.memory_space<vmem>> -> memref<200xi32, #tpu.memory_space<vmem>>
    %dma_start3A_197 = arith.constant 0 : i32
    %dma_start3A_198 = tpu.memref_slice %dma_start3A_196[%dma_start3A_197] : memref<200xi32, #tpu.memory_space<vmem>> -> memref<128xi32, #tpu.memory_space<vmem>>
    %dma_start3A_199 = arith.constant 0 : i32
    %dma_start3A_200 = arith.constant 0 : i32
    %dma_start3A_201 = tpu.memref_slice %arg2[%dma_start3A_199, %dma_start3A_200] : memref<1000000x64xf32, #tpu.memory_space<hbm>> -> memref<1000000x64xf32, #tpu.memory_space<hbm>>
    tpu.enqueue_indirect_dma source(%dma_start3A_201 : memref<1000000x64xf32, #tpu.memory_space<hbm>>) target(%dma_start3A_193 : memref<128x64xf32, #tpu.memory_space<vmem>>) offsets(%dma_start3A_198 : memref<128xi32, #tpu.memory_space<vmem>>) semaphore(%arg12 : memref<!tpu.dma_semaphore, #tpu.memory_space<semaphore_mem>>)
    %dma_start3A_202 = arith.constant 2 : i32
    %dma_start3A_203 = arith.constant 528 : i32
    %dma_start3A_204 = arith.constant 0 : i32
    %dma_start3A_205 = tpu.memref_slice %arg9[%dma_start3A_203, %dma_start3A_204] : memref<800x64xf32, #tpu.memory_space<vmem>> -> memref<72x64xf32, #tpu.memory_space<vmem>>
    %dma_start3A_206 = arith.constant 0 : i32
    %dma_start3A_207 = tpu.memref_slice %arg7[%dma_start3A_202, %dma_start3A_206] : memref<4x200xi32, #tpu.memory_space<vmem>> -> memref<1x200xi32, #tpu.memory_space<vmem>>
    %dma_start3A_208 = tpu.memref_squeeze %dma_start3A_207 : memref<1x200xi32, #tpu.memory_space<vmem>> -> memref<200xi32, #tpu.memory_space<vmem>>
    %dma_start3A_209 = arith.constant 128 : i32
    %dma_start3A_210 = tpu.memref_slice %dma_start3A_208[%dma_start3A_209] : memref<200xi32, #tpu.memory_space<vmem>> -> memref<72xi32, #tpu.memory_space<vmem>>
    %dma_start3A_211 = arith.constant 0 : i32
    %dma_start3A_212 = arith.constant 0 : i32
    %dma_start3A_213 = tpu.memref_slice %arg2[%dma_start3A_211, %dma_start3A_212] : memref<1000000x64xf32, #tpu.memory_space<hbm>> -> memref<1000000x64xf32, #tpu.memory_space<hbm>>
    tpu.enqueue_indirect_dma source(%dma_start3A_213 : memref<1000000x64xf32, #tpu.memory_space<hbm>>) target(%dma_start3A_205 : memref<72x64xf32, #tpu.memory_space<vmem>>) offsets(%dma_start3A_210 : memref<72xi32, #tpu.memory_space<vmem>>) semaphore(%arg12 : memref<!tpu.dma_semaphore, #tpu.memory_space<semaphore_mem>>)
    %dma_start3A_214 = arith.constant 3 : i32
    %dma_start3A_215 = arith.constant 600 : i32
    %dma_start3A_216 = arith.constant 0 : i32
    %dma_start3A_217 = tpu.memref_slice %arg9[%dma_start3A_215, %dma_start3A_216] : memref<800x64xf32, #tpu.memory_space<vmem>> -> memref<128x64xf32, #tpu.memory_space<vmem>>
    %dma_start3A_218 = arith.constant 0 : i32
    %dma_start3A_219 = tpu.memref_slice %arg7[%dma_start3A_214, %dma_start3A_218] : memref<4x200xi32, #tpu.memory_space<vmem>> -> memref<1x200xi32, #tpu.memory_space<vmem>>
    %dma_start3A_220 = tpu.memref_squeeze %dma_start3A_219 : memref<1x200xi32, #tpu.memory_space<vmem>> -> memref<200xi32, #tpu.memory_space<vmem>>
    %dma_start3A_221 = arith.constant 0 : i32
    %dma_start3A_222 = tpu.memref_slice %dma_start3A_220[%dma_start3A_221] : memref<200xi32, #tpu.memory_space<vmem>> -> memref<128xi32, #tpu.memory_space<vmem>>
    %dma_start3A_223 = arith.constant 0 : i32
    %dma_start3A_224 = arith.constant 0 : i32
    %dma_start3A_225 = tpu.memref_slice %arg2[%dma_start3A_223, %dma_start3A_224] : memref<1000000x64xf32, #tpu.memory_space<hbm>> -> memref<1000000x64xf32, #tpu.memory_space<hbm>>
    tpu.enqueue_indirect_dma source(%dma_start3A_225 : memref<1000000x64xf32, #tpu.memory_space<hbm>>) target(%dma_start3A_217 : memref<128x64xf32, #tpu.memory_space<vmem>>) offsets(%dma_start3A_222 : memref<128xi32, #tpu.memory_space<vmem>>) semaphore(%arg12 : memref<!tpu.dma_semaphore, #tpu.memory_space<semaphore_mem>>)
    %dma_start3A_226 = arith.constant 3 : i32
    %dma_start3A_227 = arith.constant 728 : i32
    %dma_start3A_228 = arith.constant 0 : i32
    %dma_start3A_229 = tpu.memref_slice %arg9[%dma_start3A_227, %dma_start3A_228] : memref<800x64xf32, #tpu.memory_space<vmem>> -> memref<72x64xf32, #tpu.memory_space<vmem>>
    %dma_start3A_230 = arith.constant 0 : i32
    %dma_start3A_231 = tpu.memref_slice %arg7[%dma_start3A_226, %dma_start3A_230] : memref<4x200xi32, #tpu.memory_space<vmem>> -> memref<1x200xi32, #tpu.memory_space<vmem>>
    %dma_start3A_232 = tpu.memref_squeeze %dma_start3A_231 : memref<1x200xi32, #tpu.memory_space<vmem>> -> memref<200xi32, #tpu.memory_space<vmem>>
    %dma_start3A_233 = arith.constant 128 : i32
    %dma_start3A_234 = tpu.memref_slice %dma_start3A_232[%dma_start3A_233] : memref<200xi32, #tpu.memory_space<vmem>> -> memref<72xi32, #tpu.memory_space<vmem>>
    %dma_start3A_235 = arith.constant 0 : i32
    %dma_start3A_236 = arith.constant 0 : i32
    %dma_start3A_237 = tpu.memref_slice %arg2[%dma_start3A_235, %dma_start3A_236] : memref<1000000x64xf32, #tpu.memory_space<hbm>> -> memref<1000000x64xf32, #tpu.memory_space<hbm>>
    tpu.enqueue_indirect_dma source(%dma_start3A_237 : memref<1000000x64xf32, #tpu.memory_space<hbm>>) target(%dma_start3A_229 : memref<72x64xf32, #tpu.memory_space<vmem>>) offsets(%dma_start3A_234 : memref<72xi32, #tpu.memory_space<vmem>>) semaphore(%arg12 : memref<!tpu.dma_semaphore, #tpu.memory_space<semaphore_mem>>)
    %dma_wait3A = arith.constant 0 : i32
    %dma_wait3A_238 = arith.constant 0 : i32
    %dma_wait3A_239 = arith.constant 0 : i32
    %dma_wait3A_240 = tpu.memref_slice %arg8[%dma_wait3A_238, %dma_wait3A_239] : memref<800x64xf32, #tpu.memory_space<vmem>> -> memref<128x64xf32, #tpu.memory_space<vmem>>
    %dma_wait3A_241 = arith.constant 0 : i32
    %dma_wait3A_242 = tpu.memref_slice %arg6[%dma_wait3A, %dma_wait3A_241] : memref<4x200xi32, #tpu.memory_space<vmem>> -> memref<1x200xi32, #tpu.memory_space<vmem>>
    %dma_wait3A_243 = tpu.memref_squeeze %dma_wait3A_242 : memref<1x200xi32, #tpu.memory_space<vmem>> -> memref<200xi32, #tpu.memory_space<vmem>>
    %dma_wait3A_244 = arith.constant 0 : i32
    %dma_wait3A_245 = tpu.memref_slice %dma_wait3A_243[%dma_wait3A_244] : memref<200xi32, #tpu.memory_space<vmem>> -> memref<128xi32, #tpu.memory_space<vmem>>
    %dma_wait3A_246 = arith.constant 0 : i32
    %dma_wait3A_247 = arith.constant 0 : i32
    %dma_wait3A_248 = tpu.memref_slice %arg2[%dma_wait3A_246, %dma_wait3A_247] : memref<1000000x64xf32, #tpu.memory_space<hbm>> -> memref<1000000x64xf32, #tpu.memory_space<hbm>>
    tpu.wait_indirect_dma semaphore(%arg11 : memref<!tpu.dma_semaphore, #tpu.memory_space<semaphore_mem>>) src(%dma_wait3A_248 : memref<1000000x64xf32, #tpu.memory_space<hbm>>) dst(%dma_wait3A_240 : memref<128x64xf32, #tpu.memory_space<vmem>>)
    %dma_wait3A_249 = arith.constant 0 : i32
    %dma_wait3A_250 = arith.constant 128 : i32
    %dma_wait3A_251 = arith.constant 0 : i32
    %dma_wait3A_252 = tpu.memref_slice %arg8[%dma_wait3A_250, %dma_wait3A_251] : memref<800x64xf32, #tpu.memory_space<vmem>> -> memref<72x64xf32, #tpu.memory_space<vmem>>
    %dma_wait3A_253 = arith.constant 0 : i32
    %dma_wait3A_254 = tpu.memref_slice %arg6[%dma_wait3A_249, %dma_wait3A_253] : memref<4x200xi32, #tpu.memory_space<vmem>> -> memref<1x200xi32, #tpu.memory_space<vmem>>
    %dma_wait3A_255 = tpu.memref_squeeze %dma_wait3A_254 : memref<1x200xi32, #tpu.memory_space<vmem>> -> memref<200xi32, #tpu.memory_space<vmem>>
    %dma_wait3A_256 = arith.constant 128 : i32
    %dma_wait3A_257 = tpu.memref_slice %dma_wait3A_255[%dma_wait3A_256] : memref<200xi32, #tpu.memory_space<vmem>> -> memref<72xi32, #tpu.memory_space<vmem>>
    %dma_wait3A_258 = arith.constant 0 : i32
    %dma_wait3A_259 = arith.constant 0 : i32
    %dma_wait3A_260 = tpu.memref_slice %arg2[%dma_wait3A_258, %dma_wait3A_259] : memref<1000000x64xf32, #tpu.memory_space<hbm>> -> memref<1000000x64xf32, #tpu.memory_space<hbm>>
    tpu.wait_indirect_dma semaphore(%arg11 : memref<!tpu.dma_semaphore, #tpu.memory_space<semaphore_mem>>) src(%dma_wait3A_260 : memref<1000000x64xf32, #tpu.memory_space<hbm>>) dst(%dma_wait3A_252 : memref<72x64xf32, #tpu.memory_space<vmem>>)
    %dma_wait3A_261 = arith.constant 1 : i32
    %dma_wait3A_262 = arith.constant 200 : i32
    %dma_wait3A_263 = arith.constant 0 : i32
    %dma_wait3A_264 = tpu.memref_slice %arg8[%dma_wait3A_262, %dma_wait3A_263] : memref<800x64xf32, #tpu.memory_space<vmem>> -> memref<128x64xf32, #tpu.memory_space<vmem>>
    %dma_wait3A_265 = arith.constant 0 : i32
    %dma_wait3A_266 = tpu.memref_slice %arg6[%dma_wait3A_261, %dma_wait3A_265] : memref<4x200xi32, #tpu.memory_space<vmem>> -> memref<1x200xi32, #tpu.memory_space<vmem>>
    %dma_wait3A_267 = tpu.memref_squeeze %dma_wait3A_266 : memref<1x200xi32, #tpu.memory_space<vmem>> -> memref<200xi32, #tpu.memory_space<vmem>>
    %dma_wait3A_268 = arith.constant 0 : i32
    %dma_wait3A_269 = tpu.memref_slice %dma_wait3A_267[%dma_wait3A_268] : memref<200xi32, #tpu.memory_space<vmem>> -> memref<128xi32, #tpu.memory_space<vmem>>
    %dma_wait3A_270 = arith.constant 0 : i32
    %dma_wait3A_271 = arith.constant 0 : i32
    %dma_wait3A_272 = tpu.memref_slice %arg2[%dma_wait3A_270, %dma_wait3A_271] : memref<1000000x64xf32, #tpu.memory_space<hbm>> -> memref<1000000x64xf32, #tpu.memory_space<hbm>>
    tpu.wait_indirect_dma semaphore(%arg11 : memref<!tpu.dma_semaphore, #tpu.memory_space<semaphore_mem>>) src(%dma_wait3A_272 : memref<1000000x64xf32, #tpu.memory_space<hbm>>) dst(%dma_wait3A_264 : memref<128x64xf32, #tpu.memory_space<vmem>>)
    %dma_wait3A_273 = arith.constant 1 : i32
    %dma_wait3A_274 = arith.constant 328 : i32
    %dma_wait3A_275 = arith.constant 0 : i32
    %dma_wait3A_276 = tpu.memref_slice %arg8[%dma_wait3A_274, %dma_wait3A_275] : memref<800x64xf32, #tpu.memory_space<vmem>> -> memref<72x64xf32, #tpu.memory_space<vmem>>
    %dma_wait3A_277 = arith.constant 0 : i32
    %dma_wait3A_278 = tpu.memref_slice %arg6[%dma_wait3A_273, %dma_wait3A_277] : memref<4x200xi32, #tpu.memory_space<vmem>> -> memref<1x200xi32, #tpu.memory_space<vmem>>
    %dma_wait3A_279 = tpu.memref_squeeze %dma_wait3A_278 : memref<1x200xi32, #tpu.memory_space<vmem>> -> memref<200xi32, #tpu.memory_space<vmem>>
    %dma_wait3A_280 = arith.constant 128 : i32
    %dma_wait3A_281 = tpu.memref_slice %dma_wait3A_279[%dma_wait3A_280] : memref<200xi32, #tpu.memory_space<vmem>> -> memref<72xi32, #tpu.memory_space<vmem>>
    %dma_wait3A_282 = arith.constant 0 : i32
    %dma_wait3A_283 = arith.constant 0 : i32
    %dma_wait3A_284 = tpu.memref_slice %arg2[%dma_wait3A_282, %dma_wait3A_283] : memref<1000000x64xf32, #tpu.memory_space<hbm>> -> memref<1000000x64xf32, #tpu.memory_space<hbm>>
    tpu.wait_indirect_dma semaphore(%arg11 : memref<!tpu.dma_semaphore, #tpu.memory_space<semaphore_mem>>) src(%dma_wait3A_284 : memref<1000000x64xf32, #tpu.memory_space<hbm>>) dst(%dma_wait3A_276 : memref<72x64xf32, #tpu.memory_space<vmem>>)
    %dma_wait3A_285 = arith.constant 2 : i32
    %dma_wait3A_286 = arith.constant 400 : i32
    %dma_wait3A_287 = arith.constant 0 : i32
    %dma_wait3A_288 = tpu.memref_slice %arg8[%dma_wait3A_286, %dma_wait3A_287] : memref<800x64xf32, #tpu.memory_space<vmem>> -> memref<128x64xf32, #tpu.memory_space<vmem>>
    %dma_wait3A_289 = arith.constant 0 : i32
    %dma_wait3A_290 = tpu.memref_slice %arg6[%dma_wait3A_285, %dma_wait3A_289] : memref<4x200xi32, #tpu.memory_space<vmem>> -> memref<1x200xi32, #tpu.memory_space<vmem>>
    %dma_wait3A_291 = tpu.memref_squeeze %dma_wait3A_290 : memref<1x200xi32, #tpu.memory_space<vmem>> -> memref<200xi32, #tpu.memory_space<vmem>>
    %dma_wait3A_292 = arith.constant 0 : i32
    %dma_wait3A_293 = tpu.memref_slice %dma_wait3A_291[%dma_wait3A_292] : memref<200xi32, #tpu.memory_space<vmem>> -> memref<128xi32, #tpu.memory_space<vmem>>
    %dma_wait3A_294 = arith.constant 0 : i32
    %dma_wait3A_295 = arith.constant 0 : i32
    %dma_wait3A_296 = tpu.memref_slice %arg2[%dma_wait3A_294, %dma_wait3A_295] : memref<1000000x64xf32, #tpu.memory_space<hbm>> -> memref<1000000x64xf32, #tpu.memory_space<hbm>>
    tpu.wait_indirect_dma semaphore(%arg11 : memref<!tpu.dma_semaphore, #tpu.memory_space<semaphore_mem>>) src(%dma_wait3A_296 : memref<1000000x64xf32, #tpu.memory_space<hbm>>) dst(%dma_wait3A_288 : memref<128x64xf32, #tpu.memory_space<vmem>>)
    %dma_wait3A_297 = arith.constant 2 : i32
    %dma_wait3A_298 = arith.constant 528 : i32
    %dma_wait3A_299 = arith.constant 0 : i32
    %dma_wait3A_300 = tpu.memref_slice %arg8[%dma_wait3A_298, %dma_wait3A_299] : memref<800x64xf32, #tpu.memory_space<vmem>> -> memref<72x64xf32, #tpu.memory_space<vmem>>
    %dma_wait3A_301 = arith.constant 0 : i32
    %dma_wait3A_302 = tpu.memref_slice %arg6[%dma_wait3A_297, %dma_wait3A_301] : memref<4x200xi32, #tpu.memory_space<vmem>> -> memref<1x200xi32, #tpu.memory_space<vmem>>
    %dma_wait3A_303 = tpu.memref_squeeze %dma_wait3A_302 : memref<1x200xi32, #tpu.memory_space<vmem>> -> memref<200xi32, #tpu.memory_space<vmem>>
    %dma_wait3A_304 = arith.constant 128 : i32
    %dma_wait3A_305 = tpu.memref_slice %dma_wait3A_303[%dma_wait3A_304] : memref<200xi32, #tpu.memory_space<vmem>> -> memref<72xi32, #tpu.memory_space<vmem>>
    %dma_wait3A_306 = arith.constant 0 : i32
    %dma_wait3A_307 = arith.constant 0 : i32
    %dma_wait3A_308 = tpu.memref_slice %arg2[%dma_wait3A_306, %dma_wait3A_307] : memref<1000000x64xf32, #tpu.memory_space<hbm>> -> memref<1000000x64xf32, #tpu.memory_space<hbm>>
    tpu.wait_indirect_dma semaphore(%arg11 : memref<!tpu.dma_semaphore, #tpu.memory_space<semaphore_mem>>) src(%dma_wait3A_308 : memref<1000000x64xf32, #tpu.memory_space<hbm>>) dst(%dma_wait3A_300 : memref<72x64xf32, #tpu.memory_space<vmem>>)
    %dma_wait3A_309 = arith.constant 3 : i32
    %dma_wait3A_310 = arith.constant 600 : i32
    %dma_wait3A_311 = arith.constant 0 : i32
    %dma_wait3A_312 = tpu.memref_slice %arg8[%dma_wait3A_310, %dma_wait3A_311] : memref<800x64xf32, #tpu.memory_space<vmem>> -> memref<128x64xf32, #tpu.memory_space<vmem>>
    %dma_wait3A_313 = arith.constant 0 : i32
    %dma_wait3A_314 = tpu.memref_slice %arg6[%dma_wait3A_309, %dma_wait3A_313] : memref<4x200xi32, #tpu.memory_space<vmem>> -> memref<1x200xi32, #tpu.memory_space<vmem>>
    %dma_wait3A_315 = tpu.memref_squeeze %dma_wait3A_314 : memref<1x200xi32, #tpu.memory_space<vmem>> -> memref<200xi32, #tpu.memory_space<vmem>>
    %dma_wait3A_316 = arith.constant 0 : i32
    %dma_wait3A_317 = tpu.memref_slice %dma_wait3A_315[%dma_wait3A_316] : memref<200xi32, #tpu.memory_space<vmem>> -> memref<128xi32, #tpu.memory_space<vmem>>
    %dma_wait3A_318 = arith.constant 0 : i32
    %dma_wait3A_319 = arith.constant 0 : i32
    %dma_wait3A_320 = tpu.memref_slice %arg2[%dma_wait3A_318, %dma_wait3A_319] : memref<1000000x64xf32, #tpu.memory_space<hbm>> -> memref<1000000x64xf32, #tpu.memory_space<hbm>>
    tpu.wait_indirect_dma semaphore(%arg11 : memref<!tpu.dma_semaphore, #tpu.memory_space<semaphore_mem>>) src(%dma_wait3A_320 : memref<1000000x64xf32, #tpu.memory_space<hbm>>) dst(%dma_wait3A_312 : memref<128x64xf32, #tpu.memory_space<vmem>>)
    %dma_wait3A_321 = arith.constant 3 : i32
    %dma_wait3A_322 = arith.constant 728 : i32
    %dma_wait3A_323 = arith.constant 0 : i32
    %dma_wait3A_324 = tpu.memref_slice %arg8[%dma_wait3A_322, %dma_wait3A_323] : memref<800x64xf32, #tpu.memory_space<vmem>> -> memref<72x64xf32, #tpu.memory_space<vmem>>
    %dma_wait3A_325 = arith.constant 0 : i32
    %dma_wait3A_326 = tpu.memref_slice %arg6[%dma_wait3A_321, %dma_wait3A_325] : memref<4x200xi32, #tpu.memory_space<vmem>> -> memref<1x200xi32, #tpu.memory_space<vmem>>
    %dma_wait3A_327 = tpu.memref_squeeze %dma_wait3A_326 : memref<1x200xi32, #tpu.memory_space<vmem>> -> memref<200xi32, #tpu.memory_space<vmem>>
    %dma_wait3A_328 = arith.constant 128 : i32
    %dma_wait3A_329 = tpu.memref_slice %dma_wait3A_327[%dma_wait3A_328] : memref<200xi32, #tpu.memory_space<vmem>> -> memref<72xi32, #tpu.memory_space<vmem>>
    %dma_wait3A_330 = arith.constant 0 : i32
    %dma_wait3A_331 = arith.constant 0 : i32
    %dma_wait3A_332 = tpu.memref_slice %arg2[%dma_wait3A_330, %dma_wait3A_331] : memref<1000000x64xf32, #tpu.memory_space<hbm>> -> memref<1000000x64xf32, #tpu.memory_space<hbm>>
    tpu.wait_indirect_dma semaphore(%arg11 : memref<!tpu.dma_semaphore, #tpu.memory_space<semaphore_mem>>) src(%dma_wait3A_332 : memref<1000000x64xf32, #tpu.memory_space<hbm>>) dst(%dma_wait3A_324 : memref<72x64xf32, #tpu.memory_space<vmem>>)
    %scan3A = arith.constant 0 : i32
    %scan3A_333 = arith.constant 0 : i32
    %scan3A_334 = arith.constant 200 : i32
    %scan3A_335 = arith.addi %scan3A_333, %scan3A_334 : i32
    %scan3A_336 = arith.constant 1 : i32
    scf.for %scan3A_906 = %scan3A_333 to %scan3A_335 step %scan3A_336  : i32 {
      %add3A_907 = arith.constant 0 : i32
      %add3A_908 = arith.addi %add3A_907, %scan3A_906 : i32
      %get3A = arith.index_cast %add3A_908 : i32 to index
      %get3A_909 = arith.constant 0 : index
      %get3A_910 = tpu.vector_load %arg8[%get3A, %get3A_909] {strides = array<i32>} : memref<800x64xf32, #tpu.memory_space<vmem>>, vector<1x16xf32>,
      %get3A_911 = vector.shape_cast %get3A_910 : vector<1x16xf32> to vector<16xf32>
      %get3A_912 = arith.index_cast %scan3A_906 : i32 to index
      %get3A_913 = arith.constant 0 : index
      %get3A_914 = tpu.vector_load %arg10[%get3A_912, %get3A_913] {strides = array<i32>} : memref<200x64xf32, #tpu.memory_space<vmem>>, vector<1x16xf32>,
      %get3A_915 = vector.shape_cast %get3A_914 : vector<1x16xf32> to vector<16xf32>
      %add3A_916 = arith.addf %get3A_911, %get3A_915 : vector<16xf32>
      %swap3A = arith.index_cast %add3A_908 : i32 to index
      %swap3A_917 = arith.constant 0 : index
      %swap3A_918 = tpu.vector_load %arg8[%swap3A, %swap3A_917] {strides = array<i32>} : memref<800x64xf32, #tpu.memory_space<vmem>>, vector<1x16xf32>,
      %swap3A_919 = vector.shape_cast %swap3A_918 : vector<1x16xf32> to vector<16xf32>
      %swap3A_920 = vector.shape_cast %add3A_916 : vector<16xf32> to vector<1x16xf32>
      tpu.vector_store %arg8[%swap3A, %swap3A_917], %swap3A_920 {strides = array<i32>} : memref<800x64xf32, #tpu.memory_space<vmem>>, vector<1x16xf32>,
      %get3A_921 = arith.index_cast %add3A_908 : i32 to index
      %get3A_922 = arith.constant 16 : index
      %get3A_923 = tpu.vector_load %arg8[%get3A_921, %get3A_922] {strides = array<i32>} : memref<800x64xf32, #tpu.memory_space<vmem>>, vector<1x16xf32>,
      %get3A_924 = vector.shape_cast %get3A_923 : vector<1x16xf32> to vector<16xf32>
      %get3A_925 = arith.index_cast %scan3A_906 : i32 to index
      %get3A_926 = arith.constant 16 : index
      %get3A_927 = tpu.vector_load %arg10[%get3A_925, %get3A_926] {strides = array<i32>} : memref<200x64xf32, #tpu.memory_space<vmem>>, vector<1x16xf32>,
      %get3A_928 = vector.shape_cast %get3A_927 : vector<1x16xf32> to vector<16xf32>
      %add3A_929 = arith.addf %get3A_924, %get3A_928 : vector<16xf32>
      %swap3A_930 = arith.index_cast %add3A_908 : i32 to index
      %swap3A_931 = arith.constant 16 : index
      %swap3A_932 = tpu.vector_load %arg8[%swap3A_930, %swap3A_931] {strides = array<i32>} : memref<800x64xf32, #tpu.memory_space<vmem>>, vector<1x16xf32>,
      %swap3A_933 = vector.shape_cast %swap3A_932 : vector<1x16xf32> to vector<16xf32>
      %swap3A_934 = vector.shape_cast %add3A_929 : vector<16xf32> to vector<1x16xf32>
      tpu.vector_store %arg8[%swap3A_930, %swap3A_931], %swap3A_934 {strides = array<i32>} : memref<800x64xf32, #tpu.memory_space<vmem>>, vector<1x16xf32>,
      %get3A_935 = arith.index_cast %add3A_908 : i32 to index
      %get3A_936 = arith.constant 32 : index
      %get3A_937 = tpu.vector_load %arg8[%get3A_935, %get3A_936] {strides = array<i32>} : memref<800x64xf32, #tpu.memory_space<vmem>>, vector<1x16xf32>,
      %get3A_938 = vector.shape_cast %get3A_937 : vector<1x16xf32> to vector<16xf32>
      %get3A_939 = arith.index_cast %scan3A_906 : i32 to index
      %get3A_940 = arith.constant 32 : index
      %get3A_941 = tpu.vector_load %arg10[%get3A_939, %get3A_940] {strides = array<i32>} : memref<200x64xf32, #tpu.memory_space<vmem>>, vector<1x16xf32>,
      %get3A_942 = vector.shape_cast %get3A_941 : vector<1x16xf32> to vector<16xf32>
      %add3A_943 = arith.addf %get3A_938, %get3A_942 : vector<16xf32>
      %swap3A_944 = arith.index_cast %add3A_908 : i32 to index
      %swap3A_945 = arith.constant 32 : index
      %swap3A_946 = tpu.vector_load %arg8[%swap3A_944, %swap3A_945] {strides = array<i32>} : memref<800x64xf32, #tpu.memory_space<vmem>>, vector<1x16xf32>,
      %swap3A_947 = vector.shape_cast %swap3A_946 : vector<1x16xf32> to vector<16xf32>
      %swap3A_948 = vector.shape_cast %add3A_943 : vector<16xf32> to vector<1x16xf32>
      tpu.vector_store %arg8[%swap3A_944, %swap3A_945], %swap3A_948 {strides = array<i32>} : memref<800x64xf32, #tpu.memory_space<vmem>>, vector<1x16xf32>,
      %get3A_949 = arith.index_cast %add3A_908 : i32 to index
      %get3A_950 = arith.constant 48 : index
      %get3A_951 = tpu.vector_load %arg8[%get3A_949, %get3A_950] {strides = array<i32>} : memref<800x64xf32, #tpu.memory_space<vmem>>, vector<1x16xf32>,
      %get3A_952 = vector.shape_cast %get3A_951 : vector<1x16xf32> to vector<16xf32>
      %get3A_953 = arith.index_cast %scan3A_906 : i32 to index
      %get3A_954 = arith.constant 48 : index
      %get3A_955 = tpu.vector_load %arg10[%get3A_953, %get3A_954] {strides = array<i32>} : memref<200x64xf32, #tpu.memory_space<vmem>>, vector<1x16xf32>,
      %get3A_956 = vector.shape_cast %get3A_955 : vector<1x16xf32> to vector<16xf32>
      %add3A_957 = arith.addf %get3A_952, %get3A_956 : vector<16xf32>
      %swap3A_958 = arith.index_cast %add3A_908 : i32 to index
      %swap3A_959 = arith.constant 48 : index
      %swap3A_960 = tpu.vector_load %arg8[%swap3A_958, %swap3A_959] {strides = array<i32>} : memref<800x64xf32, #tpu.memory_space<vmem>>, vector<1x16xf32>,
      %swap3A_961 = vector.shape_cast %swap3A_960 : vector<1x16xf32> to vector<16xf32>
      %swap3A_962 = vector.shape_cast %add3A_957 : vector<16xf32> to vector<1x16xf32>
      tpu.vector_store %arg8[%swap3A_958, %swap3A_959], %swap3A_962 {strides = array<i32>} : memref<800x64xf32, #tpu.memory_space<vmem>>, vector<1x16xf32>,
      %add3A_963 = arith.constant 200 : i32
      %add3A_964 = arith.addi %add3A_963, %scan3A_906 : i32
      %get3A_965 = arith.index_cast %add3A_964 : i32 to index
      %get3A_966 = arith.constant 0 : index
      %get3A_967 = tpu.vector_load %arg8[%get3A_965, %get3A_966] {strides = array<i32>} : memref<800x64xf32, #tpu.memory_space<vmem>>, vector<1x16xf32>,
      %get3A_968 = vector.shape_cast %get3A_967 : vector<1x16xf32> to vector<16xf32>
      %get3A_969 = arith.index_cast %scan3A_906 : i32 to index
      %get3A_970 = arith.constant 0 : index
      %get3A_971 = tpu.vector_load %arg10[%get3A_969, %get3A_970] {strides = array<i32>} : memref<200x64xf32, #tpu.memory_space<vmem>>, vector<1x16xf32>,
      %get3A_972 = vector.shape_cast %get3A_971 : vector<1x16xf32> to vector<16xf32>
      %add3A_973 = arith.addf %get3A_968, %get3A_972 : vector<16xf32>
      %swap3A_974 = arith.index_cast %add3A_964 : i32 to index
      %swap3A_975 = arith.constant 0 : index
      %swap3A_976 = tpu.vector_load %arg8[%swap3A_974, %swap3A_975] {strides = array<i32>} : memref<800x64xf32, #tpu.memory_space<vmem>>, vector<1x16xf32>,
      %swap3A_977 = vector.shape_cast %swap3A_976 : vector<1x16xf32> to vector<16xf32>
      %swap3A_978 = vector.shape_cast %add3A_973 : vector<16xf32> to vector<1x16xf32>
      tpu.vector_store %arg8[%swap3A_974, %swap3A_975], %swap3A_978 {strides = array<i32>} : memref<800x64xf32, #tpu.memory_space<vmem>>, vector<1x16xf32>,
      %get3A_979 = arith.index_cast %add3A_964 : i32 to index
      %get3A_980 = arith.constant 16 : index
      %get3A_981 = tpu.vector_load %arg8[%get3A_979, %get3A_980] {strides = array<i32>} : memref<800x64xf32, #tpu.memory_space<vmem>>, vector<1x16xf32>,
      %get3A_982 = vector.shape_cast %get3A_981 : vector<1x16xf32> to vector<16xf32>
      %get3A_983 = arith.index_cast %scan3A_906 : i32 to index
      %get3A_984 = arith.constant 16 : index
      %get3A_985 = tpu.vector_load %arg10[%get3A_983, %get3A_984] {strides = array<i32>} : memref<200x64xf32, #tpu.memory_space<vmem>>, vector<1x16xf32>,
      %get3A_986 = vector.shape_cast %get3A_985 : vector<1x16xf32> to vector<16xf32>
      %add3A_987 = arith.addf %get3A_982, %get3A_986 : vector<16xf32>
      %swap3A_988 = arith.index_cast %add3A_964 : i32 to index
      %swap3A_989 = arith.constant 16 : index
      %swap3A_990 = tpu.vector_load %arg8[%swap3A_988, %swap3A_989] {strides = array<i32>} : memref<800x64xf32, #tpu.memory_space<vmem>>, vector<1x16xf32>,
      %swap3A_991 = vector.shape_cast %swap3A_990 : vector<1x16xf32> to vector<16xf32>
      %swap3A_992 = vector.shape_cast %add3A_987 : vector<16xf32> to vector<1x16xf32>
      tpu.vector_store %arg8[%swap3A_988, %swap3A_989], %swap3A_992 {strides = array<i32>} : memref<800x64xf32, #tpu.memory_space<vmem>>, vector<1x16xf32>,
      %get3A_993 = arith.index_cast %add3A_964 : i32 to index
      %get3A_994 = arith.constant 32 : index
      %get3A_995 = tpu.vector_load %arg8[%get3A_993, %get3A_994] {strides = array<i32>} : memref<800x64xf32, #tpu.memory_space<vmem>>, vector<1x16xf32>,
      %get3A_996 = vector.shape_cast %get3A_995 : vector<1x16xf32> to vector<16xf32>
      %get3A_997 = arith.index_cast %scan3A_906 : i32 to index
      %get3A_998 = arith.constant 32 : index
      %get3A_999 = tpu.vector_load %arg10[%get3A_997, %get3A_998] {strides = array<i32>} : memref<200x64xf32, #tpu.memory_space<vmem>>, vector<1x16xf32>,
      %get3A_1000 = vector.shape_cast %get3A_999 : vector<1x16xf32> to vector<16xf32>
      %add3A_1001 = arith.addf %get3A_996, %get3A_1000 : vector<16xf32>
      %swap3A_1002 = arith.index_cast %add3A_964 : i32 to index
      %swap3A_1003 = arith.constant 32 : index
      %swap3A_1004 = tpu.vector_load %arg8[%swap3A_1002, %swap3A_1003] {strides = array<i32>} : memref<800x64xf32, #tpu.memory_space<vmem>>, vector<1x16xf32>,
      %swap3A_1005 = vector.shape_cast %swap3A_1004 : vector<1x16xf32> to vector<16xf32>
      %swap3A_1006 = vector.shape_cast %add3A_1001 : vector<16xf32> to vector<1x16xf32>
      tpu.vector_store %arg8[%swap3A_1002, %swap3A_1003], %swap3A_1006 {strides = array<i32>} : memref<800x64xf32, #tpu.memory_space<vmem>>, vector<1x16xf32>,
      %get3A_1007 = arith.index_cast %add3A_964 : i32 to index
      %get3A_1008 = arith.constant 48 : index
      %get3A_1009 = tpu.vector_load %arg8[%get3A_1007, %get3A_1008] {strides = array<i32>} : memref<800x64xf32, #tpu.memory_space<vmem>>, vector<1x16xf32>,
      %get3A_1010 = vector.shape_cast %get3A_1009 : vector<1x16xf32> to vector<16xf32>
      %get3A_1011 = arith.index_cast %scan3A_906 : i32 to index
      %get3A_1012 = arith.constant 48 : index
      %get3A_1013 = tpu.vector_load %arg10[%get3A_1011, %get3A_1012] {strides = array<i32>} : memref<200x64xf32, #tpu.memory_space<vmem>>, vector<1x16xf32>,
      %get3A_1014 = vector.shape_cast %get3A_1013 : vector<1x16xf32> to vector<16xf32>
      %add3A_1015 = arith.addf %get3A_1010, %get3A_1014 : vector<16xf32>
      %swap3A_1016 = arith.index_cast %add3A_964 : i32 to index
      %swap3A_1017 = arith.constant 48 : index
      %swap3A_1018 = tpu.vector_load %arg8[%swap3A_1016, %swap3A_1017] {strides = array<i32>} : memref<800x64xf32, #tpu.memory_space<vmem>>, vector<1x16xf32>,
      %swap3A_1019 = vector.shape_cast %swap3A_1018 : vector<1x16xf32> to vector<16xf32>
      %swap3A_1020 = vector.shape_cast %add3A_1015 : vector<16xf32> to vector<1x16xf32>
      tpu.vector_store %arg8[%swap3A_1016, %swap3A_1017], %swap3A_1020 {strides = array<i32>} : memref<800x64xf32, #tpu.memory_space<vmem>>, vector<1x16xf32>,
      %add3A_1021 = arith.constant 400 : i32
      %add3A_1022 = arith.addi %add3A_1021, %scan3A_906 : i32
      %get3A_1023 = arith.index_cast %add3A_1022 : i32 to index
      %get3A_1024 = arith.constant 0 : index
      %get3A_1025 = tpu.vector_load %arg8[%get3A_1023, %get3A_1024] {strides = array<i32>} : memref<800x64xf32, #tpu.memory_space<vmem>>, vector<1x16xf32>,
      %get3A_1026 = vector.shape_cast %get3A_1025 : vector<1x16xf32> to vector<16xf32>
      %get3A_1027 = arith.index_cast %scan3A_906 : i32 to index
      %get3A_1028 = arith.constant 0 : index
      %get3A_1029 = tpu.vector_load %arg10[%get3A_1027, %get3A_1028] {strides = array<i32>} : memref<200x64xf32, #tpu.memory_space<vmem>>, vector<1x16xf32>,
      %get3A_1030 = vector.shape_cast %get3A_1029 : vector<1x16xf32> to vector<16xf32>
      %add3A_1031 = arith.addf %get3A_1026, %get3A_1030 : vector<16xf32>
      %swap3A_1032 = arith.index_cast %add3A_1022 : i32 to index
      %swap3A_1033 = arith.constant 0 : index
      %swap3A_1034 = tpu.vector_load %arg8[%swap3A_1032, %swap3A_1033] {strides = array<i32>} : memref<800x64xf32, #tpu.memory_space<vmem>>, vector<1x16xf32>,
      %swap3A_1035 = vector.shape_cast %swap3A_1034 : vector<1x16xf32> to vector<16xf32>
      %swap3A_1036 = vector.shape_cast %add3A_1031 : vector<16xf32> to vector<1x16xf32>
      tpu.vector_store %arg8[%swap3A_1032, %swap3A_1033], %swap3A_1036 {strides = array<i32>} : memref<800x64xf32, #tpu.memory_space<vmem>>, vector<1x16xf32>,
      %get3A_1037 = arith.index_cast %add3A_1022 : i32 to index
      %get3A_1038 = arith.constant 16 : index
      %get3A_1039 = tpu.vector_load %arg8[%get3A_1037, %get3A_1038] {strides = array<i32>} : memref<800x64xf32, #tpu.memory_space<vmem>>, vector<1x16xf32>,
      %get3A_1040 = vector.shape_cast %get3A_1039 : vector<1x16xf32> to vector<16xf32>
      %get3A_1041 = arith.index_cast %scan3A_906 : i32 to index
      %get3A_1042 = arith.constant 16 : index
      %get3A_1043 = tpu.vector_load %arg10[%get3A_1041, %get3A_1042] {strides = array<i32>} : memref<200x64xf32, #tpu.memory_space<vmem>>, vector<1x16xf32>,
      %get3A_1044 = vector.shape_cast %get3A_1043 : vector<1x16xf32> to vector<16xf32>
      %add3A_1045 = arith.addf %get3A_1040, %get3A_1044 : vector<16xf32>
      %swap3A_1046 = arith.index_cast %add3A_1022 : i32 to index
      %swap3A_1047 = arith.constant 16 : index
      %swap3A_1048 = tpu.vector_load %arg8[%swap3A_1046, %swap3A_1047] {strides = array<i32>} : memref<800x64xf32, #tpu.memory_space<vmem>>, vector<1x16xf32>,
      %swap3A_1049 = vector.shape_cast %swap3A_1048 : vector<1x16xf32> to vector<16xf32>
      %swap3A_1050 = vector.shape_cast %add3A_1045 : vector<16xf32> to vector<1x16xf32>
      tpu.vector_store %arg8[%swap3A_1046, %swap3A_1047], %swap3A_1050 {strides = array<i32>} : memref<800x64xf32, #tpu.memory_space<vmem>>, vector<1x16xf32>,
      %get3A_1051 = arith.index_cast %add3A_1022 : i32 to index
      %get3A_1052 = arith.constant 32 : index
      %get3A_1053 = tpu.vector_load %arg8[%get3A_1051, %get3A_1052] {strides = array<i32>} : memref<800x64xf32, #tpu.memory_space<vmem>>, vector<1x16xf32>,
      %get3A_1054 = vector.shape_cast %get3A_1053 : vector<1x16xf32> to vector<16xf32>
      %get3A_1055 = arith.index_cast %scan3A_906 : i32 to index
      %get3A_1056 = arith.constant 32 : index
      %get3A_1057 = tpu.vector_load %arg10[%get3A_1055, %get3A_1056] {strides = array<i32>} : memref<200x64xf32, #tpu.memory_space<vmem>>, vector<1x16xf32>,
      %get3A_1058 = vector.shape_cast %get3A_1057 : vector<1x16xf32> to vector<16xf32>
      %add3A_1059 = arith.addf %get3A_1054, %get3A_1058 : vector<16xf32>
      %swap3A_1060 = arith.index_cast %add3A_1022 : i32 to index
      %swap3A_1061 = arith.constant 32 : index
      %swap3A_1062 = tpu.vector_load %arg8[%swap3A_1060, %swap3A_1061] {strides = array<i32>} : memref<800x64xf32, #tpu.memory_space<vmem>>, vector<1x16xf32>,
      %swap3A_1063 = vector.shape_cast %swap3A_1062 : vector<1x16xf32> to vector<16xf32>
      %swap3A_1064 = vector.shape_cast %add3A_1059 : vector<16xf32> to vector<1x16xf32>
      tpu.vector_store %arg8[%swap3A_1060, %swap3A_1061], %swap3A_1064 {strides = array<i32>} : memref<800x64xf32, #tpu.memory_space<vmem>>, vector<1x16xf32>,
      %get3A_1065 = arith.index_cast %add3A_1022 : i32 to index
      %get3A_1066 = arith.constant 48 : index
      %get3A_1067 = tpu.vector_load %arg8[%get3A_1065, %get3A_1066] {strides = array<i32>} : memref<800x64xf32, #tpu.memory_space<vmem>>, vector<1x16xf32>,
      %get3A_1068 = vector.shape_cast %get3A_1067 : vector<1x16xf32> to vector<16xf32>
      %get3A_1069 = arith.index_cast %scan3A_906 : i32 to index
      %get3A_1070 = arith.constant 48 : index
      %get3A_1071 = tpu.vector_load %arg10[%get3A_1069, %get3A_1070] {strides = array<i32>} : memref<200x64xf32, #tpu.memory_space<vmem>>, vector<1x16xf32>,
      %get3A_1072 = vector.shape_cast %get3A_1071 : vector<1x16xf32> to vector<16xf32>
      %add3A_1073 = arith.addf %get3A_1068, %get3A_1072 : vector<16xf32>
      %swap3A_1074 = arith.index_cast %add3A_1022 : i32 to index
      %swap3A_1075 = arith.constant 48 : index
      %swap3A_1076 = tpu.vector_load %arg8[%swap3A_1074, %swap3A_1075] {strides = array<i32>} : memref<800x64xf32, #tpu.memory_space<vmem>>, vector<1x16xf32>,
      %swap3A_1077 = vector.shape_cast %swap3A_1076 : vector<1x16xf32> to vector<16xf32>
      %swap3A_1078 = vector.shape_cast %add3A_1073 : vector<16xf32> to vector<1x16xf32>
      tpu.vector_store %arg8[%swap3A_1074, %swap3A_1075], %swap3A_1078 {strides = array<i32>} : memref<800x64xf32, #tpu.memory_space<vmem>>, vector<1x16xf32>,
      %add3A_1079 = arith.constant 600 : i32
      %add3A_1080 = arith.addi %add3A_1079, %scan3A_906 : i32
      %get3A_1081 = arith.index_cast %add3A_1080 : i32 to index
      %get3A_1082 = arith.constant 0 : index
      %get3A_1083 = tpu.vector_load %arg8[%get3A_1081, %get3A_1082] {strides = array<i32>} : memref<800x64xf32, #tpu.memory_space<vmem>>, vector<1x16xf32>,
      %get3A_1084 = vector.shape_cast %get3A_1083 : vector<1x16xf32> to vector<16xf32>
      %get3A_1085 = arith.index_cast %scan3A_906 : i32 to index
      %get3A_1086 = arith.constant 0 : index
      %get3A_1087 = tpu.vector_load %arg10[%get3A_1085, %get3A_1086] {strides = array<i32>} : memref<200x64xf32, #tpu.memory_space<vmem>>, vector<1x16xf32>,
      %get3A_1088 = vector.shape_cast %get3A_1087 : vector<1x16xf32> to vector<16xf32>
      %add3A_1089 = arith.addf %get3A_1084, %get3A_1088 : vector<16xf32>
      %swap3A_1090 = arith.index_cast %add3A_1080 : i32 to index
      %swap3A_1091 = arith.constant 0 : index
      %swap3A_1092 = tpu.vector_load %arg8[%swap3A_1090, %swap3A_1091] {strides = array<i32>} : memref<800x64xf32, #tpu.memory_space<vmem>>, vector<1x16xf32>,
      %swap3A_1093 = vector.shape_cast %swap3A_1092 : vector<1x16xf32> to vector<16xf32>
      %swap3A_1094 = vector.shape_cast %add3A_1089 : vector<16xf32> to vector<1x16xf32>
      tpu.vector_store %arg8[%swap3A_1090, %swap3A_1091], %swap3A_1094 {strides = array<i32>} : memref<800x64xf32, #tpu.memory_space<vmem>>, vector<1x16xf32>,
      %get3A_1095 = arith.index_cast %add3A_1080 : i32 to index
      %get3A_1096 = arith.constant 16 : index
      %get3A_1097 = tpu.vector_load %arg8[%get3A_1095, %get3A_1096] {strides = array<i32>} : memref<800x64xf32, #tpu.memory_space<vmem>>, vector<1x16xf32>,
      %get3A_1098 = vector.shape_cast %get3A_1097 : vector<1x16xf32> to vector<16xf32>
      %get3A_1099 = arith.index_cast %scan3A_906 : i32 to index
      %get3A_1100 = arith.constant 16 : index
      %get3A_1101 = tpu.vector_load %arg10[%get3A_1099, %get3A_1100] {strides = array<i32>} : memref<200x64xf32, #tpu.memory_space<vmem>>, vector<1x16xf32>,
      %get3A_1102 = vector.shape_cast %get3A_1101 : vector<1x16xf32> to vector<16xf32>
      %add3A_1103 = arith.addf %get3A_1098, %get3A_1102 : vector<16xf32>
      %swap3A_1104 = arith.index_cast %add3A_1080 : i32 to index
      %swap3A_1105 = arith.constant 16 : index
      %swap3A_1106 = tpu.vector_load %arg8[%swap3A_1104, %swap3A_1105] {strides = array<i32>} : memref<800x64xf32, #tpu.memory_space<vmem>>, vector<1x16xf32>,
      %swap3A_1107 = vector.shape_cast %swap3A_1106 : vector<1x16xf32> to vector<16xf32>
      %swap3A_1108 = vector.shape_cast %add3A_1103 : vector<16xf32> to vector<1x16xf32>
      tpu.vector_store %arg8[%swap3A_1104, %swap3A_1105], %swap3A_1108 {strides = array<i32>} : memref<800x64xf32, #tpu.memory_space<vmem>>, vector<1x16xf32>,
      %get3A_1109 = arith.index_cast %add3A_1080 : i32 to index
      %get3A_1110 = arith.constant 32 : index
      %get3A_1111 = tpu.vector_load %arg8[%get3A_1109, %get3A_1110] {strides = array<i32>} : memref<800x64xf32, #tpu.memory_space<vmem>>, vector<1x16xf32>,
      %get3A_1112 = vector.shape_cast %get3A_1111 : vector<1x16xf32> to vector<16xf32>
      %get3A_1113 = arith.index_cast %scan3A_906 : i32 to index
      %get3A_1114 = arith.constant 32 : index
      %get3A_1115 = tpu.vector_load %arg10[%get3A_1113, %get3A_1114] {strides = array<i32>} : memref<200x64xf32, #tpu.memory_space<vmem>>, vector<1x16xf32>,
      %get3A_1116 = vector.shape_cast %get3A_1115 : vector<1x16xf32> to vector<16xf32>
      %add3A_1117 = arith.addf %get3A_1112, %get3A_1116 : vector<16xf32>
      %swap3A_1118 = arith.index_cast %add3A_1080 : i32 to index
      %swap3A_1119 = arith.constant 32 : index
      %swap3A_1120 = tpu.vector_load %arg8[%swap3A_1118, %swap3A_1119] {strides = array<i32>} : memref<800x64xf32, #tpu.memory_space<vmem>>, vector<1x16xf32>,
      %swap3A_1121 = vector.shape_cast %swap3A_1120 : vector<1x16xf32> to vector<16xf32>
      %swap3A_1122 = vector.shape_cast %add3A_1117 : vector<16xf32> to vector<1x16xf32>
      tpu.vector_store %arg8[%swap3A_1118, %swap3A_1119], %swap3A_1122 {strides = array<i32>} : memref<800x64xf32, #tpu.memory_space<vmem>>, vector<1x16xf32>,
      %get3A_1123 = arith.index_cast %add3A_1080 : i32 to index
      %get3A_1124 = arith.constant 48 : index
      %get3A_1125 = tpu.vector_load %arg8[%get3A_1123, %get3A_1124] {strides = array<i32>} : memref<800x64xf32, #tpu.memory_space<vmem>>, vector<1x16xf32>,
      %get3A_1126 = vector.shape_cast %get3A_1125 : vector<1x16xf32> to vector<16xf32>
      %get3A_1127 = arith.index_cast %scan3A_906 : i32 to index
      %get3A_1128 = arith.constant 48 : index
      %get3A_1129 = tpu.vector_load %arg10[%get3A_1127, %get3A_1128] {strides = array<i32>} : memref<200x64xf32, #tpu.memory_space<vmem>>, vector<1x16xf32>,
      %get3A_1130 = vector.shape_cast %get3A_1129 : vector<1x16xf32> to vector<16xf32>
      %add3A_1131 = arith.addf %get3A_1126, %get3A_1130 : vector<16xf32>
      %swap3A_1132 = arith.index_cast %add3A_1080 : i32 to index
      %swap3A_1133 = arith.constant 48 : index
      %swap3A_1134 = tpu.vector_load %arg8[%swap3A_1132, %swap3A_1133] {strides = array<i32>} : memref<800x64xf32, #tpu.memory_space<vmem>>, vector<1x16xf32>,
      %swap3A_1135 = vector.shape_cast %swap3A_1134 : vector<1x16xf32> to vector<16xf32>
      %swap3A_1136 = vector.shape_cast %add3A_1131 : vector<16xf32> to vector<1x16xf32>
      tpu.vector_store %arg8[%swap3A_1132, %swap3A_1133], %swap3A_1136 {strides = array<i32>} : memref<800x64xf32, #tpu.memory_space<vmem>>, vector<1x16xf32>,
    }
    %scan3A_337 = arith.constant 200 : i32
    %add3A_338 = arith.constant 0 : i32
    %add3A_339 = arith.addi %mul3A_2, %add3A_338 : i32
    %dma_start3A_340 = arith.constant 0 : i32
    %dma_start3A_341 = tpu.memref_slice %arg5[%add3A_339, %dma_start3A_340] : memref<819200x64xf32, #tpu.memory_space<hbm>> -> memref<800x64xf32, #tpu.memory_space<hbm>>
    %dma_start3A_342 = arith.constant 0 : i32
    %dma_start3A_343 = tpu.memref_slice %arg5[%add3A_339, %dma_start3A_342] : memref<819200x64xf32, #tpu.memory_space<hbm>> -> memref<800x64xf32, #tpu.memory_space<hbm>>
    tpu.enqueue_dma source(%arg8 : memref<800x64xf32, #tpu.memory_space<vmem>>) target(%dma_start3A_343 : memref<800x64xf32, #tpu.memory_space<hbm>>) target_semaphore(%arg13 : memref<!tpu.dma_semaphore, #tpu.memory_space<semaphore_mem>>)
    %dma_wait3A_344 = arith.constant 0 : i32
    %dma_wait3A_345 = arith.constant 0 : i32
    %dma_wait3A_346 = arith.constant 0 : i32
    %dma_wait3A_347 = tpu.memref_slice %arg9[%dma_wait3A_345, %dma_wait3A_346] : memref<800x64xf32, #tpu.memory_space<vmem>> -> memref<128x64xf32, #tpu.memory_space<vmem>>
    %dma_wait3A_348 = arith.constant 0 : i32
    %dma_wait3A_349 = tpu.memref_slice %arg7[%dma_wait3A_344, %dma_wait3A_348] : memref<4x200xi32, #tpu.memory_space<vmem>> -> memref<1x200xi32, #tpu.memory_space<vmem>>
    %dma_wait3A_350 = tpu.memref_squeeze %dma_wait3A_349 : memref<1x200xi32, #tpu.memory_space<vmem>> -> memref<200xi32, #tpu.memory_space<vmem>>
    %dma_wait3A_351 = arith.constant 0 : i32
    %dma_wait3A_352 = tpu.memref_slice %dma_wait3A_350[%dma_wait3A_351] : memref<200xi32, #tpu.memory_space<vmem>> -> memref<128xi32, #tpu.memory_space<vmem>>
    %dma_wait3A_353 = arith.constant 0 : i32
    %dma_wait3A_354 = arith.constant 0 : i32
    %dma_wait3A_355 = tpu.memref_slice %arg2[%dma_wait3A_353, %dma_wait3A_354] : memref<1000000x64xf32, #tpu.memory_space<hbm>> -> memref<1000000x64xf32, #tpu.memory_space<hbm>>
    tpu.wait_indirect_dma semaphore(%arg12 : memref<!tpu.dma_semaphore, #tpu.memory_space<semaphore_mem>>) src(%dma_wait3A_355 : memref<1000000x64xf32, #tpu.memory_space<hbm>>) dst(%dma_wait3A_347 : memref<128x64xf32, #tpu.memory_space<vmem>>)
    %dma_wait3A_356 = arith.constant 0 : i32
    %dma_wait3A_357 = arith.constant 128 : i32
    %dma_wait3A_358 = arith.constant 0 : i32
    %dma_wait3A_359 = tpu.memref_slice %arg9[%dma_wait3A_357, %dma_wait3A_358] : memref<800x64xf32, #tpu.memory_space<vmem>> -> memref<72x64xf32, #tpu.memory_space<vmem>>
    %dma_wait3A_360 = arith.constant 0 : i32
    %dma_wait3A_361 = tpu.memref_slice %arg7[%dma_wait3A_356, %dma_wait3A_360] : memref<4x200xi32, #tpu.memory_space<vmem>> -> memref<1x200xi32, #tpu.memory_space<vmem>>
    %dma_wait3A_362 = tpu.memref_squeeze %dma_wait3A_361 : memref<1x200xi32, #tpu.memory_space<vmem>> -> memref<200xi32, #tpu.memory_space<vmem>>
    %dma_wait3A_363 = arith.constant 128 : i32
    %dma_wait3A_364 = tpu.memref_slice %dma_wait3A_362[%dma_wait3A_363] : memref<200xi32, #tpu.memory_space<vmem>> -> memref<72xi32, #tpu.memory_space<vmem>>
    %dma_wait3A_365 = arith.constant 0 : i32
    %dma_wait3A_366 = arith.constant 0 : i32
    %dma_wait3A_367 = tpu.memref_slice %arg2[%dma_wait3A_365, %dma_wait3A_366] : memref<1000000x64xf32, #tpu.memory_space<hbm>> -> memref<1000000x64xf32, #tpu.memory_space<hbm>>
    tpu.wait_indirect_dma semaphore(%arg12 : memref<!tpu.dma_semaphore, #tpu.memory_space<semaphore_mem>>) src(%dma_wait3A_367 : memref<1000000x64xf32, #tpu.memory_space<hbm>>) dst(%dma_wait3A_359 : memref<72x64xf32, #tpu.memory_space<vmem>>)
    %dma_wait3A_368 = arith.constant 1 : i32
    %dma_wait3A_369 = arith.constant 200 : i32
    %dma_wait3A_370 = arith.constant 0 : i32
    %dma_wait3A_371 = tpu.memref_slice %arg9[%dma_wait3A_369, %dma_wait3A_370] : memref<800x64xf32, #tpu.memory_space<vmem>> -> memref<128x64xf32, #tpu.memory_space<vmem>>
    %dma_wait3A_372 = arith.constant 0 : i32
    %dma_wait3A_373 = tpu.memref_slice %arg7[%dma_wait3A_368, %dma_wait3A_372] : memref<4x200xi32, #tpu.memory_space<vmem>> -> memref<1x200xi32, #tpu.memory_space<vmem>>
    %dma_wait3A_374 = tpu.memref_squeeze %dma_wait3A_373 : memref<1x200xi32, #tpu.memory_space<vmem>> -> memref<200xi32, #tpu.memory_space<vmem>>
    %dma_wait3A_375 = arith.constant 0 : i32
    %dma_wait3A_376 = tpu.memref_slice %dma_wait3A_374[%dma_wait3A_375] : memref<200xi32, #tpu.memory_space<vmem>> -> memref<128xi32, #tpu.memory_space<vmem>>
    %dma_wait3A_377 = arith.constant 0 : i32
    %dma_wait3A_378 = arith.constant 0 : i32
    %dma_wait3A_379 = tpu.memref_slice %arg2[%dma_wait3A_377, %dma_wait3A_378] : memref<1000000x64xf32, #tpu.memory_space<hbm>> -> memref<1000000x64xf32, #tpu.memory_space<hbm>>
    tpu.wait_indirect_dma semaphore(%arg12 : memref<!tpu.dma_semaphore, #tpu.memory_space<semaphore_mem>>) src(%dma_wait3A_379 : memref<1000000x64xf32, #tpu.memory_space<hbm>>) dst(%dma_wait3A_371 : memref<128x64xf32, #tpu.memory_space<vmem>>)
    %dma_wait3A_380 = arith.constant 1 : i32
    %dma_wait3A_381 = arith.constant 328 : i32
    %dma_wait3A_382 = arith.constant 0 : i32
    %dma_wait3A_383 = tpu.memref_slice %arg9[%dma_wait3A_381, %dma_wait3A_382] : memref<800x64xf32, #tpu.memory_space<vmem>> -> memref<72x64xf32, #tpu.memory_space<vmem>>
    %dma_wait3A_384 = arith.constant 0 : i32
    %dma_wait3A_385 = tpu.memref_slice %arg7[%dma_wait3A_380, %dma_wait3A_384] : memref<4x200xi32, #tpu.memory_space<vmem>> -> memref<1x200xi32, #tpu.memory_space<vmem>>
    %dma_wait3A_386 = tpu.memref_squeeze %dma_wait3A_385 : memref<1x200xi32, #tpu.memory_space<vmem>> -> memref<200xi32, #tpu.memory_space<vmem>>
    %dma_wait3A_387 = arith.constant 128 : i32
    %dma_wait3A_388 = tpu.memref_slice %dma_wait3A_386[%dma_wait3A_387] : memref<200xi32, #tpu.memory_space<vmem>> -> memref<72xi32, #tpu.memory_space<vmem>>
    %dma_wait3A_389 = arith.constant 0 : i32
    %dma_wait3A_390 = arith.constant 0 : i32
    %dma_wait3A_391 = tpu.memref_slice %arg2[%dma_wait3A_389, %dma_wait3A_390] : memref<1000000x64xf32, #tpu.memory_space<hbm>> -> memref<1000000x64xf32, #tpu.memory_space<hbm>>
    tpu.wait_indirect_dma semaphore(%arg12 : memref<!tpu.dma_semaphore, #tpu.memory_space<semaphore_mem>>) src(%dma_wait3A_391 : memref<1000000x64xf32, #tpu.memory_space<hbm>>) dst(%dma_wait3A_383 : memref<72x64xf32, #tpu.memory_space<vmem>>)
    %dma_wait3A_392 = arith.constant 2 : i32
    %dma_wait3A_393 = arith.constant 400 : i32
    %dma_wait3A_394 = arith.constant 0 : i32
    %dma_wait3A_395 = tpu.memref_slice %arg9[%dma_wait3A_393, %dma_wait3A_394] : memref<800x64xf32, #tpu.memory_space<vmem>> -> memref<128x64xf32, #tpu.memory_space<vmem>>
    %dma_wait3A_396 = arith.constant 0 : i32
    %dma_wait3A_397 = tpu.memref_slice %arg7[%dma_wait3A_392, %dma_wait3A_396] : memref<4x200xi32, #tpu.memory_space<vmem>> -> memref<1x200xi32, #tpu.memory_space<vmem>>
    %dma_wait3A_398 = tpu.memref_squeeze %dma_wait3A_397 : memref<1x200xi32, #tpu.memory_space<vmem>> -> memref<200xi32, #tpu.memory_space<vmem>>
    %dma_wait3A_399 = arith.constant 0 : i32
    %dma_wait3A_400 = tpu.memref_slice %dma_wait3A_398[%dma_wait3A_399] : memref<200xi32, #tpu.memory_space<vmem>> -> memref<128xi32, #tpu.memory_space<vmem>>
    %dma_wait3A_401 = arith.constant 0 : i32
    %dma_wait3A_402 = arith.constant 0 : i32
    %dma_wait3A_403 = tpu.memref_slice %arg2[%dma_wait3A_401, %dma_wait3A_402] : memref<1000000x64xf32, #tpu.memory_space<hbm>> -> memref<1000000x64xf32, #tpu.memory_space<hbm>>
    tpu.wait_indirect_dma semaphore(%arg12 : memref<!tpu.dma_semaphore, #tpu.memory_space<semaphore_mem>>) src(%dma_wait3A_403 : memref<1000000x64xf32, #tpu.memory_space<hbm>>) dst(%dma_wait3A_395 : memref<128x64xf32, #tpu.memory_space<vmem>>)
    %dma_wait3A_404 = arith.constant 2 : i32
    %dma_wait3A_405 = arith.constant 528 : i32
    %dma_wait3A_406 = arith.constant 0 : i32
    %dma_wait3A_407 = tpu.memref_slice %arg9[%dma_wait3A_405, %dma_wait3A_406] : memref<800x64xf32, #tpu.memory_space<vmem>> -> memref<72x64xf32, #tpu.memory_space<vmem>>
    %dma_wait3A_408 = arith.constant 0 : i32
    %dma_wait3A_409 = tpu.memref_slice %arg7[%dma_wait3A_404, %dma_wait3A_408] : memref<4x200xi32, #tpu.memory_space<vmem>> -> memref<1x200xi32, #tpu.memory_space<vmem>>
    %dma_wait3A_410 = tpu.memref_squeeze %dma_wait3A_409 : memref<1x200xi32, #tpu.memory_space<vmem>> -> memref<200xi32, #tpu.memory_space<vmem>>
    %dma_wait3A_411 = arith.constant 128 : i32
    %dma_wait3A_412 = tpu.memref_slice %dma_wait3A_410[%dma_wait3A_411] : memref<200xi32, #tpu.memory_space<vmem>> -> memref<72xi32, #tpu.memory_space<vmem>>
    %dma_wait3A_413 = arith.constant 0 : i32
    %dma_wait3A_414 = arith.constant 0 : i32
    %dma_wait3A_415 = tpu.memref_slice %arg2[%dma_wait3A_413, %dma_wait3A_414] : memref<1000000x64xf32, #tpu.memory_space<hbm>> -> memref<1000000x64xf32, #tpu.memory_space<hbm>>
    tpu.wait_indirect_dma semaphore(%arg12 : memref<!tpu.dma_semaphore, #tpu.memory_space<semaphore_mem>>) src(%dma_wait3A_415 : memref<1000000x64xf32, #tpu.memory_space<hbm>>) dst(%dma_wait3A_407 : memref<72x64xf32, #tpu.memory_space<vmem>>)
    %dma_wait3A_416 = arith.constant 3 : i32
    %dma_wait3A_417 = arith.constant 600 : i32
    %dma_wait3A_418 = arith.constant 0 : i32
    %dma_wait3A_419 = tpu.memref_slice %arg9[%dma_wait3A_417, %dma_wait3A_418] : memref<800x64xf32, #tpu.memory_space<vmem>> -> memref<128x64xf32, #tpu.memory_space<vmem>>
    %dma_wait3A_420 = arith.constant 0 : i32
    %dma_wait3A_421 = tpu.memref_slice %arg7[%dma_wait3A_416, %dma_wait3A_420] : memref<4x200xi32, #tpu.memory_space<vmem>> -> memref<1x200xi32, #tpu.memory_space<vmem>>
    %dma_wait3A_422 = tpu.memref_squeeze %dma_wait3A_421 : memref<1x200xi32, #tpu.memory_space<vmem>> -> memref<200xi32, #tpu.memory_space<vmem>>
    %dma_wait3A_423 = arith.constant 0 : i32
    %dma_wait3A_424 = tpu.memref_slice %dma_wait3A_422[%dma_wait3A_423] : memref<200xi32, #tpu.memory_space<vmem>> -> memref<128xi32, #tpu.memory_space<vmem>>
    %dma_wait3A_425 = arith.constant 0 : i32
    %dma_wait3A_426 = arith.constant 0 : i32
    %dma_wait3A_427 = tpu.memref_slice %arg2[%dma_wait3A_425, %dma_wait3A_426] : memref<1000000x64xf32, #tpu.memory_space<hbm>> -> memref<1000000x64xf32, #tpu.memory_space<hbm>>
    tpu.wait_indirect_dma semaphore(%arg12 : memref<!tpu.dma_semaphore, #tpu.memory_space<semaphore_mem>>) src(%dma_wait3A_427 : memref<1000000x64xf32, #tpu.memory_space<hbm>>) dst(%dma_wait3A_419 : memref<128x64xf32, #tpu.memory_space<vmem>>)
    %dma_wait3A_428 = arith.constant 3 : i32
    %dma_wait3A_429 = arith.constant 728 : i32
    %dma_wait3A_430 = arith.constant 0 : i32
    %dma_wait3A_431 = tpu.memref_slice %arg9[%dma_wait3A_429, %dma_wait3A_430] : memref<800x64xf32, #tpu.memory_space<vmem>> -> memref<72x64xf32, #tpu.memory_space<vmem>>
    %dma_wait3A_432 = arith.constant 0 : i32
    %dma_wait3A_433 = tpu.memref_slice %arg7[%dma_wait3A_428, %dma_wait3A_432] : memref<4x200xi32, #tpu.memory_space<vmem>> -> memref<1x200xi32, #tpu.memory_space<vmem>>
    %dma_wait3A_434 = tpu.memref_squeeze %dma_wait3A_433 : memref<1x200xi32, #tpu.memory_space<vmem>> -> memref<200xi32, #tpu.memory_space<vmem>>
    %dma_wait3A_435 = arith.constant 128 : i32
    %dma_wait3A_436 = tpu.memref_slice %dma_wait3A_434[%dma_wait3A_435] : memref<200xi32, #tpu.memory_space<vmem>> -> memref<72xi32, #tpu.memory_space<vmem>>
    %dma_wait3A_437 = arith.constant 0 : i32
    %dma_wait3A_438 = arith.constant 0 : i32
    %dma_wait3A_439 = tpu.memref_slice %arg2[%dma_wait3A_437, %dma_wait3A_438] : memref<1000000x64xf32, #tpu.memory_space<hbm>> -> memref<1000000x64xf32, #tpu.memory_space<hbm>>
    tpu.wait_indirect_dma semaphore(%arg12 : memref<!tpu.dma_semaphore, #tpu.memory_space<semaphore_mem>>) src(%dma_wait3A_439 : memref<1000000x64xf32, #tpu.memory_space<hbm>>) dst(%dma_wait3A_431 : memref<72x64xf32, #tpu.memory_space<vmem>>)
    %scan3A_440 = arith.constant 0 : i32
    %scan3A_441 = arith.constant 0 : i32
    %scan3A_442 = arith.constant 200 : i32
    %scan3A_443 = arith.addi %scan3A_441, %scan3A_442 : i32
    %scan3A_444 = arith.constant 1 : i32
    scf.for %scan3A_906 = %scan3A_441 to %scan3A_443 step %scan3A_444  : i32 {
      %add3A_907 = arith.constant 0 : i32
      %add3A_908 = arith.addi %add3A_907, %scan3A_906 : i32
      %get3A = arith.index_cast %add3A_908 : i32 to index
      %get3A_909 = arith.constant 0 : index
      %get3A_910 = tpu.vector_load %arg9[%get3A, %get3A_909] {strides = array<i32>} : memref<800x64xf32, #tpu.memory_space<vmem>>, vector<1x16xf32>,
      %get3A_911 = vector.shape_cast %get3A_910 : vector<1x16xf32> to vector<16xf32>
      %get3A_912 = arith.index_cast %scan3A_906 : i32 to index
      %get3A_913 = arith.constant 0 : index
      %get3A_914 = tpu.vector_load %arg10[%get3A_912, %get3A_913] {strides = array<i32>} : memref<200x64xf32, #tpu.memory_space<vmem>>, vector<1x16xf32>,
      %get3A_915 = vector.shape_cast %get3A_914 : vector<1x16xf32> to vector<16xf32>
      %add3A_916 = arith.addf %get3A_911, %get3A_915 : vector<16xf32>
      %swap3A = arith.index_cast %add3A_908 : i32 to index
      %swap3A_917 = arith.constant 0 : index
      %swap3A_918 = tpu.vector_load %arg9[%swap3A, %swap3A_917] {strides = array<i32>} : memref<800x64xf32, #tpu.memory_space<vmem>>, vector<1x16xf32>,
      %swap3A_919 = vector.shape_cast %swap3A_918 : vector<1x16xf32> to vector<16xf32>
      %swap3A_920 = vector.shape_cast %add3A_916 : vector<16xf32> to vector<1x16xf32>
      tpu.vector_store %arg9[%swap3A, %swap3A_917], %swap3A_920 {strides = array<i32>} : memref<800x64xf32, #tpu.memory_space<vmem>>, vector<1x16xf32>,
      %get3A_921 = arith.index_cast %add3A_908 : i32 to index
      %get3A_922 = arith.constant 16 : index
      %get3A_923 = tpu.vector_load %arg9[%get3A_921, %get3A_922] {strides = array<i32>} : memref<800x64xf32, #tpu.memory_space<vmem>>, vector<1x16xf32>,
      %get3A_924 = vector.shape_cast %get3A_923 : vector<1x16xf32> to vector<16xf32>
      %get3A_925 = arith.index_cast %scan3A_906 : i32 to index
      %get3A_926 = arith.constant 16 : index
      %get3A_927 = tpu.vector_load %arg10[%get3A_925, %get3A_926] {strides = array<i32>} : memref<200x64xf32, #tpu.memory_space<vmem>>, vector<1x16xf32>,
      %get3A_928 = vector.shape_cast %get3A_927 : vector<1x16xf32> to vector<16xf32>
      %add3A_929 = arith.addf %get3A_924, %get3A_928 : vector<16xf32>
      %swap3A_930 = arith.index_cast %add3A_908 : i32 to index
      %swap3A_931 = arith.constant 16 : index
      %swap3A_932 = tpu.vector_load %arg9[%swap3A_930, %swap3A_931] {strides = array<i32>} : memref<800x64xf32, #tpu.memory_space<vmem>>, vector<1x16xf32>,
      %swap3A_933 = vector.shape_cast %swap3A_932 : vector<1x16xf32> to vector<16xf32>
      %swap3A_934 = vector.shape_cast %add3A_929 : vector<16xf32> to vector<1x16xf32>
      tpu.vector_store %arg9[%swap3A_930, %swap3A_931], %swap3A_934 {strides = array<i32>} : memref<800x64xf32, #tpu.memory_space<vmem>>, vector<1x16xf32>,
      %get3A_935 = arith.index_cast %add3A_908 : i32 to index
      %get3A_936 = arith.constant 32 : index
      %get3A_937 = tpu.vector_load %arg9[%get3A_935, %get3A_936] {strides = array<i32>} : memref<800x64xf32, #tpu.memory_space<vmem>>, vector<1x16xf32>,
      %get3A_938 = vector.shape_cast %get3A_937 : vector<1x16xf32> to vector<16xf32>
      %get3A_939 = arith.index_cast %scan3A_906 : i32 to index
      %get3A_940 = arith.constant 32 : index
      %get3A_941 = tpu.vector_load %arg10[%get3A_939, %get3A_940] {strides = array<i32>} : memref<200x64xf32, #tpu.memory_space<vmem>>, vector<1x16xf32>,
      %get3A_942 = vector.shape_cast %get3A_941 : vector<1x16xf32> to vector<16xf32>
      %add3A_943 = arith.addf %get3A_938, %get3A_942 : vector<16xf32>
      %swap3A_944 = arith.index_cast %add3A_908 : i32 to index
      %swap3A_945 = arith.constant 32 : index
      %swap3A_946 = tpu.vector_load %arg9[%swap3A_944, %swap3A_945] {strides = array<i32>} : memref<800x64xf32, #tpu.memory_space<vmem>>, vector<1x16xf32>,
      %swap3A_947 = vector.shape_cast %swap3A_946 : vector<1x16xf32> to vector<16xf32>
      %swap3A_948 = vector.shape_cast %add3A_943 : vector<16xf32> to vector<1x16xf32>
      tpu.vector_store %arg9[%swap3A_944, %swap3A_945], %swap3A_948 {strides = array<i32>} : memref<800x64xf32, #tpu.memory_space<vmem>>, vector<1x16xf32>,
      %get3A_949 = arith.index_cast %add3A_908 : i32 to index
      %get3A_950 = arith.constant 48 : index
      %get3A_951 = tpu.vector_load %arg9[%get3A_949, %get3A_950] {strides = array<i32>} : memref<800x64xf32, #tpu.memory_space<vmem>>, vector<1x16xf32>,
      %get3A_952 = vector.shape_cast %get3A_951 : vector<1x16xf32> to vector<16xf32>
      %get3A_953 = arith.index_cast %scan3A_906 : i32 to index
      %get3A_954 = arith.constant 48 : index
      %get3A_955 = tpu.vector_load %arg10[%get3A_953, %get3A_954] {strides = array<i32>} : memref<200x64xf32, #tpu.memory_space<vmem>>, vector<1x16xf32>,
      %get3A_956 = vector.shape_cast %get3A_955 : vector<1x16xf32> to vector<16xf32>
      %add3A_957 = arith.addf %get3A_952, %get3A_956 : vector<16xf32>
      %swap3A_958 = arith.index_cast %add3A_908 : i32 to index
      %swap3A_959 = arith.constant 48 : index
      %swap3A_960 = tpu.vector_load %arg9[%swap3A_958, %swap3A_959] {strides = array<i32>} : memref<800x64xf32, #tpu.memory_space<vmem>>, vector<1x16xf32>,
      %swap3A_961 = vector.shape_cast %swap3A_960 : vector<1x16xf32> to vector<16xf32>
      %swap3A_962 = vector.shape_cast %add3A_957 : vector<16xf32> to vector<1x16xf32>
      tpu.vector_store %arg9[%swap3A_958, %swap3A_959], %swap3A_962 {strides = array<i32>} : memref<800x64xf32, #tpu.memory_space<vmem>>, vector<1x16xf32>,
      %add3A_963 = arith.constant 200 : i32
      %add3A_964 = arith.addi %add3A_963, %scan3A_906 : i32
      %get3A_965 = arith.index_cast %add3A_964 : i32 to index
      %get3A_966 = arith.constant 0 : index
      %get3A_967 = tpu.vector_load %arg9[%get3A_965, %get3A_966] {strides = array<i32>} : memref<800x64xf32, #tpu.memory_space<vmem>>, vector<1x16xf32>,
      %get3A_968 = vector.shape_cast %get3A_967 : vector<1x16xf32> to vector<16xf32>
      %get3A_969 = arith.index_cast %scan3A_906 : i32 to index
      %get3A_970 = arith.constant 0 : index
      %get3A_971 = tpu.vector_load %arg10[%get3A_969, %get3A_970] {strides = array<i32>} : memref<200x64xf32, #tpu.memory_space<vmem>>, vector<1x16xf32>,
      %get3A_972 = vector.shape_cast %get3A_971 : vector<1x16xf32> to vector<16xf32>
      %add3A_973 = arith.addf %get3A_968, %get3A_972 : vector<16xf32>
      %swap3A_974 = arith.index_cast %add3A_964 : i32 to index
      %swap3A_975 = arith.constant 0 : index
      %swap3A_976 = tpu.vector_load %arg9[%swap3A_974, %swap3A_975] {strides = array<i32>} : memref<800x64xf32, #tpu.memory_space<vmem>>, vector<1x16xf32>,
      %swap3A_977 = vector.shape_cast %swap3A_976 : vector<1x16xf32> to vector<16xf32>
      %swap3A_978 = vector.shape_cast %add3A_973 : vector<16xf32> to vector<1x16xf32>
      tpu.vector_store %arg9[%swap3A_974, %swap3A_975], %swap3A_978 {strides = array<i32>} : memref<800x64xf32, #tpu.memory_space<vmem>>, vector<1x16xf32>,
      %get3A_979 = arith.index_cast %add3A_964 : i32 to index
      %get3A_980 = arith.constant 16 : index
      %get3A_981 = tpu.vector_load %arg9[%get3A_979, %get3A_980] {strides = array<i32>} : memref<800x64xf32, #tpu.memory_space<vmem>>, vector<1x16xf32>,
      %get3A_982 = vector.shape_cast %get3A_981 : vector<1x16xf32> to vector<16xf32>
      %get3A_983 = arith.index_cast %scan3A_906 : i32 to index
      %get3A_984 = arith.constant 16 : index
      %get3A_985 = tpu.vector_load %arg10[%get3A_983, %get3A_984] {strides = array<i32>} : memref<200x64xf32, #tpu.memory_space<vmem>>, vector<1x16xf32>,
      %get3A_986 = vector.shape_cast %get3A_985 : vector<1x16xf32> to vector<16xf32>
      %add3A_987 = arith.addf %get3A_982, %get3A_986 : vector<16xf32>
      %swap3A_988 = arith.index_cast %add3A_964 : i32 to index
      %swap3A_989 = arith.constant 16 : index
      %swap3A_990 = tpu.vector_load %arg9[%swap3A_988, %swap3A_989] {strides = array<i32>} : memref<800x64xf32, #tpu.memory_space<vmem>>, vector<1x16xf32>,
      %swap3A_991 = vector.shape_cast %swap3A_990 : vector<1x16xf32> to vector<16xf32>
      %swap3A_992 = vector.shape_cast %add3A_987 : vector<16xf32> to vector<1x16xf32>
      tpu.vector_store %arg9[%swap3A_988, %swap3A_989], %swap3A_992 {strides = array<i32>} : memref<800x64xf32, #tpu.memory_space<vmem>>, vector<1x16xf32>,
      %get3A_993 = arith.index_cast %add3A_964 : i32 to index
      %get3A_994 = arith.constant 32 : index
      %get3A_995 = tpu.vector_load %arg9[%get3A_993, %get3A_994] {strides = array<i32>} : memref<800x64xf32, #tpu.memory_space<vmem>>, vector<1x16xf32>,
      %get3A_996 = vector.shape_cast %get3A_995 : vector<1x16xf32> to vector<16xf32>
      %get3A_997 = arith.index_cast %scan3A_906 : i32 to index
      %get3A_998 = arith.constant 32 : index
      %get3A_999 = tpu.vector_load %arg10[%get3A_997, %get3A_998] {strides = array<i32>} : memref<200x64xf32, #tpu.memory_space<vmem>>, vector<1x16xf32>,
      %get3A_1000 = vector.shape_cast %get3A_999 : vector<1x16xf32> to vector<16xf32>
      %add3A_1001 = arith.addf %get3A_996, %get3A_1000 : vector<16xf32>
      %swap3A_1002 = arith.index_cast %add3A_964 : i32 to index
      %swap3A_1003 = arith.constant 32 : index
      %swap3A_1004 = tpu.vector_load %arg9[%swap3A_1002, %swap3A_1003] {strides = array<i32>} : memref<800x64xf32, #tpu.memory_space<vmem>>, vector<1x16xf32>,
      %swap3A_1005 = vector.shape_cast %swap3A_1004 : vector<1x16xf32> to vector<16xf32>
      %swap3A_1006 = vector.shape_cast %add3A_1001 : vector<16xf32> to vector<1x16xf32>
      tpu.vector_store %arg9[%swap3A_1002, %swap3A_1003], %swap3A_1006 {strides = array<i32>} : memref<800x64xf32, #tpu.memory_space<vmem>>, vector<1x16xf32>,
      %get3A_1007 = arith.index_cast %add3A_964 : i32 to index
      %get3A_1008 = arith.constant 48 : index
      %get3A_1009 = tpu.vector_load %arg9[%get3A_1007, %get3A_1008] {strides = array<i32>} : memref<800x64xf32, #tpu.memory_space<vmem>>, vector<1x16xf32>,
      %get3A_1010 = vector.shape_cast %get3A_1009 : vector<1x16xf32> to vector<16xf32>
      %get3A_1011 = arith.index_cast %scan3A_906 : i32 to index
      %get3A_1012 = arith.constant 48 : index
      %get3A_1013 = tpu.vector_load %arg10[%get3A_1011, %get3A_1012] {strides = array<i32>} : memref<200x64xf32, #tpu.memory_space<vmem>>, vector<1x16xf32>,
      %get3A_1014 = vector.shape_cast %get3A_1013 : vector<1x16xf32> to vector<16xf32>
      %add3A_1015 = arith.addf %get3A_1010, %get3A_1014 : vector<16xf32>
      %swap3A_1016 = arith.index_cast %add3A_964 : i32 to index
      %swap3A_1017 = arith.constant 48 : index
      %swap3A_1018 = tpu.vector_load %arg9[%swap3A_1016, %swap3A_1017] {strides = array<i32>} : memref<800x64xf32, #tpu.memory_space<vmem>>, vector<1x16xf32>,
      %swap3A_1019 = vector.shape_cast %swap3A_1018 : vector<1x16xf32> to vector<16xf32>
      %swap3A_1020 = vector.shape_cast %add3A_1015 : vector<16xf32> to vector<1x16xf32>
      tpu.vector_store %arg9[%swap3A_1016, %swap3A_1017], %swap3A_1020 {strides = array<i32>} : memref<800x64xf32, #tpu.memory_space<vmem>>, vector<1x16xf32>,
      %add3A_1021 = arith.constant 400 : i32
      %add3A_1022 = arith.addi %add3A_1021, %scan3A_906 : i32
      %get3A_1023 = arith.index_cast %add3A_1022 : i32 to index
      %get3A_1024 = arith.constant 0 : index
      %get3A_1025 = tpu.vector_load %arg9[%get3A_1023, %get3A_1024] {strides = array<i32>} : memref<800x64xf32, #tpu.memory_space<vmem>>, vector<1x16xf32>,
      %get3A_1026 = vector.shape_cast %get3A_1025 : vector<1x16xf32> to vector<16xf32>
      %get3A_1027 = arith.index_cast %scan3A_906 : i32 to index
      %get3A_1028 = arith.constant 0 : index
      %get3A_1029 = tpu.vector_load %arg10[%get3A_1027, %get3A_1028] {strides = array<i32>} : memref<200x64xf32, #tpu.memory_space<vmem>>, vector<1x16xf32>,
      %get3A_1030 = vector.shape_cast %get3A_1029 : vector<1x16xf32> to vector<16xf32>
      %add3A_1031 = arith.addf %get3A_1026, %get3A_1030 : vector<16xf32>
      %swap3A_1032 = arith.index_cast %add3A_1022 : i32 to index
      %swap3A_1033 = arith.constant 0 : index
      %swap3A_1034 = tpu.vector_load %arg9[%swap3A_1032, %swap3A_1033] {strides = array<i32>} : memref<800x64xf32, #tpu.memory_space<vmem>>, vector<1x16xf32>,
      %swap3A_1035 = vector.shape_cast %swap3A_1034 : vector<1x16xf32> to vector<16xf32>
      %swap3A_1036 = vector.shape_cast %add3A_1031 : vector<16xf32> to vector<1x16xf32>
      tpu.vector_store %arg9[%swap3A_1032, %swap3A_1033], %swap3A_1036 {strides = array<i32>} : memref<800x64xf32, #tpu.memory_space<vmem>>, vector<1x16xf32>,
      %get3A_1037 = arith.index_cast %add3A_1022 : i32 to index
      %get3A_1038 = arith.constant 16 : index
      %get3A_1039 = tpu.vector_load %arg9[%get3A_1037, %get3A_1038] {strides = array<i32>} : memref<800x64xf32, #tpu.memory_space<vmem>>, vector<1x16xf32>,
      %get3A_1040 = vector.shape_cast %get3A_1039 : vector<1x16xf32> to vector<16xf32>
      %get3A_1041 = arith.index_cast %scan3A_906 : i32 to index
      %get3A_1042 = arith.constant 16 : index
      %get3A_1043 = tpu.vector_load %arg10[%get3A_1041, %get3A_1042] {strides = array<i32>} : memref<200x64xf32, #tpu.memory_space<vmem>>, vector<1x16xf32>,
      %get3A_1044 = vector.shape_cast %get3A_1043 : vector<1x16xf32> to vector<16xf32>
      %add3A_1045 = arith.addf %get3A_1040, %get3A_1044 : vector<16xf32>
      %swap3A_1046 = arith.index_cast %add3A_1022 : i32 to index
      %swap3A_1047 = arith.constant 16 : index
      %swap3A_1048 = tpu.vector_load %arg9[%swap3A_1046, %swap3A_1047] {strides = array<i32>} : memref<800x64xf32, #tpu.memory_space<vmem>>, vector<1x16xf32>,
      %swap3A_1049 = vector.shape_cast %swap3A_1048 : vector<1x16xf32> to vector<16xf32>
      %swap3A_1050 = vector.shape_cast %add3A_1045 : vector<16xf32> to vector<1x16xf32>
      tpu.vector_store %arg9[%swap3A_1046, %swap3A_1047], %swap3A_1050 {strides = array<i32>} : memref<800x64xf32, #tpu.memory_space<vmem>>, vector<1x16xf32>,
      %get3A_1051 = arith.index_cast %add3A_1022 : i32 to index
      %get3A_1052 = arith.constant 32 : index
      %get3A_1053 = tpu.vector_load %arg9[%get3A_1051, %get3A_1052] {strides = array<i32>} : memref<800x64xf32, #tpu.memory_space<vmem>>, vector<1x16xf32>,
      %get3A_1054 = vector.shape_cast %get3A_1053 : vector<1x16xf32> to vector<16xf32>
      %get3A_1055 = arith.index_cast %scan3A_906 : i32 to index
      %get3A_1056 = arith.constant 32 : index
      %get3A_1057 = tpu.vector_load %arg10[%get3A_1055, %get3A_1056] {strides = array<i32>} : memref<200x64xf32, #tpu.memory_space<vmem>>, vector<1x16xf32>,
      %get3A_1058 = vector.shape_cast %get3A_1057 : vector<1x16xf32> to vector<16xf32>
      %add3A_1059 = arith.addf %get3A_1054, %get3A_1058 : vector<16xf32>
      %swap3A_1060 = arith.index_cast %add3A_1022 : i32 to index
      %swap3A_1061 = arith.constant 32 : index
      %swap3A_1062 = tpu.vector_load %arg9[%swap3A_1060, %swap3A_1061] {strides = array<i32>} : memref<800x64xf32, #tpu.memory_space<vmem>>, vector<1x16xf32>,
      %swap3A_1063 = vector.shape_cast %swap3A_1062 : vector<1x16xf32> to vector<16xf32>
      %swap3A_1064 = vector.shape_cast %add3A_1059 : vector<16xf32> to vector<1x16xf32>
      tpu.vector_store %arg9[%swap3A_1060, %swap3A_1061], %swap3A_1064 {strides = array<i32>} : memref<800x64xf32, #tpu.memory_space<vmem>>, vector<1x16xf32>,
      %get3A_1065 = arith.index_cast %add3A_1022 : i32 to index
      %get3A_1066 = arith.constant 48 : index
      %get3A_1067 = tpu.vector_load %arg9[%get3A_1065, %get3A_1066] {strides = array<i32>} : memref<800x64xf32, #tpu.memory_space<vmem>>, vector<1x16xf32>,
      %get3A_1068 = vector.shape_cast %get3A_1067 : vector<1x16xf32> to vector<16xf32>
      %get3A_1069 = arith.index_cast %scan3A_906 : i32 to index
      %get3A_1070 = arith.constant 48 : index
      %get3A_1071 = tpu.vector_load %arg10[%get3A_1069, %get3A_1070] {strides = array<i32>} : memref<200x64xf32, #tpu.memory_space<vmem>>, vector<1x16xf32>,
      %get3A_1072 = vector.shape_cast %get3A_1071 : vector<1x16xf32> to vector<16xf32>
      %add3A_1073 = arith.addf %get3A_1068, %get3A_1072 : vector<16xf32>
      %swap3A_1074 = arith.index_cast %add3A_1022 : i32 to index
      %swap3A_1075 = arith.constant 48 : index
      %swap3A_1076 = tpu.vector_load %arg9[%swap3A_1074, %swap3A_1075] {strides = array<i32>} : memref<800x64xf32, #tpu.memory_space<vmem>>, vector<1x16xf32>,
      %swap3A_1077 = vector.shape_cast %swap3A_1076 : vector<1x16xf32> to vector<16xf32>
      %swap3A_1078 = vector.shape_cast %add3A_1073 : vector<16xf32> to vector<1x16xf32>
      tpu.vector_store %arg9[%swap3A_1074, %swap3A_1075], %swap3A_1078 {strides = array<i32>} : memref<800x64xf32, #tpu.memory_space<vmem>>, vector<1x16xf32>,
      %add3A_1079 = arith.constant 600 : i32
      %add3A_1080 = arith.addi %add3A_1079, %scan3A_906 : i32
      %get3A_1081 = arith.index_cast %add3A_1080 : i32 to index
      %get3A_1082 = arith.constant 0 : index
      %get3A_1083 = tpu.vector_load %arg9[%get3A_1081, %get3A_1082] {strides = array<i32>} : memref<800x64xf32, #tpu.memory_space<vmem>>, vector<1x16xf32>,
      %get3A_1084 = vector.shape_cast %get3A_1083 : vector<1x16xf32> to vector<16xf32>
      %get3A_1085 = arith.index_cast %scan3A_906 : i32 to index
      %get3A_1086 = arith.constant 0 : index
      %get3A_1087 = tpu.vector_load %arg10[%get3A_1085, %get3A_1086] {strides = array<i32>} : memref<200x64xf32, #tpu.memory_space<vmem>>, vector<1x16xf32>,
      %get3A_1088 = vector.shape_cast %get3A_1087 : vector<1x16xf32> to vector<16xf32>
      %add3A_1089 = arith.addf %get3A_1084, %get3A_1088 : vector<16xf32>
      %swap3A_1090 = arith.index_cast %add3A_1080 : i32 to index
      %swap3A_1091 = arith.constant 0 : index
      %swap3A_1092 = tpu.vector_load %arg9[%swap3A_1090, %swap3A_1091] {strides = array<i32>} : memref<800x64xf32, #tpu.memory_space<vmem>>, vector<1x16xf32>,
      %swap3A_1093 = vector.shape_cast %swap3A_1092 : vector<1x16xf32> to vector<16xf32>
      %swap3A_1094 = vector.shape_cast %add3A_1089 : vector<16xf32> to vector<1x16xf32>
      tpu.vector_store %arg9[%swap3A_1090, %swap3A_1091], %swap3A_1094 {strides = array<i32>} : memref<800x64xf32, #tpu.memory_space<vmem>>, vector<1x16xf32>,
      %get3A_1095 = arith.index_cast %add3A_1080 : i32 to index
      %get3A_1096 = arith.constant 16 : index
      %get3A_1097 = tpu.vector_load %arg9[%get3A_1095, %get3A_1096] {strides = array<i32>} : memref<800x64xf32, #tpu.memory_space<vmem>>, vector<1x16xf32>,
      %get3A_1098 = vector.shape_cast %get3A_1097 : vector<1x16xf32> to vector<16xf32>
      %get3A_1099 = arith.index_cast %scan3A_906 : i32 to index
      %get3A_1100 = arith.constant 16 : index
      %get3A_1101 = tpu.vector_load %arg10[%get3A_1099, %get3A_1100] {strides = array<i32>} : memref<200x64xf32, #tpu.memory_space<vmem>>, vector<1x16xf32>,
      %get3A_1102 = vector.shape_cast %get3A_1101 : vector<1x16xf32> to vector<16xf32>
      %add3A_1103 = arith.addf %get3A_1098, %get3A_1102 : vector<16xf32>
      %swap3A_1104 = arith.index_cast %add3A_1080 : i32 to index
      %swap3A_1105 = arith.constant 16 : index
      %swap3A_1106 = tpu.vector_load %arg9[%swap3A_1104, %swap3A_1105] {strides = array<i32>} : memref<800x64xf32, #tpu.memory_space<vmem>>, vector<1x16xf32>,
      %swap3A_1107 = vector.shape_cast %swap3A_1106 : vector<1x16xf32> to vector<16xf32>
      %swap3A_1108 = vector.shape_cast %add3A_1103 : vector<16xf32> to vector<1x16xf32>
      tpu.vector_store %arg9[%swap3A_1104, %swap3A_1105], %swap3A_1108 {strides = array<i32>} : memref<800x64xf32, #tpu.memory_space<vmem>>, vector<1x16xf32>,
      %get3A_1109 = arith.index_cast %add3A_1080 : i32 to index
      %get3A_1110 = arith.constant 32 : index
      %get3A_1111 = tpu.vector_load %arg9[%get3A_1109, %get3A_1110] {strides = array<i32>} : memref<800x64xf32, #tpu.memory_space<vmem>>, vector<1x16xf32>,
      %get3A_1112 = vector.shape_cast %get3A_1111 : vector<1x16xf32> to vector<16xf32>
      %get3A_1113 = arith.index_cast %scan3A_906 : i32 to index
      %get3A_1114 = arith.constant 32 : index
      %get3A_1115 = tpu.vector_load %arg10[%get3A_1113, %get3A_1114] {strides = array<i32>} : memref<200x64xf32, #tpu.memory_space<vmem>>, vector<1x16xf32>,
      %get3A_1116 = vector.shape_cast %get3A_1115 : vector<1x16xf32> to vector<16xf32>
      %add3A_1117 = arith.addf %get3A_1112, %get3A_1116 : vector<16xf32>
      %swap3A_1118 = arith.index_cast %add3A_1080 : i32 to index
      %swap3A_1119 = arith.constant 32 : index
      %swap3A_1120 = tpu.vector_load %arg9[%swap3A_1118, %swap3A_1119] {strides = array<i32>} : memref<800x64xf32, #tpu.memory_space<vmem>>, vector<1x16xf32>,
      %swap3A_1121 = vector.shape_cast %swap3A_1120 : vector<1x16xf32> to vector<16xf32>
      %swap3A_1122 = vector.shape_cast %add3A_1117 : vector<16xf32> to vector<1x16xf32>
      tpu.vector_store %arg9[%swap3A_1118, %swap3A_1119], %swap3A_1122 {strides = array<i32>} : memref<800x64xf32, #tpu.memory_space<vmem>>, vector<1x16xf32>,
      %get3A_1123 = arith.index_cast %add3A_1080 : i32 to index
      %get3A_1124 = arith.constant 48 : index
      %get3A_1125 = tpu.vector_load %arg9[%get3A_1123, %get3A_1124] {strides = array<i32>} : memref<800x64xf32, #tpu.memory_space<vmem>>, vector<1x16xf32>,
      %get3A_1126 = vector.shape_cast %get3A_1125 : vector<1x16xf32> to vector<16xf32>
      %get3A_1127 = arith.index_cast %scan3A_906 : i32 to index
      %get3A_1128 = arith.constant 48 : index
      %get3A_1129 = tpu.vector_load %arg10[%get3A_1127, %get3A_1128] {strides = array<i32>} : memref<200x64xf32, #tpu.memory_space<vmem>>, vector<1x16xf32>,
      %get3A_1130 = vector.shape_cast %get3A_1129 : vector<1x16xf32> to vector<16xf32>
      %add3A_1131 = arith.addf %get3A_1126, %get3A_1130 : vector<16xf32>
      %swap3A_1132 = arith.index_cast %add3A_1080 : i32 to index
      %swap3A_1133 = arith.constant 48 : index
      %swap3A_1134 = tpu.vector_load %arg9[%swap3A_1132, %swap3A_1133] {strides = array<i32>} : memref<800x64xf32, #tpu.memory_space<vmem>>, vector<1x16xf32>,
      %swap3A_1135 = vector.shape_cast %swap3A_1134 : vector<1x16xf32> to vector<16xf32>
      %swap3A_1136 = vector.shape_cast %add3A_1131 : vector<16xf32> to vector<1x16xf32>
      tpu.vector_store %arg9[%swap3A_1132, %swap3A_1133], %swap3A_1136 {strides = array<i32>} : memref<800x64xf32, #tpu.memory_space<vmem>>, vector<1x16xf32>,
    }
    %scan3A_445 = arith.constant 200 : i32
    %add3A_446 = arith.constant 800 : i32
    %add3A_447 = arith.addi %mul3A_2, %add3A_446 : i32
    %dma_start3A_448 = arith.constant 0 : i32
    %dma_start3A_449 = tpu.memref_slice %arg5[%add3A_447, %dma_start3A_448] : memref<819200x64xf32, #tpu.memory_space<hbm>> -> memref<800x64xf32, #tpu.memory_space<hbm>>
    %dma_start3A_450 = arith.constant 0 : i32
    %dma_start3A_451 = tpu.memref_slice %arg5[%add3A_447, %dma_start3A_450] : memref<819200x64xf32, #tpu.memory_space<hbm>> -> memref<800x64xf32, #tpu.memory_space<hbm>>
    tpu.enqueue_dma source(%arg9 : memref<800x64xf32, #tpu.memory_space<vmem>>) target(%dma_start3A_451 : memref<800x64xf32, #tpu.memory_space<hbm>>) target_semaphore(%arg14 : memref<!tpu.dma_semaphore, #tpu.memory_space<semaphore_mem>>)
    %add3A_452 = arith.constant 0 : i32
    %add3A_453 = arith.addi %mul3A_2, %add3A_452 : i32
    %dma_wait3A_454 = arith.constant 0 : i32
    %dma_wait3A_455 = tpu.memref_slice %arg5[%add3A_453, %dma_wait3A_454] : memref<819200x64xf32, #tpu.memory_space<hbm>> -> memref<800x64xf32, #tpu.memory_space<hbm>>
    %dma_wait3A_456 = arith.constant 0 : i32
    %dma_wait3A_457 = tpu.memref_slice %arg5[%add3A_453, %dma_wait3A_456] : memref<819200x64xf32, #tpu.memory_space<hbm>> -> memref<800x64xf32, #tpu.memory_space<hbm>>
    tpu.wait_dma2 semaphore(%arg13 : memref<!tpu.dma_semaphore, #tpu.memory_space<semaphore_mem>>) src(%arg8 : memref<800x64xf32, #tpu.memory_space<vmem>>) dst(%dma_wait3A_457 : memref<800x64xf32, #tpu.memory_space<hbm>>)
    %jit3A_458 = arith.constant 200 : i32
    %div3A_459 = arith.divsi %mul3A_2, %jit3A_458 : i32
    %sign3A_460 = arith.constant 0 : i32
    %sign3A_461 = arith.cmpi sgt, %mul3A_2, %sign3A_460 : i32
    %sign3A_462 = arith.extui %sign3A_461 : i1 to i32
    %sign3A_463 = arith.constant 0 : i32
    %sign3A_464 = arith.cmpi slt, %mul3A_2, %sign3A_463 : i32
    %sign3A_465 = arith.extui %sign3A_464 : i1 to i32
    %sign3A_466 = arith.subi %sign3A_462, %sign3A_465 : i32
    %sign3A_467 = arith.constant 0 : i32
    %sign3A_468 = arith.cmpi sgt, %jit3A_458, %sign3A_467 : i32
    %sign3A_469 = arith.extui %sign3A_468 : i1 to i32
    %sign3A_470 = arith.constant 0 : i32
    %sign3A_471 = arith.cmpi slt, %jit3A_458, %sign3A_470 : i32
    %sign3A_472 = arith.extui %sign3A_471 : i1 to i32
    %sign3A_473 = arith.subi %sign3A_469, %sign3A_472 : i32
    %ne3A_474 = arith.cmpi ne, %sign3A_466, %sign3A_473 : i32
    %rem3A_475 = arith.remsi %mul3A_2, %jit3A_458 : i32
    %ne3A_476 = arith.constant 0 : i32
    %ne3A_477 = arith.cmpi ne, %rem3A_475, %ne3A_476 : i32
    %and3A_478 = arith.andi %ne3A_474, %ne3A_477 : i1
    %sub3A_479 = arith.constant 1 : i32
    %sub3A_480 = arith.subi %div3A_459, %sub3A_479 : i32
    %select_n3A_481 = arith.select %and3A_478, %sub3A_480, %div3A_459 : i32
    %add3A_482 = arith.constant 8 : i32
    %add3A_483 = arith.addi %select_n3A_481, %add3A_482 : i32
    "tpu.region"() ({
      %run_scoped3A = tpu.sem_alloc : memref<!tpu.dma_semaphore, #tpu.memory_space<semaphore_mem>>
      %dma_start3A_906 = arith.constant 0 : i32
      %dma_start3A_907 = tpu.memref_slice %arg3[%add3A_483, %dma_start3A_906] : memref<4096x200xi32, #tpu.memory_space<hbm>> -> memref<4x200xi32, #tpu.memory_space<hbm>>
      %dma_start3A_908 = arith.constant 0 : i32
      %dma_start3A_909 = tpu.memref_slice %arg3[%add3A_483, %dma_start3A_908] : memref<4096x200xi32, #tpu.memory_space<hbm>> -> memref<4x200xi32, #tpu.memory_space<hbm>>
      tpu.enqueue_dma source(%dma_start3A_909 : memref<4x200xi32, #tpu.memory_space<hbm>>) target(%arg6 : memref<4x200xi32, #tpu.memory_space<vmem>>) target_semaphore(%run_scoped3A : memref<!tpu.dma_semaphore, #tpu.memory_space<semaphore_mem>>)
      %dma_wait3A_910 = arith.constant 0 : i32
      %dma_wait3A_911 = tpu.memref_slice %arg3[%add3A_483, %dma_wait3A_910] : memref<4096x200xi32, #tpu.memory_space<hbm>> -> memref<4x200xi32, #tpu.memory_space<hbm>>
      %dma_wait3A_912 = arith.constant 0 : i32
      %dma_wait3A_913 = tpu.memref_slice %arg3[%add3A_483, %dma_wait3A_912] : memref<4096x200xi32, #tpu.memory_space<hbm>> -> memref<4x200xi32, #tpu.memory_space<hbm>>
      tpu.wait_dma2 semaphore(%run_scoped3A : memref<!tpu.dma_semaphore, #tpu.memory_space<semaphore_mem>>) src(%dma_wait3A_913 : memref<4x200xi32, #tpu.memory_space<hbm>>) dst(%arg6 : memref<4x200xi32, #tpu.memory_space<vmem>>)
      tpu.yield
    }) : () -> ()
    %dma_start3A_484 = arith.constant 0 : i32
    %dma_start3A_485 = arith.constant 0 : i32
    %dma_start3A_486 = arith.constant 0 : i32
    %dma_start3A_487 = tpu.memref_slice %arg8[%dma_start3A_485, %dma_start3A_486] : memref<800x64xf32, #tpu.memory_space<vmem>> -> memref<128x64xf32, #tpu.memory_space<vmem>>
    %dma_start3A_488 = arith.constant 0 : i32
    %dma_start3A_489 = tpu.memref_slice %arg6[%dma_start3A_484, %dma_start3A_488] : memref<4x200xi32, #tpu.memory_space<vmem>> -> memref<1x200xi32, #tpu.memory_space<vmem>>
    %dma_start3A_490 = tpu.memref_squeeze %dma_start3A_489 : memref<1x200xi32, #tpu.memory_space<vmem>> -> memref<200xi32, #tpu.memory_space<vmem>>
    %dma_start3A_491 = arith.constant 0 : i32
    %dma_start3A_492 = tpu.memref_slice %dma_start3A_490[%dma_start3A_491] : memref<200xi32, #tpu.memory_space<vmem>> -> memref<128xi32, #tpu.memory_space<vmem>>
    %dma_start3A_493 = arith.constant 0 : i32
    %dma_start3A_494 = arith.constant 0 : i32
    %dma_start3A_495 = tpu.memref_slice %arg2[%dma_start3A_493, %dma_start3A_494] : memref<1000000x64xf32, #tpu.memory_space<hbm>> -> memref<1000000x64xf32, #tpu.memory_space<hbm>>
    tpu.enqueue_indirect_dma source(%dma_start3A_495 : memref<1000000x64xf32, #tpu.memory_space<hbm>>) target(%dma_start3A_487 : memref<128x64xf32, #tpu.memory_space<vmem>>) offsets(%dma_start3A_492 : memref<128xi32, #tpu.memory_space<vmem>>) semaphore(%arg11 : memref<!tpu.dma_semaphore, #tpu.memory_space<semaphore_mem>>)
    %dma_start3A_496 = arith.constant 0 : i32
    %dma_start3A_497 = arith.constant 128 : i32
    %dma_start3A_498 = arith.constant 0 : i32
    %dma_start3A_499 = tpu.memref_slice %arg8[%dma_start3A_497, %dma_start3A_498] : memref<800x64xf32, #tpu.memory_space<vmem>> -> memref<72x64xf32, #tpu.memory_space<vmem>>
    %dma_start3A_500 = arith.constant 0 : i32
    %dma_start3A_501 = tpu.memref_slice %arg6[%dma_start3A_496, %dma_start3A_500] : memref<4x200xi32, #tpu.memory_space<vmem>> -> memref<1x200xi32, #tpu.memory_space<vmem>>
    %dma_start3A_502 = tpu.memref_squeeze %dma_start3A_501 : memref<1x200xi32, #tpu.memory_space<vmem>> -> memref<200xi32, #tpu.memory_space<vmem>>
    %dma_start3A_503 = arith.constant 128 : i32
    %dma_start3A_504 = tpu.memref_slice %dma_start3A_502[%dma_start3A_503] : memref<200xi32, #tpu.memory_space<vmem>> -> memref<72xi32, #tpu.memory_space<vmem>>
    %dma_start3A_505 = arith.constant 0 : i32
    %dma_start3A_506 = arith.constant 0 : i32
    %dma_start3A_507 = tpu.memref_slice %arg2[%dma_start3A_505, %dma_start3A_506] : memref<1000000x64xf32, #tpu.memory_space<hbm>> -> memref<1000000x64xf32, #tpu.memory_space<hbm>>
    tpu.enqueue_indirect_dma source(%dma_start3A_507 : memref<1000000x64xf32, #tpu.memory_space<hbm>>) target(%dma_start3A_499 : memref<72x64xf32, #tpu.memory_space<vmem>>) offsets(%dma_start3A_504 : memref<72xi32, #tpu.memory_space<vmem>>) semaphore(%arg11 : memref<!tpu.dma_semaphore, #tpu.memory_space<semaphore_mem>>)
    %dma_start3A_508 = arith.constant 1 : i32
    %dma_start3A_509 = arith.constant 200 : i32
    %dma_start3A_510 = arith.constant 0 : i32
    %dma_start3A_511 = tpu.memref_slice %arg8[%dma_start3A_509, %dma_start3A_510] : memref<800x64xf32, #tpu.memory_space<vmem>> -> memref<128x64xf32, #tpu.memory_space<vmem>>
    %dma_start3A_512 = arith.constant 0 : i32
    %dma_start3A_513 = tpu.memref_slice %arg6[%dma_start3A_508, %dma_start3A_512] : memref<4x200xi32, #tpu.memory_space<vmem>> -> memref<1x200xi32, #tpu.memory_space<vmem>>
    %dma_start3A_514 = tpu.memref_squeeze %dma_start3A_513 : memref<1x200xi32, #tpu.memory_space<vmem>> -> memref<200xi32, #tpu.memory_space<vmem>>
    %dma_start3A_515 = arith.constant 0 : i32
    %dma_start3A_516 = tpu.memref_slice %dma_start3A_514[%dma_start3A_515] : memref<200xi32, #tpu.memory_space<vmem>> -> memref<128xi32, #tpu.memory_space<vmem>>
    %dma_start3A_517 = arith.constant 0 : i32
    %dma_start3A_518 = arith.constant 0 : i32
    %dma_start3A_519 = tpu.memref_slice %arg2[%dma_start3A_517, %dma_start3A_518] : memref<1000000x64xf32, #tpu.memory_space<hbm>> -> memref<1000000x64xf32, #tpu.memory_space<hbm>>
    tpu.enqueue_indirect_dma source(%dma_start3A_519 : memref<1000000x64xf32, #tpu.memory_space<hbm>>) target(%dma_start3A_511 : memref<128x64xf32, #tpu.memory_space<vmem>>) offsets(%dma_start3A_516 : memref<128xi32, #tpu.memory_space<vmem>>) semaphore(%arg11 : memref<!tpu.dma_semaphore, #tpu.memory_space<semaphore_mem>>)
    %dma_start3A_520 = arith.constant 1 : i32
    %dma_start3A_521 = arith.constant 328 : i32
    %dma_start3A_522 = arith.constant 0 : i32
    %dma_start3A_523 = tpu.memref_slice %arg8[%dma_start3A_521, %dma_start3A_522] : memref<800x64xf32, #tpu.memory_space<vmem>> -> memref<72x64xf32, #tpu.memory_space<vmem>>
    %dma_start3A_524 = arith.constant 0 : i32
    %dma_start3A_525 = tpu.memref_slice %arg6[%dma_start3A_520, %dma_start3A_524] : memref<4x200xi32, #tpu.memory_space<vmem>> -> memref<1x200xi32, #tpu.memory_space<vmem>>
    %dma_start3A_526 = tpu.memref_squeeze %dma_start3A_525 : memref<1x200xi32, #tpu.memory_space<vmem>> -> memref<200xi32, #tpu.memory_space<vmem>>
    %dma_start3A_527 = arith.constant 128 : i32
    %dma_start3A_528 = tpu.memref_slice %dma_start3A_526[%dma_start3A_527] : memref<200xi32, #tpu.memory_space<vmem>> -> memref<72xi32, #tpu.memory_space<vmem>>
    %dma_start3A_529 = arith.constant 0 : i32
    %dma_start3A_530 = arith.constant 0 : i32
    %dma_start3A_531 = tpu.memref_slice %arg2[%dma_start3A_529, %dma_start3A_530] : memref<1000000x64xf32, #tpu.memory_space<hbm>> -> memref<1000000x64xf32, #tpu.memory_space<hbm>>
    tpu.enqueue_indirect_dma source(%dma_start3A_531 : memref<1000000x64xf32, #tpu.memory_space<hbm>>) target(%dma_start3A_523 : memref<72x64xf32, #tpu.memory_space<vmem>>) offsets(%dma_start3A_528 : memref<72xi32, #tpu.memory_space<vmem>>) semaphore(%arg11 : memref<!tpu.dma_semaphore, #tpu.memory_space<semaphore_mem>>)
    %dma_start3A_532 = arith.constant 2 : i32
    %dma_start3A_533 = arith.constant 400 : i32
    %dma_start3A_534 = arith.constant 0 : i32
    %dma_start3A_535 = tpu.memref_slice %arg8[%dma_start3A_533, %dma_start3A_534] : memref<800x64xf32, #tpu.memory_space<vmem>> -> memref<128x64xf32, #tpu.memory_space<vmem>>
    %dma_start3A_536 = arith.constant 0 : i32
    %dma_start3A_537 = tpu.memref_slice %arg6[%dma_start3A_532, %dma_start3A_536] : memref<4x200xi32, #tpu.memory_space<vmem>> -> memref<1x200xi32, #tpu.memory_space<vmem>>
    %dma_start3A_538 = tpu.memref_squeeze %dma_start3A_537 : memref<1x200xi32, #tpu.memory_space<vmem>> -> memref<200xi32, #tpu.memory_space<vmem>>
    %dma_start3A_539 = arith.constant 0 : i32
    %dma_start3A_540 = tpu.memref_slice %dma_start3A_538[%dma_start3A_539] : memref<200xi32, #tpu.memory_space<vmem>> -> memref<128xi32, #tpu.memory_space<vmem>>
    %dma_start3A_541 = arith.constant 0 : i32
    %dma_start3A_542 = arith.constant 0 : i32
    %dma_start3A_543 = tpu.memref_slice %arg2[%dma_start3A_541, %dma_start3A_542] : memref<1000000x64xf32, #tpu.memory_space<hbm>> -> memref<1000000x64xf32, #tpu.memory_space<hbm>>
    tpu.enqueue_indirect_dma source(%dma_start3A_543 : memref<1000000x64xf32, #tpu.memory_space<hbm>>) target(%dma_start3A_535 : memref<128x64xf32, #tpu.memory_space<vmem>>) offsets(%dma_start3A_540 : memref<128xi32, #tpu.memory_space<vmem>>) semaphore(%arg11 : memref<!tpu.dma_semaphore, #tpu.memory_space<semaphore_mem>>)
    %dma_start3A_544 = arith.constant 2 : i32
    %dma_start3A_545 = arith.constant 528 : i32
    %dma_start3A_546 = arith.constant 0 : i32
    %dma_start3A_547 = tpu.memref_slice %arg8[%dma_start3A_545, %dma_start3A_546] : memref<800x64xf32, #tpu.memory_space<vmem>> -> memref<72x64xf32, #tpu.memory_space<vmem>>
    %dma_start3A_548 = arith.constant 0 : i32
    %dma_start3A_549 = tpu.memref_slice %arg6[%dma_start3A_544, %dma_start3A_548] : memref<4x200xi32, #tpu.memory_space<vmem>> -> memref<1x200xi32, #tpu.memory_space<vmem>>
    %dma_start3A_550 = tpu.memref_squeeze %dma_start3A_549 : memref<1x200xi32, #tpu.memory_space<vmem>> -> memref<200xi32, #tpu.memory_space<vmem>>
    %dma_start3A_551 = arith.constant 128 : i32
    %dma_start3A_552 = tpu.memref_slice %dma_start3A_550[%dma_start3A_551] : memref<200xi32, #tpu.memory_space<vmem>> -> memref<72xi32, #tpu.memory_space<vmem>>
    %dma_start3A_553 = arith.constant 0 : i32
    %dma_start3A_554 = arith.constant 0 : i32
    %dma_start3A_555 = tpu.memref_slice %arg2[%dma_start3A_553, %dma_start3A_554] : memref<1000000x64xf32, #tpu.memory_space<hbm>> -> memref<1000000x64xf32, #tpu.memory_space<hbm>>
    tpu.enqueue_indirect_dma source(%dma_start3A_555 : memref<1000000x64xf32, #tpu.memory_space<hbm>>) target(%dma_start3A_547 : memref<72x64xf32, #tpu.memory_space<vmem>>) offsets(%dma_start3A_552 : memref<72xi32, #tpu.memory_space<vmem>>) semaphore(%arg11 : memref<!tpu.dma_semaphore, #tpu.memory_space<semaphore_mem>>)
    %dma_start3A_556 = arith.constant 3 : i32
    %dma_start3A_557 = arith.constant 600 : i32
    %dma_start3A_558 = arith.constant 0 : i32
    %dma_start3A_559 = tpu.memref_slice %arg8[%dma_start3A_557, %dma_start3A_558] : memref<800x64xf32, #tpu.memory_space<vmem>> -> memref<128x64xf32, #tpu.memory_space<vmem>>
    %dma_start3A_560 = arith.constant 0 : i32
    %dma_start3A_561 = tpu.memref_slice %arg6[%dma_start3A_556, %dma_start3A_560] : memref<4x200xi32, #tpu.memory_space<vmem>> -> memref<1x200xi32, #tpu.memory_space<vmem>>
    %dma_start3A_562 = tpu.memref_squeeze %dma_start3A_561 : memref<1x200xi32, #tpu.memory_space<vmem>> -> memref<200xi32, #tpu.memory_space<vmem>>
    %dma_start3A_563 = arith.constant 0 : i32
    %dma_start3A_564 = tpu.memref_slice %dma_start3A_562[%dma_start3A_563] : memref<200xi32, #tpu.memory_space<vmem>> -> memref<128xi32, #tpu.memory_space<vmem>>
    %dma_start3A_565 = arith.constant 0 : i32
    %dma_start3A_566 = arith.constant 0 : i32
    %dma_start3A_567 = tpu.memref_slice %arg2[%dma_start3A_565, %dma_start3A_566] : memref<1000000x64xf32, #tpu.memory_space<hbm>> -> memref<1000000x64xf32, #tpu.memory_space<hbm>>
    tpu.enqueue_indirect_dma source(%dma_start3A_567 : memref<1000000x64xf32, #tpu.memory_space<hbm>>) target(%dma_start3A_559 : memref<128x64xf32, #tpu.memory_space<vmem>>) offsets(%dma_start3A_564 : memref<128xi32, #tpu.memory_space<vmem>>) semaphore(%arg11 : memref<!tpu.dma_semaphore, #tpu.memory_space<semaphore_mem>>)
    %dma_start3A_568 = arith.constant 3 : i32
    %dma_start3A_569 = arith.constant 728 : i32
    %dma_start3A_570 = arith.constant 0 : i32
    %dma_start3A_571 = tpu.memref_slice %arg8[%dma_start3A_569, %dma_start3A_570] : memref<800x64xf32, #tpu.memory_space<vmem>> -> memref<72x64xf32, #tpu.memory_space<vmem>>
    %dma_start3A_572 = arith.constant 0 : i32
    %dma_start3A_573 = tpu.memref_slice %arg6[%dma_start3A_568, %dma_start3A_572] : memref<4x200xi32, #tpu.memory_space<vmem>> -> memref<1x200xi32, #tpu.memory_space<vmem>>
    %dma_start3A_574 = tpu.memref_squeeze %dma_start3A_573 : memref<1x200xi32, #tpu.memory_space<vmem>> -> memref<200xi32, #tpu.memory_space<vmem>>
    %dma_start3A_575 = arith.constant 128 : i32
    %dma_start3A_576 = tpu.memref_slice %dma_start3A_574[%dma_start3A_575] : memref<200xi32, #tpu.memory_space<vmem>> -> memref<72xi32, #tpu.memory_space<vmem>>
    %dma_start3A_577 = arith.constant 0 : i32
    %dma_start3A_578 = arith.constant 0 : i32
    %dma_start3A_579 = tpu.memref_slice %arg2[%dma_start3A_577, %dma_start3A_578] : memref<1000000x64xf32, #tpu.memory_space<hbm>> -> memref<1000000x64xf32, #tpu.memory_space<hbm>>
    tpu.enqueue_indirect_dma source(%dma_start3A_579 : memref<1000000x64xf32, #tpu.memory_space<hbm>>) target(%dma_start3A_571 : memref<72x64xf32, #tpu.memory_space<vmem>>) offsets(%dma_start3A_576 : memref<72xi32, #tpu.memory_space<vmem>>) semaphore(%arg11 : memref<!tpu.dma_semaphore, #tpu.memory_space<semaphore_mem>>)
    %add3A_580 = arith.constant 800 : i32
    %add3A_581 = arith.addi %mul3A_2, %add3A_580 : i32
    %dma_wait3A_582 = arith.constant 0 : i32
    %dma_wait3A_583 = tpu.memref_slice %arg5[%add3A_581, %dma_wait3A_582] : memref<819200x64xf32, #tpu.memory_space<hbm>> -> memref<800x64xf32, #tpu.memory_space<hbm>>
    %dma_wait3A_584 = arith.constant 0 : i32
    %dma_wait3A_585 = tpu.memref_slice %arg5[%add3A_581, %dma_wait3A_584] : memref<819200x64xf32, #tpu.memory_space<hbm>> -> memref<800x64xf32, #tpu.memory_space<hbm>>
    tpu.wait_dma2 semaphore(%arg14 : memref<!tpu.dma_semaphore, #tpu.memory_space<semaphore_mem>>) src(%arg9 : memref<800x64xf32, #tpu.memory_space<vmem>>) dst(%dma_wait3A_585 : memref<800x64xf32, #tpu.memory_space<hbm>>)
    %jit3A_586 = arith.constant 200 : i32
    %div3A_587 = arith.divsi %mul3A_2, %jit3A_586 : i32
    %sign3A_588 = arith.constant 0 : i32
    %sign3A_589 = arith.cmpi sgt, %mul3A_2, %sign3A_588 : i32
    %sign3A_590 = arith.extui %sign3A_589 : i1 to i32
    %sign3A_591 = arith.constant 0 : i32
    %sign3A_592 = arith.cmpi slt, %mul3A_2, %sign3A_591 : i32
    %sign3A_593 = arith.extui %sign3A_592 : i1 to i32
    %sign3A_594 = arith.subi %sign3A_590, %sign3A_593 : i32
    %sign3A_595 = arith.constant 0 : i32
    %sign3A_596 = arith.cmpi sgt, %jit3A_586, %sign3A_595 : i32
    %sign3A_597 = arith.extui %sign3A_596 : i1 to i32
    %sign3A_598 = arith.constant 0 : i32
    %sign3A_599 = arith.cmpi slt, %jit3A_586, %sign3A_598 : i32
    %sign3A_600 = arith.extui %sign3A_599 : i1 to i32
    %sign3A_601 = arith.subi %sign3A_597, %sign3A_600 : i32
    %ne3A_602 = arith.cmpi ne, %sign3A_594, %sign3A_601 : i32
    %rem3A_603 = arith.remsi %mul3A_2, %jit3A_586 : i32
    %ne3A_604 = arith.constant 0 : i32
    %ne3A_605 = arith.cmpi ne, %rem3A_603, %ne3A_604 : i32
    %and3A_606 = arith.andi %ne3A_602, %ne3A_605 : i1
    %sub3A_607 = arith.constant 1 : i32
    %sub3A_608 = arith.subi %div3A_587, %sub3A_607 : i32
    %select_n3A_609 = arith.select %and3A_606, %sub3A_608, %div3A_587 : i32
    %add3A_610 = arith.constant 12 : i32
    %add3A_611 = arith.addi %select_n3A_609, %add3A_610 : i32
    "tpu.region"() ({
      %run_scoped3A = tpu.sem_alloc : memref<!tpu.dma_semaphore, #tpu.memory_space<semaphore_mem>>
      %dma_start3A_906 = arith.constant 0 : i32
      %dma_start3A_907 = tpu.memref_slice %arg3[%add3A_611, %dma_start3A_906] : memref<4096x200xi32, #tpu.memory_space<hbm>> -> memref<4x200xi32, #tpu.memory_space<hbm>>
      %dma_start3A_908 = arith.constant 0 : i32
      %dma_start3A_909 = tpu.memref_slice %arg3[%add3A_611, %dma_start3A_908] : memref<4096x200xi32, #tpu.memory_space<hbm>> -> memref<4x200xi32, #tpu.memory_space<hbm>>
      tpu.enqueue_dma source(%dma_start3A_909 : memref<4x200xi32, #tpu.memory_space<hbm>>) target(%arg7 : memref<4x200xi32, #tpu.memory_space<vmem>>) target_semaphore(%run_scoped3A : memref<!tpu.dma_semaphore, #tpu.memory_space<semaphore_mem>>)
      %dma_wait3A_910 = arith.constant 0 : i32
      %dma_wait3A_911 = tpu.memref_slice %arg3[%add3A_611, %dma_wait3A_910] : memref<4096x200xi32, #tpu.memory_space<hbm>> -> memref<4x200xi32, #tpu.memory_space<hbm>>
      %dma_wait3A_912 = arith.constant 0 : i32
      %dma_wait3A_913 = tpu.memref_slice %arg3[%add3A_611, %dma_wait3A_912] : memref<4096x200xi32, #tpu.memory_space<hbm>> -> memref<4x200xi32, #tpu.memory_space<hbm>>
      tpu.wait_dma2 semaphore(%run_scoped3A : memref<!tpu.dma_semaphore, #tpu.memory_space<semaphore_mem>>) src(%dma_wait3A_913 : memref<4x200xi32, #tpu.memory_space<hbm>>) dst(%arg7 : memref<4x200xi32, #tpu.memory_space<vmem>>)
      tpu.yield
    }) : () -> ()
    %dma_start3A_612 = arith.constant 0 : i32
    %dma_start3A_613 = arith.constant 0 : i32
    %dma_start3A_614 = arith.constant 0 : i32
    %dma_start3A_615 = tpu.memref_slice %arg9[%dma_start3A_613, %dma_start3A_614] : memref<800x64xf32, #tpu.memory_space<vmem>> -> memref<128x64xf32, #tpu.memory_space<vmem>>
    %dma_start3A_616 = arith.constant 0 : i32
    %dma_start3A_617 = tpu.memref_slice %arg7[%dma_start3A_612, %dma_start3A_616] : memref<4x200xi32, #tpu.memory_space<vmem>> -> memref<1x200xi32, #tpu.memory_space<vmem>>
    %dma_start3A_618 = tpu.memref_squeeze %dma_start3A_617 : memref<1x200xi32, #tpu.memory_space<vmem>> -> memref<200xi32, #tpu.memory_space<vmem>>
    %dma_start3A_619 = arith.constant 0 : i32
    %dma_start3A_620 = tpu.memref_slice %dma_start3A_618[%dma_start3A_619] : memref<200xi32, #tpu.memory_space<vmem>> -> memref<128xi32, #tpu.memory_space<vmem>>
    %dma_start3A_621 = arith.constant 0 : i32
    %dma_start3A_622 = arith.constant 0 : i32
    %dma_start3A_623 = tpu.memref_slice %arg2[%dma_start3A_621, %dma_start3A_622] : memref<1000000x64xf32, #tpu.memory_space<hbm>> -> memref<1000000x64xf32, #tpu.memory_space<hbm>>
    tpu.enqueue_indirect_dma source(%dma_start3A_623 : memref<1000000x64xf32, #tpu.memory_space<hbm>>) target(%dma_start3A_615 : memref<128x64xf32, #tpu.memory_space<vmem>>) offsets(%dma_start3A_620 : memref<128xi32, #tpu.memory_space<vmem>>) semaphore(%arg12 : memref<!tpu.dma_semaphore, #tpu.memory_space<semaphore_mem>>)
    %dma_start3A_624 = arith.constant 0 : i32
    %dma_start3A_625 = arith.constant 128 : i32
    %dma_start3A_626 = arith.constant 0 : i32
    %dma_start3A_627 = tpu.memref_slice %arg9[%dma_start3A_625, %dma_start3A_626] : memref<800x64xf32, #tpu.memory_space<vmem>> -> memref<72x64xf32, #tpu.memory_space<vmem>>
    %dma_start3A_628 = arith.constant 0 : i32
    %dma_start3A_629 = tpu.memref_slice %arg7[%dma_start3A_624, %dma_start3A_628] : memref<4x200xi32, #tpu.memory_space<vmem>> -> memref<1x200xi32, #tpu.memory_space<vmem>>
    %dma_start3A_630 = tpu.memref_squeeze %dma_start3A_629 : memref<1x200xi32, #tpu.memory_space<vmem>> -> memref<200xi32, #tpu.memory_space<vmem>>
    %dma_start3A_631 = arith.constant 128 : i32
    %dma_start3A_632 = tpu.memref_slice %dma_start3A_630[%dma_start3A_631] : memref<200xi32, #tpu.memory_space<vmem>> -> memref<72xi32, #tpu.memory_space<vmem>>
    %dma_start3A_633 = arith.constant 0 : i32
    %dma_start3A_634 = arith.constant 0 : i32
    %dma_start3A_635 = tpu.memref_slice %arg2[%dma_start3A_633, %dma_start3A_634] : memref<1000000x64xf32, #tpu.memory_space<hbm>> -> memref<1000000x64xf32, #tpu.memory_space<hbm>>
    tpu.enqueue_indirect_dma source(%dma_start3A_635 : memref<1000000x64xf32, #tpu.memory_space<hbm>>) target(%dma_start3A_627 : memref<72x64xf32, #tpu.memory_space<vmem>>) offsets(%dma_start3A_632 : memref<72xi32, #tpu.memory_space<vmem>>) semaphore(%arg12 : memref<!tpu.dma_semaphore, #tpu.memory_space<semaphore_mem>>)
    %dma_start3A_636 = arith.constant 1 : i32
    %dma_start3A_637 = arith.constant 200 : i32
    %dma_start3A_638 = arith.constant 0 : i32
    %dma_start3A_639 = tpu.memref_slice %arg9[%dma_start3A_637, %dma_start3A_638] : memref<800x64xf32, #tpu.memory_space<vmem>> -> memref<128x64xf32, #tpu.memory_space<vmem>>
    %dma_start3A_640 = arith.constant 0 : i32
    %dma_start3A_641 = tpu.memref_slice %arg7[%dma_start3A_636, %dma_start3A_640] : memref<4x200xi32, #tpu.memory_space<vmem>> -> memref<1x200xi32, #tpu.memory_space<vmem>>
    %dma_start3A_642 = tpu.memref_squeeze %dma_start3A_641 : memref<1x200xi32, #tpu.memory_space<vmem>> -> memref<200xi32, #tpu.memory_space<vmem>>
    %dma_start3A_643 = arith.constant 0 : i32
    %dma_start3A_644 = tpu.memref_slice %dma_start3A_642[%dma_start3A_643] : memref<200xi32, #tpu.memory_space<vmem>> -> memref<128xi32, #tpu.memory_space<vmem>>
    %dma_start3A_645 = arith.constant 0 : i32
    %dma_start3A_646 = arith.constant 0 : i32
    %dma_start3A_647 = tpu.memref_slice %arg2[%dma_start3A_645, %dma_start3A_646] : memref<1000000x64xf32, #tpu.memory_space<hbm>> -> memref<1000000x64xf32, #tpu.memory_space<hbm>>
    tpu.enqueue_indirect_dma source(%dma_start3A_647 : memref<1000000x64xf32, #tpu.memory_space<hbm>>) target(%dma_start3A_639 : memref<128x64xf32, #tpu.memory_space<vmem>>) offsets(%dma_start3A_644 : memref<128xi32, #tpu.memory_space<vmem>>) semaphore(%arg12 : memref<!tpu.dma_semaphore, #tpu.memory_space<semaphore_mem>>)
    %dma_start3A_648 = arith.constant 1 : i32
    %dma_start3A_649 = arith.constant 328 : i32
    %dma_start3A_650 = arith.constant 0 : i32
    %dma_start3A_651 = tpu.memref_slice %arg9[%dma_start3A_649, %dma_start3A_650] : memref<800x64xf32, #tpu.memory_space<vmem>> -> memref<72x64xf32, #tpu.memory_space<vmem>>
    %dma_start3A_652 = arith.constant 0 : i32
    %dma_start3A_653 = tpu.memref_slice %arg7[%dma_start3A_648, %dma_start3A_652] : memref<4x200xi32, #tpu.memory_space<vmem>> -> memref<1x200xi32, #tpu.memory_space<vmem>>
    %dma_start3A_654 = tpu.memref_squeeze %dma_start3A_653 : memref<1x200xi32, #tpu.memory_space<vmem>> -> memref<200xi32, #tpu.memory_space<vmem>>
    %dma_start3A_655 = arith.constant 128 : i32
    %dma_start3A_656 = tpu.memref_slice %dma_start3A_654[%dma_start3A_655] : memref<200xi32, #tpu.memory_space<vmem>> -> memref<72xi32, #tpu.memory_space<vmem>>
    %dma_start3A_657 = arith.constant 0 : i32
    %dma_start3A_658 = arith.constant 0 : i32
    %dma_start3A_659 = tpu.memref_slice %arg2[%dma_start3A_657, %dma_start3A_658] : memref<1000000x64xf32, #tpu.memory_space<hbm>> -> memref<1000000x64xf32, #tpu.memory_space<hbm>>
    tpu.enqueue_indirect_dma source(%dma_start3A_659 : memref<1000000x64xf32, #tpu.memory_space<hbm>>) target(%dma_start3A_651 : memref<72x64xf32, #tpu.memory_space<vmem>>) offsets(%dma_start3A_656 : memref<72xi32, #tpu.memory_space<vmem>>) semaphore(%arg12 : memref<!tpu.dma_semaphore, #tpu.memory_space<semaphore_mem>>)
    %dma_start3A_660 = arith.constant 2 : i32
    %dma_start3A_661 = arith.constant 400 : i32
    %dma_start3A_662 = arith.constant 0 : i32
    %dma_start3A_663 = tpu.memref_slice %arg9[%dma_start3A_661, %dma_start3A_662] : memref<800x64xf32, #tpu.memory_space<vmem>> -> memref<128x64xf32, #tpu.memory_space<vmem>>
    %dma_start3A_664 = arith.constant 0 : i32
    %dma_start3A_665 = tpu.memref_slice %arg7[%dma_start3A_660, %dma_start3A_664] : memref<4x200xi32, #tpu.memory_space<vmem>> -> memref<1x200xi32, #tpu.memory_space<vmem>>
    %dma_start3A_666 = tpu.memref_squeeze %dma_start3A_665 : memref<1x200xi32, #tpu.memory_space<vmem>> -> memref<200xi32, #tpu.memory_space<vmem>>
    %dma_start3A_667 = arith.constant 0 : i32
    %dma_start3A_668 = tpu.memref_slice %dma_start3A_666[%dma_start3A_667] : memref<200xi32, #tpu.memory_space<vmem>> -> memref<128xi32, #tpu.memory_space<vmem>>
    %dma_start3A_669 = arith.constant 0 : i32
    %dma_start3A_670 = arith.constant 0 : i32
    %dma_start3A_671 = tpu.memref_slice %arg2[%dma_start3A_669, %dma_start3A_670] : memref<1000000x64xf32, #tpu.memory_space<hbm>> -> memref<1000000x64xf32, #tpu.memory_space<hbm>>
    tpu.enqueue_indirect_dma source(%dma_start3A_671 : memref<1000000x64xf32, #tpu.memory_space<hbm>>) target(%dma_start3A_663 : memref<128x64xf32, #tpu.memory_space<vmem>>) offsets(%dma_start3A_668 : memref<128xi32, #tpu.memory_space<vmem>>) semaphore(%arg12 : memref<!tpu.dma_semaphore, #tpu.memory_space<semaphore_mem>>)
    %dma_start3A_672 = arith.constant 2 : i32
    %dma_start3A_673 = arith.constant 528 : i32
    %dma_start3A_674 = arith.constant 0 : i32
    %dma_start3A_675 = tpu.memref_slice %arg9[%dma_start3A_673, %dma_start3A_674] : memref<800x64xf32, #tpu.memory_space<vmem>> -> memref<72x64xf32, #tpu.memory_space<vmem>>
    %dma_start3A_676 = arith.constant 0 : i32
    %dma_start3A_677 = tpu.memref_slice %arg7[%dma_start3A_672, %dma_start3A_676] : memref<4x200xi32, #tpu.memory_space<vmem>> -> memref<1x200xi32, #tpu.memory_space<vmem>>
    %dma_start3A_678 = tpu.memref_squeeze %dma_start3A_677 : memref<1x200xi32, #tpu.memory_space<vmem>> -> memref<200xi32, #tpu.memory_space<vmem>>
    %dma_start3A_679 = arith.constant 128 : i32
    %dma_start3A_680 = tpu.memref_slice %dma_start3A_678[%dma_start3A_679] : memref<200xi32, #tpu.memory_space<vmem>> -> memref<72xi32, #tpu.memory_space<vmem>>
    %dma_start3A_681 = arith.constant 0 : i32
    %dma_start3A_682 = arith.constant 0 : i32
    %dma_start3A_683 = tpu.memref_slice %arg2[%dma_start3A_681, %dma_start3A_682] : memref<1000000x64xf32, #tpu.memory_space<hbm>> -> memref<1000000x64xf32, #tpu.memory_space<hbm>>
    tpu.enqueue_indirect_dma source(%dma_start3A_683 : memref<1000000x64xf32, #tpu.memory_space<hbm>>) target(%dma_start3A_675 : memref<72x64xf32, #tpu.memory_space<vmem>>) offsets(%dma_start3A_680 : memref<72xi32, #tpu.memory_space<vmem>>) semaphore(%arg12 : memref<!tpu.dma_semaphore, #tpu.memory_space<semaphore_mem>>)
    %dma_start3A_684 = arith.constant 3 : i32
    %dma_start3A_685 = arith.constant 600 : i32
    %dma_start3A_686 = arith.constant 0 : i32
    %dma_start3A_687 = tpu.memref_slice %arg9[%dma_start3A_685, %dma_start3A_686] : memref<800x64xf32, #tpu.memory_space<vmem>> -> memref<128x64xf32, #tpu.memory_space<vmem>>
    %dma_start3A_688 = arith.constant 0 : i32
    %dma_start3A_689 = tpu.memref_slice %arg7[%dma_start3A_684, %dma_start3A_688] : memref<4x200xi32, #tpu.memory_space<vmem>> -> memref<1x200xi32, #tpu.memory_space<vmem>>
    %dma_start3A_690 = tpu.memref_squeeze %dma_start3A_689 : memref<1x200xi32, #tpu.memory_space<vmem>> -> memref<200xi32, #tpu.memory_space<vmem>>
    %dma_start3A_691 = arith.constant 0 : i32
    %dma_start3A_692 = tpu.memref_slice %dma_start3A_690[%dma_start3A_691] : memref<200xi32, #tpu.memory_space<vmem>> -> memref<128xi32, #tpu.memory_space<vmem>>
    %dma_start3A_693 = arith.constant 0 : i32
    %dma_start3A_694 = arith.constant 0 : i32
    %dma_start3A_695 = tpu.memref_slice %arg2[%dma_start3A_693, %dma_start3A_694] : memref<1000000x64xf32, #tpu.memory_space<hbm>> -> memref<1000000x64xf32, #tpu.memory_space<hbm>>
    tpu.enqueue_indirect_dma source(%dma_start3A_695 : memref<1000000x64xf32, #tpu.memory_space<hbm>>) target(%dma_start3A_687 : memref<128x64xf32, #tpu.memory_space<vmem>>) offsets(%dma_start3A_692 : memref<128xi32, #tpu.memory_space<vmem>>) semaphore(%arg12 : memref<!tpu.dma_semaphore, #tpu.memory_space<semaphore_mem>>)
    %dma_start3A_696 = arith.constant 3 : i32
    %dma_start3A_697 = arith.constant 728 : i32
    %dma_start3A_698 = arith.constant 0 : i32
    %dma_start3A_699 = tpu.memref_slice %arg9[%dma_start3A_697, %dma_start3A_698] : memref<800x64xf32, #tpu.memory_space<vmem>> -> memref<72x64xf32, #tpu.memory_space<vmem>>
    %dma_start3A_700 = arith.constant 0 : i32
    %dma_start3A_701 = tpu.memref_slice %arg7[%dma_start3A_696, %dma_start3A_700] : memref<4x200xi32, #tpu.memory_space<vmem>> -> memref<1x200xi32, #tpu.memory_space<vmem>>
    %dma_start3A_702 = tpu.memref_squeeze %dma_start3A_701 : memref<1x200xi32, #tpu.memory_space<vmem>> -> memref<200xi32, #tpu.memory_space<vmem>>
    %dma_start3A_703 = arith.constant 128 : i32
    %dma_start3A_704 = tpu.memref_slice %dma_start3A_702[%dma_start3A_703] : memref<200xi32, #tpu.memory_space<vmem>> -> memref<72xi32, #tpu.memory_space<vmem>>
    %dma_start3A_705 = arith.constant 0 : i32
    %dma_start3A_706 = arith.constant 0 : i32
    %dma_start3A_707 = tpu.memref_slice %arg2[%dma_start3A_705, %dma_start3A_706] : memref<1000000x64xf32, #tpu.memory_space<hbm>> -> memref<1000000x64xf32, #tpu.memory_space<hbm>>
    tpu.enqueue_indirect_dma source(%dma_start3A_707 : memref<1000000x64xf32, #tpu.memory_space<hbm>>) target(%dma_start3A_699 : memref<72x64xf32, #tpu.memory_space<vmem>>) offsets(%dma_start3A_704 : memref<72xi32, #tpu.memory_space<vmem>>) semaphore(%arg12 : memref<!tpu.dma_semaphore, #tpu.memory_space<semaphore_mem>>)
    %scan3A_708 = arith.constant 0 : i32
    %scan3A_709 = arith.constant 1 : i32
    %scan3A_710 = arith.constant 15 : i32
    %scan3A_711 = arith.addi %scan3A_709, %scan3A_710 : i32
    %scan3A_712 = arith.constant 1 : i32
    scf.for %scan3A_906 = %scan3A_709 to %scan3A_711 step %scan3A_712  : i32 {
      %mul3A_907 = arith.constant 2 : i32
      %mul3A_908 = arith.muli %mul3A_907, %scan3A_906 : i32
      %dma_wait3A_909 = arith.constant 0 : i32
      %dma_wait3A_910 = arith.constant 0 : i32
      %dma_wait3A_911 = arith.constant 0 : i32
      %dma_wait3A_912 = tpu.memref_slice %arg8[%dma_wait3A_910, %dma_wait3A_911] : memref<800x64xf32, #tpu.memory_space<vmem>> -> memref<128x64xf32, #tpu.memory_space<vmem>>
      %dma_wait3A_913 = arith.constant 0 : i32
      %dma_wait3A_914 = tpu.memref_slice %arg6[%dma_wait3A_909, %dma_wait3A_913] : memref<4x200xi32, #tpu.memory_space<vmem>> -> memref<1x200xi32, #tpu.memory_space<vmem>>
      %dma_wait3A_915 = tpu.memref_squeeze %dma_wait3A_914 : memref<1x200xi32, #tpu.memory_space<vmem>> -> memref<200xi32, #tpu.memory_space<vmem>>
      %dma_wait3A_916 = arith.constant 0 : i32
      %dma_wait3A_917 = tpu.memref_slice %dma_wait3A_915[%dma_wait3A_916] : memref<200xi32, #tpu.memory_space<vmem>> -> memref<128xi32, #tpu.memory_space<vmem>>
      %dma_wait3A_918 = arith.constant 0 : i32
      %dma_wait3A_919 = arith.constant 0 : i32
      %dma_wait3A_920 = tpu.memref_slice %arg2[%dma_wait3A_918, %dma_wait3A_919] : memref<1000000x64xf32, #tpu.memory_space<hbm>> -> memref<1000000x64xf32, #tpu.memory_space<hbm>>
      tpu.wait_indirect_dma semaphore(%arg11 : memref<!tpu.dma_semaphore, #tpu.memory_space<semaphore_mem>>) src(%dma_wait3A_920 : memref<1000000x64xf32, #tpu.memory_space<hbm>>) dst(%dma_wait3A_912 : memref<128x64xf32, #tpu.memory_space<vmem>>)
      %dma_wait3A_921 = arith.constant 0 : i32
      %dma_wait3A_922 = arith.constant 128 : i32
      %dma_wait3A_923 = arith.constant 0 : i32
      %dma_wait3A_924 = tpu.memref_slice %arg8[%dma_wait3A_922, %dma_wait3A_923] : memref<800x64xf32, #tpu.memory_space<vmem>> -> memref<72x64xf32, #tpu.memory_space<vmem>>
      %dma_wait3A_925 = arith.constant 0 : i32
      %dma_wait3A_926 = tpu.memref_slice %arg6[%dma_wait3A_921, %dma_wait3A_925] : memref<4x200xi32, #tpu.memory_space<vmem>> -> memref<1x200xi32, #tpu.memory_space<vmem>>
      %dma_wait3A_927 = tpu.memref_squeeze %dma_wait3A_926 : memref<1x200xi32, #tpu.memory_space<vmem>> -> memref<200xi32, #tpu.memory_space<vmem>>
      %dma_wait3A_928 = arith.constant 128 : i32
      %dma_wait3A_929 = tpu.memref_slice %dma_wait3A_927[%dma_wait3A_928] : memref<200xi32, #tpu.memory_space<vmem>> -> memref<72xi32, #tpu.memory_space<vmem>>
      %dma_wait3A_930 = arith.constant 0 : i32
      %dma_wait3A_931 = arith.constant 0 : i32
      %dma_wait3A_932 = tpu.memref_slice %arg2[%dma_wait3A_930, %dma_wait3A_931] : memref<1000000x64xf32, #tpu.memory_space<hbm>> -> memref<1000000x64xf32, #tpu.memory_space<hbm>>
      tpu.wait_indirect_dma semaphore(%arg11 : memref<!tpu.dma_semaphore, #tpu.memory_space<semaphore_mem>>) src(%dma_wait3A_932 : memref<1000000x64xf32, #tpu.memory_space<hbm>>) dst(%dma_wait3A_924 : memref<72x64xf32, #tpu.memory_space<vmem>>)
      %dma_wait3A_933 = arith.constant 1 : i32
      %dma_wait3A_934 = arith.constant 200 : i32
      %dma_wait3A_935 = arith.constant 0 : i32
      %dma_wait3A_936 = tpu.memref_slice %arg8[%dma_wait3A_934, %dma_wait3A_935] : memref<800x64xf32, #tpu.memory_space<vmem>> -> memref<128x64xf32, #tpu.memory_space<vmem>>
      %dma_wait3A_937 = arith.constant 0 : i32
      %dma_wait3A_938 = tpu.memref_slice %arg6[%dma_wait3A_933, %dma_wait3A_937] : memref<4x200xi32, #tpu.memory_space<vmem>> -> memref<1x200xi32, #tpu.memory_space<vmem>>
      %dma_wait3A_939 = tpu.memref_squeeze %dma_wait3A_938 : memref<1x200xi32, #tpu.memory_space<vmem>> -> memref<200xi32, #tpu.memory_space<vmem>>
      %dma_wait3A_940 = arith.constant 0 : i32
      %dma_wait3A_941 = tpu.memref_slice %dma_wait3A_939[%dma_wait3A_940] : memref<200xi32, #tpu.memory_space<vmem>> -> memref<128xi32, #tpu.memory_space<vmem>>
      %dma_wait3A_942 = arith.constant 0 : i32
      %dma_wait3A_943 = arith.constant 0 : i32
      %dma_wait3A_944 = tpu.memref_slice %arg2[%dma_wait3A_942, %dma_wait3A_943] : memref<1000000x64xf32, #tpu.memory_space<hbm>> -> memref<1000000x64xf32, #tpu.memory_space<hbm>>
      tpu.wait_indirect_dma semaphore(%arg11 : memref<!tpu.dma_semaphore, #tpu.memory_space<semaphore_mem>>) src(%dma_wait3A_944 : memref<1000000x64xf32, #tpu.memory_space<hbm>>) dst(%dma_wait3A_936 : memref<128x64xf32, #tpu.memory_space<vmem>>)
      %dma_wait3A_945 = arith.constant 1 : i32
      %dma_wait3A_946 = arith.constant 328 : i32
      %dma_wait3A_947 = arith.constant 0 : i32
      %dma_wait3A_948 = tpu.memref_slice %arg8[%dma_wait3A_946, %dma_wait3A_947] : memref<800x64xf32, #tpu.memory_space<vmem>> -> memref<72x64xf32, #tpu.memory_space<vmem>>
      %dma_wait3A_949 = arith.constant 0 : i32
      %dma_wait3A_950 = tpu.memref_slice %arg6[%dma_wait3A_945, %dma_wait3A_949] : memref<4x200xi32, #tpu.memory_space<vmem>> -> memref<1x200xi32, #tpu.memory_space<vmem>>
      %dma_wait3A_951 = tpu.memref_squeeze %dma_wait3A_950 : memref<1x200xi32, #tpu.memory_space<vmem>> -> memref<200xi32, #tpu.memory_space<vmem>>
      %dma_wait3A_952 = arith.constant 128 : i32
      %dma_wait3A_953 = tpu.memref_slice %dma_wait3A_951[%dma_wait3A_952] : memref<200xi32, #tpu.memory_space<vmem>> -> memref<72xi32, #tpu.memory_space<vmem>>
      %dma_wait3A_954 = arith.constant 0 : i32
      %dma_wait3A_955 = arith.constant 0 : i32
      %dma_wait3A_956 = tpu.memref_slice %arg2[%dma_wait3A_954, %dma_wait3A_955] : memref<1000000x64xf32, #tpu.memory_space<hbm>> -> memref<1000000x64xf32, #tpu.memory_space<hbm>>
      tpu.wait_indirect_dma semaphore(%arg11 : memref<!tpu.dma_semaphore, #tpu.memory_space<semaphore_mem>>) src(%dma_wait3A_956 : memref<1000000x64xf32, #tpu.memory_space<hbm>>) dst(%dma_wait3A_948 : memref<72x64xf32, #tpu.memory_space<vmem>>)
      %dma_wait3A_957 = arith.constant 2 : i32
      %dma_wait3A_958 = arith.constant 400 : i32
      %dma_wait3A_959 = arith.constant 0 : i32
      %dma_wait3A_960 = tpu.memref_slice %arg8[%dma_wait3A_958, %dma_wait3A_959] : memref<800x64xf32, #tpu.memory_space<vmem>> -> memref<128x64xf32, #tpu.memory_space<vmem>>
      %dma_wait3A_961 = arith.constant 0 : i32
      %dma_wait3A_962 = tpu.memref_slice %arg6[%dma_wait3A_957, %dma_wait3A_961] : memref<4x200xi32, #tpu.memory_space<vmem>> -> memref<1x200xi32, #tpu.memory_space<vmem>>
      %dma_wait3A_963 = tpu.memref_squeeze %dma_wait3A_962 : memref<1x200xi32, #tpu.memory_space<vmem>> -> memref<200xi32, #tpu.memory_space<vmem>>
      %dma_wait3A_964 = arith.constant 0 : i32
      %dma_wait3A_965 = tpu.memref_slice %dma_wait3A_963[%dma_wait3A_964] : memref<200xi32, #tpu.memory_space<vmem>> -> memref<128xi32, #tpu.memory_space<vmem>>
      %dma_wait3A_966 = arith.constant 0 : i32
      %dma_wait3A_967 = arith.constant 0 : i32
      %dma_wait3A_968 = tpu.memref_slice %arg2[%dma_wait3A_966, %dma_wait3A_967] : memref<1000000x64xf32, #tpu.memory_space<hbm>> -> memref<1000000x64xf32, #tpu.memory_space<hbm>>
      tpu.wait_indirect_dma semaphore(%arg11 : memref<!tpu.dma_semaphore, #tpu.memory_space<semaphore_mem>>) src(%dma_wait3A_968 : memref<1000000x64xf32, #tpu.memory_space<hbm>>) dst(%dma_wait3A_960 : memref<128x64xf32, #tpu.memory_space<vmem>>)
      %dma_wait3A_969 = arith.constant 2 : i32
      %dma_wait3A_970 = arith.constant 528 : i32
      %dma_wait3A_971 = arith.constant 0 : i32
      %dma_wait3A_972 = tpu.memref_slice %arg8[%dma_wait3A_970, %dma_wait3A_971] : memref<800x64xf32, #tpu.memory_space<vmem>> -> memref<72x64xf32, #tpu.memory_space<vmem>>
      %dma_wait3A_973 = arith.constant 0 : i32
      %dma_wait3A_974 = tpu.memref_slice %arg6[%dma_wait3A_969, %dma_wait3A_973] : memref<4x200xi32, #tpu.memory_space<vmem>> -> memref<1x200xi32, #tpu.memory_space<vmem>>
      %dma_wait3A_975 = tpu.memref_squeeze %dma_wait3A_974 : memref<1x200xi32, #tpu.memory_space<vmem>> -> memref<200xi32, #tpu.memory_space<vmem>>
      %dma_wait3A_976 = arith.constant 128 : i32
      %dma_wait3A_977 = tpu.memref_slice %dma_wait3A_975[%dma_wait3A_976] : memref<200xi32, #tpu.memory_space<vmem>> -> memref<72xi32, #tpu.memory_space<vmem>>
      %dma_wait3A_978 = arith.constant 0 : i32
      %dma_wait3A_979 = arith.constant 0 : i32
      %dma_wait3A_980 = tpu.memref_slice %arg2[%dma_wait3A_978, %dma_wait3A_979] : memref<1000000x64xf32, #tpu.memory_space<hbm>> -> memref<1000000x64xf32, #tpu.memory_space<hbm>>
      tpu.wait_indirect_dma semaphore(%arg11 : memref<!tpu.dma_semaphore, #tpu.memory_space<semaphore_mem>>) src(%dma_wait3A_980 : memref<1000000x64xf32, #tpu.memory_space<hbm>>) dst(%dma_wait3A_972 : memref<72x64xf32, #tpu.memory_space<vmem>>)
      %dma_wait3A_981 = arith.constant 3 : i32
      %dma_wait3A_982 = arith.constant 600 : i32
      %dma_wait3A_983 = arith.constant 0 : i32
      %dma_wait3A_984 = tpu.memref_slice %arg8[%dma_wait3A_982, %dma_wait3A_983] : memref<800x64xf32, #tpu.memory_space<vmem>> -> memref<128x64xf32, #tpu.memory_space<vmem>>
      %dma_wait3A_985 = arith.constant 0 : i32
      %dma_wait3A_986 = tpu.memref_slice %arg6[%dma_wait3A_981, %dma_wait3A_985] : memref<4x200xi32, #tpu.memory_space<vmem>> -> memref<1x200xi32, #tpu.memory_space<vmem>>
      %dma_wait3A_987 = tpu.memref_squeeze %dma_wait3A_986 : memref<1x200xi32, #tpu.memory_space<vmem>> -> memref<200xi32, #tpu.memory_space<vmem>>
      %dma_wait3A_988 = arith.constant 0 : i32
      %dma_wait3A_989 = tpu.memref_slice %dma_wait3A_987[%dma_wait3A_988] : memref<200xi32, #tpu.memory_space<vmem>> -> memref<128xi32, #tpu.memory_space<vmem>>
      %dma_wait3A_990 = arith.constant 0 : i32
      %dma_wait3A_991 = arith.constant 0 : i32
      %dma_wait3A_992 = tpu.memref_slice %arg2[%dma_wait3A_990, %dma_wait3A_991] : memref<1000000x64xf32, #tpu.memory_space<hbm>> -> memref<1000000x64xf32, #tpu.memory_space<hbm>>
      tpu.wait_indirect_dma semaphore(%arg11 : memref<!tpu.dma_semaphore, #tpu.memory_space<semaphore_mem>>) src(%dma_wait3A_992 : memref<1000000x64xf32, #tpu.memory_space<hbm>>) dst(%dma_wait3A_984 : memref<128x64xf32, #tpu.memory_space<vmem>>)
      %dma_wait3A_993 = arith.constant 3 : i32
      %dma_wait3A_994 = arith.constant 728 : i32
      %dma_wait3A_995 = arith.constant 0 : i32
      %dma_wait3A_996 = tpu.memref_slice %arg8[%dma_wait3A_994, %dma_wait3A_995] : memref<800x64xf32, #tpu.memory_space<vmem>> -> memref<72x64xf32, #tpu.memory_space<vmem>>
      %dma_wait3A_997 = arith.constant 0 : i32
      %dma_wait3A_998 = tpu.memref_slice %arg6[%dma_wait3A_993, %dma_wait3A_997] : memref<4x200xi32, #tpu.memory_space<vmem>> -> memref<1x200xi32, #tpu.memory_space<vmem>>
      %dma_wait3A_999 = tpu.memref_squeeze %dma_wait3A_998 : memref<1x200xi32, #tpu.memory_space<vmem>> -> memref<200xi32, #tpu.memory_space<vmem>>
      %dma_wait3A_1000 = arith.constant 128 : i32
      %dma_wait3A_1001 = tpu.memref_slice %dma_wait3A_999[%dma_wait3A_1000] : memref<200xi32, #tpu.memory_space<vmem>> -> memref<72xi32, #tpu.memory_space<vmem>>
      %dma_wait3A_1002 = arith.constant 0 : i32
      %dma_wait3A_1003 = arith.constant 0 : i32
      %dma_wait3A_1004 = tpu.memref_slice %arg2[%dma_wait3A_1002, %dma_wait3A_1003] : memref<1000000x64xf32, #tpu.memory_space<hbm>> -> memref<1000000x64xf32, #tpu.memory_space<hbm>>
      tpu.wait_indirect_dma semaphore(%arg11 : memref<!tpu.dma_semaphore, #tpu.memory_space<semaphore_mem>>) src(%dma_wait3A_1004 : memref<1000000x64xf32, #tpu.memory_space<hbm>>) dst(%dma_wait3A_996 : memref<72x64xf32, #tpu.memory_space<vmem>>)
      %scan3A_1005 = arith.constant 0 : i32
      %scan3A_1006 = arith.constant 0 : i32
      %scan3A_1007 = arith.constant 200 : i32
      %scan3A_1008 = arith.addi %scan3A_1006, %scan3A_1007 : i32
      %scan3A_1009 = arith.constant 1 : i32
      scf.for %scan3A_1398 = %scan3A_1006 to %scan3A_1008 step %scan3A_1009  : i32 {
        %add3A_1399 = arith.constant 0 : i32
        %add3A_1400 = arith.addi %add3A_1399, %scan3A_1398 : i32
        %get3A = arith.index_cast %add3A_1400 : i32 to index
        %get3A_1401 = arith.constant 0 : index
        %get3A_1402 = tpu.vector_load %arg8[%get3A, %get3A_1401] {strides = array<i32>} : memref<800x64xf32, #tpu.memory_space<vmem>>, vector<1x16xf32>,
        %get3A_1403 = vector.shape_cast %get3A_1402 : vector<1x16xf32> to vector<16xf32>
        %get3A_1404 = arith.index_cast %scan3A_1398 : i32 to index
        %get3A_1405 = arith.constant 0 : index
        %get3A_1406 = tpu.vector_load %arg10[%get3A_1404, %get3A_1405] {strides = array<i32>} : memref<200x64xf32, #tpu.memory_space<vmem>>, vector<1x16xf32>,
        %get3A_1407 = vector.shape_cast %get3A_1406 : vector<1x16xf32> to vector<16xf32>
        %add3A_1408 = arith.addf %get3A_1403, %get3A_1407 : vector<16xf32>
        %swap3A = arith.index_cast %add3A_1400 : i32 to index
        %swap3A_1409 = arith.constant 0 : index
        %swap3A_1410 = tpu.vector_load %arg8[%swap3A, %swap3A_1409] {strides = array<i32>} : memref<800x64xf32, #tpu.memory_space<vmem>>, vector<1x16xf32>,
        %swap3A_1411 = vector.shape_cast %swap3A_1410 : vector<1x16xf32> to vector<16xf32>
        %swap3A_1412 = vector.shape_cast %add3A_1408 : vector<16xf32> to vector<1x16xf32>
        tpu.vector_store %arg8[%swap3A, %swap3A_1409], %swap3A_1412 {strides = array<i32>} : memref<800x64xf32, #tpu.memory_space<vmem>>, vector<1x16xf32>,
        %get3A_1413 = arith.index_cast %add3A_1400 : i32 to index
        %get3A_1414 = arith.constant 16 : index
        %get3A_1415 = tpu.vector_load %arg8[%get3A_1413, %get3A_1414] {strides = array<i32>} : memref<800x64xf32, #tpu.memory_space<vmem>>, vector<1x16xf32>,
        %get3A_1416 = vector.shape_cast %get3A_1415 : vector<1x16xf32> to vector<16xf32>
        %get3A_1417 = arith.index_cast %scan3A_1398 : i32 to index
        %get3A_1418 = arith.constant 16 : index
        %get3A_1419 = tpu.vector_load %arg10[%get3A_1417, %get3A_1418] {strides = array<i32>} : memref<200x64xf32, #tpu.memory_space<vmem>>, vector<1x16xf32>,
        %get3A_1420 = vector.shape_cast %get3A_1419 : vector<1x16xf32> to vector<16xf32>
        %add3A_1421 = arith.addf %get3A_1416, %get3A_1420 : vector<16xf32>
        %swap3A_1422 = arith.index_cast %add3A_1400 : i32 to index
        %swap3A_1423 = arith.constant 16 : index
        %swap3A_1424 = tpu.vector_load %arg8[%swap3A_1422, %swap3A_1423] {strides = array<i32>} : memref<800x64xf32, #tpu.memory_space<vmem>>, vector<1x16xf32>,
        %swap3A_1425 = vector.shape_cast %swap3A_1424 : vector<1x16xf32> to vector<16xf32>
        %swap3A_1426 = vector.shape_cast %add3A_1421 : vector<16xf32> to vector<1x16xf32>
        tpu.vector_store %arg8[%swap3A_1422, %swap3A_1423], %swap3A_1426 {strides = array<i32>} : memref<800x64xf32, #tpu.memory_space<vmem>>, vector<1x16xf32>,
        %get3A_1427 = arith.index_cast %add3A_1400 : i32 to index
        %get3A_1428 = arith.constant 32 : index
        %get3A_1429 = tpu.vector_load %arg8[%get3A_1427, %get3A_1428] {strides = array<i32>} : memref<800x64xf32, #tpu.memory_space<vmem>>, vector<1x16xf32>,
        %get3A_1430 = vector.shape_cast %get3A_1429 : vector<1x16xf32> to vector<16xf32>
        %get3A_1431 = arith.index_cast %scan3A_1398 : i32 to index
        %get3A_1432 = arith.constant 32 : index
        %get3A_1433 = tpu.vector_load %arg10[%get3A_1431, %get3A_1432] {strides = array<i32>} : memref<200x64xf32, #tpu.memory_space<vmem>>, vector<1x16xf32>,
        %get3A_1434 = vector.shape_cast %get3A_1433 : vector<1x16xf32> to vector<16xf32>
        %add3A_1435 = arith.addf %get3A_1430, %get3A_1434 : vector<16xf32>
        %swap3A_1436 = arith.index_cast %add3A_1400 : i32 to index
        %swap3A_1437 = arith.constant 32 : index
        %swap3A_1438 = tpu.vector_load %arg8[%swap3A_1436, %swap3A_1437] {strides = array<i32>} : memref<800x64xf32, #tpu.memory_space<vmem>>, vector<1x16xf32>,
        %swap3A_1439 = vector.shape_cast %swap3A_1438 : vector<1x16xf32> to vector<16xf32>
        %swap3A_1440 = vector.shape_cast %add3A_1435 : vector<16xf32> to vector<1x16xf32>
        tpu.vector_store %arg8[%swap3A_1436, %swap3A_1437], %swap3A_1440 {strides = array<i32>} : memref<800x64xf32, #tpu.memory_space<vmem>>, vector<1x16xf32>,
        %get3A_1441 = arith.index_cast %add3A_1400 : i32 to index
        %get3A_1442 = arith.constant 48 : index
        %get3A_1443 = tpu.vector_load %arg8[%get3A_1441, %get3A_1442] {strides = array<i32>} : memref<800x64xf32, #tpu.memory_space<vmem>>, vector<1x16xf32>,
        %get3A_1444 = vector.shape_cast %get3A_1443 : vector<1x16xf32> to vector<16xf32>
        %get3A_1445 = arith.index_cast %scan3A_1398 : i32 to index
        %get3A_1446 = arith.constant 48 : index
        %get3A_1447 = tpu.vector_load %arg10[%get3A_1445, %get3A_1446] {strides = array<i32>} : memref<200x64xf32, #tpu.memory_space<vmem>>, vector<1x16xf32>,
        %get3A_1448 = vector.shape_cast %get3A_1447 : vector<1x16xf32> to vector<16xf32>
        %add3A_1449 = arith.addf %get3A_1444, %get3A_1448 : vector<16xf32>
        %swap3A_1450 = arith.index_cast %add3A_1400 : i32 to index
        %swap3A_1451 = arith.constant 48 : index
        %swap3A_1452 = tpu.vector_load %arg8[%swap3A_1450, %swap3A_1451] {strides = array<i32>} : memref<800x64xf32, #tpu.memory_space<vmem>>, vector<1x16xf32>,
        %swap3A_1453 = vector.shape_cast %swap3A_1452 : vector<1x16xf32> to vector<16xf32>
        %swap3A_1454 = vector.shape_cast %add3A_1449 : vector<16xf32> to vector<1x16xf32>
        tpu.vector_store %arg8[%swap3A_1450, %swap3A_1451], %swap3A_1454 {strides = array<i32>} : memref<800x64xf32, #tpu.memory_space<vmem>>, vector<1x16xf32>,
        %add3A_1455 = arith.constant 200 : i32
        %add3A_1456 = arith.addi %add3A_1455, %scan3A_1398 : i32
        %get3A_1457 = arith.index_cast %add3A_1456 : i32 to index
        %get3A_1458 = arith.constant 0 : index
        %get3A_1459 = tpu.vector_load %arg8[%get3A_1457, %get3A_1458] {strides = array<i32>} : memref<800x64xf32, #tpu.memory_space<vmem>>, vector<1x16xf32>,
        %get3A_1460 = vector.shape_cast %get3A_1459 : vector<1x16xf32> to vector<16xf32>
        %get3A_1461 = arith.index_cast %scan3A_1398 : i32 to index
        %get3A_1462 = arith.constant 0 : index
        %get3A_1463 = tpu.vector_load %arg10[%get3A_1461, %get3A_1462] {strides = array<i32>} : memref<200x64xf32, #tpu.memory_space<vmem>>, vector<1x16xf32>,
        %get3A_1464 = vector.shape_cast %get3A_1463 : vector<1x16xf32> to vector<16xf32>
        %add3A_1465 = arith.addf %get3A_1460, %get3A_1464 : vector<16xf32>
        %swap3A_1466 = arith.index_cast %add3A_1456 : i32 to index
        %swap3A_1467 = arith.constant 0 : index
        %swap3A_1468 = tpu.vector_load %arg8[%swap3A_1466, %swap3A_1467] {strides = array<i32>} : memref<800x64xf32, #tpu.memory_space<vmem>>, vector<1x16xf32>,
        %swap3A_1469 = vector.shape_cast %swap3A_1468 : vector<1x16xf32> to vector<16xf32>
        %swap3A_1470 = vector.shape_cast %add3A_1465 : vector<16xf32> to vector<1x16xf32>
        tpu.vector_store %arg8[%swap3A_1466, %swap3A_1467], %swap3A_1470 {strides = array<i32>} : memref<800x64xf32, #tpu.memory_space<vmem>>, vector<1x16xf32>,
        %get3A_1471 = arith.index_cast %add3A_1456 : i32 to index
        %get3A_1472 = arith.constant 16 : index
        %get3A_1473 = tpu.vector_load %arg8[%get3A_1471, %get3A_1472] {strides = array<i32>} : memref<800x64xf32, #tpu.memory_space<vmem>>, vector<1x16xf32>,
        %get3A_1474 = vector.shape_cast %get3A_1473 : vector<1x16xf32> to vector<16xf32>
        %get3A_1475 = arith.index_cast %scan3A_1398 : i32 to index
        %get3A_1476 = arith.constant 16 : index
        %get3A_1477 = tpu.vector_load %arg10[%get3A_1475, %get3A_1476] {strides = array<i32>} : memref<200x64xf32, #tpu.memory_space<vmem>>, vector<1x16xf32>,
        %get3A_1478 = vector.shape_cast %get3A_1477 : vector<1x16xf32> to vector<16xf32>
        %add3A_1479 = arith.addf %get3A_1474, %get3A_1478 : vector<16xf32>
        %swap3A_1480 = arith.index_cast %add3A_1456 : i32 to index
        %swap3A_1481 = arith.constant 16 : index
        %swap3A_1482 = tpu.vector_load %arg8[%swap3A_1480, %swap3A_1481] {strides = array<i32>} : memref<800x64xf32, #tpu.memory_space<vmem>>, vector<1x16xf32>,
        %swap3A_1483 = vector.shape_cast %swap3A_1482 : vector<1x16xf32> to vector<16xf32>
        %swap3A_1484 = vector.shape_cast %add3A_1479 : vector<16xf32> to vector<1x16xf32>
        tpu.vector_store %arg8[%swap3A_1480, %swap3A_1481], %swap3A_1484 {strides = array<i32>} : memref<800x64xf32, #tpu.memory_space<vmem>>, vector<1x16xf32>,
        %get3A_1485 = arith.index_cast %add3A_1456 : i32 to index
        %get3A_1486 = arith.constant 32 : index
        %get3A_1487 = tpu.vector_load %arg8[%get3A_1485, %get3A_1486] {strides = array<i32>} : memref<800x64xf32, #tpu.memory_space<vmem>>, vector<1x16xf32>,
        %get3A_1488 = vector.shape_cast %get3A_1487 : vector<1x16xf32> to vector<16xf32>
        %get3A_1489 = arith.index_cast %scan3A_1398 : i32 to index
        %get3A_1490 = arith.constant 32 : index
        %get3A_1491 = tpu.vector_load %arg10[%get3A_1489, %get3A_1490] {strides = array<i32>} : memref<200x64xf32, #tpu.memory_space<vmem>>, vector<1x16xf32>,
        %get3A_1492 = vector.shape_cast %get3A_1491 : vector<1x16xf32> to vector<16xf32>
        %add3A_1493 = arith.addf %get3A_1488, %get3A_1492 : vector<16xf32>
        %swap3A_1494 = arith.index_cast %add3A_1456 : i32 to index
        %swap3A_1495 = arith.constant 32 : index
        %swap3A_1496 = tpu.vector_load %arg8[%swap3A_1494, %swap3A_1495] {strides = array<i32>} : memref<800x64xf32, #tpu.memory_space<vmem>>, vector<1x16xf32>,
        %swap3A_1497 = vector.shape_cast %swap3A_1496 : vector<1x16xf32> to vector<16xf32>
        %swap3A_1498 = vector.shape_cast %add3A_1493 : vector<16xf32> to vector<1x16xf32>
        tpu.vector_store %arg8[%swap3A_1494, %swap3A_1495], %swap3A_1498 {strides = array<i32>} : memref<800x64xf32, #tpu.memory_space<vmem>>, vector<1x16xf32>,
        %get3A_1499 = arith.index_cast %add3A_1456 : i32 to index
        %get3A_1500 = arith.constant 48 : index
        %get3A_1501 = tpu.vector_load %arg8[%get3A_1499, %get3A_1500] {strides = array<i32>} : memref<800x64xf32, #tpu.memory_space<vmem>>, vector<1x16xf32>,
        %get3A_1502 = vector.shape_cast %get3A_1501 : vector<1x16xf32> to vector<16xf32>
        %get3A_1503 = arith.index_cast %scan3A_1398 : i32 to index
        %get3A_1504 = arith.constant 48 : index
        %get3A_1505 = tpu.vector_load %arg10[%get3A_1503, %get3A_1504] {strides = array<i32>} : memref<200x64xf32, #tpu.memory_space<vmem>>, vector<1x16xf32>,
        %get3A_1506 = vector.shape_cast %get3A_1505 : vector<1x16xf32> to vector<16xf32>
        %add3A_1507 = arith.addf %get3A_1502, %get3A_1506 : vector<16xf32>
        %swap3A_1508 = arith.index_cast %add3A_1456 : i32 to index
        %swap3A_1509 = arith.constant 48 : index
        %swap3A_1510 = tpu.vector_load %arg8[%swap3A_1508, %swap3A_1509] {strides = array<i32>} : memref<800x64xf32, #tpu.memory_space<vmem>>, vector<1x16xf32>,
        %swap3A_1511 = vector.shape_cast %swap3A_1510 : vector<1x16xf32> to vector<16xf32>
        %swap3A_1512 = vector.shape_cast %add3A_1507 : vector<16xf32> to vector<1x16xf32>
        tpu.vector_store %arg8[%swap3A_1508, %swap3A_1509], %swap3A_1512 {strides = array<i32>} : memref<800x64xf32, #tpu.memory_space<vmem>>, vector<1x16xf32>,
        %add3A_1513 = arith.constant 400 : i32
        %add3A_1514 = arith.addi %add3A_1513, %scan3A_1398 : i32
        %get3A_1515 = arith.index_cast %add3A_1514 : i32 to index
        %get3A_1516 = arith.constant 0 : index
        %get3A_1517 = tpu.vector_load %arg8[%get3A_1515, %get3A_1516] {strides = array<i32>} : memref<800x64xf32, #tpu.memory_space<vmem>>, vector<1x16xf32>,
        %get3A_1518 = vector.shape_cast %get3A_1517 : vector<1x16xf32> to vector<16xf32>
        %get3A_1519 = arith.index_cast %scan3A_1398 : i32 to index
        %get3A_1520 = arith.constant 0 : index
        %get3A_1521 = tpu.vector_load %arg10[%get3A_1519, %get3A_1520] {strides = array<i32>} : memref<200x64xf32, #tpu.memory_space<vmem>>, vector<1x16xf32>,
        %get3A_1522 = vector.shape_cast %get3A_1521 : vector<1x16xf32> to vector<16xf32>
        %add3A_1523 = arith.addf %get3A_1518, %get3A_1522 : vector<16xf32>
        %swap3A_1524 = arith.index_cast %add3A_1514 : i32 to index
        %swap3A_1525 = arith.constant 0 : index
        %swap3A_1526 = tpu.vector_load %arg8[%swap3A_1524, %swap3A_1525] {strides = array<i32>} : memref<800x64xf32, #tpu.memory_space<vmem>>, vector<1x16xf32>,
        %swap3A_1527 = vector.shape_cast %swap3A_1526 : vector<1x16xf32> to vector<16xf32>
        %swap3A_1528 = vector.shape_cast %add3A_1523 : vector<16xf32> to vector<1x16xf32>
        tpu.vector_store %arg8[%swap3A_1524, %swap3A_1525], %swap3A_1528 {strides = array<i32>} : memref<800x64xf32, #tpu.memory_space<vmem>>, vector<1x16xf32>,
        %get3A_1529 = arith.index_cast %add3A_1514 : i32 to index
        %get3A_1530 = arith.constant 16 : index
        %get3A_1531 = tpu.vector_load %arg8[%get3A_1529, %get3A_1530] {strides = array<i32>} : memref<800x64xf32, #tpu.memory_space<vmem>>, vector<1x16xf32>,
        %get3A_1532 = vector.shape_cast %get3A_1531 : vector<1x16xf32> to vector<16xf32>
        %get3A_1533 = arith.index_cast %scan3A_1398 : i32 to index
        %get3A_1534 = arith.constant 16 : index
        %get3A_1535 = tpu.vector_load %arg10[%get3A_1533, %get3A_1534] {strides = array<i32>} : memref<200x64xf32, #tpu.memory_space<vmem>>, vector<1x16xf32>,
        %get3A_1536 = vector.shape_cast %get3A_1535 : vector<1x16xf32> to vector<16xf32>
        %add3A_1537 = arith.addf %get3A_1532, %get3A_1536 : vector<16xf32>
        %swap3A_1538 = arith.index_cast %add3A_1514 : i32 to index
        %swap3A_1539 = arith.constant 16 : index
        %swap3A_1540 = tpu.vector_load %arg8[%swap3A_1538, %swap3A_1539] {strides = array<i32>} : memref<800x64xf32, #tpu.memory_space<vmem>>, vector<1x16xf32>,
        %swap3A_1541 = vector.shape_cast %swap3A_1540 : vector<1x16xf32> to vector<16xf32>
        %swap3A_1542 = vector.shape_cast %add3A_1537 : vector<16xf32> to vector<1x16xf32>
        tpu.vector_store %arg8[%swap3A_1538, %swap3A_1539], %swap3A_1542 {strides = array<i32>} : memref<800x64xf32, #tpu.memory_space<vmem>>, vector<1x16xf32>,
        %get3A_1543 = arith.index_cast %add3A_1514 : i32 to index
        %get3A_1544 = arith.constant 32 : index
        %get3A_1545 = tpu.vector_load %arg8[%get3A_1543, %get3A_1544] {strides = array<i32>} : memref<800x64xf32, #tpu.memory_space<vmem>>, vector<1x16xf32>,
        %get3A_1546 = vector.shape_cast %get3A_1545 : vector<1x16xf32> to vector<16xf32>
        %get3A_1547 = arith.index_cast %scan3A_1398 : i32 to index
        %get3A_1548 = arith.constant 32 : index
        %get3A_1549 = tpu.vector_load %arg10[%get3A_1547, %get3A_1548] {strides = array<i32>} : memref<200x64xf32, #tpu.memory_space<vmem>>, vector<1x16xf32>,
        %get3A_1550 = vector.shape_cast %get3A_1549 : vector<1x16xf32> to vector<16xf32>
        %add3A_1551 = arith.addf %get3A_1546, %get3A_1550 : vector<16xf32>
        %swap3A_1552 = arith.index_cast %add3A_1514 : i32 to index
        %swap3A_1553 = arith.constant 32 : index
        %swap3A_1554 = tpu.vector_load %arg8[%swap3A_1552, %swap3A_1553] {strides = array<i32>} : memref<800x64xf32, #tpu.memory_space<vmem>>, vector<1x16xf32>,
        %swap3A_1555 = vector.shape_cast %swap3A_1554 : vector<1x16xf32> to vector<16xf32>
        %swap3A_1556 = vector.shape_cast %add3A_1551 : vector<16xf32> to vector<1x16xf32>
        tpu.vector_store %arg8[%swap3A_1552, %swap3A_1553], %swap3A_1556 {strides = array<i32>} : memref<800x64xf32, #tpu.memory_space<vmem>>, vector<1x16xf32>,
        %get3A_1557 = arith.index_cast %add3A_1514 : i32 to index
        %get3A_1558 = arith.constant 48 : index
        %get3A_1559 = tpu.vector_load %arg8[%get3A_1557, %get3A_1558] {strides = array<i32>} : memref<800x64xf32, #tpu.memory_space<vmem>>, vector<1x16xf32>,
        %get3A_1560 = vector.shape_cast %get3A_1559 : vector<1x16xf32> to vector<16xf32>
        %get3A_1561 = arith.index_cast %scan3A_1398 : i32 to index
        %get3A_1562 = arith.constant 48 : index
        %get3A_1563 = tpu.vector_load %arg10[%get3A_1561, %get3A_1562] {strides = array<i32>} : memref<200x64xf32, #tpu.memory_space<vmem>>, vector<1x16xf32>,
        %get3A_1564 = vector.shape_cast %get3A_1563 : vector<1x16xf32> to vector<16xf32>
        %add3A_1565 = arith.addf %get3A_1560, %get3A_1564 : vector<16xf32>
        %swap3A_1566 = arith.index_cast %add3A_1514 : i32 to index
        %swap3A_1567 = arith.constant 48 : index
        %swap3A_1568 = tpu.vector_load %arg8[%swap3A_1566, %swap3A_1567] {strides = array<i32>} : memref<800x64xf32, #tpu.memory_space<vmem>>, vector<1x16xf32>,
        %swap3A_1569 = vector.shape_cast %swap3A_1568 : vector<1x16xf32> to vector<16xf32>
        %swap3A_1570 = vector.shape_cast %add3A_1565 : vector<16xf32> to vector<1x16xf32>
        tpu.vector_store %arg8[%swap3A_1566, %swap3A_1567], %swap3A_1570 {strides = array<i32>} : memref<800x64xf32, #tpu.memory_space<vmem>>, vector<1x16xf32>,
        %add3A_1571 = arith.constant 600 : i32
        %add3A_1572 = arith.addi %add3A_1571, %scan3A_1398 : i32
        %get3A_1573 = arith.index_cast %add3A_1572 : i32 to index
        %get3A_1574 = arith.constant 0 : index
        %get3A_1575 = tpu.vector_load %arg8[%get3A_1573, %get3A_1574] {strides = array<i32>} : memref<800x64xf32, #tpu.memory_space<vmem>>, vector<1x16xf32>,
        %get3A_1576 = vector.shape_cast %get3A_1575 : vector<1x16xf32> to vector<16xf32>
        %get3A_1577 = arith.index_cast %scan3A_1398 : i32 to index
        %get3A_1578 = arith.constant 0 : index
        %get3A_1579 = tpu.vector_load %arg10[%get3A_1577, %get3A_1578] {strides = array<i32>} : memref<200x64xf32, #tpu.memory_space<vmem>>, vector<1x16xf32>,
        %get3A_1580 = vector.shape_cast %get3A_1579 : vector<1x16xf32> to vector<16xf32>
        %add3A_1581 = arith.addf %get3A_1576, %get3A_1580 : vector<16xf32>
        %swap3A_1582 = arith.index_cast %add3A_1572 : i32 to index
        %swap3A_1583 = arith.constant 0 : index
        %swap3A_1584 = tpu.vector_load %arg8[%swap3A_1582, %swap3A_1583] {strides = array<i32>} : memref<800x64xf32, #tpu.memory_space<vmem>>, vector<1x16xf32>,
        %swap3A_1585 = vector.shape_cast %swap3A_1584 : vector<1x16xf32> to vector<16xf32>
        %swap3A_1586 = vector.shape_cast %add3A_1581 : vector<16xf32> to vector<1x16xf32>
        tpu.vector_store %arg8[%swap3A_1582, %swap3A_1583], %swap3A_1586 {strides = array<i32>} : memref<800x64xf32, #tpu.memory_space<vmem>>, vector<1x16xf32>,
        %get3A_1587 = arith.index_cast %add3A_1572 : i32 to index
        %get3A_1588 = arith.constant 16 : index
        %get3A_1589 = tpu.vector_load %arg8[%get3A_1587, %get3A_1588] {strides = array<i32>} : memref<800x64xf32, #tpu.memory_space<vmem>>, vector<1x16xf32>,
        %get3A_1590 = vector.shape_cast %get3A_1589 : vector<1x16xf32> to vector<16xf32>
        %get3A_1591 = arith.index_cast %scan3A_1398 : i32 to index
        %get3A_1592 = arith.constant 16 : index
        %get3A_1593 = tpu.vector_load %arg10[%get3A_1591, %get3A_1592] {strides = array<i32>} : memref<200x64xf32, #tpu.memory_space<vmem>>, vector<1x16xf32>,
        %get3A_1594 = vector.shape_cast %get3A_1593 : vector<1x16xf32> to vector<16xf32>
        %add3A_1595 = arith.addf %get3A_1590, %get3A_1594 : vector<16xf32>
        %swap3A_1596 = arith.index_cast %add3A_1572 : i32 to index
        %swap3A_1597 = arith.constant 16 : index
        %swap3A_1598 = tpu.vector_load %arg8[%swap3A_1596, %swap3A_1597] {strides = array<i32>} : memref<800x64xf32, #tpu.memory_space<vmem>>, vector<1x16xf32>,
        %swap3A_1599 = vector.shape_cast %swap3A_1598 : vector<1x16xf32> to vector<16xf32>
        %swap3A_1600 = vector.shape_cast %add3A_1595 : vector<16xf32> to vector<1x16xf32>
        tpu.vector_store %arg8[%swap3A_1596, %swap3A_1597], %swap3A_1600 {strides = array<i32>} : memref<800x64xf32, #tpu.memory_space<vmem>>, vector<1x16xf32>,
        %get3A_1601 = arith.index_cast %add3A_1572 : i32 to index
        %get3A_1602 = arith.constant 32 : index
        %get3A_1603 = tpu.vector_load %arg8[%get3A_1601, %get3A_1602] {strides = array<i32>} : memref<800x64xf32, #tpu.memory_space<vmem>>, vector<1x16xf32>,
        %get3A_1604 = vector.shape_cast %get3A_1603 : vector<1x16xf32> to vector<16xf32>
        %get3A_1605 = arith.index_cast %scan3A_1398 : i32 to index
        %get3A_1606 = arith.constant 32 : index
        %get3A_1607 = tpu.vector_load %arg10[%get3A_1605, %get3A_1606] {strides = array<i32>} : memref<200x64xf32, #tpu.memory_space<vmem>>, vector<1x16xf32>,
        %get3A_1608 = vector.shape_cast %get3A_1607 : vector<1x16xf32> to vector<16xf32>
        %add3A_1609 = arith.addf %get3A_1604, %get3A_1608 : vector<16xf32>
        %swap3A_1610 = arith.index_cast %add3A_1572 : i32 to index
        %swap3A_1611 = arith.constant 32 : index
        %swap3A_1612 = tpu.vector_load %arg8[%swap3A_1610, %swap3A_1611] {strides = array<i32>} : memref<800x64xf32, #tpu.memory_space<vmem>>, vector<1x16xf32>,
        %swap3A_1613 = vector.shape_cast %swap3A_1612 : vector<1x16xf32> to vector<16xf32>
        %swap3A_1614 = vector.shape_cast %add3A_1609 : vector<16xf32> to vector<1x16xf32>
        tpu.vector_store %arg8[%swap3A_1610, %swap3A_1611], %swap3A_1614 {strides = array<i32>} : memref<800x64xf32, #tpu.memory_space<vmem>>, vector<1x16xf32>,
        %get3A_1615 = arith.index_cast %add3A_1572 : i32 to index
        %get3A_1616 = arith.constant 48 : index
        %get3A_1617 = tpu.vector_load %arg8[%get3A_1615, %get3A_1616] {strides = array<i32>} : memref<800x64xf32, #tpu.memory_space<vmem>>, vector<1x16xf32>,
        %get3A_1618 = vector.shape_cast %get3A_1617 : vector<1x16xf32> to vector<16xf32>
        %get3A_1619 = arith.index_cast %scan3A_1398 : i32 to index
        %get3A_1620 = arith.constant 48 : index
        %get3A_1621 = tpu.vector_load %arg10[%get3A_1619, %get3A_1620] {strides = array<i32>} : memref<200x64xf32, #tpu.memory_space<vmem>>, vector<1x16xf32>,
        %get3A_1622 = vector.shape_cast %get3A_1621 : vector<1x16xf32> to vector<16xf32>
        %add3A_1623 = arith.addf %get3A_1618, %get3A_1622 : vector<16xf32>
        %swap3A_1624 = arith.index_cast %add3A_1572 : i32 to index
        %swap3A_1625 = arith.constant 48 : index
        %swap3A_1626 = tpu.vector_load %arg8[%swap3A_1624, %swap3A_1625] {strides = array<i32>} : memref<800x64xf32, #tpu.memory_space<vmem>>, vector<1x16xf32>,
        %swap3A_1627 = vector.shape_cast %swap3A_1626 : vector<1x16xf32> to vector<16xf32>
        %swap3A_1628 = vector.shape_cast %add3A_1623 : vector<16xf32> to vector<1x16xf32>
        tpu.vector_store %arg8[%swap3A_1624, %swap3A_1625], %swap3A_1628 {strides = array<i32>} : memref<800x64xf32, #tpu.memory_space<vmem>>, vector<1x16xf32>,
      }
      %scan3A_1010 = arith.constant 200 : i32
      %mul3A_1011 = arith.constant 800 : i32
      %mul3A_1012 = arith.muli %mul3A_908, %mul3A_1011 : i32
      %add3A_1013 = arith.addi %mul3A_2, %mul3A_1012 : i32
      %dma_start3A_1014 = arith.constant 0 : i32
      %dma_start3A_1015 = tpu.memref_slice %arg5[%add3A_1013, %dma_start3A_1014] : memref<819200x64xf32, #tpu.memory_space<hbm>> -> memref<800x64xf32, #tpu.memory_space<hbm>>
      %dma_start3A_1016 = arith.constant 0 : i32
      %dma_start3A_1017 = tpu.memref_slice %arg5[%add3A_1013, %dma_start3A_1016] : memref<819200x64xf32, #tpu.memory_space<hbm>> -> memref<800x64xf32, #tpu.memory_space<hbm>>
      tpu.enqueue_dma source(%arg8 : memref<800x64xf32, #tpu.memory_space<vmem>>) target(%dma_start3A_1017 : memref<800x64xf32, #tpu.memory_space<hbm>>) target_semaphore(%arg13 : memref<!tpu.dma_semaphore, #tpu.memory_space<semaphore_mem>>)
      %dma_wait3A_1018 = arith.constant 0 : i32
      %dma_wait3A_1019 = arith.constant 0 : i32
      %dma_wait3A_1020 = arith.constant 0 : i32
      %dma_wait3A_1021 = tpu.memref_slice %arg9[%dma_wait3A_1019, %dma_wait3A_1020] : memref<800x64xf32, #tpu.memory_space<vmem>> -> memref<128x64xf32, #tpu.memory_space<vmem>>
      %dma_wait3A_1022 = arith.constant 0 : i32
      %dma_wait3A_1023 = tpu.memref_slice %arg7[%dma_wait3A_1018, %dma_wait3A_1022] : memref<4x200xi32, #tpu.memory_space<vmem>> -> memref<1x200xi32, #tpu.memory_space<vmem>>
      %dma_wait3A_1024 = tpu.memref_squeeze %dma_wait3A_1023 : memref<1x200xi32, #tpu.memory_space<vmem>> -> memref<200xi32, #tpu.memory_space<vmem>>
      %dma_wait3A_1025 = arith.constant 0 : i32
      %dma_wait3A_1026 = tpu.memref_slice %dma_wait3A_1024[%dma_wait3A_1025] : memref<200xi32, #tpu.memory_space<vmem>> -> memref<128xi32, #tpu.memory_space<vmem>>
      %dma_wait3A_1027 = arith.constant 0 : i32
      %dma_wait3A_1028 = arith.constant 0 : i32
      %dma_wait3A_1029 = tpu.memref_slice %arg2[%dma_wait3A_1027, %dma_wait3A_1028] : memref<1000000x64xf32, #tpu.memory_space<hbm>> -> memref<1000000x64xf32, #tpu.memory_space<hbm>>
      tpu.wait_indirect_dma semaphore(%arg12 : memref<!tpu.dma_semaphore, #tpu.memory_space<semaphore_mem>>) src(%dma_wait3A_1029 : memref<1000000x64xf32, #tpu.memory_space<hbm>>) dst(%dma_wait3A_1021 : memref<128x64xf32, #tpu.memory_space<vmem>>)
      %dma_wait3A_1030 = arith.constant 0 : i32
      %dma_wait3A_1031 = arith.constant 128 : i32
      %dma_wait3A_1032 = arith.constant 0 : i32
      %dma_wait3A_1033 = tpu.memref_slice %arg9[%dma_wait3A_1031, %dma_wait3A_1032] : memref<800x64xf32, #tpu.memory_space<vmem>> -> memref<72x64xf32, #tpu.memory_space<vmem>>
      %dma_wait3A_1034 = arith.constant 0 : i32
      %dma_wait3A_1035 = tpu.memref_slice %arg7[%dma_wait3A_1030, %dma_wait3A_1034] : memref<4x200xi32, #tpu.memory_space<vmem>> -> memref<1x200xi32, #tpu.memory_space<vmem>>
      %dma_wait3A_1036 = tpu.memref_squeeze %dma_wait3A_1035 : memref<1x200xi32, #tpu.memory_space<vmem>> -> memref<200xi32, #tpu.memory_space<vmem>>
      %dma_wait3A_1037 = arith.constant 128 : i32
      %dma_wait3A_1038 = tpu.memref_slice %dma_wait3A_1036[%dma_wait3A_1037] : memref<200xi32, #tpu.memory_space<vmem>> -> memref<72xi32, #tpu.memory_space<vmem>>
      %dma_wait3A_1039 = arith.constant 0 : i32
      %dma_wait3A_1040 = arith.constant 0 : i32
      %dma_wait3A_1041 = tpu.memref_slice %arg2[%dma_wait3A_1039, %dma_wait3A_1040] : memref<1000000x64xf32, #tpu.memory_space<hbm>> -> memref<1000000x64xf32, #tpu.memory_space<hbm>>
      tpu.wait_indirect_dma semaphore(%arg12 : memref<!tpu.dma_semaphore, #tpu.memory_space<semaphore_mem>>) src(%dma_wait3A_1041 : memref<1000000x64xf32, #tpu.memory_space<hbm>>) dst(%dma_wait3A_1033 : memref<72x64xf32, #tpu.memory_space<vmem>>)
      %dma_wait3A_1042 = arith.constant 1 : i32
      %dma_wait3A_1043 = arith.constant 200 : i32
      %dma_wait3A_1044 = arith.constant 0 : i32
      %dma_wait3A_1045 = tpu.memref_slice %arg9[%dma_wait3A_1043, %dma_wait3A_1044] : memref<800x64xf32, #tpu.memory_space<vmem>> -> memref<128x64xf32, #tpu.memory_space<vmem>>
      %dma_wait3A_1046 = arith.constant 0 : i32
      %dma_wait3A_1047 = tpu.memref_slice %arg7[%dma_wait3A_1042, %dma_wait3A_1046] : memref<4x200xi32, #tpu.memory_space<vmem>> -> memref<1x200xi32, #tpu.memory_space<vmem>>
      %dma_wait3A_1048 = tpu.memref_squeeze %dma_wait3A_1047 : memref<1x200xi32, #tpu.memory_space<vmem>> -> memref<200xi32, #tpu.memory_space<vmem>>
      %dma_wait3A_1049 = arith.constant 0 : i32
      %dma_wait3A_1050 = tpu.memref_slice %dma_wait3A_1048[%dma_wait3A_1049] : memref<200xi32, #tpu.memory_space<vmem>> -> memref<128xi32, #tpu.memory_space<vmem>>
      %dma_wait3A_1051 = arith.constant 0 : i32
      %dma_wait3A_1052 = arith.constant 0 : i32
      %dma_wait3A_1053 = tpu.memref_slice %arg2[%dma_wait3A_1051, %dma_wait3A_1052] : memref<1000000x64xf32, #tpu.memory_space<hbm>> -> memref<1000000x64xf32, #tpu.memory_space<hbm>>
      tpu.wait_indirect_dma semaphore(%arg12 : memref<!tpu.dma_semaphore, #tpu.memory_space<semaphore_mem>>) src(%dma_wait3A_1053 : memref<1000000x64xf32, #tpu.memory_space<hbm>>) dst(%dma_wait3A_1045 : memref<128x64xf32, #tpu.memory_space<vmem>>)
      %dma_wait3A_1054 = arith.constant 1 : i32
      %dma_wait3A_1055 = arith.constant 328 : i32
      %dma_wait3A_1056 = arith.constant 0 : i32
      %dma_wait3A_1057 = tpu.memref_slice %arg9[%dma_wait3A_1055, %dma_wait3A_1056] : memref<800x64xf32, #tpu.memory_space<vmem>> -> memref<72x64xf32, #tpu.memory_space<vmem>>
      %dma_wait3A_1058 = arith.constant 0 : i32
      %dma_wait3A_1059 = tpu.memref_slice %arg7[%dma_wait3A_1054, %dma_wait3A_1058] : memref<4x200xi32, #tpu.memory_space<vmem>> -> memref<1x200xi32, #tpu.memory_space<vmem>>
      %dma_wait3A_1060 = tpu.memref_squeeze %dma_wait3A_1059 : memref<1x200xi32, #tpu.memory_space<vmem>> -> memref<200xi32, #tpu.memory_space<vmem>>
      %dma_wait3A_1061 = arith.constant 128 : i32
      %dma_wait3A_1062 = tpu.memref_slice %dma_wait3A_1060[%dma_wait3A_1061] : memref<200xi32, #tpu.memory_space<vmem>> -> memref<72xi32, #tpu.memory_space<vmem>>
      %dma_wait3A_1063 = arith.constant 0 : i32
      %dma_wait3A_1064 = arith.constant 0 : i32
      %dma_wait3A_1065 = tpu.memref_slice %arg2[%dma_wait3A_1063, %dma_wait3A_1064] : memref<1000000x64xf32, #tpu.memory_space<hbm>> -> memref<1000000x64xf32, #tpu.memory_space<hbm>>
      tpu.wait_indirect_dma semaphore(%arg12 : memref<!tpu.dma_semaphore, #tpu.memory_space<semaphore_mem>>) src(%dma_wait3A_1065 : memref<1000000x64xf32, #tpu.memory_space<hbm>>) dst(%dma_wait3A_1057 : memref<72x64xf32, #tpu.memory_space<vmem>>)
      %dma_wait3A_1066 = arith.constant 2 : i32
      %dma_wait3A_1067 = arith.constant 400 : i32
      %dma_wait3A_1068 = arith.constant 0 : i32
      %dma_wait3A_1069 = tpu.memref_slice %arg9[%dma_wait3A_1067, %dma_wait3A_1068] : memref<800x64xf32, #tpu.memory_space<vmem>> -> memref<128x64xf32, #tpu.memory_space<vmem>>
      %dma_wait3A_1070 = arith.constant 0 : i32
      %dma_wait3A_1071 = tpu.memref_slice %arg7[%dma_wait3A_1066, %dma_wait3A_1070] : memref<4x200xi32, #tpu.memory_space<vmem>> -> memref<1x200xi32, #tpu.memory_space<vmem>>
      %dma_wait3A_1072 = tpu.memref_squeeze %dma_wait3A_1071 : memref<1x200xi32, #tpu.memory_space<vmem>> -> memref<200xi32, #tpu.memory_space<vmem>>
      %dma_wait3A_1073 = arith.constant 0 : i32
      %dma_wait3A_1074 = tpu.memref_slice %dma_wait3A_1072[%dma_wait3A_1073] : memref<200xi32, #tpu.memory_space<vmem>> -> memref<128xi32, #tpu.memory_space<vmem>>
      %dma_wait3A_1075 = arith.constant 0 : i32
      %dma_wait3A_1076 = arith.constant 0 : i32
      %dma_wait3A_1077 = tpu.memref_slice %arg2[%dma_wait3A_1075, %dma_wait3A_1076] : memref<1000000x64xf32, #tpu.memory_space<hbm>> -> memref<1000000x64xf32, #tpu.memory_space<hbm>>
      tpu.wait_indirect_dma semaphore(%arg12 : memref<!tpu.dma_semaphore, #tpu.memory_space<semaphore_mem>>) src(%dma_wait3A_1077 : memref<1000000x64xf32, #tpu.memory_space<hbm>>) dst(%dma_wait3A_1069 : memref<128x64xf32, #tpu.memory_space<vmem>>)
      %dma_wait3A_1078 = arith.constant 2 : i32
      %dma_wait3A_1079 = arith.constant 528 : i32
      %dma_wait3A_1080 = arith.constant 0 : i32
      %dma_wait3A_1081 = tpu.memref_slice %arg9[%dma_wait3A_1079, %dma_wait3A_1080] : memref<800x64xf32, #tpu.memory_space<vmem>> -> memref<72x64xf32, #tpu.memory_space<vmem>>
      %dma_wait3A_1082 = arith.constant 0 : i32
      %dma_wait3A_1083 = tpu.memref_slice %arg7[%dma_wait3A_1078, %dma_wait3A_1082] : memref<4x200xi32, #tpu.memory_space<vmem>> -> memref<1x200xi32, #tpu.memory_space<vmem>>
      %dma_wait3A_1084 = tpu.memref_squeeze %dma_wait3A_1083 : memref<1x200xi32, #tpu.memory_space<vmem>> -> memref<200xi32, #tpu.memory_space<vmem>>
      %dma_wait3A_1085 = arith.constant 128 : i32
      %dma_wait3A_1086 = tpu.memref_slice %dma_wait3A_1084[%dma_wait3A_1085] : memref<200xi32, #tpu.memory_space<vmem>> -> memref<72xi32, #tpu.memory_space<vmem>>
      %dma_wait3A_1087 = arith.constant 0 : i32
      %dma_wait3A_1088 = arith.constant 0 : i32
      %dma_wait3A_1089 = tpu.memref_slice %arg2[%dma_wait3A_1087, %dma_wait3A_1088] : memref<1000000x64xf32, #tpu.memory_space<hbm>> -> memref<1000000x64xf32, #tpu.memory_space<hbm>>
      tpu.wait_indirect_dma semaphore(%arg12 : memref<!tpu.dma_semaphore, #tpu.memory_space<semaphore_mem>>) src(%dma_wait3A_1089 : memref<1000000x64xf32, #tpu.memory_space<hbm>>) dst(%dma_wait3A_1081 : memref<72x64xf32, #tpu.memory_space<vmem>>)
      %dma_wait3A_1090 = arith.constant 3 : i32
      %dma_wait3A_1091 = arith.constant 600 : i32
      %dma_wait3A_1092 = arith.constant 0 : i32
      %dma_wait3A_1093 = tpu.memref_slice %arg9[%dma_wait3A_1091, %dma_wait3A_1092] : memref<800x64xf32, #tpu.memory_space<vmem>> -> memref<128x64xf32, #tpu.memory_space<vmem>>
      %dma_wait3A_1094 = arith.constant 0 : i32
      %dma_wait3A_1095 = tpu.memref_slice %arg7[%dma_wait3A_1090, %dma_wait3A_1094] : memref<4x200xi32, #tpu.memory_space<vmem>> -> memref<1x200xi32, #tpu.memory_space<vmem>>
      %dma_wait3A_1096 = tpu.memref_squeeze %dma_wait3A_1095 : memref<1x200xi32, #tpu.memory_space<vmem>> -> memref<200xi32, #tpu.memory_space<vmem>>
      %dma_wait3A_1097 = arith.constant 0 : i32
      %dma_wait3A_1098 = tpu.memref_slice %dma_wait3A_1096[%dma_wait3A_1097] : memref<200xi32, #tpu.memory_space<vmem>> -> memref<128xi32, #tpu.memory_space<vmem>>
      %dma_wait3A_1099 = arith.constant 0 : i32
      %dma_wait3A_1100 = arith.constant 0 : i32
      %dma_wait3A_1101 = tpu.memref_slice %arg2[%dma_wait3A_1099, %dma_wait3A_1100] : memref<1000000x64xf32, #tpu.memory_space<hbm>> -> memref<1000000x64xf32, #tpu.memory_space<hbm>>
      tpu.wait_indirect_dma semaphore(%arg12 : memref<!tpu.dma_semaphore, #tpu.memory_space<semaphore_mem>>) src(%dma_wait3A_1101 : memref<1000000x64xf32, #tpu.memory_space<hbm>>) dst(%dma_wait3A_1093 : memref<128x64xf32, #tpu.memory_space<vmem>>)
      %dma_wait3A_1102 = arith.constant 3 : i32
      %dma_wait3A_1103 = arith.constant 728 : i32
      %dma_wait3A_1104 = arith.constant 0 : i32
      %dma_wait3A_1105 = tpu.memref_slice %arg9[%dma_wait3A_1103, %dma_wait3A_1104] : memref<800x64xf32, #tpu.memory_space<vmem>> -> memref<72x64xf32, #tpu.memory_space<vmem>>
      %dma_wait3A_1106 = arith.constant 0 : i32
      %dma_wait3A_1107 = tpu.memref_slice %arg7[%dma_wait3A_1102, %dma_wait3A_1106] : memref<4x200xi32, #tpu.memory_space<vmem>> -> memref<1x200xi32, #tpu.memory_space<vmem>>
      %dma_wait3A_1108 = tpu.memref_squeeze %dma_wait3A_1107 : memref<1x200xi32, #tpu.memory_space<vmem>> -> memref<200xi32, #tpu.memory_space<vmem>>
      %dma_wait3A_1109 = arith.constant 128 : i32
      %dma_wait3A_1110 = tpu.memref_slice %dma_wait3A_1108[%dma_wait3A_1109] : memref<200xi32, #tpu.memory_space<vmem>> -> memref<72xi32, #tpu.memory_space<vmem>>
      %dma_wait3A_1111 = arith.constant 0 : i32
      %dma_wait3A_1112 = arith.constant 0 : i32
      %dma_wait3A_1113 = tpu.memref_slice %arg2[%dma_wait3A_1111, %dma_wait3A_1112] : memref<1000000x64xf32, #tpu.memory_space<hbm>> -> memref<1000000x64xf32, #tpu.memory_space<hbm>>
      tpu.wait_indirect_dma semaphore(%arg12 : memref<!tpu.dma_semaphore, #tpu.memory_space<semaphore_mem>>) src(%dma_wait3A_1113 : memref<1000000x64xf32, #tpu.memory_space<hbm>>) dst(%dma_wait3A_1105 : memref<72x64xf32, #tpu.memory_space<vmem>>)
      %scan3A_1114 = arith.constant 0 : i32
      %scan3A_1115 = arith.constant 0 : i32
      %scan3A_1116 = arith.constant 200 : i32
      %scan3A_1117 = arith.addi %scan3A_1115, %scan3A_1116 : i32
      %scan3A_1118 = arith.constant 1 : i32
      scf.for %scan3A_1398 = %scan3A_1115 to %scan3A_1117 step %scan3A_1118  : i32 {
        %add3A_1399 = arith.constant 0 : i32
        %add3A_1400 = arith.addi %add3A_1399, %scan3A_1398 : i32
        %get3A = arith.index_cast %add3A_1400 : i32 to index
        %get3A_1401 = arith.constant 0 : index
        %get3A_1402 = tpu.vector_load %arg9[%get3A, %get3A_1401] {strides = array<i32>} : memref<800x64xf32, #tpu.memory_space<vmem>>, vector<1x16xf32>,
        %get3A_1403 = vector.shape_cast %get3A_1402 : vector<1x16xf32> to vector<16xf32>
        %get3A_1404 = arith.index_cast %scan3A_1398 : i32 to index
        %get3A_1405 = arith.constant 0 : index
        %get3A_1406 = tpu.vector_load %arg10[%get3A_1404, %get3A_1405] {strides = array<i32>} : memref<200x64xf32, #tpu.memory_space<vmem>>, vector<1x16xf32>,
        %get3A_1407 = vector.shape_cast %get3A_1406 : vector<1x16xf32> to vector<16xf32>
        %add3A_1408 = arith.addf %get3A_1403, %get3A_1407 : vector<16xf32>
        %swap3A = arith.index_cast %add3A_1400 : i32 to index
        %swap3A_1409 = arith.constant 0 : index
        %swap3A_1410 = tpu.vector_load %arg9[%swap3A, %swap3A_1409] {strides = array<i32>} : memref<800x64xf32, #tpu.memory_space<vmem>>, vector<1x16xf32>,
        %swap3A_1411 = vector.shape_cast %swap3A_1410 : vector<1x16xf32> to vector<16xf32>
        %swap3A_1412 = vector.shape_cast %add3A_1408 : vector<16xf32> to vector<1x16xf32>
        tpu.vector_store %arg9[%swap3A, %swap3A_1409], %swap3A_1412 {strides = array<i32>} : memref<800x64xf32, #tpu.memory_space<vmem>>, vector<1x16xf32>,
        %get3A_1413 = arith.index_cast %add3A_1400 : i32 to index
        %get3A_1414 = arith.constant 16 : index
        %get3A_1415 = tpu.vector_load %arg9[%get3A_1413, %get3A_1414] {strides = array<i32>} : memref<800x64xf32, #tpu.memory_space<vmem>>, vector<1x16xf32>,
        %get3A_1416 = vector.shape_cast %get3A_1415 : vector<1x16xf32> to vector<16xf32>
        %get3A_1417 = arith.index_cast %scan3A_1398 : i32 to index
        %get3A_1418 = arith.constant 16 : index
        %get3A_1419 = tpu.vector_load %arg10[%get3A_1417, %get3A_1418] {strides = array<i32>} : memref<200x64xf32, #tpu.memory_space<vmem>>, vector<1x16xf32>,
        %get3A_1420 = vector.shape_cast %get3A_1419 : vector<1x16xf32> to vector<16xf32>
        %add3A_1421 = arith.addf %get3A_1416, %get3A_1420 : vector<16xf32>
        %swap3A_1422 = arith.index_cast %add3A_1400 : i32 to index
        %swap3A_1423 = arith.constant 16 : index
        %swap3A_1424 = tpu.vector_load %arg9[%swap3A_1422, %swap3A_1423] {strides = array<i32>} : memref<800x64xf32, #tpu.memory_space<vmem>>, vector<1x16xf32>,
        %swap3A_1425 = vector.shape_cast %swap3A_1424 : vector<1x16xf32> to vector<16xf32>
        %swap3A_1426 = vector.shape_cast %add3A_1421 : vector<16xf32> to vector<1x16xf32>
        tpu.vector_store %arg9[%swap3A_1422, %swap3A_1423], %swap3A_1426 {strides = array<i32>} : memref<800x64xf32, #tpu.memory_space<vmem>>, vector<1x16xf32>,
        %get3A_1427 = arith.index_cast %add3A_1400 : i32 to index
        %get3A_1428 = arith.constant 32 : index
        %get3A_1429 = tpu.vector_load %arg9[%get3A_1427, %get3A_1428] {strides = array<i32>} : memref<800x64xf32, #tpu.memory_space<vmem>>, vector<1x16xf32>,
        %get3A_1430 = vector.shape_cast %get3A_1429 : vector<1x16xf32> to vector<16xf32>
        %get3A_1431 = arith.index_cast %scan3A_1398 : i32 to index
        %get3A_1432 = arith.constant 32 : index
        %get3A_1433 = tpu.vector_load %arg10[%get3A_1431, %get3A_1432] {strides = array<i32>} : memref<200x64xf32, #tpu.memory_space<vmem>>, vector<1x16xf32>,
        %get3A_1434 = vector.shape_cast %get3A_1433 : vector<1x16xf32> to vector<16xf32>
        %add3A_1435 = arith.addf %get3A_1430, %get3A_1434 : vector<16xf32>
        %swap3A_1436 = arith.index_cast %add3A_1400 : i32 to index
        %swap3A_1437 = arith.constant 32 : index
        %swap3A_1438 = tpu.vector_load %arg9[%swap3A_1436, %swap3A_1437] {strides = array<i32>} : memref<800x64xf32, #tpu.memory_space<vmem>>, vector<1x16xf32>,
        %swap3A_1439 = vector.shape_cast %swap3A_1438 : vector<1x16xf32> to vector<16xf32>
        %swap3A_1440 = vector.shape_cast %add3A_1435 : vector<16xf32> to vector<1x16xf32>
        tpu.vector_store %arg9[%swap3A_1436, %swap3A_1437], %swap3A_1440 {strides = array<i32>} : memref<800x64xf32, #tpu.memory_space<vmem>>, vector<1x16xf32>,
        %get3A_1441 = arith.index_cast %add3A_1400 : i32 to index
        %get3A_1442 = arith.constant 48 : index
        %get3A_1443 = tpu.vector_load %arg9[%get3A_1441, %get3A_1442] {strides = array<i32>} : memref<800x64xf32, #tpu.memory_space<vmem>>, vector<1x16xf32>,
        %get3A_1444 = vector.shape_cast %get3A_1443 : vector<1x16xf32> to vector<16xf32>
        %get3A_1445 = arith.index_cast %scan3A_1398 : i32 to index
        %get3A_1446 = arith.constant 48 : index
        %get3A_1447 = tpu.vector_load %arg10[%get3A_1445, %get3A_1446] {strides = array<i32>} : memref<200x64xf32, #tpu.memory_space<vmem>>, vector<1x16xf32>,
        %get3A_1448 = vector.shape_cast %get3A_1447 : vector<1x16xf32> to vector<16xf32>
        %add3A_1449 = arith.addf %get3A_1444, %get3A_1448 : vector<16xf32>
        %swap3A_1450 = arith.index_cast %add3A_1400 : i32 to index
        %swap3A_1451 = arith.constant 48 : index
        %swap3A_1452 = tpu.vector_load %arg9[%swap3A_1450, %swap3A_1451] {strides = array<i32>} : memref<800x64xf32, #tpu.memory_space<vmem>>, vector<1x16xf32>,
        %swap3A_1453 = vector.shape_cast %swap3A_1452 : vector<1x16xf32> to vector<16xf32>
        %swap3A_1454 = vector.shape_cast %add3A_1449 : vector<16xf32> to vector<1x16xf32>
        tpu.vector_store %arg9[%swap3A_1450, %swap3A_1451], %swap3A_1454 {strides = array<i32>} : memref<800x64xf32, #tpu.memory_space<vmem>>, vector<1x16xf32>,
        %add3A_1455 = arith.constant 200 : i32
        %add3A_1456 = arith.addi %add3A_1455, %scan3A_1398 : i32
        %get3A_1457 = arith.index_cast %add3A_1456 : i32 to index
        %get3A_1458 = arith.constant 0 : index
        %get3A_1459 = tpu.vector_load %arg9[%get3A_1457, %get3A_1458] {strides = array<i32>} : memref<800x64xf32, #tpu.memory_space<vmem>>, vector<1x16xf32>,
        %get3A_1460 = vector.shape_cast %get3A_1459 : vector<1x16xf32> to vector<16xf32>
        %get3A_1461 = arith.index_cast %scan3A_1398 : i32 to index
        %get3A_1462 = arith.constant 0 : index
        %get3A_1463 = tpu.vector_load %arg10[%get3A_1461, %get3A_1462] {strides = array<i32>} : memref<200x64xf32, #tpu.memory_space<vmem>>, vector<1x16xf32>,
        %get3A_1464 = vector.shape_cast %get3A_1463 : vector<1x16xf32> to vector<16xf32>
        %add3A_1465 = arith.addf %get3A_1460, %get3A_1464 : vector<16xf32>
        %swap3A_1466 = arith.index_cast %add3A_1456 : i32 to index
        %swap3A_1467 = arith.constant 0 : index
        %swap3A_1468 = tpu.vector_load %arg9[%swap3A_1466, %swap3A_1467] {strides = array<i32>} : memref<800x64xf32, #tpu.memory_space<vmem>>, vector<1x16xf32>,
        %swap3A_1469 = vector.shape_cast %swap3A_1468 : vector<1x16xf32> to vector<16xf32>
        %swap3A_1470 = vector.shape_cast %add3A_1465 : vector<16xf32> to vector<1x16xf32>
        tpu.vector_store %arg9[%swap3A_1466, %swap3A_1467], %swap3A_1470 {strides = array<i32>} : memref<800x64xf32, #tpu.memory_space<vmem>>, vector<1x16xf32>,
        %get3A_1471 = arith.index_cast %add3A_1456 : i32 to index
        %get3A_1472 = arith.constant 16 : index
        %get3A_1473 = tpu.vector_load %arg9[%get3A_1471, %get3A_1472] {strides = array<i32>} : memref<800x64xf32, #tpu.memory_space<vmem>>, vector<1x16xf32>,
        %get3A_1474 = vector.shape_cast %get3A_1473 : vector<1x16xf32> to vector<16xf32>
        %get3A_1475 = arith.index_cast %scan3A_1398 : i32 to index
        %get3A_1476 = arith.constant 16 : index
        %get3A_1477 = tpu.vector_load %arg10[%get3A_1475, %get3A_1476] {strides = array<i32>} : memref<200x64xf32, #tpu.memory_space<vmem>>, vector<1x16xf32>,
        %get3A_1478 = vector.shape_cast %get3A_1477 : vector<1x16xf32> to vector<16xf32>
        %add3A_1479 = arith.addf %get3A_1474, %get3A_1478 : vector<16xf32>
        %swap3A_1480 = arith.index_cast %add3A_1456 : i32 to index
        %swap3A_1481 = arith.constant 16 : index
        %swap3A_1482 = tpu.vector_load %arg9[%swap3A_1480, %swap3A_1481] {strides = array<i32>} : memref<800x64xf32, #tpu.memory_space<vmem>>, vector<1x16xf32>,
        %swap3A_1483 = vector.shape_cast %swap3A_1482 : vector<1x16xf32> to vector<16xf32>
        %swap3A_1484 = vector.shape_cast %add3A_1479 : vector<16xf32> to vector<1x16xf32>
        tpu.vector_store %arg9[%swap3A_1480, %swap3A_1481], %swap3A_1484 {strides = array<i32>} : memref<800x64xf32, #tpu.memory_space<vmem>>, vector<1x16xf32>,
        %get3A_1485 = arith.index_cast %add3A_1456 : i32 to index
        %get3A_1486 = arith.constant 32 : index
        %get3A_1487 = tpu.vector_load %arg9[%get3A_1485, %get3A_1486] {strides = array<i32>} : memref<800x64xf32, #tpu.memory_space<vmem>>, vector<1x16xf32>,
        %get3A_1488 = vector.shape_cast %get3A_1487 : vector<1x16xf32> to vector<16xf32>
        %get3A_1489 = arith.index_cast %scan3A_1398 : i32 to index
        %get3A_1490 = arith.constant 32 : index
        %get3A_1491 = tpu.vector_load %arg10[%get3A_1489, %get3A_1490] {strides = array<i32>} : memref<200x64xf32, #tpu.memory_space<vmem>>, vector<1x16xf32>,
        %get3A_1492 = vector.shape_cast %get3A_1491 : vector<1x16xf32> to vector<16xf32>
        %add3A_1493 = arith.addf %get3A_1488, %get3A_1492 : vector<16xf32>
        %swap3A_1494 = arith.index_cast %add3A_1456 : i32 to index
        %swap3A_1495 = arith.constant 32 : index
        %swap3A_1496 = tpu.vector_load %arg9[%swap3A_1494, %swap3A_1495] {strides = array<i32>} : memref<800x64xf32, #tpu.memory_space<vmem>>, vector<1x16xf32>,
        %swap3A_1497 = vector.shape_cast %swap3A_1496 : vector<1x16xf32> to vector<16xf32>
        %swap3A_1498 = vector.shape_cast %add3A_1493 : vector<16xf32> to vector<1x16xf32>
        tpu.vector_store %arg9[%swap3A_1494, %swap3A_1495], %swap3A_1498 {strides = array<i32>} : memref<800x64xf32, #tpu.memory_space<vmem>>, vector<1x16xf32>,
        %get3A_1499 = arith.index_cast %add3A_1456 : i32 to index
        %get3A_1500 = arith.constant 48 : index
        %get3A_1501 = tpu.vector_load %arg9[%get3A_1499, %get3A_1500] {strides = array<i32>} : memref<800x64xf32, #tpu.memory_space<vmem>>, vector<1x16xf32>,
        %get3A_1502 = vector.shape_cast %get3A_1501 : vector<1x16xf32> to vector<16xf32>
        %get3A_1503 = arith.index_cast %scan3A_1398 : i32 to index
        %get3A_1504 = arith.constant 48 : index
        %get3A_1505 = tpu.vector_load %arg10[%get3A_1503, %get3A_1504] {strides = array<i32>} : memref<200x64xf32, #tpu.memory_space<vmem>>, vector<1x16xf32>,
        %get3A_1506 = vector.shape_cast %get3A_1505 : vector<1x16xf32> to vector<16xf32>
        %add3A_1507 = arith.addf %get3A_1502, %get3A_1506 : vector<16xf32>
        %swap3A_1508 = arith.index_cast %add3A_1456 : i32 to index
        %swap3A_1509 = arith.constant 48 : index
        %swap3A_1510 = tpu.vector_load %arg9[%swap3A_1508, %swap3A_1509] {strides = array<i32>} : memref<800x64xf32, #tpu.memory_space<vmem>>, vector<1x16xf32>,
        %swap3A_1511 = vector.shape_cast %swap3A_1510 : vector<1x16xf32> to vector<16xf32>
        %swap3A_1512 = vector.shape_cast %add3A_1507 : vector<16xf32> to vector<1x16xf32>
        tpu.vector_store %arg9[%swap3A_1508, %swap3A_1509], %swap3A_1512 {strides = array<i32>} : memref<800x64xf32, #tpu.memory_space<vmem>>, vector<1x16xf32>,
        %add3A_1513 = arith.constant 400 : i32
        %add3A_1514 = arith.addi %add3A_1513, %scan3A_1398 : i32
        %get3A_1515 = arith.index_cast %add3A_1514 : i32 to index
        %get3A_1516 = arith.constant 0 : index
        %get3A_1517 = tpu.vector_load %arg9[%get3A_1515, %get3A_1516] {strides = array<i32>} : memref<800x64xf32, #tpu.memory_space<vmem>>, vector<1x16xf32>,
        %get3A_1518 = vector.shape_cast %get3A_1517 : vector<1x16xf32> to vector<16xf32>
        %get3A_1519 = arith.index_cast %scan3A_1398 : i32 to index
        %get3A_1520 = arith.constant 0 : index
        %get3A_1521 = tpu.vector_load %arg10[%get3A_1519, %get3A_1520] {strides = array<i32>} : memref<200x64xf32, #tpu.memory_space<vmem>>, vector<1x16xf32>,
        %get3A_1522 = vector.shape_cast %get3A_1521 : vector<1x16xf32> to vector<16xf32>
        %add3A_1523 = arith.addf %get3A_1518, %get3A_1522 : vector<16xf32>
        %swap3A_1524 = arith.index_cast %add3A_1514 : i32 to index
        %swap3A_1525 = arith.constant 0 : index
        %swap3A_1526 = tpu.vector_load %arg9[%swap3A_1524, %swap3A_1525] {strides = array<i32>} : memref<800x64xf32, #tpu.memory_space<vmem>>, vector<1x16xf32>,
        %swap3A_1527 = vector.shape_cast %swap3A_1526 : vector<1x16xf32> to vector<16xf32>
        %swap3A_1528 = vector.shape_cast %add3A_1523 : vector<16xf32> to vector<1x16xf32>
        tpu.vector_store %arg9[%swap3A_1524, %swap3A_1525], %swap3A_1528 {strides = array<i32>} : memref<800x64xf32, #tpu.memory_space<vmem>>, vector<1x16xf32>,
        %get3A_1529 = arith.index_cast %add3A_1514 : i32 to index
        %get3A_1530 = arith.constant 16 : index
        %get3A_1531 = tpu.vector_load %arg9[%get3A_1529, %get3A_1530] {strides = array<i32>} : memref<800x64xf32, #tpu.memory_space<vmem>>, vector<1x16xf32>,
        %get3A_1532 = vector.shape_cast %get3A_1531 : vector<1x16xf32> to vector<16xf32>
        %get3A_1533 = arith.index_cast %scan3A_1398 : i32 to index
        %get3A_1534 = arith.constant 16 : index
        %get3A_1535 = tpu.vector_load %arg10[%get3A_1533, %get3A_1534] {strides = array<i32>} : memref<200x64xf32, #tpu.memory_space<vmem>>, vector<1x16xf32>,
        %get3A_1536 = vector.shape_cast %get3A_1535 : vector<1x16xf32> to vector<16xf32>
        %add3A_1537 = arith.addf %get3A_1532, %get3A_1536 : vector<16xf32>
        %swap3A_1538 = arith.index_cast %add3A_1514 : i32 to index
        %swap3A_1539 = arith.constant 16 : index
        %swap3A_1540 = tpu.vector_load %arg9[%swap3A_1538, %swap3A_1539] {strides = array<i32>} : memref<800x64xf32, #tpu.memory_space<vmem>>, vector<1x16xf32>,
        %swap3A_1541 = vector.shape_cast %swap3A_1540 : vector<1x16xf32> to vector<16xf32>
        %swap3A_1542 = vector.shape_cast %add3A_1537 : vector<16xf32> to vector<1x16xf32>
        tpu.vector_store %arg9[%swap3A_1538, %swap3A_1539], %swap3A_1542 {strides = array<i32>} : memref<800x64xf32, #tpu.memory_space<vmem>>, vector<1x16xf32>,
        %get3A_1543 = arith.index_cast %add3A_1514 : i32 to index
        %get3A_1544 = arith.constant 32 : index
        %get3A_1545 = tpu.vector_load %arg9[%get3A_1543, %get3A_1544] {strides = array<i32>} : memref<800x64xf32, #tpu.memory_space<vmem>>, vector<1x16xf32>,
        %get3A_1546 = vector.shape_cast %get3A_1545 : vector<1x16xf32> to vector<16xf32>
        %get3A_1547 = arith.index_cast %scan3A_1398 : i32 to index
        %get3A_1548 = arith.constant 32 : index
        %get3A_1549 = tpu.vector_load %arg10[%get3A_1547, %get3A_1548] {strides = array<i32>} : memref<200x64xf32, #tpu.memory_space<vmem>>, vector<1x16xf32>,
        %get3A_1550 = vector.shape_cast %get3A_1549 : vector<1x16xf32> to vector<16xf32>
        %add3A_1551 = arith.addf %get3A_1546, %get3A_1550 : vector<16xf32>
        %swap3A_1552 = arith.index_cast %add3A_1514 : i32 to index
        %swap3A_1553 = arith.constant 32 : index
        %swap3A_1554 = tpu.vector_load %arg9[%swap3A_1552, %swap3A_1553] {strides = array<i32>} : memref<800x64xf32, #tpu.memory_space<vmem>>, vector<1x16xf32>,
        %swap3A_1555 = vector.shape_cast %swap3A_1554 : vector<1x16xf32> to vector<16xf32>
        %swap3A_1556 = vector.shape_cast %add3A_1551 : vector<16xf32> to vector<1x16xf32>
        tpu.vector_store %arg9[%swap3A_1552, %swap3A_1553], %swap3A_1556 {strides = array<i32>} : memref<800x64xf32, #tpu.memory_space<vmem>>, vector<1x16xf32>,
        %get3A_1557 = arith.index_cast %add3A_1514 : i32 to index
        %get3A_1558 = arith.constant 48 : index
        %get3A_1559 = tpu.vector_load %arg9[%get3A_1557, %get3A_1558] {strides = array<i32>} : memref<800x64xf32, #tpu.memory_space<vmem>>, vector<1x16xf32>,
        %get3A_1560 = vector.shape_cast %get3A_1559 : vector<1x16xf32> to vector<16xf32>
        %get3A_1561 = arith.index_cast %scan3A_1398 : i32 to index
        %get3A_1562 = arith.constant 48 : index
        %get3A_1563 = tpu.vector_load %arg10[%get3A_1561, %get3A_1562] {strides = array<i32>} : memref<200x64xf32, #tpu.memory_space<vmem>>, vector<1x16xf32>,
        %get3A_1564 = vector.shape_cast %get3A_1563 : vector<1x16xf32> to vector<16xf32>
        %add3A_1565 = arith.addf %get3A_1560, %get3A_1564 : vector<16xf32>
        %swap3A_1566 = arith.index_cast %add3A_1514 : i32 to index
        %swap3A_1567 = arith.constant 48 : index
        %swap3A_1568 = tpu.vector_load %arg9[%swap3A_1566, %swap3A_1567] {strides = array<i32>} : memref<800x64xf32, #tpu.memory_space<vmem>>, vector<1x16xf32>,
        %swap3A_1569 = vector.shape_cast %swap3A_1568 : vector<1x16xf32> to vector<16xf32>
        %swap3A_1570 = vector.shape_cast %add3A_1565 : vector<16xf32> to vector<1x16xf32>
        tpu.vector_store %arg9[%swap3A_1566, %swap3A_1567], %swap3A_1570 {strides = array<i32>} : memref<800x64xf32, #tpu.memory_space<vmem>>, vector<1x16xf32>,
        %add3A_1571 = arith.constant 600 : i32
        %add3A_1572 = arith.addi %add3A_1571, %scan3A_1398 : i32
        %get3A_1573 = arith.index_cast %add3A_1572 : i32 to index
        %get3A_1574 = arith.constant 0 : index
        %get3A_1575 = tpu.vector_load %arg9[%get3A_1573, %get3A_1574] {strides = array<i32>} : memref<800x64xf32, #tpu.memory_space<vmem>>, vector<1x16xf32>,
        %get3A_1576 = vector.shape_cast %get3A_1575 : vector<1x16xf32> to vector<16xf32>
        %get3A_1577 = arith.index_cast %scan3A_1398 : i32 to index
        %get3A_1578 = arith.constant 0 : index
        %get3A_1579 = tpu.vector_load %arg10[%get3A_1577, %get3A_1578] {strides = array<i32>} : memref<200x64xf32, #tpu.memory_space<vmem>>, vector<1x16xf32>,
        %get3A_1580 = vector.shape_cast %get3A_1579 : vector<1x16xf32> to vector<16xf32>
        %add3A_1581 = arith.addf %get3A_1576, %get3A_1580 : vector<16xf32>
        %swap3A_1582 = arith.index_cast %add3A_1572 : i32 to index
        %swap3A_1583 = arith.constant 0 : index
        %swap3A_1584 = tpu.vector_load %arg9[%swap3A_1582, %swap3A_1583] {strides = array<i32>} : memref<800x64xf32, #tpu.memory_space<vmem>>, vector<1x16xf32>,
        %swap3A_1585 = vector.shape_cast %swap3A_1584 : vector<1x16xf32> to vector<16xf32>
        %swap3A_1586 = vector.shape_cast %add3A_1581 : vector<16xf32> to vector<1x16xf32>
        tpu.vector_store %arg9[%swap3A_1582, %swap3A_1583], %swap3A_1586 {strides = array<i32>} : memref<800x64xf32, #tpu.memory_space<vmem>>, vector<1x16xf32>,
        %get3A_1587 = arith.index_cast %add3A_1572 : i32 to index
        %get3A_1588 = arith.constant 16 : index
        %get3A_1589 = tpu.vector_load %arg9[%get3A_1587, %get3A_1588] {strides = array<i32>} : memref<800x64xf32, #tpu.memory_space<vmem>>, vector<1x16xf32>,
        %get3A_1590 = vector.shape_cast %get3A_1589 : vector<1x16xf32> to vector<16xf32>
        %get3A_1591 = arith.index_cast %scan3A_1398 : i32 to index
        %get3A_1592 = arith.constant 16 : index
        %get3A_1593 = tpu.vector_load %arg10[%get3A_1591, %get3A_1592] {strides = array<i32>} : memref<200x64xf32, #tpu.memory_space<vmem>>, vector<1x16xf32>,
        %get3A_1594 = vector.shape_cast %get3A_1593 : vector<1x16xf32> to vector<16xf32>
        %add3A_1595 = arith.addf %get3A_1590, %get3A_1594 : vector<16xf32>
        %swap3A_1596 = arith.index_cast %add3A_1572 : i32 to index
        %swap3A_1597 = arith.constant 16 : index
        %swap3A_1598 = tpu.vector_load %arg9[%swap3A_1596, %swap3A_1597] {strides = array<i32>} : memref<800x64xf32, #tpu.memory_space<vmem>>, vector<1x16xf32>,
        %swap3A_1599 = vector.shape_cast %swap3A_1598 : vector<1x16xf32> to vector<16xf32>
        %swap3A_1600 = vector.shape_cast %add3A_1595 : vector<16xf32> to vector<1x16xf32>
        tpu.vector_store %arg9[%swap3A_1596, %swap3A_1597], %swap3A_1600 {strides = array<i32>} : memref<800x64xf32, #tpu.memory_space<vmem>>, vector<1x16xf32>,
        %get3A_1601 = arith.index_cast %add3A_1572 : i32 to index
        %get3A_1602 = arith.constant 32 : index
        %get3A_1603 = tpu.vector_load %arg9[%get3A_1601, %get3A_1602] {strides = array<i32>} : memref<800x64xf32, #tpu.memory_space<vmem>>, vector<1x16xf32>,
        %get3A_1604 = vector.shape_cast %get3A_1603 : vector<1x16xf32> to vector<16xf32>
        %get3A_1605 = arith.index_cast %scan3A_1398 : i32 to index
        %get3A_1606 = arith.constant 32 : index
        %get3A_1607 = tpu.vector_load %arg10[%get3A_1605, %get3A_1606] {strides = array<i32>} : memref<200x64xf32, #tpu.memory_space<vmem>>, vector<1x16xf32>,
        %get3A_1608 = vector.shape_cast %get3A_1607 : vector<1x16xf32> to vector<16xf32>
        %add3A_1609 = arith.addf %get3A_1604, %get3A_1608 : vector<16xf32>
        %swap3A_1610 = arith.index_cast %add3A_1572 : i32 to index
        %swap3A_1611 = arith.constant 32 : index
        %swap3A_1612 = tpu.vector_load %arg9[%swap3A_1610, %swap3A_1611] {strides = array<i32>} : memref<800x64xf32, #tpu.memory_space<vmem>>, vector<1x16xf32>,
        %swap3A_1613 = vector.shape_cast %swap3A_1612 : vector<1x16xf32> to vector<16xf32>
        %swap3A_1614 = vector.shape_cast %add3A_1609 : vector<16xf32> to vector<1x16xf32>
        tpu.vector_store %arg9[%swap3A_1610, %swap3A_1611], %swap3A_1614 {strides = array<i32>} : memref<800x64xf32, #tpu.memory_space<vmem>>, vector<1x16xf32>,
        %get3A_1615 = arith.index_cast %add3A_1572 : i32 to index
        %get3A_1616 = arith.constant 48 : index
        %get3A_1617 = tpu.vector_load %arg9[%get3A_1615, %get3A_1616] {strides = array<i32>} : memref<800x64xf32, #tpu.memory_space<vmem>>, vector<1x16xf32>,
        %get3A_1618 = vector.shape_cast %get3A_1617 : vector<1x16xf32> to vector<16xf32>
        %get3A_1619 = arith.index_cast %scan3A_1398 : i32 to index
        %get3A_1620 = arith.constant 48 : index
        %get3A_1621 = tpu.vector_load %arg10[%get3A_1619, %get3A_1620] {strides = array<i32>} : memref<200x64xf32, #tpu.memory_space<vmem>>, vector<1x16xf32>,
        %get3A_1622 = vector.shape_cast %get3A_1621 : vector<1x16xf32> to vector<16xf32>
        %add3A_1623 = arith.addf %get3A_1618, %get3A_1622 : vector<16xf32>
        %swap3A_1624 = arith.index_cast %add3A_1572 : i32 to index
        %swap3A_1625 = arith.constant 48 : index
        %swap3A_1626 = tpu.vector_load %arg9[%swap3A_1624, %swap3A_1625] {strides = array<i32>} : memref<800x64xf32, #tpu.memory_space<vmem>>, vector<1x16xf32>,
        %swap3A_1627 = vector.shape_cast %swap3A_1626 : vector<1x16xf32> to vector<16xf32>
        %swap3A_1628 = vector.shape_cast %add3A_1623 : vector<16xf32> to vector<1x16xf32>
        tpu.vector_store %arg9[%swap3A_1624, %swap3A_1625], %swap3A_1628 {strides = array<i32>} : memref<800x64xf32, #tpu.memory_space<vmem>>, vector<1x16xf32>,
      }
      %scan3A_1119 = arith.constant 200 : i32
      %add3A_1120 = arith.constant 1 : i32
      %add3A_1121 = arith.addi %mul3A_908, %add3A_1120 : i32
      %mul3A_1122 = arith.constant 800 : i32
      %mul3A_1123 = arith.muli %add3A_1121, %mul3A_1122 : i32
      %add3A_1124 = arith.addi %mul3A_2, %mul3A_1123 : i32
      %dma_start3A_1125 = arith.constant 0 : i32
      %dma_start3A_1126 = tpu.memref_slice %arg5[%add3A_1124, %dma_start3A_1125] : memref<819200x64xf32, #tpu.memory_space<hbm>> -> memref<800x64xf32, #tpu.memory_space<hbm>>
      %dma_start3A_1127 = arith.constant 0 : i32
      %dma_start3A_1128 = tpu.memref_slice %arg5[%add3A_1124, %dma_start3A_1127] : memref<819200x64xf32, #tpu.memory_space<hbm>> -> memref<800x64xf32, #tpu.memory_space<hbm>>
      tpu.enqueue_dma source(%arg9 : memref<800x64xf32, #tpu.memory_space<vmem>>) target(%dma_start3A_1128 : memref<800x64xf32, #tpu.memory_space<hbm>>) target_semaphore(%arg14 : memref<!tpu.dma_semaphore, #tpu.memory_space<semaphore_mem>>)
      %mul3A_1129 = arith.constant 800 : i32
      %mul3A_1130 = arith.muli %mul3A_908, %mul3A_1129 : i32
      %add3A_1131 = arith.addi %mul3A_2, %mul3A_1130 : i32
      %dma_wait3A_1132 = arith.constant 0 : i32
      %dma_wait3A_1133 = tpu.memref_slice %arg5[%add3A_1131, %dma_wait3A_1132] : memref<819200x64xf32, #tpu.memory_space<hbm>> -> memref<800x64xf32, #tpu.memory_space<hbm>>
      %dma_wait3A_1134 = arith.constant 0 : i32
      %dma_wait3A_1135 = tpu.memref_slice %arg5[%add3A_1131, %dma_wait3A_1134] : memref<819200x64xf32, #tpu.memory_space<hbm>> -> memref<800x64xf32, #tpu.memory_space<hbm>>
      tpu.wait_dma2 semaphore(%arg13 : memref<!tpu.dma_semaphore, #tpu.memory_space<semaphore_mem>>) src(%arg8 : memref<800x64xf32, #tpu.memory_space<vmem>>) dst(%dma_wait3A_1135 : memref<800x64xf32, #tpu.memory_space<hbm>>)
      %add3A_1136 = arith.constant 2 : i32
      %add3A_1137 = arith.addi %mul3A_908, %add3A_1136 : i32
      %min3A = arith.constant 31 : i32
      %min3A_1138 = arith.minsi %add3A_1137, %min3A : i32
      %jit3A_1139 = arith.constant 200 : i32
      %div3A_1140 = arith.divsi %mul3A_2, %jit3A_1139 : i32
      %sign3A_1141 = arith.constant 0 : i32
      %sign3A_1142 = arith.cmpi sgt, %mul3A_2, %sign3A_1141 : i32
      %sign3A_1143 = arith.extui %sign3A_1142 : i1 to i32
      %sign3A_1144 = arith.constant 0 : i32
      %sign3A_1145 = arith.cmpi slt, %mul3A_2, %sign3A_1144 : i32
      %sign3A_1146 = arith.extui %sign3A_1145 : i1 to i32
      %sign3A_1147 = arith.subi %sign3A_1143, %sign3A_1146 : i32
      %sign3A_1148 = arith.constant 0 : i32
      %sign3A_1149 = arith.cmpi sgt, %jit3A_1139, %sign3A_1148 : i32
      %sign3A_1150 = arith.extui %sign3A_1149 : i1 to i32
      %sign3A_1151 = arith.constant 0 : i32
      %sign3A_1152 = arith.cmpi slt, %jit3A_1139, %sign3A_1151 : i32
      %sign3A_1153 = arith.extui %sign3A_1152 : i1 to i32
      %sign3A_1154 = arith.subi %sign3A_1150, %sign3A_1153 : i32
      %ne3A_1155 = arith.cmpi ne, %sign3A_1147, %sign3A_1154 : i32
      %rem3A_1156 = arith.remsi %mul3A_2, %jit3A_1139 : i32
      %ne3A_1157 = arith.constant 0 : i32
      %ne3A_1158 = arith.cmpi ne, %rem3A_1156, %ne3A_1157 : i32
      %and3A_1159 = arith.andi %ne3A_1155, %ne3A_1158 : i1
      %sub3A_1160 = arith.constant 1 : i32
      %sub3A_1161 = arith.subi %div3A_1140, %sub3A_1160 : i32
      %select_n3A_1162 = arith.select %and3A_1159, %sub3A_1161, %div3A_1140 : i32
      %mul3A_1163 = arith.constant 4 : i32
      %mul3A_1164 = arith.muli %min3A_1138, %mul3A_1163 : i32
      %add3A_1165 = arith.addi %select_n3A_1162, %mul3A_1164 : i32
      "tpu.region"() ({
        %run_scoped3A = tpu.sem_alloc : memref<!tpu.dma_semaphore, #tpu.memory_space<semaphore_mem>>
        %dma_start3A_1398 = arith.constant 0 : i32
        %dma_start3A_1399 = tpu.memref_slice %arg3[%add3A_1165, %dma_start3A_1398] : memref<4096x200xi32, #tpu.memory_space<hbm>> -> memref<4x200xi32, #tpu.memory_space<hbm>>
        %dma_start3A_1400 = arith.constant 0 : i32
        %dma_start3A_1401 = tpu.memref_slice %arg3[%add3A_1165, %dma_start3A_1400] : memref<4096x200xi32, #tpu.memory_space<hbm>> -> memref<4x200xi32, #tpu.memory_space<hbm>>
        tpu.enqueue_dma source(%dma_start3A_1401 : memref<4x200xi32, #tpu.memory_space<hbm>>) target(%arg6 : memref<4x200xi32, #tpu.memory_space<vmem>>) target_semaphore(%run_scoped3A : memref<!tpu.dma_semaphore, #tpu.memory_space<semaphore_mem>>)
        %dma_wait3A_1402 = arith.constant 0 : i32
        %dma_wait3A_1403 = tpu.memref_slice %arg3[%add3A_1165, %dma_wait3A_1402] : memref<4096x200xi32, #tpu.memory_space<hbm>> -> memref<4x200xi32, #tpu.memory_space<hbm>>
        %dma_wait3A_1404 = arith.constant 0 : i32
        %dma_wait3A_1405 = tpu.memref_slice %arg3[%add3A_1165, %dma_wait3A_1404] : memref<4096x200xi32, #tpu.memory_space<hbm>> -> memref<4x200xi32, #tpu.memory_space<hbm>>
        tpu.wait_dma2 semaphore(%run_scoped3A : memref<!tpu.dma_semaphore, #tpu.memory_space<semaphore_mem>>) src(%dma_wait3A_1405 : memref<4x200xi32, #tpu.memory_space<hbm>>) dst(%arg6 : memref<4x200xi32, #tpu.memory_space<vmem>>)
        tpu.yield
      }) : () -> ()
      %dma_start3A_1166 = arith.constant 0 : i32
      %dma_start3A_1167 = arith.constant 0 : i32
      %dma_start3A_1168 = arith.constant 0 : i32
      %dma_start3A_1169 = tpu.memref_slice %arg8[%dma_start3A_1167, %dma_start3A_1168] : memref<800x64xf32, #tpu.memory_space<vmem>> -> memref<128x64xf32, #tpu.memory_space<vmem>>
      %dma_start3A_1170 = arith.constant 0 : i32
      %dma_start3A_1171 = tpu.memref_slice %arg6[%dma_start3A_1166, %dma_start3A_1170] : memref<4x200xi32, #tpu.memory_space<vmem>> -> memref<1x200xi32, #tpu.memory_space<vmem>>
      %dma_start3A_1172 = tpu.memref_squeeze %dma_start3A_1171 : memref<1x200xi32, #tpu.memory_space<vmem>> -> memref<200xi32, #tpu.memory_space<vmem>>
      %dma_start3A_1173 = arith.constant 0 : i32
      %dma_start3A_1174 = tpu.memref_slice %dma_start3A_1172[%dma_start3A_1173] : memref<200xi32, #tpu.memory_space<vmem>> -> memref<128xi32, #tpu.memory_space<vmem>>
      %dma_start3A_1175 = arith.constant 0 : i32
      %dma_start3A_1176 = arith.constant 0 : i32
      %dma_start3A_1177 = tpu.memref_slice %arg2[%dma_start3A_1175, %dma_start3A_1176] : memref<1000000x64xf32, #tpu.memory_space<hbm>> -> memref<1000000x64xf32, #tpu.memory_space<hbm>>
      tpu.enqueue_indirect_dma source(%dma_start3A_1177 : memref<1000000x64xf32, #tpu.memory_space<hbm>>) target(%dma_start3A_1169 : memref<128x64xf32, #tpu.memory_space<vmem>>) offsets(%dma_start3A_1174 : memref<128xi32, #tpu.memory_space<vmem>>) semaphore(%arg11 : memref<!tpu.dma_semaphore, #tpu.memory_space<semaphore_mem>>)
      %dma_start3A_1178 = arith.constant 0 : i32
      %dma_start3A_1179 = arith.constant 128 : i32
      %dma_start3A_1180 = arith.constant 0 : i32
      %dma_start3A_1181 = tpu.memref_slice %arg8[%dma_start3A_1179, %dma_start3A_1180] : memref<800x64xf32, #tpu.memory_space<vmem>> -> memref<72x64xf32, #tpu.memory_space<vmem>>
      %dma_start3A_1182 = arith.constant 0 : i32
      %dma_start3A_1183 = tpu.memref_slice %arg6[%dma_start3A_1178, %dma_start3A_1182] : memref<4x200xi32, #tpu.memory_space<vmem>> -> memref<1x200xi32, #tpu.memory_space<vmem>>
      %dma_start3A_1184 = tpu.memref_squeeze %dma_start3A_1183 : memref<1x200xi32, #tpu.memory_space<vmem>> -> memref<200xi32, #tpu.memory_space<vmem>>
      %dma_start3A_1185 = arith.constant 128 : i32
      %dma_start3A_1186 = tpu.memref_slice %dma_start3A_1184[%dma_start3A_1185] : memref<200xi32, #tpu.memory_space<vmem>> -> memref<72xi32, #tpu.memory_space<vmem>>
      %dma_start3A_1187 = arith.constant 0 : i32
      %dma_start3A_1188 = arith.constant 0 : i32
      %dma_start3A_1189 = tpu.memref_slice %arg2[%dma_start3A_1187, %dma_start3A_1188] : memref<1000000x64xf32, #tpu.memory_space<hbm>> -> memref<1000000x64xf32, #tpu.memory_space<hbm>>
      tpu.enqueue_indirect_dma source(%dma_start3A_1189 : memref<1000000x64xf32, #tpu.memory_space<hbm>>) target(%dma_start3A_1181 : memref<72x64xf32, #tpu.memory_space<vmem>>) offsets(%dma_start3A_1186 : memref<72xi32, #tpu.memory_space<vmem>>) semaphore(%arg11 : memref<!tpu.dma_semaphore, #tpu.memory_space<semaphore_mem>>)
      %dma_start3A_1190 = arith.constant 1 : i32
      %dma_start3A_1191 = arith.constant 200 : i32
      %dma_start3A_1192 = arith.constant 0 : i32
      %dma_start3A_1193 = tpu.memref_slice %arg8[%dma_start3A_1191, %dma_start3A_1192] : memref<800x64xf32, #tpu.memory_space<vmem>> -> memref<128x64xf32, #tpu.memory_space<vmem>>
      %dma_start3A_1194 = arith.constant 0 : i32
      %dma_start3A_1195 = tpu.memref_slice %arg6[%dma_start3A_1190, %dma_start3A_1194] : memref<4x200xi32, #tpu.memory_space<vmem>> -> memref<1x200xi32, #tpu.memory_space<vmem>>
      %dma_start3A_1196 = tpu.memref_squeeze %dma_start3A_1195 : memref<1x200xi32, #tpu.memory_space<vmem>> -> memref<200xi32, #tpu.memory_space<vmem>>
      %dma_start3A_1197 = arith.constant 0 : i32
      %dma_start3A_1198 = tpu.memref_slice %dma_start3A_1196[%dma_start3A_1197] : memref<200xi32, #tpu.memory_space<vmem>> -> memref<128xi32, #tpu.memory_space<vmem>>
      %dma_start3A_1199 = arith.constant 0 : i32
      %dma_start3A_1200 = arith.constant 0 : i32
      %dma_start3A_1201 = tpu.memref_slice %arg2[%dma_start3A_1199, %dma_start3A_1200] : memref<1000000x64xf32, #tpu.memory_space<hbm>> -> memref<1000000x64xf32, #tpu.memory_space<hbm>>
      tpu.enqueue_indirect_dma source(%dma_start3A_1201 : memref<1000000x64xf32, #tpu.memory_space<hbm>>) target(%dma_start3A_1193 : memref<128x64xf32, #tpu.memory_space<vmem>>) offsets(%dma_start3A_1198 : memref<128xi32, #tpu.memory_space<vmem>>) semaphore(%arg11 : memref<!tpu.dma_semaphore, #tpu.memory_space<semaphore_mem>>)
      %dma_start3A_1202 = arith.constant 1 : i32
      %dma_start3A_1203 = arith.constant 328 : i32
      %dma_start3A_1204 = arith.constant 0 : i32
      %dma_start3A_1205 = tpu.memref_slice %arg8[%dma_start3A_1203, %dma_start3A_1204] : memref<800x64xf32, #tpu.memory_space<vmem>> -> memref<72x64xf32, #tpu.memory_space<vmem>>
      %dma_start3A_1206 = arith.constant 0 : i32
      %dma_start3A_1207 = tpu.memref_slice %arg6[%dma_start3A_1202, %dma_start3A_1206] : memref<4x200xi32, #tpu.memory_space<vmem>> -> memref<1x200xi32, #tpu.memory_space<vmem>>
      %dma_start3A_1208 = tpu.memref_squeeze %dma_start3A_1207 : memref<1x200xi32, #tpu.memory_space<vmem>> -> memref<200xi32, #tpu.memory_space<vmem>>
      %dma_start3A_1209 = arith.constant 128 : i32
      %dma_start3A_1210 = tpu.memref_slice %dma_start3A_1208[%dma_start3A_1209] : memref<200xi32, #tpu.memory_space<vmem>> -> memref<72xi32, #tpu.memory_space<vmem>>
      %dma_start3A_1211 = arith.constant 0 : i32
      %dma_start3A_1212 = arith.constant 0 : i32
      %dma_start3A_1213 = tpu.memref_slice %arg2[%dma_start3A_1211, %dma_start3A_1212] : memref<1000000x64xf32, #tpu.memory_space<hbm>> -> memref<1000000x64xf32, #tpu.memory_space<hbm>>
      tpu.enqueue_indirect_dma source(%dma_start3A_1213 : memref<1000000x64xf32, #tpu.memory_space<hbm>>) target(%dma_start3A_1205 : memref<72x64xf32, #tpu.memory_space<vmem>>) offsets(%dma_start3A_1210 : memref<72xi32, #tpu.memory_space<vmem>>) semaphore(%arg11 : memref<!tpu.dma_semaphore, #tpu.memory_space<semaphore_mem>>)
      %dma_start3A_1214 = arith.constant 2 : i32
      %dma_start3A_1215 = arith.constant 400 : i32
      %dma_start3A_1216 = arith.constant 0 : i32
      %dma_start3A_1217 = tpu.memref_slice %arg8[%dma_start3A_1215, %dma_start3A_1216] : memref<800x64xf32, #tpu.memory_space<vmem>> -> memref<128x64xf32, #tpu.memory_space<vmem>>
      %dma_start3A_1218 = arith.constant 0 : i32
      %dma_start3A_1219 = tpu.memref_slice %arg6[%dma_start3A_1214, %dma_start3A_1218] : memref<4x200xi32, #tpu.memory_space<vmem>> -> memref<1x200xi32, #tpu.memory_space<vmem>>
      %dma_start3A_1220 = tpu.memref_squeeze %dma_start3A_1219 : memref<1x200xi32, #tpu.memory_space<vmem>> -> memref<200xi32, #tpu.memory_space<vmem>>
      %dma_start3A_1221 = arith.constant 0 : i32
      %dma_start3A_1222 = tpu.memref_slice %dma_start3A_1220[%dma_start3A_1221] : memref<200xi32, #tpu.memory_space<vmem>> -> memref<128xi32, #tpu.memory_space<vmem>>
      %dma_start3A_1223 = arith.constant 0 : i32
      %dma_start3A_1224 = arith.constant 0 : i32
      %dma_start3A_1225 = tpu.memref_slice %arg2[%dma_start3A_1223, %dma_start3A_1224] : memref<1000000x64xf32, #tpu.memory_space<hbm>> -> memref<1000000x64xf32, #tpu.memory_space<hbm>>
      tpu.enqueue_indirect_dma source(%dma_start3A_1225 : memref<1000000x64xf32, #tpu.memory_space<hbm>>) target(%dma_start3A_1217 : memref<128x64xf32, #tpu.memory_space<vmem>>) offsets(%dma_start3A_1222 : memref<128xi32, #tpu.memory_space<vmem>>) semaphore(%arg11 : memref<!tpu.dma_semaphore, #tpu.memory_space<semaphore_mem>>)
      %dma_start3A_1226 = arith.constant 2 : i32
      %dma_start3A_1227 = arith.constant 528 : i32
      %dma_start3A_1228 = arith.constant 0 : i32
      %dma_start3A_1229 = tpu.memref_slice %arg8[%dma_start3A_1227, %dma_start3A_1228] : memref<800x64xf32, #tpu.memory_space<vmem>> -> memref<72x64xf32, #tpu.memory_space<vmem>>
      %dma_start3A_1230 = arith.constant 0 : i32
      %dma_start3A_1231 = tpu.memref_slice %arg6[%dma_start3A_1226, %dma_start3A_1230] : memref<4x200xi32, #tpu.memory_space<vmem>> -> memref<1x200xi32, #tpu.memory_space<vmem>>
      %dma_start3A_1232 = tpu.memref_squeeze %dma_start3A_1231 : memref<1x200xi32, #tpu.memory_space<vmem>> -> memref<200xi32, #tpu.memory_space<vmem>>
      %dma_start3A_1233 = arith.constant 128 : i32
      %dma_start3A_1234 = tpu.memref_slice %dma_start3A_1232[%dma_start3A_1233] : memref<200xi32, #tpu.memory_space<vmem>> -> memref<72xi32, #tpu.memory_space<vmem>>
      %dma_start3A_1235 = arith.constant 0 : i32
      %dma_start3A_1236 = arith.constant 0 : i32
      %dma_start3A_1237 = tpu.memref_slice %arg2[%dma_start3A_1235, %dma_start3A_1236] : memref<1000000x64xf32, #tpu.memory_space<hbm>> -> memref<1000000x64xf32, #tpu.memory_space<hbm>>
      tpu.enqueue_indirect_dma source(%dma_start3A_1237 : memref<1000000x64xf32, #tpu.memory_space<hbm>>) target(%dma_start3A_1229 : memref<72x64xf32, #tpu.memory_space<vmem>>) offsets(%dma_start3A_1234 : memref<72xi32, #tpu.memory_space<vmem>>) semaphore(%arg11 : memref<!tpu.dma_semaphore, #tpu.memory_space<semaphore_mem>>)
      %dma_start3A_1238 = arith.constant 3 : i32
      %dma_start3A_1239 = arith.constant 600 : i32
      %dma_start3A_1240 = arith.constant 0 : i32
      %dma_start3A_1241 = tpu.memref_slice %arg8[%dma_start3A_1239, %dma_start3A_1240] : memref<800x64xf32, #tpu.memory_space<vmem>> -> memref<128x64xf32, #tpu.memory_space<vmem>>
      %dma_start3A_1242 = arith.constant 0 : i32
      %dma_start3A_1243 = tpu.memref_slice %arg6[%dma_start3A_1238, %dma_start3A_1242] : memref<4x200xi32, #tpu.memory_space<vmem>> -> memref<1x200xi32, #tpu.memory_space<vmem>>
      %dma_start3A_1244 = tpu.memref_squeeze %dma_start3A_1243 : memref<1x200xi32, #tpu.memory_space<vmem>> -> memref<200xi32, #tpu.memory_space<vmem>>
      %dma_start3A_1245 = arith.constant 0 : i32
      %dma_start3A_1246 = tpu.memref_slice %dma_start3A_1244[%dma_start3A_1245] : memref<200xi32, #tpu.memory_space<vmem>> -> memref<128xi32, #tpu.memory_space<vmem>>
      %dma_start3A_1247 = arith.constant 0 : i32
      %dma_start3A_1248 = arith.constant 0 : i32
      %dma_start3A_1249 = tpu.memref_slice %arg2[%dma_start3A_1247, %dma_start3A_1248] : memref<1000000x64xf32, #tpu.memory_space<hbm>> -> memref<1000000x64xf32, #tpu.memory_space<hbm>>
      tpu.enqueue_indirect_dma source(%dma_start3A_1249 : memref<1000000x64xf32, #tpu.memory_space<hbm>>) target(%dma_start3A_1241 : memref<128x64xf32, #tpu.memory_space<vmem>>) offsets(%dma_start3A_1246 : memref<128xi32, #tpu.memory_space<vmem>>) semaphore(%arg11 : memref<!tpu.dma_semaphore, #tpu.memory_space<semaphore_mem>>)
      %dma_start3A_1250 = arith.constant 3 : i32
      %dma_start3A_1251 = arith.constant 728 : i32
      %dma_start3A_1252 = arith.constant 0 : i32
      %dma_start3A_1253 = tpu.memref_slice %arg8[%dma_start3A_1251, %dma_start3A_1252] : memref<800x64xf32, #tpu.memory_space<vmem>> -> memref<72x64xf32, #tpu.memory_space<vmem>>
      %dma_start3A_1254 = arith.constant 0 : i32
      %dma_start3A_1255 = tpu.memref_slice %arg6[%dma_start3A_1250, %dma_start3A_1254] : memref<4x200xi32, #tpu.memory_space<vmem>> -> memref<1x200xi32, #tpu.memory_space<vmem>>
      %dma_start3A_1256 = tpu.memref_squeeze %dma_start3A_1255 : memref<1x200xi32, #tpu.memory_space<vmem>> -> memref<200xi32, #tpu.memory_space<vmem>>
      %dma_start3A_1257 = arith.constant 128 : i32
      %dma_start3A_1258 = tpu.memref_slice %dma_start3A_1256[%dma_start3A_1257] : memref<200xi32, #tpu.memory_space<vmem>> -> memref<72xi32, #tpu.memory_space<vmem>>
      %dma_start3A_1259 = arith.constant 0 : i32
      %dma_start3A_1260 = arith.constant 0 : i32
      %dma_start3A_1261 = tpu.memref_slice %arg2[%dma_start3A_1259, %dma_start3A_1260] : memref<1000000x64xf32, #tpu.memory_space<hbm>> -> memref<1000000x64xf32, #tpu.memory_space<hbm>>
      tpu.enqueue_indirect_dma source(%dma_start3A_1261 : memref<1000000x64xf32, #tpu.memory_space<hbm>>) target(%dma_start3A_1253 : memref<72x64xf32, #tpu.memory_space<vmem>>) offsets(%dma_start3A_1258 : memref<72xi32, #tpu.memory_space<vmem>>) semaphore(%arg11 : memref<!tpu.dma_semaphore, #tpu.memory_space<semaphore_mem>>)
      %add3A_1262 = arith.constant 1 : i32
      %add3A_1263 = arith.addi %mul3A_908, %add3A_1262 : i32
      %mul3A_1264 = arith.constant 800 : i32
      %mul3A_1265 = arith.muli %add3A_1263, %mul3A_1264 : i32
      %add3A_1266 = arith.addi %mul3A_2, %mul3A_1265 : i32
      %dma_wait3A_1267 = arith.constant 0 : i32
      %dma_wait3A_1268 = tpu.memref_slice %arg5[%add3A_1266, %dma_wait3A_1267] : memref<819200x64xf32, #tpu.memory_space<hbm>> -> memref<800x64xf32, #tpu.memory_space<hbm>>
      %dma_wait3A_1269 = arith.constant 0 : i32
      %dma_wait3A_1270 = tpu.memref_slice %arg5[%add3A_1266, %dma_wait3A_1269] : memref<819200x64xf32, #tpu.memory_space<hbm>> -> memref<800x64xf32, #tpu.memory_space<hbm>>
      tpu.wait_dma2 semaphore(%arg14 : memref<!tpu.dma_semaphore, #tpu.memory_space<semaphore_mem>>) src(%arg9 : memref<800x64xf32, #tpu.memory_space<vmem>>) dst(%dma_wait3A_1270 : memref<800x64xf32, #tpu.memory_space<hbm>>)
      %add3A_1271 = arith.constant 3 : i32
      %add3A_1272 = arith.addi %mul3A_908, %add3A_1271 : i32
      %min3A_1273 = arith.constant 31 : i32
      %min3A_1274 = arith.minsi %add3A_1272, %min3A_1273 : i32
      %jit3A_1275 = arith.constant 200 : i32
      %div3A_1276 = arith.divsi %mul3A_2, %jit3A_1275 : i32
      %sign3A_1277 = arith.constant 0 : i32
      %sign3A_1278 = arith.cmpi sgt, %mul3A_2, %sign3A_1277 : i32
      %sign3A_1279 = arith.extui %sign3A_1278 : i1 to i32
      %sign3A_1280 = arith.constant 0 : i32
      %sign3A_1281 = arith.cmpi slt, %mul3A_2, %sign3A_1280 : i32
      %sign3A_1282 = arith.extui %sign3A_1281 : i1 to i32
      %sign3A_1283 = arith.subi %sign3A_1279, %sign3A_1282 : i32
      %sign3A_1284 = arith.constant 0 : i32
      %sign3A_1285 = arith.cmpi sgt, %jit3A_1275, %sign3A_1284 : i32
      %sign3A_1286 = arith.extui %sign3A_1285 : i1 to i32
      %sign3A_1287 = arith.constant 0 : i32
      %sign3A_1288 = arith.cmpi slt, %jit3A_1275, %sign3A_1287 : i32
      %sign3A_1289 = arith.extui %sign3A_1288 : i1 to i32
      %sign3A_1290 = arith.subi %sign3A_1286, %sign3A_1289 : i32
      %ne3A_1291 = arith.cmpi ne, %sign3A_1283, %sign3A_1290 : i32
      %rem3A_1292 = arith.remsi %mul3A_2, %jit3A_1275 : i32
      %ne3A_1293 = arith.constant 0 : i32
      %ne3A_1294 = arith.cmpi ne, %rem3A_1292, %ne3A_1293 : i32
      %and3A_1295 = arith.andi %ne3A_1291, %ne3A_1294 : i1
      %sub3A_1296 = arith.constant 1 : i32
      %sub3A_1297 = arith.subi %div3A_1276, %sub3A_1296 : i32
      %select_n3A_1298 = arith.select %and3A_1295, %sub3A_1297, %div3A_1276 : i32
      %mul3A_1299 = arith.constant 4 : i32
      %mul3A_1300 = arith.muli %min3A_1274, %mul3A_1299 : i32
      %add3A_1301 = arith.addi %select_n3A_1298, %mul3A_1300 : i32
      "tpu.region"() ({
        %run_scoped3A = tpu.sem_alloc : memref<!tpu.dma_semaphore, #tpu.memory_space<semaphore_mem>>
        %dma_start3A_1398 = arith.constant 0 : i32
        %dma_start3A_1399 = tpu.memref_slice %arg3[%add3A_1301, %dma_start3A_1398] : memref<4096x200xi32, #tpu.memory_space<hbm>> -> memref<4x200xi32, #tpu.memory_space<hbm>>
        %dma_start3A_1400 = arith.constant 0 : i32
        %dma_start3A_1401 = tpu.memref_slice %arg3[%add3A_1301, %dma_start3A_1400] : memref<4096x200xi32, #tpu.memory_space<hbm>> -> memref<4x200xi32, #tpu.memory_space<hbm>>
        tpu.enqueue_dma source(%dma_start3A_1401 : memref<4x200xi32, #tpu.memory_space<hbm>>) target(%arg7 : memref<4x200xi32, #tpu.memory_space<vmem>>) target_semaphore(%run_scoped3A : memref<!tpu.dma_semaphore, #tpu.memory_space<semaphore_mem>>)
        %dma_wait3A_1402 = arith.constant 0 : i32
        %dma_wait3A_1403 = tpu.memref_slice %arg3[%add3A_1301, %dma_wait3A_1402] : memref<4096x200xi32, #tpu.memory_space<hbm>> -> memref<4x200xi32, #tpu.memory_space<hbm>>
        %dma_wait3A_1404 = arith.constant 0 : i32
        %dma_wait3A_1405 = tpu.memref_slice %arg3[%add3A_1301, %dma_wait3A_1404] : memref<4096x200xi32, #tpu.memory_space<hbm>> -> memref<4x200xi32, #tpu.memory_space<hbm>>
        tpu.wait_dma2 semaphore(%run_scoped3A : memref<!tpu.dma_semaphore, #tpu.memory_space<semaphore_mem>>) src(%dma_wait3A_1405 : memref<4x200xi32, #tpu.memory_space<hbm>>) dst(%arg7 : memref<4x200xi32, #tpu.memory_space<vmem>>)
        tpu.yield
      }) : () -> ()
      %dma_start3A_1302 = arith.constant 0 : i32
      %dma_start3A_1303 = arith.constant 0 : i32
      %dma_start3A_1304 = arith.constant 0 : i32
      %dma_start3A_1305 = tpu.memref_slice %arg9[%dma_start3A_1303, %dma_start3A_1304] : memref<800x64xf32, #tpu.memory_space<vmem>> -> memref<128x64xf32, #tpu.memory_space<vmem>>
      %dma_start3A_1306 = arith.constant 0 : i32
      %dma_start3A_1307 = tpu.memref_slice %arg7[%dma_start3A_1302, %dma_start3A_1306] : memref<4x200xi32, #tpu.memory_space<vmem>> -> memref<1x200xi32, #tpu.memory_space<vmem>>
      %dma_start3A_1308 = tpu.memref_squeeze %dma_start3A_1307 : memref<1x200xi32, #tpu.memory_space<vmem>> -> memref<200xi32, #tpu.memory_space<vmem>>
      %dma_start3A_1309 = arith.constant 0 : i32
      %dma_start3A_1310 = tpu.memref_slice %dma_start3A_1308[%dma_start3A_1309] : memref<200xi32, #tpu.memory_space<vmem>> -> memref<128xi32, #tpu.memory_space<vmem>>
      %dma_start3A_1311 = arith.constant 0 : i32
      %dma_start3A_1312 = arith.constant 0 : i32
      %dma_start3A_1313 = tpu.memref_slice %arg2[%dma_start3A_1311, %dma_start3A_1312] : memref<1000000x64xf32, #tpu.memory_space<hbm>> -> memref<1000000x64xf32, #tpu.memory_space<hbm>>
      tpu.enqueue_indirect_dma source(%dma_start3A_1313 : memref<1000000x64xf32, #tpu.memory_space<hbm>>) target(%dma_start3A_1305 : memref<128x64xf32, #tpu.memory_space<vmem>>) offsets(%dma_start3A_1310 : memref<128xi32, #tpu.memory_space<vmem>>) semaphore(%arg12 : memref<!tpu.dma_semaphore, #tpu.memory_space<semaphore_mem>>)
      %dma_start3A_1314 = arith.constant 0 : i32
      %dma_start3A_1315 = arith.constant 128 : i32
      %dma_start3A_1316 = arith.constant 0 : i32
      %dma_start3A_1317 = tpu.memref_slice %arg9[%dma_start3A_1315, %dma_start3A_1316] : memref<800x64xf32, #tpu.memory_space<vmem>> -> memref<72x64xf32, #tpu.memory_space<vmem>>
      %dma_start3A_1318 = arith.constant 0 : i32
      %dma_start3A_1319 = tpu.memref_slice %arg7[%dma_start3A_1314, %dma_start3A_1318] : memref<4x200xi32, #tpu.memory_space<vmem>> -> memref<1x200xi32, #tpu.memory_space<vmem>>
      %dma_start3A_1320 = tpu.memref_squeeze %dma_start3A_1319 : memref<1x200xi32, #tpu.memory_space<vmem>> -> memref<200xi32, #tpu.memory_space<vmem>>
      %dma_start3A_1321 = arith.constant 128 : i32
      %dma_start3A_1322 = tpu.memref_slice %dma_start3A_1320[%dma_start3A_1321] : memref<200xi32, #tpu.memory_space<vmem>> -> memref<72xi32, #tpu.memory_space<vmem>>
      %dma_start3A_1323 = arith.constant 0 : i32
      %dma_start3A_1324 = arith.constant 0 : i32
      %dma_start3A_1325 = tpu.memref_slice %arg2[%dma_start3A_1323, %dma_start3A_1324] : memref<1000000x64xf32, #tpu.memory_space<hbm>> -> memref<1000000x64xf32, #tpu.memory_space<hbm>>
      tpu.enqueue_indirect_dma source(%dma_start3A_1325 : memref<1000000x64xf32, #tpu.memory_space<hbm>>) target(%dma_start3A_1317 : memref<72x64xf32, #tpu.memory_space<vmem>>) offsets(%dma_start3A_1322 : memref<72xi32, #tpu.memory_space<vmem>>) semaphore(%arg12 : memref<!tpu.dma_semaphore, #tpu.memory_space<semaphore_mem>>)
      %dma_start3A_1326 = arith.constant 1 : i32
      %dma_start3A_1327 = arith.constant 200 : i32
      %dma_start3A_1328 = arith.constant 0 : i32
      %dma_start3A_1329 = tpu.memref_slice %arg9[%dma_start3A_1327, %dma_start3A_1328] : memref<800x64xf32, #tpu.memory_space<vmem>> -> memref<128x64xf32, #tpu.memory_space<vmem>>
      %dma_start3A_1330 = arith.constant 0 : i32
      %dma_start3A_1331 = tpu.memref_slice %arg7[%dma_start3A_1326, %dma_start3A_1330] : memref<4x200xi32, #tpu.memory_space<vmem>> -> memref<1x200xi32, #tpu.memory_space<vmem>>
      %dma_start3A_1332 = tpu.memref_squeeze %dma_start3A_1331 : memref<1x200xi32, #tpu.memory_space<vmem>> -> memref<200xi32, #tpu.memory_space<vmem>>
      %dma_start3A_1333 = arith.constant 0 : i32
      %dma_start3A_1334 = tpu.memref_slice %dma_start3A_1332[%dma_start3A_1333] : memref<200xi32, #tpu.memory_space<vmem>> -> memref<128xi32, #tpu.memory_space<vmem>>
      %dma_start3A_1335 = arith.constant 0 : i32
      %dma_start3A_1336 = arith.constant 0 : i32
      %dma_start3A_1337 = tpu.memref_slice %arg2[%dma_start3A_1335, %dma_start3A_1336] : memref<1000000x64xf32, #tpu.memory_space<hbm>> -> memref<1000000x64xf32, #tpu.memory_space<hbm>>
      tpu.enqueue_indirect_dma source(%dma_start3A_1337 : memref<1000000x64xf32, #tpu.memory_space<hbm>>) target(%dma_start3A_1329 : memref<128x64xf32, #tpu.memory_space<vmem>>) offsets(%dma_start3A_1334 : memref<128xi32, #tpu.memory_space<vmem>>) semaphore(%arg12 : memref<!tpu.dma_semaphore, #tpu.memory_space<semaphore_mem>>)
      %dma_start3A_1338 = arith.constant 1 : i32
      %dma_start3A_1339 = arith.constant 328 : i32
      %dma_start3A_1340 = arith.constant 0 : i32
      %dma_start3A_1341 = tpu.memref_slice %arg9[%dma_start3A_1339, %dma_start3A_1340] : memref<800x64xf32, #tpu.memory_space<vmem>> -> memref<72x64xf32, #tpu.memory_space<vmem>>
      %dma_start3A_1342 = arith.constant 0 : i32
      %dma_start3A_1343 = tpu.memref_slice %arg7[%dma_start3A_1338, %dma_start3A_1342] : memref<4x200xi32, #tpu.memory_space<vmem>> -> memref<1x200xi32, #tpu.memory_space<vmem>>
      %dma_start3A_1344 = tpu.memref_squeeze %dma_start3A_1343 : memref<1x200xi32, #tpu.memory_space<vmem>> -> memref<200xi32, #tpu.memory_space<vmem>>
      %dma_start3A_1345 = arith.constant 128 : i32
      %dma_start3A_1346 = tpu.memref_slice %dma_start3A_1344[%dma_start3A_1345] : memref<200xi32, #tpu.memory_space<vmem>> -> memref<72xi32, #tpu.memory_space<vmem>>
      %dma_start3A_1347 = arith.constant 0 : i32
      %dma_start3A_1348 = arith.constant 0 : i32
      %dma_start3A_1349 = tpu.memref_slice %arg2[%dma_start3A_1347, %dma_start3A_1348] : memref<1000000x64xf32, #tpu.memory_space<hbm>> -> memref<1000000x64xf32, #tpu.memory_space<hbm>>
      tpu.enqueue_indirect_dma source(%dma_start3A_1349 : memref<1000000x64xf32, #tpu.memory_space<hbm>>) target(%dma_start3A_1341 : memref<72x64xf32, #tpu.memory_space<vmem>>) offsets(%dma_start3A_1346 : memref<72xi32, #tpu.memory_space<vmem>>) semaphore(%arg12 : memref<!tpu.dma_semaphore, #tpu.memory_space<semaphore_mem>>)
      %dma_start3A_1350 = arith.constant 2 : i32
      %dma_start3A_1351 = arith.constant 400 : i32
      %dma_start3A_1352 = arith.constant 0 : i32
      %dma_start3A_1353 = tpu.memref_slice %arg9[%dma_start3A_1351, %dma_start3A_1352] : memref<800x64xf32, #tpu.memory_space<vmem>> -> memref<128x64xf32, #tpu.memory_space<vmem>>
      %dma_start3A_1354 = arith.constant 0 : i32
      %dma_start3A_1355 = tpu.memref_slice %arg7[%dma_start3A_1350, %dma_start3A_1354] : memref<4x200xi32, #tpu.memory_space<vmem>> -> memref<1x200xi32, #tpu.memory_space<vmem>>
      %dma_start3A_1356 = tpu.memref_squeeze %dma_start3A_1355 : memref<1x200xi32, #tpu.memory_space<vmem>> -> memref<200xi32, #tpu.memory_space<vmem>>
      %dma_start3A_1357 = arith.constant 0 : i32
      %dma_start3A_1358 = tpu.memref_slice %dma_start3A_1356[%dma_start3A_1357] : memref<200xi32, #tpu.memory_space<vmem>> -> memref<128xi32, #tpu.memory_space<vmem>>
      %dma_start3A_1359 = arith.constant 0 : i32
      %dma_start3A_1360 = arith.constant 0 : i32
      %dma_start3A_1361 = tpu.memref_slice %arg2[%dma_start3A_1359, %dma_start3A_1360] : memref<1000000x64xf32, #tpu.memory_space<hbm>> -> memref<1000000x64xf32, #tpu.memory_space<hbm>>
      tpu.enqueue_indirect_dma source(%dma_start3A_1361 : memref<1000000x64xf32, #tpu.memory_space<hbm>>) target(%dma_start3A_1353 : memref<128x64xf32, #tpu.memory_space<vmem>>) offsets(%dma_start3A_1358 : memref<128xi32, #tpu.memory_space<vmem>>) semaphore(%arg12 : memref<!tpu.dma_semaphore, #tpu.memory_space<semaphore_mem>>)
      %dma_start3A_1362 = arith.constant 2 : i32
      %dma_start3A_1363 = arith.constant 528 : i32
      %dma_start3A_1364 = arith.constant 0 : i32
      %dma_start3A_1365 = tpu.memref_slice %arg9[%dma_start3A_1363, %dma_start3A_1364] : memref<800x64xf32, #tpu.memory_space<vmem>> -> memref<72x64xf32, #tpu.memory_space<vmem>>
      %dma_start3A_1366 = arith.constant 0 : i32
      %dma_start3A_1367 = tpu.memref_slice %arg7[%dma_start3A_1362, %dma_start3A_1366] : memref<4x200xi32, #tpu.memory_space<vmem>> -> memref<1x200xi32, #tpu.memory_space<vmem>>
      %dma_start3A_1368 = tpu.memref_squeeze %dma_start3A_1367 : memref<1x200xi32, #tpu.memory_space<vmem>> -> memref<200xi32, #tpu.memory_space<vmem>>
      %dma_start3A_1369 = arith.constant 128 : i32
      %dma_start3A_1370 = tpu.memref_slice %dma_start3A_1368[%dma_start3A_1369] : memref<200xi32, #tpu.memory_space<vmem>> -> memref<72xi32, #tpu.memory_space<vmem>>
      %dma_start3A_1371 = arith.constant 0 : i32
      %dma_start3A_1372 = arith.constant 0 : i32
      %dma_start3A_1373 = tpu.memref_slice %arg2[%dma_start3A_1371, %dma_start3A_1372] : memref<1000000x64xf32, #tpu.memory_space<hbm>> -> memref<1000000x64xf32, #tpu.memory_space<hbm>>
      tpu.enqueue_indirect_dma source(%dma_start3A_1373 : memref<1000000x64xf32, #tpu.memory_space<hbm>>) target(%dma_start3A_1365 : memref<72x64xf32, #tpu.memory_space<vmem>>) offsets(%dma_start3A_1370 : memref<72xi32, #tpu.memory_space<vmem>>) semaphore(%arg12 : memref<!tpu.dma_semaphore, #tpu.memory_space<semaphore_mem>>)
      %dma_start3A_1374 = arith.constant 3 : i32
      %dma_start3A_1375 = arith.constant 600 : i32
      %dma_start3A_1376 = arith.constant 0 : i32
      %dma_start3A_1377 = tpu.memref_slice %arg9[%dma_start3A_1375, %dma_start3A_1376] : memref<800x64xf32, #tpu.memory_space<vmem>> -> memref<128x64xf32, #tpu.memory_space<vmem>>
      %dma_start3A_1378 = arith.constant 0 : i32
      %dma_start3A_1379 = tpu.memref_slice %arg7[%dma_start3A_1374, %dma_start3A_1378] : memref<4x200xi32, #tpu.memory_space<vmem>> -> memref<1x200xi32, #tpu.memory_space<vmem>>
      %dma_start3A_1380 = tpu.memref_squeeze %dma_start3A_1379 : memref<1x200xi32, #tpu.memory_space<vmem>> -> memref<200xi32, #tpu.memory_space<vmem>>
      %dma_start3A_1381 = arith.constant 0 : i32
      %dma_start3A_1382 = tpu.memref_slice %dma_start3A_1380[%dma_start3A_1381] : memref<200xi32, #tpu.memory_space<vmem>> -> memref<128xi32, #tpu.memory_space<vmem>>
      %dma_start3A_1383 = arith.constant 0 : i32
      %dma_start3A_1384 = arith.constant 0 : i32
      %dma_start3A_1385 = tpu.memref_slice %arg2[%dma_start3A_1383, %dma_start3A_1384] : memref<1000000x64xf32, #tpu.memory_space<hbm>> -> memref<1000000x64xf32, #tpu.memory_space<hbm>>
      tpu.enqueue_indirect_dma source(%dma_start3A_1385 : memref<1000000x64xf32, #tpu.memory_space<hbm>>) target(%dma_start3A_1377 : memref<128x64xf32, #tpu.memory_space<vmem>>) offsets(%dma_start3A_1382 : memref<128xi32, #tpu.memory_space<vmem>>) semaphore(%arg12 : memref<!tpu.dma_semaphore, #tpu.memory_space<semaphore_mem>>)
      %dma_start3A_1386 = arith.constant 3 : i32
      %dma_start3A_1387 = arith.constant 728 : i32
      %dma_start3A_1388 = arith.constant 0 : i32
      %dma_start3A_1389 = tpu.memref_slice %arg9[%dma_start3A_1387, %dma_start3A_1388] : memref<800x64xf32, #tpu.memory_space<vmem>> -> memref<72x64xf32, #tpu.memory_space<vmem>>
      %dma_start3A_1390 = arith.constant 0 : i32
      %dma_start3A_1391 = tpu.memref_slice %arg7[%dma_start3A_1386, %dma_start3A_1390] : memref<4x200xi32, #tpu.memory_space<vmem>> -> memref<1x200xi32, #tpu.memory_space<vmem>>
      %dma_start3A_1392 = tpu.memref_squeeze %dma_start3A_1391 : memref<1x200xi32, #tpu.memory_space<vmem>> -> memref<200xi32, #tpu.memory_space<vmem>>
      %dma_start3A_1393 = arith.constant 128 : i32
      %dma_start3A_1394 = tpu.memref_slice %dma_start3A_1392[%dma_start3A_1393] : memref<200xi32, #tpu.memory_space<vmem>> -> memref<72xi32, #tpu.memory_space<vmem>>
      %dma_start3A_1395 = arith.constant 0 : i32
      %dma_start3A_1396 = arith.constant 0 : i32
      %dma_start3A_1397 = tpu.memref_slice %arg2[%dma_start3A_1395, %dma_start3A_1396] : memref<1000000x64xf32, #tpu.memory_space<hbm>> -> memref<1000000x64xf32, #tpu.memory_space<hbm>>
      tpu.enqueue_indirect_dma source(%dma_start3A_1397 : memref<1000000x64xf32, #tpu.memory_space<hbm>>) target(%dma_start3A_1389 : memref<72x64xf32, #tpu.memory_space<vmem>>) offsets(%dma_start3A_1394 : memref<72xi32, #tpu.memory_space<vmem>>) semaphore(%arg12 : memref<!tpu.dma_semaphore, #tpu.memory_space<semaphore_mem>>)
    }
    %scan3A_713 = arith.constant 15 : i32
    %dma_wait3A_714 = arith.constant 0 : i32
    %dma_wait3A_715 = arith.constant 0 : i32
    %dma_wait3A_716 = arith.constant 0 : i32
    %dma_wait3A_717 = tpu.memref_slice %arg8[%dma_wait3A_715, %dma_wait3A_716] : memref<800x64xf32, #tpu.memory_space<vmem>> -> memref<128x64xf32, #tpu.memory_space<vmem>>
    %dma_wait3A_718 = arith.constant 0 : i32
    %dma_wait3A_719 = tpu.memref_slice %arg6[%dma_wait3A_714, %dma_wait3A_718] : memref<4x200xi32, #tpu.memory_space<vmem>> -> memref<1x200xi32, #tpu.memory_space<vmem>>
    %dma_wait3A_720 = tpu.memref_squeeze %dma_wait3A_719 : memref<1x200xi32, #tpu.memory_space<vmem>> -> memref<200xi32, #tpu.memory_space<vmem>>
    %dma_wait3A_721 = arith.constant 0 : i32
    %dma_wait3A_722 = tpu.memref_slice %dma_wait3A_720[%dma_wait3A_721] : memref<200xi32, #tpu.memory_space<vmem>> -> memref<128xi32, #tpu.memory_space<vmem>>
    %dma_wait3A_723 = arith.constant 0 : i32
    %dma_wait3A_724 = arith.constant 0 : i32
    %dma_wait3A_725 = tpu.memref_slice %arg2[%dma_wait3A_723, %dma_wait3A_724] : memref<1000000x64xf32, #tpu.memory_space<hbm>> -> memref<1000000x64xf32, #tpu.memory_space<hbm>>
    tpu.wait_indirect_dma semaphore(%arg11 : memref<!tpu.dma_semaphore, #tpu.memory_space<semaphore_mem>>) src(%dma_wait3A_725 : memref<1000000x64xf32, #tpu.memory_space<hbm>>) dst(%dma_wait3A_717 : memref<128x64xf32, #tpu.memory_space<vmem>>)
    %dma_wait3A_726 = arith.constant 0 : i32
    %dma_wait3A_727 = arith.constant 128 : i32
    %dma_wait3A_728 = arith.constant 0 : i32
    %dma_wait3A_729 = tpu.memref_slice %arg8[%dma_wait3A_727, %dma_wait3A_728] : memref<800x64xf32, #tpu.memory_space<vmem>> -> memref<72x64xf32, #tpu.memory_space<vmem>>
    %dma_wait3A_730 = arith.constant 0 : i32
    %dma_wait3A_731 = tpu.memref_slice %arg6[%dma_wait3A_726, %dma_wait3A_730] : memref<4x200xi32, #tpu.memory_space<vmem>> -> memref<1x200xi32, #tpu.memory_space<vmem>>
    %dma_wait3A_732 = tpu.memref_squeeze %dma_wait3A_731 : memref<1x200xi32, #tpu.memory_space<vmem>> -> memref<200xi32, #tpu.memory_space<vmem>>
    %dma_wait3A_733 = arith.constant 128 : i32
    %dma_wait3A_734 = tpu.memref_slice %dma_wait3A_732[%dma_wait3A_733] : memref<200xi32, #tpu.memory_space<vmem>> -> memref<72xi32, #tpu.memory_space<vmem>>
    %dma_wait3A_735 = arith.constant 0 : i32
    %dma_wait3A_736 = arith.constant 0 : i32
    %dma_wait3A_737 = tpu.memref_slice %arg2[%dma_wait3A_735, %dma_wait3A_736] : memref<1000000x64xf32, #tpu.memory_space<hbm>> -> memref<1000000x64xf32, #tpu.memory_space<hbm>>
    tpu.wait_indirect_dma semaphore(%arg11 : memref<!tpu.dma_semaphore, #tpu.memory_space<semaphore_mem>>) src(%dma_wait3A_737 : memref<1000000x64xf32, #tpu.memory_space<hbm>>) dst(%dma_wait3A_729 : memref<72x64xf32, #tpu.memory_space<vmem>>)
    %dma_wait3A_738 = arith.constant 1 : i32
    %dma_wait3A_739 = arith.constant 200 : i32
    %dma_wait3A_740 = arith.constant 0 : i32
    %dma_wait3A_741 = tpu.memref_slice %arg8[%dma_wait3A_739, %dma_wait3A_740] : memref<800x64xf32, #tpu.memory_space<vmem>> -> memref<128x64xf32, #tpu.memory_space<vmem>>
    %dma_wait3A_742 = arith.constant 0 : i32
    %dma_wait3A_743 = tpu.memref_slice %arg6[%dma_wait3A_738, %dma_wait3A_742] : memref<4x200xi32, #tpu.memory_space<vmem>> -> memref<1x200xi32, #tpu.memory_space<vmem>>
    %dma_wait3A_744 = tpu.memref_squeeze %dma_wait3A_743 : memref<1x200xi32, #tpu.memory_space<vmem>> -> memref<200xi32, #tpu.memory_space<vmem>>
    %dma_wait3A_745 = arith.constant 0 : i32
    %dma_wait3A_746 = tpu.memref_slice %dma_wait3A_744[%dma_wait3A_745] : memref<200xi32, #tpu.memory_space<vmem>> -> memref<128xi32, #tpu.memory_space<vmem>>
    %dma_wait3A_747 = arith.constant 0 : i32
    %dma_wait3A_748 = arith.constant 0 : i32
    %dma_wait3A_749 = tpu.memref_slice %arg2[%dma_wait3A_747, %dma_wait3A_748] : memref<1000000x64xf32, #tpu.memory_space<hbm>> -> memref<1000000x64xf32, #tpu.memory_space<hbm>>
    tpu.wait_indirect_dma semaphore(%arg11 : memref<!tpu.dma_semaphore, #tpu.memory_space<semaphore_mem>>) src(%dma_wait3A_749 : memref<1000000x64xf32, #tpu.memory_space<hbm>>) dst(%dma_wait3A_741 : memref<128x64xf32, #tpu.memory_space<vmem>>)
    %dma_wait3A_750 = arith.constant 1 : i32
    %dma_wait3A_751 = arith.constant 328 : i32
    %dma_wait3A_752 = arith.constant 0 : i32
    %dma_wait3A_753 = tpu.memref_slice %arg8[%dma_wait3A_751, %dma_wait3A_752] : memref<800x64xf32, #tpu.memory_space<vmem>> -> memref<72x64xf32, #tpu.memory_space<vmem>>
    %dma_wait3A_754 = arith.constant 0 : i32
    %dma_wait3A_755 = tpu.memref_slice %arg6[%dma_wait3A_750, %dma_wait3A_754] : memref<4x200xi32, #tpu.memory_space<vmem>> -> memref<1x200xi32, #tpu.memory_space<vmem>>
    %dma_wait3A_756 = tpu.memref_squeeze %dma_wait3A_755 : memref<1x200xi32, #tpu.memory_space<vmem>> -> memref<200xi32, #tpu.memory_space<vmem>>
    %dma_wait3A_757 = arith.constant 128 : i32
    %dma_wait3A_758 = tpu.memref_slice %dma_wait3A_756[%dma_wait3A_757] : memref<200xi32, #tpu.memory_space<vmem>> -> memref<72xi32, #tpu.memory_space<vmem>>
    %dma_wait3A_759 = arith.constant 0 : i32
    %dma_wait3A_760 = arith.constant 0 : i32
    %dma_wait3A_761 = tpu.memref_slice %arg2[%dma_wait3A_759, %dma_wait3A_760] : memref<1000000x64xf32, #tpu.memory_space<hbm>> -> memref<1000000x64xf32, #tpu.memory_space<hbm>>
    tpu.wait_indirect_dma semaphore(%arg11 : memref<!tpu.dma_semaphore, #tpu.memory_space<semaphore_mem>>) src(%dma_wait3A_761 : memref<1000000x64xf32, #tpu.memory_space<hbm>>) dst(%dma_wait3A_753 : memref<72x64xf32, #tpu.memory_space<vmem>>)
    %dma_wait3A_762 = arith.constant 2 : i32
    %dma_wait3A_763 = arith.constant 400 : i32
    %dma_wait3A_764 = arith.constant 0 : i32
    %dma_wait3A_765 = tpu.memref_slice %arg8[%dma_wait3A_763, %dma_wait3A_764] : memref<800x64xf32, #tpu.memory_space<vmem>> -> memref<128x64xf32, #tpu.memory_space<vmem>>
    %dma_wait3A_766 = arith.constant 0 : i32
    %dma_wait3A_767 = tpu.memref_slice %arg6[%dma_wait3A_762, %dma_wait3A_766] : memref<4x200xi32, #tpu.memory_space<vmem>> -> memref<1x200xi32, #tpu.memory_space<vmem>>
    %dma_wait3A_768 = tpu.memref_squeeze %dma_wait3A_767 : memref<1x200xi32, #tpu.memory_space<vmem>> -> memref<200xi32, #tpu.memory_space<vmem>>
    %dma_wait3A_769 = arith.constant 0 : i32
    %dma_wait3A_770 = tpu.memref_slice %dma_wait3A_768[%dma_wait3A_769] : memref<200xi32, #tpu.memory_space<vmem>> -> memref<128xi32, #tpu.memory_space<vmem>>
    %dma_wait3A_771 = arith.constant 0 : i32
    %dma_wait3A_772 = arith.constant 0 : i32
    %dma_wait3A_773 = tpu.memref_slice %arg2[%dma_wait3A_771, %dma_wait3A_772] : memref<1000000x64xf32, #tpu.memory_space<hbm>> -> memref<1000000x64xf32, #tpu.memory_space<hbm>>
    tpu.wait_indirect_dma semaphore(%arg11 : memref<!tpu.dma_semaphore, #tpu.memory_space<semaphore_mem>>) src(%dma_wait3A_773 : memref<1000000x64xf32, #tpu.memory_space<hbm>>) dst(%dma_wait3A_765 : memref<128x64xf32, #tpu.memory_space<vmem>>)
    %dma_wait3A_774 = arith.constant 2 : i32
    %dma_wait3A_775 = arith.constant 528 : i32
    %dma_wait3A_776 = arith.constant 0 : i32
    %dma_wait3A_777 = tpu.memref_slice %arg8[%dma_wait3A_775, %dma_wait3A_776] : memref<800x64xf32, #tpu.memory_space<vmem>> -> memref<72x64xf32, #tpu.memory_space<vmem>>
    %dma_wait3A_778 = arith.constant 0 : i32
    %dma_wait3A_779 = tpu.memref_slice %arg6[%dma_wait3A_774, %dma_wait3A_778] : memref<4x200xi32, #tpu.memory_space<vmem>> -> memref<1x200xi32, #tpu.memory_space<vmem>>
    %dma_wait3A_780 = tpu.memref_squeeze %dma_wait3A_779 : memref<1x200xi32, #tpu.memory_space<vmem>> -> memref<200xi32, #tpu.memory_space<vmem>>
    %dma_wait3A_781 = arith.constant 128 : i32
    %dma_wait3A_782 = tpu.memref_slice %dma_wait3A_780[%dma_wait3A_781] : memref<200xi32, #tpu.memory_space<vmem>> -> memref<72xi32, #tpu.memory_space<vmem>>
    %dma_wait3A_783 = arith.constant 0 : i32
    %dma_wait3A_784 = arith.constant 0 : i32
    %dma_wait3A_785 = tpu.memref_slice %arg2[%dma_wait3A_783, %dma_wait3A_784] : memref<1000000x64xf32, #tpu.memory_space<hbm>> -> memref<1000000x64xf32, #tpu.memory_space<hbm>>
    tpu.wait_indirect_dma semaphore(%arg11 : memref<!tpu.dma_semaphore, #tpu.memory_space<semaphore_mem>>) src(%dma_wait3A_785 : memref<1000000x64xf32, #tpu.memory_space<hbm>>) dst(%dma_wait3A_777 : memref<72x64xf32, #tpu.memory_space<vmem>>)
    %dma_wait3A_786 = arith.constant 3 : i32
    %dma_wait3A_787 = arith.constant 600 : i32
    %dma_wait3A_788 = arith.constant 0 : i32
    %dma_wait3A_789 = tpu.memref_slice %arg8[%dma_wait3A_787, %dma_wait3A_788] : memref<800x64xf32, #tpu.memory_space<vmem>> -> memref<128x64xf32, #tpu.memory_space<vmem>>
    %dma_wait3A_790 = arith.constant 0 : i32
    %dma_wait3A_791 = tpu.memref_slice %arg6[%dma_wait3A_786, %dma_wait3A_790] : memref<4x200xi32, #tpu.memory_space<vmem>> -> memref<1x200xi32, #tpu.memory_space<vmem>>
    %dma_wait3A_792 = tpu.memref_squeeze %dma_wait3A_791 : memref<1x200xi32, #tpu.memory_space<vmem>> -> memref<200xi32, #tpu.memory_space<vmem>>
    %dma_wait3A_793 = arith.constant 0 : i32
    %dma_wait3A_794 = tpu.memref_slice %dma_wait3A_792[%dma_wait3A_793] : memref<200xi32, #tpu.memory_space<vmem>> -> memref<128xi32, #tpu.memory_space<vmem>>
    %dma_wait3A_795 = arith.constant 0 : i32
    %dma_wait3A_796 = arith.constant 0 : i32
    %dma_wait3A_797 = tpu.memref_slice %arg2[%dma_wait3A_795, %dma_wait3A_796] : memref<1000000x64xf32, #tpu.memory_space<hbm>> -> memref<1000000x64xf32, #tpu.memory_space<hbm>>
    tpu.wait_indirect_dma semaphore(%arg11 : memref<!tpu.dma_semaphore, #tpu.memory_space<semaphore_mem>>) src(%dma_wait3A_797 : memref<1000000x64xf32, #tpu.memory_space<hbm>>) dst(%dma_wait3A_789 : memref<128x64xf32, #tpu.memory_space<vmem>>)
    %dma_wait3A_798 = arith.constant 3 : i32
    %dma_wait3A_799 = arith.constant 728 : i32
    %dma_wait3A_800 = arith.constant 0 : i32
    %dma_wait3A_801 = tpu.memref_slice %arg8[%dma_wait3A_799, %dma_wait3A_800] : memref<800x64xf32, #tpu.memory_space<vmem>> -> memref<72x64xf32, #tpu.memory_space<vmem>>
    %dma_wait3A_802 = arith.constant 0 : i32
    %dma_wait3A_803 = tpu.memref_slice %arg6[%dma_wait3A_798, %dma_wait3A_802] : memref<4x200xi32, #tpu.memory_space<vmem>> -> memref<1x200xi32, #tpu.memory_space<vmem>>
    %dma_wait3A_804 = tpu.memref_squeeze %dma_wait3A_803 : memref<1x200xi32, #tpu.memory_space<vmem>> -> memref<200xi32, #tpu.memory_space<vmem>>
    %dma_wait3A_805 = arith.constant 128 : i32
    %dma_wait3A_806 = tpu.memref_slice %dma_wait3A_804[%dma_wait3A_805] : memref<200xi32, #tpu.memory_space<vmem>> -> memref<72xi32, #tpu.memory_space<vmem>>
    %dma_wait3A_807 = arith.constant 0 : i32
    %dma_wait3A_808 = arith.constant 0 : i32
    %dma_wait3A_809 = tpu.memref_slice %arg2[%dma_wait3A_807, %dma_wait3A_808] : memref<1000000x64xf32, #tpu.memory_space<hbm>> -> memref<1000000x64xf32, #tpu.memory_space<hbm>>
    tpu.wait_indirect_dma semaphore(%arg11 : memref<!tpu.dma_semaphore, #tpu.memory_space<semaphore_mem>>) src(%dma_wait3A_809 : memref<1000000x64xf32, #tpu.memory_space<hbm>>) dst(%dma_wait3A_801 : memref<72x64xf32, #tpu.memory_space<vmem>>)
    %dma_wait3A_810 = arith.constant 0 : i32
    %dma_wait3A_811 = arith.constant 0 : i32
    %dma_wait3A_812 = arith.constant 0 : i32
    %dma_wait3A_813 = tpu.memref_slice %arg9[%dma_wait3A_811, %dma_wait3A_812] : memref<800x64xf32, #tpu.memory_space<vmem>> -> memref<128x64xf32, #tpu.memory_space<vmem>>
    %dma_wait3A_814 = arith.constant 0 : i32
    %dma_wait3A_815 = tpu.memref_slice %arg7[%dma_wait3A_810, %dma_wait3A_814] : memref<4x200xi32, #tpu.memory_space<vmem>> -> memref<1x200xi32, #tpu.memory_space<vmem>>
    %dma_wait3A_816 = tpu.memref_squeeze %dma_wait3A_815 : memref<1x200xi32, #tpu.memory_space<vmem>> -> memref<200xi32, #tpu.memory_space<vmem>>
    %dma_wait3A_817 = arith.constant 0 : i32
    %dma_wait3A_818 = tpu.memref_slice %dma_wait3A_816[%dma_wait3A_817] : memref<200xi32, #tpu.memory_space<vmem>> -> memref<128xi32, #tpu.memory_space<vmem>>
    %dma_wait3A_819 = arith.constant 0 : i32
    %dma_wait3A_820 = arith.constant 0 : i32
    %dma_wait3A_821 = tpu.memref_slice %arg2[%dma_wait3A_819, %dma_wait3A_820] : memref<1000000x64xf32, #tpu.memory_space<hbm>> -> memref<1000000x64xf32, #tpu.memory_space<hbm>>
    tpu.wait_indirect_dma semaphore(%arg12 : memref<!tpu.dma_semaphore, #tpu.memory_space<semaphore_mem>>) src(%dma_wait3A_821 : memref<1000000x64xf32, #tpu.memory_space<hbm>>) dst(%dma_wait3A_813 : memref<128x64xf32, #tpu.memory_space<vmem>>)
    %dma_wait3A_822 = arith.constant 0 : i32
    %dma_wait3A_823 = arith.constant 128 : i32
    %dma_wait3A_824 = arith.constant 0 : i32
    %dma_wait3A_825 = tpu.memref_slice %arg9[%dma_wait3A_823, %dma_wait3A_824] : memref<800x64xf32, #tpu.memory_space<vmem>> -> memref<72x64xf32, #tpu.memory_space<vmem>>
    %dma_wait3A_826 = arith.constant 0 : i32
    %dma_wait3A_827 = tpu.memref_slice %arg7[%dma_wait3A_822, %dma_wait3A_826] : memref<4x200xi32, #tpu.memory_space<vmem>> -> memref<1x200xi32, #tpu.memory_space<vmem>>
    %dma_wait3A_828 = tpu.memref_squeeze %dma_wait3A_827 : memref<1x200xi32, #tpu.memory_space<vmem>> -> memref<200xi32, #tpu.memory_space<vmem>>
    %dma_wait3A_829 = arith.constant 128 : i32
    %dma_wait3A_830 = tpu.memref_slice %dma_wait3A_828[%dma_wait3A_829] : memref<200xi32, #tpu.memory_space<vmem>> -> memref<72xi32, #tpu.memory_space<vmem>>
    %dma_wait3A_831 = arith.constant 0 : i32
    %dma_wait3A_832 = arith.constant 0 : i32
    %dma_wait3A_833 = tpu.memref_slice %arg2[%dma_wait3A_831, %dma_wait3A_832] : memref<1000000x64xf32, #tpu.memory_space<hbm>> -> memref<1000000x64xf32, #tpu.memory_space<hbm>>
    tpu.wait_indirect_dma semaphore(%arg12 : memref<!tpu.dma_semaphore, #tpu.memory_space<semaphore_mem>>) src(%dma_wait3A_833 : memref<1000000x64xf32, #tpu.memory_space<hbm>>) dst(%dma_wait3A_825 : memref<72x64xf32, #tpu.memory_space<vmem>>)
    %dma_wait3A_834 = arith.constant 1 : i32
    %dma_wait3A_835 = arith.constant 200 : i32
    %dma_wait3A_836 = arith.constant 0 : i32
    %dma_wait3A_837 = tpu.memref_slice %arg9[%dma_wait3A_835, %dma_wait3A_836] : memref<800x64xf32, #tpu.memory_space<vmem>> -> memref<128x64xf32, #tpu.memory_space<vmem>>
    %dma_wait3A_838 = arith.constant 0 : i32
    %dma_wait3A_839 = tpu.memref_slice %arg7[%dma_wait3A_834, %dma_wait3A_838] : memref<4x200xi32, #tpu.memory_space<vmem>> -> memref<1x200xi32, #tpu.memory_space<vmem>>
    %dma_wait3A_840 = tpu.memref_squeeze %dma_wait3A_839 : memref<1x200xi32, #tpu.memory_space<vmem>> -> memref<200xi32, #tpu.memory_space<vmem>>
    %dma_wait3A_841 = arith.constant 0 : i32
    %dma_wait3A_842 = tpu.memref_slice %dma_wait3A_840[%dma_wait3A_841] : memref<200xi32, #tpu.memory_space<vmem>> -> memref<128xi32, #tpu.memory_space<vmem>>
    %dma_wait3A_843 = arith.constant 0 : i32
    %dma_wait3A_844 = arith.constant 0 : i32
    %dma_wait3A_845 = tpu.memref_slice %arg2[%dma_wait3A_843, %dma_wait3A_844] : memref<1000000x64xf32, #tpu.memory_space<hbm>> -> memref<1000000x64xf32, #tpu.memory_space<hbm>>
    tpu.wait_indirect_dma semaphore(%arg12 : memref<!tpu.dma_semaphore, #tpu.memory_space<semaphore_mem>>) src(%dma_wait3A_845 : memref<1000000x64xf32, #tpu.memory_space<hbm>>) dst(%dma_wait3A_837 : memref<128x64xf32, #tpu.memory_space<vmem>>)
    %dma_wait3A_846 = arith.constant 1 : i32
    %dma_wait3A_847 = arith.constant 328 : i32
    %dma_wait3A_848 = arith.constant 0 : i32
    %dma_wait3A_849 = tpu.memref_slice %arg9[%dma_wait3A_847, %dma_wait3A_848] : memref<800x64xf32, #tpu.memory_space<vmem>> -> memref<72x64xf32, #tpu.memory_space<vmem>>
    %dma_wait3A_850 = arith.constant 0 : i32
    %dma_wait3A_851 = tpu.memref_slice %arg7[%dma_wait3A_846, %dma_wait3A_850] : memref<4x200xi32, #tpu.memory_space<vmem>> -> memref<1x200xi32, #tpu.memory_space<vmem>>
    %dma_wait3A_852 = tpu.memref_squeeze %dma_wait3A_851 : memref<1x200xi32, #tpu.memory_space<vmem>> -> memref<200xi32, #tpu.memory_space<vmem>>
    %dma_wait3A_853 = arith.constant 128 : i32
    %dma_wait3A_854 = tpu.memref_slice %dma_wait3A_852[%dma_wait3A_853] : memref<200xi32, #tpu.memory_space<vmem>> -> memref<72xi32, #tpu.memory_space<vmem>>
    %dma_wait3A_855 = arith.constant 0 : i32
    %dma_wait3A_856 = arith.constant 0 : i32
    %dma_wait3A_857 = tpu.memref_slice %arg2[%dma_wait3A_855, %dma_wait3A_856] : memref<1000000x64xf32, #tpu.memory_space<hbm>> -> memref<1000000x64xf32, #tpu.memory_space<hbm>>
    tpu.wait_indirect_dma semaphore(%arg12 : memref<!tpu.dma_semaphore, #tpu.memory_space<semaphore_mem>>) src(%dma_wait3A_857 : memref<1000000x64xf32, #tpu.memory_space<hbm>>) dst(%dma_wait3A_849 : memref<72x64xf32, #tpu.memory_space<vmem>>)
    %dma_wait3A_858 = arith.constant 2 : i32
    %dma_wait3A_859 = arith.constant 400 : i32
    %dma_wait3A_860 = arith.constant 0 : i32
    %dma_wait3A_861 = tpu.memref_slice %arg9[%dma_wait3A_859, %dma_wait3A_860] : memref<800x64xf32, #tpu.memory_space<vmem>> -> memref<128x64xf32, #tpu.memory_space<vmem>>
    %dma_wait3A_862 = arith.constant 0 : i32
    %dma_wait3A_863 = tpu.memref_slice %arg7[%dma_wait3A_858, %dma_wait3A_862] : memref<4x200xi32, #tpu.memory_space<vmem>> -> memref<1x200xi32, #tpu.memory_space<vmem>>
    %dma_wait3A_864 = tpu.memref_squeeze %dma_wait3A_863 : memref<1x200xi32, #tpu.memory_space<vmem>> -> memref<200xi32, #tpu.memory_space<vmem>>
    %dma_wait3A_865 = arith.constant 0 : i32
    %dma_wait3A_866 = tpu.memref_slice %dma_wait3A_864[%dma_wait3A_865] : memref<200xi32, #tpu.memory_space<vmem>> -> memref<128xi32, #tpu.memory_space<vmem>>
    %dma_wait3A_867 = arith.constant 0 : i32
    %dma_wait3A_868 = arith.constant 0 : i32
    %dma_wait3A_869 = tpu.memref_slice %arg2[%dma_wait3A_867, %dma_wait3A_868] : memref<1000000x64xf32, #tpu.memory_space<hbm>> -> memref<1000000x64xf32, #tpu.memory_space<hbm>>
    tpu.wait_indirect_dma semaphore(%arg12 : memref<!tpu.dma_semaphore, #tpu.memory_space<semaphore_mem>>) src(%dma_wait3A_869 : memref<1000000x64xf32, #tpu.memory_space<hbm>>) dst(%dma_wait3A_861 : memref<128x64xf32, #tpu.memory_space<vmem>>)
    %dma_wait3A_870 = arith.constant 2 : i32
    %dma_wait3A_871 = arith.constant 528 : i32
    %dma_wait3A_872 = arith.constant 0 : i32
    %dma_wait3A_873 = tpu.memref_slice %arg9[%dma_wait3A_871, %dma_wait3A_872] : memref<800x64xf32, #tpu.memory_space<vmem>> -> memref<72x64xf32, #tpu.memory_space<vmem>>
    %dma_wait3A_874 = arith.constant 0 : i32
    %dma_wait3A_875 = tpu.memref_slice %arg7[%dma_wait3A_870, %dma_wait3A_874] : memref<4x200xi32, #tpu.memory_space<vmem>> -> memref<1x200xi32, #tpu.memory_space<vmem>>
    %dma_wait3A_876 = tpu.memref_squeeze %dma_wait3A_875 : memref<1x200xi32, #tpu.memory_space<vmem>> -> memref<200xi32, #tpu.memory_space<vmem>>
    %dma_wait3A_877 = arith.constant 128 : i32
    %dma_wait3A_878 = tpu.memref_slice %dma_wait3A_876[%dma_wait3A_877] : memref<200xi32, #tpu.memory_space<vmem>> -> memref<72xi32, #tpu.memory_space<vmem>>
    %dma_wait3A_879 = arith.constant 0 : i32
    %dma_wait3A_880 = arith.constant 0 : i32
    %dma_wait3A_881 = tpu.memref_slice %arg2[%dma_wait3A_879, %dma_wait3A_880] : memref<1000000x64xf32, #tpu.memory_space<hbm>> -> memref<1000000x64xf32, #tpu.memory_space<hbm>>
    tpu.wait_indirect_dma semaphore(%arg12 : memref<!tpu.dma_semaphore, #tpu.memory_space<semaphore_mem>>) src(%dma_wait3A_881 : memref<1000000x64xf32, #tpu.memory_space<hbm>>) dst(%dma_wait3A_873 : memref<72x64xf32, #tpu.memory_space<vmem>>)
    %dma_wait3A_882 = arith.constant 3 : i32
    %dma_wait3A_883 = arith.constant 600 : i32
    %dma_wait3A_884 = arith.constant 0 : i32
    %dma_wait3A_885 = tpu.memref_slice %arg9[%dma_wait3A_883, %dma_wait3A_884] : memref<800x64xf32, #tpu.memory_space<vmem>> -> memref<128x64xf32, #tpu.memory_space<vmem>>
    %dma_wait3A_886 = arith.constant 0 : i32
    %dma_wait3A_887 = tpu.memref_slice %arg7[%dma_wait3A_882, %dma_wait3A_886] : memref<4x200xi32, #tpu.memory_space<vmem>> -> memref<1x200xi32, #tpu.memory_space<vmem>>
    %dma_wait3A_888 = tpu.memref_squeeze %dma_wait3A_887 : memref<1x200xi32, #tpu.memory_space<vmem>> -> memref<200xi32, #tpu.memory_space<vmem>>
    %dma_wait3A_889 = arith.constant 0 : i32
    %dma_wait3A_890 = tpu.memref_slice %dma_wait3A_888[%dma_wait3A_889] : memref<200xi32, #tpu.memory_space<vmem>> -> memref<128xi32, #tpu.memory_space<vmem>>
    %dma_wait3A_891 = arith.constant 0 : i32
    %dma_wait3A_892 = arith.constant 0 : i32
    %dma_wait3A_893 = tpu.memref_slice %arg2[%dma_wait3A_891, %dma_wait3A_892] : memref<1000000x64xf32, #tpu.memory_space<hbm>> -> memref<1000000x64xf32, #tpu.memory_space<hbm>>
    tpu.wait_indirect_dma semaphore(%arg12 : memref<!tpu.dma_semaphore, #tpu.memory_space<semaphore_mem>>) src(%dma_wait3A_893 : memref<1000000x64xf32, #tpu.memory_space<hbm>>) dst(%dma_wait3A_885 : memref<128x64xf32, #tpu.memory_space<vmem>>)
    %dma_wait3A_894 = arith.constant 3 : i32
    %dma_wait3A_895 = arith.constant 728 : i32
    %dma_wait3A_896 = arith.constant 0 : i32
    %dma_wait3A_897 = tpu.memref_slice %arg9[%dma_wait3A_895, %dma_wait3A_896] : memref<800x64xf32, #tpu.memory_space<vmem>> -> memref<72x64xf32, #tpu.memory_space<vmem>>
    %dma_wait3A_898 = arith.constant 0 : i32
    %dma_wait3A_899 = tpu.memref_slice %arg7[%dma_wait3A_894, %dma_wait3A_898] : memref<4x200xi32, #tpu.memory_space<vmem>> -> memref<1x200xi32, #tpu.memory_space<vmem>>
    %dma_wait3A_900 = tpu.memref_squeeze %dma_wait3A_899 : memref<1x200xi32, #tpu.memory_space<vmem>> -> memref<200xi32, #tpu.memory_space<vmem>>
    %dma_wait3A_901 = arith.constant 128 : i32
    %dma_wait3A_902 = tpu.memref_slice %dma_wait3A_900[%dma_wait3A_901] : memref<200xi32, #tpu.memory_space<vmem>> -> memref<72xi32, #tpu.memory_space<vmem>>
    %dma_wait3A_903 = arith.constant 0 : i32
    %dma_wait3A_904 = arith.constant 0 : i32
    %dma_wait3A_905 = tpu.memref_slice %arg2[%dma_wait3A_903, %dma_wait3A_904] : memref<1000000x64xf32, #tpu.memory_space<hbm>> -> memref<1000000x64xf32, #tpu.memory_space<hbm>>
    tpu.wait_indirect_dma semaphore(%arg12 : memref<!tpu.dma_semaphore, #tpu.memory_space<semaphore_mem>>) src(%dma_wait3A_905 : memref<1000000x64xf32, #tpu.memory_space<hbm>>) dst(%dma_wait3A_897 : memref<72x64xf32, #tpu.memory_space<vmem>>)
    return
  }
}

</mosaic_0001>

<sc_bundles>
// kernel: kernel.3.cloned.1.call-start
scs
__scs_entry_jumppad:
0x0: {  	(pc) =	sbr.rel $0x88, $3  }
0x1: {  	(tag) =	ssettag $0x0;
	lr =	simm.s32 $0x1  }
0x2: {  	[smem:$0x3F9F] =	sst lr;
	_ =	strace $0xD0000000  }
0x3: {  	_ = 	snop  }
0x4: {  	_ = 	snop  }
0x5: {  	_ = 	snop  }
0x6: {  	_ = 	snop  }
0x7: {  	_ = 	snop  }
__scs_overlays_trampoline_lowered:
0x8: {  	[smem:$0x3FAE] =	sst s0  }
0x9: {  	[smem:$0x3FAF] =	sst s1  }
0xa: {  	[smem:$0x3FB0] =	sst s2  }
0xb: {  	[smem:$0x3FB1] =	sst s3  }
0xc: {  	[smem:$0x3FB2] =	sst s4  }
0xd: {  	[smem:$0x3FB3] =	sst s5  }
0xe: {  	[smem:$0x3FB4] =	sst s6  }
0xf: {  	[smem:$0x3FB5] =	sst s7  }
0x10: {  	[smem:$0x3FB6] =	sst s8  }
0x11: {  	[smem:$0x3FB7] =	sst s9;
	s0 =	simm.s32 @!p0 $0x0  }
0x12: {  	s1 =	sld [smem:$0x3F9D];
	s0 =	simm.s32 @p0 $0x1  }
0x13: {  	[smem:$0x3FB8] =	sst s0;
	s0 =	simm.s32 @!p1 $0x0  }
0x14: {  	s2 =	sld [smem:$0x3F9C];
	s0 =	simm.s32 @p1 $0x1  }
0x15: {  	[smem:$0x3FB9] =	sst s0;
	s0 =	simm.s32 @!p2 $0x0  }
0x16: {  	s3 =	sld [smem:$0x3FDB];
	s0 =	simm.s32 @p2 $0x1  }
0x17: {  	s4 =	simm.s32 $0x1BF5;
	[smem:$0x3FBB] =	sst s0  }
0x18: {  	s0 =	sld [smem:$0x3F9E];
	_ =	swait.ge [sflag:s4], $0x0  }
0x19: {  	s7 =	sld [smem:$0x3F9F]  }
0x1a: {  	s8 =	sadd.s32 $0xFFFFE003, lr  }
0x1b: {  	s9 =	sadd.s32 $0xFFFFFEF7, lr;
	s5 =	simm.s32 $0xFFFFFFFF;
	p2 =	slt.u32 s8, $0xFFFFF086  }
0x1c: {  	p1 =	slt.u32 s9, $0xF7A;
	s5 =	simm.s32 @!p2 $0x0  }
0x1d: {  	s5 =	simm.s32 @p1 $0x1;
	p0 =	seq.s32 s7, s2  }
0x1e: {  	s7 =	smul.u32 @!p0 $0xF7A, s2;
	p2 =	seq.s32 @!p0 s5, $0x0  }
0x1f: {  	s9 =	smul.u32 $0xF7A, s1;
	s8 =	simm.s32 @!p0 $0x1BF5;
	p2 =	por !p2, p0  }
0x20: {  	[sflag:s8] =	ssyncset.s32 @!p0 $0xFFFFF086;
	s6 =	sadd.s32 @!p0 s3, s7;
	s7 =	simm.s32 @!p0 $0x108  }
0x21: {  	s3 =	sadd.s32 s3, s9;
	s6 =	sadd.s32 @!p0 $0x88, s6;
	s7 =	simm.s32 @p2 $0x1082  }
0x22: {  	[simem:s7], [sflag:s8] =	dma.local @!p0 [hbm:s6], $0xF7A  }
0x23: {  	s9 =	sor.u32 $0xD0000000, s2;
	s6 =	simm.s32 $0x108;
	_ =	swait.ge @!p0 [sflag:s8], $0x0  }
0x24: {  	s3 =	sadd.s32 $0x88, s3;
	s6 =	simm.s32 @!p1 $0x1082;
	[sflag:s4] =	ssyncset.s32 $0xFFFFF086  }
0x25: {  	[simem:s6], [sflag:s4] =	dma.local [hbm:s3], $0xF7A  }
0x26: {  	[smem:$0x3F9F] =	sst s1;
	(tag) =	ssettag s2;
	_ =	strace s9  }
0x27: {  	s1 =	sld [smem:$0x3FAF]  }
0x28: {  	s2 =	sld [smem:$0x3FB0]  }
0x29: {  	s4 =	sld [smem:$0x3FB2]  }
0x2a: {  	p0 =	seq.s32 s5, $0x0;
	s5 =	sld [smem:$0x3FB3]  }
0x2b: {  	s6 =	sld [smem:$0x3FB4]  }
0x2c: {  	s7 =	sld [smem:$0x3FB5]  }
0x2d: {  	s3 =	simm.s32 $0x108;
	s8 =	sld [smem:$0x3FB6]  }
0x2e: {  	s3 =	simm.s32 @!p0 $0x1082;
	s9 =	sld [smem:$0x3FB7]  }
0x2f: {  	lr =	sadd.s32 s0, s3;
	s0 =	sld [smem:$0x3FAE]  }
0x30: {  	s3 =	sld [smem:$0x3FB1]  }
0x31: {  	[smem:$0x3FBA] =	sst s10  }
0x32: {  	s10 =	sld [smem:$0x3FB8];
	_ =	sdelay $0x3  }
0x33: {  	p0 =	seq.s32 s10, $0x1;
	s10 =	sld [smem:$0x3FBA];
	_ =	sdelay $0x3  }
0x34: {  	[smem:$0x3FBA] =	sst s10  }
0x35: {  	s10 =	sld [smem:$0x3FB9];
	_ =	sdelay $0x3  }
0x36: {  	p1 =	seq.s32 s10, $0x1;
	s10 =	sld [smem:$0x3FBA];
	_ =	sdelay $0x3  }
0x37: {  	[smem:$0x3FBA] =	sst s10  }
0x38: {  	s10 =	sld [smem:$0x3FBB]  }
0x39: {  	_ = 	snop;
	(pc) =	sbr.ind lr, $3  }
0x3a: {  	_ = 	snop  }
0x3b: {  	_ = 	snop  }
0x3c: {  	p2 =	seq.s32 s10, $0x1;
	s10 =	sld [smem:$0x3FBA]  }
0x3d: {  	_ =	shalt  }
0x3e: {  	_ =	shalt  }
0x3f: {  	_ =	shalt  }
0x40: {  	_ =	shalt  }
0x41: {  	_ =	shalt  }
0x42: {  	_ =	shalt  }
0x43: {  	_ =	shalt  }
0x44: {  	_ =	shalt  }
0x45: {  	_ =	shalt  }
0x46: {  	_ =	shalt  }
0x47: {  	_ =	shalt  }
0x48: {  	_ =	shalt  }
0x49: {  	_ =	shalt  }
0x4a: {  	_ =	shalt  }
0x4b: {  	_ =	shalt  }
0x4c: {  	_ =	shalt  }
0x4d: {  	_ =	shalt  }
0x4e: {  	_ =	shalt  }
0x4f: {  	_ =	shalt  }
0x50: {  	_ =	shalt  }
0x51: {  	_ =	shalt  }
0x52: {  	_ =	shalt  }
0x53: {  	_ =	shalt  }
0x54: {  	_ =	shalt  }
0x55: {  	_ =	shalt  }
0x56: {  	_ =	shalt  }
0x57: {  	_ =	shalt  }
0x58: {  	_ =	shalt  }
0x59: {  	_ =	shalt  }
0x5a: {  	_ =	shalt  }
0x5b: {  	_ =	shalt  }
0x5c: {  	_ =	shalt  }
0x5d: {  	_ =	shalt  }
0x5e: {  	_ =	shalt  }
0x5f: {  	_ =	shalt  }
0x60: {  	_ =	shalt  }
0x61: {  	_ =	shalt  }
0x62: {  	_ =	shalt  }
0x63: {  	_ =	shalt  }
0x64: {  	_ =	shalt  }
0x65: {  	_ =	shalt  }
0x66: {  	_ =	shalt  }
0x67: {  	_ =	shalt  }
0x68: {  	_ =	shalt  }
0x69: {  	_ =	shalt  }
0x6a: {  	_ =	shalt  }
0x6b: {  	_ =	shalt  }
0x6c: {  	_ =	shalt  }
0x6d: {  	_ =	shalt  }
0x6e: {  	_ =	shalt  }
0x6f: {  	_ =	shalt  }
0x70: {  	_ =	shalt  }
0x71: {  	_ =	shalt  }
0x72: {  	_ =	shalt  }
0x73: {  	_ =	shalt  }
0x74: {  	_ =	shalt  }
0x75: {  	_ =	shalt  }
0x76: {  	_ =	shalt  }
0x77: {  	_ =	shalt  }
0x78: {  	_ =	shalt  }
0x79: {  	_ =	shalt  }
0x7a: {  	_ =	shalt  }
0x7b: {  	_ =	shalt  }
0x7c: {  	_ =	shalt  }
0x7d: {  	_ =	shalt  }
0x7e: {  	_ =	shalt  }
0x7f: {  	_ =	shalt  }
0x80: {  	_ =	shalt  }
0x81: {  	_ =	shalt  }
0x82: {  	_ =	shalt  }
0x83: {  	_ =	shalt  }
0x84: {  	_ =	shalt  }
0x85: {  	_ =	shalt  }
0x86: {  	_ =	shalt  }
0x87: {  	_ =	shalt  }
.Lfunc_end0:
.L_simem_size_0:
called_computation.1_lowered:
.L_overlay_start_0:
0x88: {  	s2 =	sld [smem:$0x3FD9]  }
0x89: {  	s3 =	sld [smem:$0x3FFE];
	_ =	sdelay $0x1  }
0x8a: {  	s1 =	srdreg.scid  }
0x8b: {  	s0 =	sand.u32 $0x1, s1  }
0x8c: {  	s17 =	sshll.u32 s0, $0xA;
	s2 =	sadd.s32 s3, s2  }
0x8d: {  	s2 =	sadd.s32 s2, s17  }
0x8e: {  	[smem:$0x3FC6] =	sst s2  }
0x8f: {  	_ = 	snop  }
0x90: {  	s2 =	sld [smem:$0x3FD0];
	(tm) =	ssettm $0x1  }
0x91: {  	s18 =	sld [smem:$0x3FFB];
	_ =	sdelay $0x3  }
0x92: {  	_ =	strace s18  }
0x93: {  	s3 =	sld [smem:$0x3FFC];
	_ =	sdelay $0x3  }
0x94: {  	_ =	strace s3  }
0x95: {  	s3 =	sld [smem:$0x3FFD];
	_ =	sdelay $0x3  }
0x96: {  	_ =	strace s3  }
0x97: {  	_ =	strace $0x8FFFFFFF  }
0x98: {  	s19 =	sld [smem:$0x3FDB];
	_ =	sdelay $0x1  }
0x99: {  	s4 =	simm.s32 $_scs_section_size  }
0x9a: {  	s5 =	simm.s32 $_size__tile_overlayer_lowered;
	s6 =	simm.s32 $_tile_overlayer_lowered  }
0x9b: {  	s22 =	simm.s32 $0x1BFF;
	s21 =	sshll.u32 s6, $0x1;
	s3 =	sadd.s32 s4, s19  }
0x9c: {  	s7 =	simm.s32 $0x0;
	s20 =	sshll.u32 s5, $0x1;
	s5 =	sadd.s32 s21, s3  }
0x9d: {  	[timem:s7], [sflag:s22] =	dma.local [hbm:s5], s20  }
0x9e: {  	_ =	swait.ge [sflag:s22], s20  }
0x9f: {  	s4 =	ssub.s32 $0x0, s20;
	[sflag:s22] =	ssyncset.done $0x0  }
0xa0: {  	[sflag:s22] =	ssyncadd.s32 s4;
	_ =	sdelay $0x1  }
0xa1: {  	s23 =	simm.s32 $0x1B8B  }
0xa2: {  	_ =	swait.ge [sflag:s23], $0x1  }
0xa3: {  	[sflag:s23] =	ssyncset.done $0x0  }
0xa4: {  	s25 =	simm.s32 $0x1B8E;
	s24 =	sld [smem:$0x3FFE];
	[sflag:s23] =	ssyncadd.s32 $0xFFFFFFFF  }
0xa5: {  	s26 =	simm.s32 $execute0_lowered;
	[smem:$0x3FD2] =	sst s25  }
0xa6: {  	s5 =	sshll.u32 s26, $0x1;
	_ =	strace $0x80000046;
	[dreg:$0x1] =	wrdreg $0xFFFFFFFF  }
0xa7: {  	s28 =	simm.s32 $_size_execute0_lowered;
	s3 =	sadd.s32 s3, s5;
	[dreg:$0x0] =	wrdreg $0x0  }
0xa8: {  	s5 =	sshll.u32 s28, $0x1;
	[dreg:$0x2] =	wrdreg s3  }
0xa9: {  	[dreg:$0x3] =	wrdreg s5  }
0xaa: {  	[dreg:$0x4] =	wrdreg $0xC0  }
0xab: {  	_ =	task [dreg:s7], $0x5FFFF  }
0xac: {  	[dreg:$0x1] =	wrdreg $0xFFFFFFFF  }
0xad: {  	[dreg:$0x0] =	wrdreg $0x60  }
0xae: {  	[dreg:$0x2] =	wrdreg s24  }
0xaf: {  	[dreg:$0x3] =	wrdreg s2  }
0xb0: {  	[dreg:$0x4] =	wrdreg $0x9  }
0xb1: {  	_ =	task.clear_ibuf [dreg:s7], $0x5FFFF;
	_ =	strace $0x90000046  }
0xb2: {  	s29 =	simm.s32 $0x9;
	_ =	strace $0x80000048  }
0xb3: {  	_ =	swait.ge [sflag:s29], $0x1  }
0xb4: {  	[sflag:s29] =	ssyncadd.s32 $0xFFFFFFFF  }
0xb5: {  	_ =	strace $0x90000048  }
0xb6: {  	_ =	sfence  }
0xb7: {  	s30 =	sld [smem:$0x0];
	_ =	sdelay $0x2  }
0xb8: {  	s31 =	sshll.u32 s1, $0xD;
	s1 =	sshrl.u32 s1, $0x2  }
0xb9: {  	s3 =	sand.u32 $0x4000, s31;
	s1 =	sadd.s32 s1, s30  }
0xba: {  	s0 =	sor.u32 s3, s0;
	s1 =	sshll.u32 s1, $0x11  }
0xbb: {  	s0 =	sor.u32 s1, s0  }
0xbc: {  	s0 =	sadd.s32 $0x8F2B, s0  }
0xbd: {  	[sflag:s0] =	ssyncadd.remote.s32 $0x1  }
0xbe: {  	_ =	sfence.sel $0xFFFF  }
0xbf: {  	[dreg:$0x0] =	wrdreg $0xFFFFFFFF;
	(pc) =	sbr.abs _section_cstart, $3  }
0xc0: {  	[dreg:$0x1] =	wrdreg $0xFFFFFFFF  }
0xc1: {  	_ =	task.clear_ibuf [dreg:s7], $0x2FFFF;
	_ =	strace $0x9FFFFFFF  }
0xc2: {  	(tm) =	ssettm $0x7FFFFFFF  }
0xc3: {  	_ =	shalt  }
tec
execute0_lowered:
.L_overlay_start_1:
0x0: {  	(tag) =	ssettag $0x1  }
0x1: {  	s0 =	rddreg [dreg:$0x0]  }
0x2: {  	s2 =	rddreg [dreg:$0x1]  }
0x3: {  	s1 =	srdreg.scid;
	s4 =	stileid.u32;
	s3 =	simm.s32 $0x0  }
0x4: {  	s19 =	simm.s32 $0x5;
	s20 =	simm.s32 $0x80;
	s11 =	simm.s32 $0x320  }
0x5: {  	s12 =	simm.s32 $0xCE40;
	s28 =	simm.s32 $0x530;
	s29 =	simm.s32 $0x15240  }
0x6: {  	s30 =	simm.s32 $0x578;
	s31 =	simm.s32 $0x16440;
	s18 =	simm.s32 $0x1  }
0x7: {  	s13 =	simm.s32 $0x4;
	s1 =	sand.u32 $0x1, s1;
	s4 =	sshll.u32 s4, $0x1  }
0x8: {  	[smem:$0x7FF] =	sst s3;
	s5 =	sadd.s32 $0xF43000, s0;
	s6 =	sadd.s32 $0xC00, s0  }
0x9: {  	s0 =	sadd.s32 $0x19C00, s0;
	s7 =	sor.u32 s1, s4;
	_ =	strace $0x80000047  }
0xa: {  	s1 =	ssub.s32 $0x2, s1;
	[dreg:$0x3] =	wrdreg s0;
	s4 =	smul.u32 $0x6400, s7  }
0xb: {  	s8 =	smul.u32 $0xC80, s7;
	s9 =	sshrl.u32 s1, $0x1;
	s22 =	sshll.u32 s7, $0x7  }
0xc: {  	s10 =	smul.u32 $0x32000, s7;
	s21 =	ssub.s32 s1, s9;
	s15 =	sor.u32 $0x8, s22  }
0xd: {  	s16 =	sor.u32 $0xC, s22;
	s22 =	simm.s32 $0x48;
	s1 =	simm.s32 $0x18440  }
0xe: {  	s9 =	simm.s32 $0x0;
	s8 =	sadd.s32 s6, s8;
	s23 =	sadd.s32 s2, s10  }
0xf: {  	s24 =	sshrl.u32 s4, $0x3;
	s14 =	sor.u32 $0x320, s4;
	[dreg:$0x4] =	wrdreg s8  }
0x10: {  	s0 =	smax.u32 s21, $0x1;
	s21 =	simm.s32 $0x640;
	[dreg:$0x5] =	wrdreg s23  }
0x11: {  	s10 =	simm.s32 $0x3;
	s8 =	sadd.s32 $0x64, s8;
	[dreg:$0xa] =	wrdreg s0  }
0x12: {  	s25 =	sadd.s32 $0x1900, s23;
	s7 =	sadd.s32 s6, s24;
	[dreg:$0x6] =	wrdreg s8  }
0x13: {  	s0 =	simm.s32 $0x5F8;
	[dreg:$0x7] =	wrdreg s25;
	s26 =	sadd.s32 $0xC8, s7  }
0x14: {  	s7 =	sadd.s32 $0x12C, s7;
	s25 =	simm.s32 $0x4B0;
	[dreg:$0x8] =	wrdreg s26  }
0x15: {  	[dreg:$0x9] =	wrdreg s7;
	s26 =	simm.s32 $0x13240;
	s7 =	simm.s32 $0x2  }
.LBB2_1:
0x16: {  	[dreg:$0xb] =	wrdreg s9  }
0x17: {  	s8 =	rddreg [dreg:$0x3];
	s17 =	simm.s32 $0x19640  }
0x18: {  	[tilespmem:s17], [sflag:$0x5] =	stream.linear.gather [hbm4b:s8+s3], $0x3200, $0x38;
	[tilespmem:$0x1C840] =	vst v63  }
0x19: {  	_ =	swait.ge [sflag:s19], $0x3200  }
0x1a: {  	[sflag:s19] =	ssyncset.done $0x0  }
0x1b: {  	s23 =	rddreg [dreg:$0x4];
	[sflag:s19] =	ssyncadd.s32 $0xFFFFCE00  }
0x1c: {  	[tilespmem:s3], [sflag:$0x5] =	stream.linear.gather [hbm4b:s23+s3], $0x320, $0x38;
	[tilespmem:$0x1C840] =	vst v63  }
0x1d: {  	_ =	swait.ge [sflag:s19], $0x320  }
0x1e: {  	[sflag:s19] =	ssyncset.done $0x0  }
0x1f: {  	[sflag:s19] =	ssyncadd.s32 $0xFFFFFCE0  }
0x20: {  	[tilespmem:s21], [sflag:$0x1] =	stream.indirect.gather [hbm4b:s5+s20], $0x40, s3, s20, $0xb8;
	[tilespmem:$0x1C840] =	vst v63  }
0x21: {  	s24 =	simm.s32 $0x2640  }
0x22: {  	[tilespmem:s24], [sflag:$0x1] =	stream.indirect.gather [hbm4b:s5+s22], $0x40, s20, s22, $0xb8;
	[tilespmem:$0x1C840] =	vst v63  }
0x23: {  	s9 =	simm.s32 $0xC8;
	s17 =	simm.s32 $0x3840  }
0x24: {  	[tilespmem:s17], [sflag:$0x1] =	stream.indirect.gather [hbm4b:s5+s20], $0x40, s9, s20, $0xb8;
	[tilespmem:$0x1C840] =	vst v63  }
0x25: {  	s23 =	simm.s32 $0x148;
	s24 =	simm.s32 $0x5840  }
0x26: {  	[tilespmem:s24], [sflag:$0x1] =	stream.indirect.gather [hbm4b:s5+s22], $0x40, s23, s22, $0xb8;
	[tilespmem:$0x1C840] =	vst v63  }
0x27: {  	s9 =	simm.s32 $0x190;
	s17 =	simm.s32 $0x6A40  }
0x28: {  	[tilespmem:s17], [sflag:$0x1] =	stream.indirect.gather [hbm4b:s5+s20], $0x40, s9, s20, $0xb8;
	[tilespmem:$0x1C840] =	vst v63  }
0x29: {  	s23 =	simm.s32 $0x210;
	s24 =	simm.s32 $0x8A40  }
0x2a: {  	[tilespmem:s24], [sflag:$0x1] =	stream.indirect.gather [hbm4b:s5+s22], $0x40, s23, s22, $0xb8;
	[tilespmem:$0x1C840] =	vst v63  }
0x2b: {  	s9 =	simm.s32 $0x258;
	s17 =	simm.s32 $0x9C40  }
0x2c: {  	[tilespmem:s17], [sflag:$0x1] =	stream.indirect.gather [hbm4b:s5+s20], $0x40, s9, s20, $0xb8;
	[tilespmem:$0x1C840] =	vst v63  }
0x2d: {  	s23 =	simm.s32 $0x2D8;
	s24 =	simm.s32 $0xBC40  }
0x2e: {  	[tilespmem:s24], [sflag:$0x1] =	stream.indirect.gather [hbm4b:s5+s22], $0x40, s23, s22, $0xb8;
	[tilespmem:$0x1C840] =	vst v63  }
0x2f: {  	s17 =	rddreg [dreg:$0x6]  }
0x30: {  	[tilespmem:s11], [sflag:$0x5] =	stream.linear.gather [hbm4b:s17+s3], $0x320, $0x38;
	[tilespmem:$0x1C840] =	vst v63  }
0x31: {  	_ =	swait.ge [sflag:s19], $0x320  }
0x32: {  	[sflag:s19] =	ssyncset.done $0x0  }
0x33: {  	[sflag:s19] =	ssyncadd.s32 $0xFFFFFCE0  }
0x34: {  	[tilespmem:s12], [sflag:$0x2] =	stream.indirect.gather [hbm4b:s5+s20], $0x40, s11, s20, $0xb8;
	[tilespmem:$0x1C840] =	vst v63  }
0x35: {  	s23 =	simm.s32 $0x3A0;
	s24 =	simm.s32 $0xEE40  }
0x36: {  	[tilespmem:s24], [sflag:$0x2] =	stream.indirect.gather [hbm4b:s5+s22], $0x40, s23, s22, $0xb8;
	[tilespmem:$0x1C840] =	vst v63  }
0x37: {  	s9 =	simm.s32 $0x3E8;
	s17 =	simm.s32 $0x10040  }
0x38: {  	[tilespmem:s17], [sflag:$0x2] =	stream.indirect.gather [hbm4b:s5+s20], $0x40, s9, s20, $0xb8;
	[tilespmem:$0x1C840] =	vst v63  }
0x39: {  	s23 =	simm.s32 $0x468;
	s24 =	simm.s32 $0x12040  }
0x3a: {  	[tilespmem:s24], [sflag:$0x2] =	stream.indirect.gather [hbm4b:s5+s22], $0x40, s23, s22, $0xb8;
	[tilespmem:$0x1C840] =	vst v63  }
0x3b: {  	_ = 	snop  }
0x3c: {  	[tilespmem:s26], [sflag:$0x2] =	stream.indirect.gather [hbm4b:s5+s20], $0x40, s25, s20, $0xb8;
	[tilespmem:$0x1C840] =	vst v63  }
0x3d: {  	_ = 	snop  }
0x3e: {  	[tilespmem:s29], [sflag:$0x2] =	stream.indirect.gather [hbm4b:s5+s22], $0x40, s28, s22, $0xb8;
	[tilespmem:$0x1C840] =	vst v63  }
0x3f: {  	_ = 	snop  }
0x40: {  	[tilespmem:s31], [sflag:$0x2] =	stream.indirect.gather [hbm4b:s5+s20], $0x40, s30, s20, $0xb8;
	[tilespmem:$0x1C840] =	vst v63  }
0x41: {  	_ = 	snop  }
0x42: {  	[tilespmem:s1], [sflag:$0x2] =	stream.indirect.gather [hbm4b:s5+s22], $0x40, s0, s22, $0xb8;
	[tilespmem:$0x1C840] =	vst v63  }
0x43: {  	_ =	swait.ge [sflag:s18], $0x2000  }
0x44: {  	[sflag:s18] =	ssyncset.done $0x0  }
0x45: {  	[sflag:s18] =	ssyncadd.s32 $0xFFFFE000  }
0x46: {  	_ =	swait.ge [sflag:s18], $0x1200  }
0x47: {  	[sflag:s18] =	ssyncset.done $0x0  }
0x48: {  	[sflag:s18] =	ssyncadd.s32 $0xFFFFEE00  }
0x49: {  	_ =	swait.ge [sflag:s18], $0x2000  }
0x4a: {  	[sflag:s18] =	ssyncset.done $0x0  }
0x4b: {  	[sflag:s18] =	ssyncadd.s32 $0xFFFFE000  }
0x4c: {  	_ =	swait.ge [sflag:s18], $0x1200  }
0x4d: {  	[sflag:s18] =	ssyncset.done $0x0  }
0x4e: {  	[sflag:s18] =	ssyncadd.s32 $0xFFFFEE00  }
0x4f: {  	_ =	swait.ge [sflag:s18], $0x2000  }
0x50: {  	[sflag:s18] =	ssyncset.done $0x0  }
0x51: {  	[sflag:s18] =	ssyncadd.s32 $0xFFFFE000  }
0x52: {  	_ =	swait.ge [sflag:s18], $0x1200  }
0x53: {  	[sflag:s18] =	ssyncset.done $0x0  }
0x54: {  	[sflag:s18] =	ssyncadd.s32 $0xFFFFEE00  }
0x55: {  	_ =	swait.ge [sflag:s18], $0x2000  }
0x56: {  	[sflag:s18] =	ssyncset.done $0x0  }
0x57: {  	[sflag:s18] =	ssyncadd.s32 $0xFFFFE000  }
0x58: {  	_ =	swait.ge [sflag:s18], $0x1200  }
0x59: {  	[sflag:s18] =	ssyncset.done $0x0  }
0x5a: {  	s8 =	simm.s32 $0x0;
	[sflag:s18] =	ssyncadd.s32 $0xFFFFEE00  }
0x5b: {  	v6 =	vld [tilespmem:s8+$0x19640]  }
0x5c: {  	v8 =	vld [tilespmem:s8+$0x19650]  }
0x5d: {  	v9 =	vld [tilespmem:s8+$0x19660]  }
0x5e: {  	v7 =	vld [tilespmem:s8+$0x19670]  }
0x5f: {  	v10 =	vld [tilespmem:s8+$0x19670]  }
0x60: {  	v11 =	vld [tilespmem:s8+$0x19640]  }
0x61: {  	v13 =	vld [tilespmem:s8+$0x19650]  }
0x62: {  	v5 =	vld [tilespmem:s8+$0x19660]  }
0x63: {  	v4 =	vld [tilespmem:s8+$0x19670]  }
0x64: {  	v3 =	vld [tilespmem:s8+$0x19640]  }
0x65: {  	v2 =	vld [tilespmem:s8+$0x19650]  }
0x66: {  	v1 =	vld [tilespmem:s8+$0x19660]  }
0x67: {  	v0 =	vld [tilespmem:s8+$0x19670]  }
0x68: {  	v12 =	vld [tilespmem:s8+$0x640]  }
0x69: {  	v14 =	vld [tilespmem:s8+$0x650]  }
0x6a: {  	v15 =	vld [tilespmem:s8+$0x660]  }
0x6b: {  	v16 =	vld [tilespmem:s8+$0x670]  }
0x6c: {  	v17 =	vld [tilespmem:s8+$0x3840]  }
0x6d: {  	v18 =	vld [tilespmem:s8+$0x3850];
	v12 =	vadd.f32 v6, v12  }
0x6e: {  	v19 =	vld [tilespmem:s8+$0x3860];
	v14 =	vadd.f32 v8, v14  }
0x6f: {  	v15 =	vadd.f32 v9, v15;
	[tilespmem:s8+$0x640] =	vst v12;
	v12 =	vld [tilespmem:s8+$0x3870]  }
0x70: {  	v7 =	vadd.f32 v7, v16;
	[tilespmem:s8+$0x650] =	vst v14;
	v14 =	vld [tilespmem:s8+$0x6A40]  }
0x71: {  	v6 =	vadd.f32 v6, v17;
	[tilespmem:s8+$0x660] =	vst v15;
	v15 =	vld [tilespmem:s8+$0x6A50]  }
0x72: {  	v8 =	vadd.f32 v8, v18;
	[tilespmem:s8+$0x670] =	vst v7;
	v7 =	vld [tilespmem:s8+$0x6A60]  }
0x73: {  	v9 =	vadd.f32 v9, v19;
	[tilespmem:s8+$0x3840] =	vst v6;
	v6 =	vld [tilespmem:s8+$0x6A70]  }
0x74: {  	[tilespmem:s8+$0x3850] =	vst v8;
	v8 =	vld [tilespmem:s8+$0x9C40];
	v10 =	vadd.f32 v10, v12  }
0x75: {  	[tilespmem:s8+$0x3860] =	vst v9;
	v9 =	vld [tilespmem:s8+$0x9C50];
	v12 =	vadd.f32 v11, v14  }
0x76: {  	s9 =	simm.s32 $0x100;
	v11 =	vadd.f32 v13, v15;
	[tilespmem:s8+$0x3870] =	vst v10;
	v10 =	vld [tilespmem:s8+$0x9C60]  }
.LBB2_2:
0x77: {  	s17 =	sshra.s32 s9, $0x2;
	p0 =	sne.s32 s9, $0xC700;
	[tilespmem:s8+$0x6A40] =	vst v12;
	v5 =	vadd.f32 v5, v7;
	v7 =	vld [tilespmem:s8+$0x9C70]  }
0x78: {  	v12 =	vld [tilespmem:s17+$0x19640];
	[tilespmem:s8+$0x6A50] =	vst v11;
	v4 =	vadd.f32 v4, v6  }
0x79: {  	v6 =	vld [tilespmem:s17+$0x19650];
	[tilespmem:s8+$0x6A60] =	vst v5;
	v3 =	vadd.f32 v3, v8  }
0x7a: {  	v8 =	vld [tilespmem:s17+$0x19660];
	[tilespmem:s8+$0x6A70] =	vst v4;
	v2 =	vadd.f32 v2, v9  }
0x7b: {  	v9 =	vld [tilespmem:s17+$0x19670];
	[tilespmem:s8+$0x9C40] =	vst v3;
	v1 =	vadd.f32 v1, v10  }
0x7c: {  	v10 =	vld [tilespmem:s17+$0x19670];
	[tilespmem:s8+$0x9C50] =	vst v2;
	v0 =	vadd.f32 v0, v7  }
0x7d: {  	v11 =	vld [tilespmem:s17+$0x19640];
	[tilespmem:s8+$0x9C60] =	vst v1  }
0x7e: {  	v13 =	vld [tilespmem:s17+$0x19650];
	[tilespmem:s8+$0x9C70] =	vst v0;
	s8 =	smov.u32 s17  }
0x7f: {  	v5 =	vld [tilespmem:s8+$0x19660]  }
0x80: {  	v4 =	vld [tilespmem:s8+$0x19670]  }
0x81: {  	v3 =	vld [tilespmem:s8+$0x19640]  }
0x82: {  	v2 =	vld [tilespmem:s8+$0x19650]  }
0x83: {  	v1 =	vld [tilespmem:s8+$0x19660]  }
0x84: {  	v0 =	vld [tilespmem:s8+$0x19670]  }
0x85: {  	v7 =	vld [tilespmem:s8+$0x640]  }
0x86: {  	v14 =	vld [tilespmem:s8+$0x650]  }
0x87: {  	v15 =	vld [tilespmem:s8+$0x660]  }
0x88: {  	v16 =	vld [tilespmem:s8+$0x670]  }
0x89: {  	v17 =	vld [tilespmem:s8+$0x3840]  }
0x8a: {  	v7 =	vadd.f32 v12, v7;
	v18 =	vld [tilespmem:s8+$0x3850]  }
0x8b: {  	v14 =	vadd.f32 v6, v14;
	v19 =	vld [tilespmem:s8+$0x3860]  }
0x8c: {  	[tilespmem:s8+$0x640] =	vst v7;
	v7 =	vadd.f32 v8, v15;
	v15 =	vld [tilespmem:s8+$0x3870]  }
0x8d: {  	[tilespmem:s8+$0x650] =	vst v14;
	v9 =	vadd.f32 v9, v16;
	v14 =	vld [tilespmem:s8+$0x6A40]  }
0x8e: {  	[tilespmem:s8+$0x660] =	vst v7;
	v12 =	vadd.f32 v12, v17;
	v16 =	vld [tilespmem:s8+$0x6A50]  }
.Ltmp0:
0x8f: {  	[tilespmem:s8+$0x670] =	vst v9;
	v9 =	vadd.f32 v6, v18;
	v7 =	vld [tilespmem:s8+$0x6A60];
	(pc) =	sbr.rel @p0 .LBB2_2-.Ltmp0, $4  }
0x90: {  	[tilespmem:s8+$0x3840] =	vst v12;
	v12 =	vadd.f32 v8, v19;
	v6 =	vld [tilespmem:s8+$0x6A70]  }
0x91: {  	[tilespmem:s8+$0x3850] =	vst v9;
	v10 =	vadd.f32 v10, v15;
	v8 =	vld [tilespmem:s8+$0x9C40]  }
0x92: {  	[tilespmem:s8+$0x3860] =	vst v12;
	v12 =	vadd.f32 v11, v14;
	v9 =	vld [tilespmem:s8+$0x9C50]  }
0x93: {  	s9 =	sadd.s32 $0x100, s9;
	[tilespmem:s8+$0x3870] =	vst v10;
	v11 =	vadd.f32 v13, v16;
	v10 =	vld [tilespmem:s8+$0x9C60]  }
0x94: {  	[tilespmem:s8+$0x6A40] =	vst v12;
	v5 =	vadd.f32 v5, v7;
	v7 =	vld [tilespmem:s8+$0x9C70]  }
0x95: {  	[tilespmem:s8+$0x6A50] =	vst v11;
	v4 =	vadd.f32 v4, v6  }
0x96: {  	[tilespmem:s8+$0x6A60] =	vst v5;
	v3 =	vadd.f32 v3, v8  }
0x97: {  	[tilespmem:s8+$0x6A70] =	vst v4;
	v2 =	vadd.f32 v2, v9  }
0x98: {  	[tilespmem:s8+$0x9C40] =	vst v3;
	v1 =	vadd.f32 v1, v10  }
0x99: {  	[tilespmem:s8+$0x9C50] =	vst v2;
	v0 =	vadd.f32 v0, v7  }
0x9a: {  	[tilespmem:s8+$0x9C60] =	vst v1  }
0x9b: {  	s24 =	simm.s32 $0x0;
	s9 =	rddreg [dreg:$0x5];
	[tilespmem:s8+$0x9C70] =	vst v0  }
0x9c: {  	[hbm4b:s9+s24] =	stream.linear.scatter [tilespmem:s21], [sflag:$0x3], $0xC800, $0x38;
	[tilespmem:$0x1C840] =	vst v63  }
0x9d: {  	_ =	swait.ge [sflag:s7], $0x2000  }
0x9e: {  	[sflag:s7] =	ssyncset.done $0x0  }
0x9f: {  	[sflag:s7] =	ssyncadd.s32 $0xFFFFE000  }
0xa0: {  	_ =	swait.ge [sflag:s7], $0x1200  }
0xa1: {  	[sflag:s7] =	ssyncset.done $0x0  }
0xa2: {  	[sflag:s7] =	ssyncadd.s32 $0xFFFFEE00  }
0xa3: {  	_ =	swait.ge [sflag:s7], $0x2000  }
0xa4: {  	[sflag:s7] =	ssyncset.done $0x0  }
0xa5: {  	[sflag:s7] =	ssyncadd.s32 $0xFFFFE000  }
0xa6: {  	_ =	swait.ge [sflag:s7], $0x1200  }
0xa7: {  	[sflag:s7] =	ssyncset.done $0x0  }
0xa8: {  	[sflag:s7] =	ssyncadd.s32 $0xFFFFEE00  }
0xa9: {  	_ =	swait.ge [sflag:s7], $0x2000  }
0xaa: {  	[sflag:s7] =	ssyncset.done $0x0  }
0xab: {  	[sflag:s7] =	ssyncadd.s32 $0xFFFFE000  }
0xac: {  	_ =	swait.ge [sflag:s7], $0x1200  }
0xad: {  	[sflag:s7] =	ssyncset.done $0x0  }
0xae: {  	[sflag:s7] =	ssyncadd.s32 $0xFFFFEE00  }
0xaf: {  	_ =	swait.ge [sflag:s7], $0x2000  }
0xb0: {  	[sflag:s7] =	ssyncset.done $0x0  }
0xb1: {  	[sflag:s7] =	ssyncadd.s32 $0xFFFFE000  }
0xb2: {  	_ =	swait.ge [sflag:s7], $0x1200  }
0xb3: {  	[sflag:s7] =	ssyncset.done $0x0  }
0xb4: {  	s8 =	simm.s32 $0x0;
	[sflag:s7] =	ssyncadd.s32 $0xFFFFEE00  }
0xb5: {  	v6 =	vld [tilespmem:s8+$0x19640]  }
0xb6: {  	v8 =	vld [tilespmem:s8+$0x19650]  }
0xb7: {  	v9 =	vld [tilespmem:s8+$0x19660]  }
0xb8: {  	v7 =	vld [tilespmem:s8+$0x19670]  }
0xb9: {  	v10 =	vld [tilespmem:s8+$0x19670]  }
0xba: {  	v11 =	vld [tilespmem:s8+$0x19640]  }
0xbb: {  	v13 =	vld [tilespmem:s8+$0x19650]  }
0xbc: {  	v5 =	vld [tilespmem:s8+$0x19660]  }
0xbd: {  	v4 =	vld [tilespmem:s8+$0x19670]  }
0xbe: {  	v3 =	vld [tilespmem:s8+$0x19640]  }
0xbf: {  	v2 =	vld [tilespmem:s8+$0x19650]  }
0xc0: {  	v1 =	vld [tilespmem:s8+$0x19660]  }
0xc1: {  	v0 =	vld [tilespmem:s8+$0x19670]  }
0xc2: {  	v12 =	vld [tilespmem:s8+$0xCE40]  }
0xc3: {  	v14 =	vld [tilespmem:s8+$0xCE50]  }
0xc4: {  	v15 =	vld [tilespmem:s8+$0xCE60]  }
0xc5: {  	v16 =	vld [tilespmem:s8+$0xCE70]  }
0xc6: {  	v17 =	vld [tilespmem:s8+$0x10040]  }
0xc7: {  	v18 =	vld [tilespmem:s8+$0x10050];
	v12 =	vadd.f32 v6, v12  }
0xc8: {  	v19 =	vld [tilespmem:s8+$0x10060];
	v14 =	vadd.f32 v8, v14  }
0xc9: {  	v15 =	vadd.f32 v9, v15;
	[tilespmem:s8+$0xCE40] =	vst v12;
	v12 =	vld [tilespmem:s8+$0x10070]  }
0xca: {  	v7 =	vadd.f32 v7, v16;
	[tilespmem:s8+$0xCE50] =	vst v14;
	v14 =	vld [tilespmem:s8+$0x13240]  }
0xcb: {  	v6 =	vadd.f32 v6, v17;
	[tilespmem:s8+$0xCE60] =	vst v15;
	v15 =	vld [tilespmem:s8+$0x13250]  }
0xcc: {  	v8 =	vadd.f32 v8, v18;
	[tilespmem:s8+$0xCE70] =	vst v7;
	v7 =	vld [tilespmem:s8+$0x13260]  }
0xcd: {  	v9 =	vadd.f32 v9, v19;
	[tilespmem:s8+$0x10040] =	vst v6;
	v6 =	vld [tilespmem:s8+$0x13270]  }
0xce: {  	[tilespmem:s8+$0x10050] =	vst v8;
	v8 =	vld [tilespmem:s8+$0x16440];
	v10 =	vadd.f32 v10, v12  }
0xcf: {  	[tilespmem:s8+$0x10060] =	vst v9;
	v9 =	vld [tilespmem:s8+$0x16450];
	v12 =	vadd.f32 v11, v14  }
0xd0: {  	s9 =	simm.s32 $0x100;
	v11 =	vadd.f32 v13, v15;
	[tilespmem:s8+$0x10070] =	vst v10;
	v10 =	vld [tilespmem:s8+$0x16460]  }
.LBB2_4:
0xd1: {  	s17 =	sshra.s32 s9, $0x2;
	p0 =	sne.s32 s9, $0xC700;
	[tilespmem:s8+$0x13240] =	vst v12;
	v5 =	vadd.f32 v5, v7;
	v7 =	vld [tilespmem:s8+$0x16470]  }
0xd2: {  	v12 =	vld [tilespmem:s17+$0x19640];
	[tilespmem:s8+$0x13250] =	vst v11;
	v4 =	vadd.f32 v4, v6  }
0xd3: {  	v6 =	vld [tilespmem:s17+$0x19650];
	[tilespmem:s8+$0x13260] =	vst v5;
	v3 =	vadd.f32 v3, v8  }
0xd4: {  	v8 =	vld [tilespmem:s17+$0x19660];
	[tilespmem:s8+$0x13270] =	vst v4;
	v2 =	vadd.f32 v2, v9  }
0xd5: {  	v9 =	vld [tilespmem:s17+$0x19670];
	[tilespmem:s8+$0x16440] =	vst v3;
	v1 =	vadd.f32 v1, v10  }
0xd6: {  	v10 =	vld [tilespmem:s17+$0x19670];
	[tilespmem:s8+$0x16450] =	vst v2;
	v0 =	vadd.f32 v0, v7  }
0xd7: {  	v11 =	vld [tilespmem:s17+$0x19640];
	[tilespmem:s8+$0x16460] =	vst v1  }
0xd8: {  	v13 =	vld [tilespmem:s17+$0x19650];
	[tilespmem:s8+$0x16470] =	vst v0;
	s8 =	smov.u32 s17  }
0xd9: {  	v5 =	vld [tilespmem:s8+$0x19660]  }
0xda: {  	v4 =	vld [tilespmem:s8+$0x19670]  }
0xdb: {  	v3 =	vld [tilespmem:s8+$0x19640]  }
0xdc: {  	v2 =	vld [tilespmem:s8+$0x19650]  }
0xdd: {  	v1 =	vld [tilespmem:s8+$0x19660]  }
0xde: {  	v0 =	vld [tilespmem:s8+$0x19670]  }
0xdf: {  	v7 =	vld [tilespmem:s8+$0xCE40]  }
0xe0: {  	v14 =	vld [tilespmem:s8+$0xCE50]  }
0xe1: {  	v15 =	vld [tilespmem:s8+$0xCE60]  }
0xe2: {  	v16 =	vld [tilespmem:s8+$0xCE70]  }
0xe3: {  	v17 =	vld [tilespmem:s8+$0x10040]  }
0xe4: {  	v7 =	vadd.f32 v12, v7;
	v18 =	vld [tilespmem:s8+$0x10050]  }
0xe5: {  	v14 =	vadd.f32 v6, v14;
	v19 =	vld [tilespmem:s8+$0x10060]  }
0xe6: {  	[tilespmem:s8+$0xCE40] =	vst v7;
	v7 =	vadd.f32 v8, v15;
	v15 =	vld [tilespmem:s8+$0x10070]  }
0xe7: {  	[tilespmem:s8+$0xCE50] =	vst v14;
	v9 =	vadd.f32 v9, v16;
	v14 =	vld [tilespmem:s8+$0x13240]  }
0xe8: {  	[tilespmem:s8+$0xCE60] =	vst v7;
	v12 =	vadd.f32 v12, v17;
	v16 =	vld [tilespmem:s8+$0x13250]  }
.Ltmp1:
0xe9: {  	[tilespmem:s8+$0xCE70] =	vst v9;
	v9 =	vadd.f32 v6, v18;
	v7 =	vld [tilespmem:s8+$0x13260];
	(pc) =	sbr.rel @p0 .LBB2_4-.Ltmp1, $4  }
0xea: {  	[tilespmem:s8+$0x10040] =	vst v12;
	v12 =	vadd.f32 v8, v19;
	v6 =	vld [tilespmem:s8+$0x13270]  }
0xeb: {  	[tilespmem:s8+$0x10050] =	vst v9;
	v10 =	vadd.f32 v10, v15;
	v8 =	vld [tilespmem:s8+$0x16440]  }
0xec: {  	[tilespmem:s8+$0x10060] =	vst v12;
	v12 =	vadd.f32 v11, v14;
	v9 =	vld [tilespmem:s8+$0x16450]  }
0xed: {  	s9 =	sadd.s32 $0x100, s9;
	[tilespmem:s8+$0x10070] =	vst v10;
	v11 =	vadd.f32 v13, v16;
	v10 =	vld [tilespmem:s8+$0x16460]  }
0xee: {  	[tilespmem:s8+$0x13240] =	vst v12;
	v5 =	vadd.f32 v5, v7;
	v63 =	vld [tilespmem:s8+$0x16470]  }
0xef: {  	[tilespmem:s8+$0x13250] =	vst v11;
	v4 =	vadd.f32 v4, v6  }
0xf0: {  	[tilespmem:s8+$0x13260] =	vst v5;
	v3 =	vadd.f32 v3, v8  }
0xf1: {  	[tilespmem:s8+$0x13270] =	vst v4;
	v2 =	vadd.f32 v2, v9  }
0xf2: {  	[tilespmem:s8+$0x16440] =	vst v3;
	v1 =	vadd.f32 v1, v10  }
0xf3: {  	[tilespmem:s8+$0x16450] =	vst v2;
	v0 =	vadd.f32 v0, v63  }
0xf4: {  	[tilespmem:s8+$0x16460] =	vst v1  }
0xf5: {  	s23 =	rddreg [dreg:$0x7];
	[tilespmem:s8+$0x16470] =	vst v0  }
0xf6: {  	[hbm4b:s23+s3] =	stream.linear.scatter [tilespmem:s12], [sflag:$0x4], $0xC800, $0x38;
	[tilespmem:$0x1C840] =	vst v63  }
0xf7: {  	_ =	swait.ge [sflag:s10], $0xC800  }
0xf8: {  	[sflag:s10] =	ssyncset.done $0x0  }
0xf9: {  	s24 =	rddreg [dreg:$0x8];
	[sflag:s10] =	ssyncadd.s32 $0xFFFF3800  }
0xfa: {  	[tilespmem:s3], [sflag:$0x5] =	stream.linear.gather [hbm4b:s24+s3], $0x320, $0x38;
	[tilespmem:$0x1C840] =	vst v63  }
0xfb: {  	_ =	swait.ge [sflag:s19], $0x320  }
0xfc: {  	[sflag:s19] =	ssyncset.done $0x0  }
0xfd: {  	[sflag:s19] =	ssyncadd.s32 $0xFFFFFCE0  }
0xfe: {  	[tilespmem:s21], [sflag:$0x1] =	stream.indirect.gather [hbm4b:s5+s20], $0x40, s3, s20, $0xb8;
	[tilespmem:$0x1C840] =	vst v63  }
0xff: {  	s9 =	simm.s32 $0x2640  }
0x100: {  	[tilespmem:s9], [sflag:$0x1] =	stream.indirect.gather [hbm4b:s5+s22], $0x40, s20, s22, $0xb8;
	[tilespmem:$0x1C840] =	vst v63  }
0x101: {  	s17 =	simm.s32 $0xC8;
	s9 =	simm.s32 $0x3840  }
0x102: {  	[tilespmem:s9], [sflag:$0x1] =	stream.indirect.gather [hbm4b:s5+s20], $0x40, s17, s20, $0xb8;
	[tilespmem:$0x1C840] =	vst v63  }
0x103: {  	s23 =	simm.s32 $0x148;
	s24 =	simm.s32 $0x5840  }
0x104: {  	[tilespmem:s24], [sflag:$0x1] =	stream.indirect.gather [hbm4b:s5+s22], $0x40, s23, s22, $0xb8;
	[tilespmem:$0x1C840] =	vst v63  }
0x105: {  	s9 =	simm.s32 $0x190;
	s17 =	simm.s32 $0x6A40  }
0x106: {  	[tilespmem:s17], [sflag:$0x1] =	stream.indirect.gather [hbm4b:s5+s20], $0x40, s9, s20, $0xb8;
	[tilespmem:$0x1C840] =	vst v63  }
0x107: {  	s23 =	simm.s32 $0x210;
	s24 =	simm.s32 $0x8A40  }
0x108: {  	[tilespmem:s24], [sflag:$0x1] =	stream.indirect.gather [hbm4b:s5+s22], $0x40, s23, s22, $0xb8;
	[tilespmem:$0x1C840] =	vst v63  }
0x109: {  	s9 =	simm.s32 $0x258;
	s17 =	simm.s32 $0x9C40  }
0x10a: {  	[tilespmem:s17], [sflag:$0x1] =	stream.indirect.gather [hbm4b:s5+s20], $0x40, s9, s20, $0xb8;
	[tilespmem:$0x1C840] =	vst v63  }
0x10b: {  	s23 =	simm.s32 $0x2D8;
	s24 =	simm.s32 $0xBC40  }
0x10c: {  	[tilespmem:s24], [sflag:$0x1] =	stream.indirect.gather [hbm4b:s5+s22], $0x40, s23, s22, $0xb8;
	[tilespmem:$0x1C840] =	vst v63  }
0x10d: {  	_ =	swait.ge [sflag:s13], $0xC800  }
0x10e: {  	[sflag:s13] =	ssyncset.done $0x0  }
0x10f: {  	s17 =	rddreg [dreg:$0x9];
	[sflag:s13] =	ssyncadd.s32 $0xFFFF3800  }
0x110: {  	[tilespmem:s11], [sflag:$0x5] =	stream.linear.gather [hbm4b:s17+s3], $0x320, $0x38;
	[tilespmem:$0x1C840] =	vst v63  }
0x111: {  	_ =	swait.ge [sflag:s19], $0x320  }
0x112: {  	[sflag:s19] =	ssyncset.done $0x0  }
0x113: {  	[sflag:s19] =	ssyncadd.s32 $0xFFFFFCE0  }
0x114: {  	[tilespmem:s12], [sflag:$0x2] =	stream.indirect.gather [hbm4b:s5+s20], $0x40, s11, s20, $0xb8;
	[tilespmem:$0x1C840] =	vst v63  }
0x115: {  	s23 =	simm.s32 $0x3A0;
	s24 =	simm.s32 $0xEE40  }
0x116: {  	[tilespmem:s24], [sflag:$0x2] =	stream.indirect.gather [hbm4b:s5+s22], $0x40, s23, s22, $0xb8;
	[tilespmem:$0x1C840] =	vst v63  }
0x117: {  	s9 =	simm.s32 $0x3E8;
	s17 =	simm.s32 $0x10040  }
0x118: {  	[tilespmem:s17], [sflag:$0x2] =	stream.indirect.gather [hbm4b:s5+s20], $0x40, s9, s20, $0xb8;
	[tilespmem:$0x1C840] =	vst v63  }
0x119: {  	s23 =	simm.s32 $0x468;
	s24 =	simm.s32 $0x12040  }
0x11a: {  	[tilespmem:s24], [sflag:$0x2] =	stream.indirect.gather [hbm4b:s5+s22], $0x40, s23, s22, $0xb8;
	[tilespmem:$0x1C840] =	vst v63  }
0x11b: {  	_ = 	snop  }
0x11c: {  	[tilespmem:s26], [sflag:$0x2] =	stream.indirect.gather [hbm4b:s5+s20], $0x40, s25, s20, $0xb8;
	[tilespmem:$0x1C840] =	vst v63  }
0x11d: {  	_ = 	snop  }
0x11e: {  	[tilespmem:s29], [sflag:$0x2] =	stream.indirect.gather [hbm4b:s5+s22], $0x40, s28, s22, $0xb8;
	[tilespmem:$0x1C840] =	vst v63  }
0x11f: {  	_ = 	snop  }
0x120: {  	[tilespmem:s31], [sflag:$0x2] =	stream.indirect.gather [hbm4b:s5+s20], $0x40, s30, s20, $0xb8;
	[tilespmem:$0x1C840] =	vst v63  }
0x121: {  	s17 =	simm.s32 $0x1  }
0x122: {  	[tilespmem:s1], [sflag:$0x2] =	stream.indirect.gather [hbm4b:s5+s22], $0x40, s0, s22, $0xb8;
	[tilespmem:$0x1C840] =	vst v63  }
.LBB2_6:
0x123: {  	_ =	swait.ge [sflag:s18], $0x2000  }
0x124: {  	[sflag:s18] =	ssyncset.done $0x0  }
0x125: {  	[sflag:s18] =	ssyncadd.s32 $0xFFFFE000  }
0x126: {  	_ =	swait.ge [sflag:s18], $0x1200  }
0x127: {  	[sflag:s18] =	ssyncset.done $0x0  }
0x128: {  	[sflag:s18] =	ssyncadd.s32 $0xFFFFEE00  }
0x129: {  	_ =	swait.ge [sflag:s18], $0x2000  }
0x12a: {  	[sflag:s18] =	ssyncset.done $0x0  }
0x12b: {  	[sflag:s18] =	ssyncadd.s32 $0xFFFFE000  }
0x12c: {  	_ =	swait.ge [sflag:s18], $0x1200  }
0x12d: {  	[sflag:s18] =	ssyncset.done $0x0  }
0x12e: {  	[sflag:s18] =	ssyncadd.s32 $0xFFFFEE00  }
0x12f: {  	_ =	swait.ge [sflag:s18], $0x2000  }
0x130: {  	[sflag:s18] =	ssyncset.done $0x0  }
0x131: {  	[sflag:s18] =	ssyncadd.s32 $0xFFFFE000  }
0x132: {  	_ =	swait.ge [sflag:s18], $0x1200  }
0x133: {  	[sflag:s18] =	ssyncset.done $0x0  }
0x134: {  	[sflag:s18] =	ssyncadd.s32 $0xFFFFEE00  }
0x135: {  	_ =	swait.ge [sflag:s18], $0x2000  }
0x136: {  	[sflag:s18] =	ssyncset.done $0x0  }
0x137: {  	[sflag:s18] =	ssyncadd.s32 $0xFFFFE000  }
0x138: {  	_ =	swait.ge [sflag:s18], $0x1200  }
0x139: {  	[sflag:s18] =	ssyncset.done $0x0  }
0x13a: {  	s9 =	simm.s32 $0x0;
	[sflag:s18] =	ssyncadd.s32 $0xFFFFEE00  }
0x13b: {  	v6 =	vld [tilespmem:s9+$0x19640]  }
0x13c: {  	v8 =	vld [tilespmem:s9+$0x19650]  }
0x13d: {  	v9 =	vld [tilespmem:s9+$0x19660]  }
0x13e: {  	v7 =	vld [tilespmem:s9+$0x19670]  }
0x13f: {  	v10 =	vld [tilespmem:s9+$0x19670]  }
0x140: {  	v11 =	vld [tilespmem:s9+$0x19640]  }
0x141: {  	v13 =	vld [tilespmem:s9+$0x19650]  }
0x142: {  	v5 =	vld [tilespmem:s9+$0x19660]  }
0x143: {  	v4 =	vld [tilespmem:s9+$0x19670]  }
0x144: {  	v3 =	vld [tilespmem:s9+$0x19640]  }
0x145: {  	v2 =	vld [tilespmem:s9+$0x19650]  }
0x146: {  	v1 =	vld [tilespmem:s9+$0x19660]  }
0x147: {  	v0 =	vld [tilespmem:s9+$0x19670]  }
0x148: {  	v12 =	vld [tilespmem:s9+$0x640]  }
0x149: {  	v14 =	vld [tilespmem:s9+$0x650]  }
0x14a: {  	v15 =	vld [tilespmem:s9+$0x660]  }
0x14b: {  	v16 =	vld [tilespmem:s9+$0x670]  }
0x14c: {  	v17 =	vld [tilespmem:s9+$0x3840]  }
0x14d: {  	v18 =	vld [tilespmem:s9+$0x3850];
	v12 =	vadd.f32 v6, v12  }
0x14e: {  	v19 =	vld [tilespmem:s9+$0x3860];
	v14 =	vadd.f32 v8, v14  }
0x14f: {  	v15 =	vadd.f32 v9, v15;
	[tilespmem:s9+$0x640] =	vst v12;
	v12 =	vld [tilespmem:s9+$0x3870]  }
0x150: {  	v7 =	vadd.f32 v7, v16;
	[tilespmem:s9+$0x650] =	vst v14;
	v14 =	vld [tilespmem:s9+$0x6A40]  }
0x151: {  	v6 =	vadd.f32 v6, v17;
	[tilespmem:s9+$0x660] =	vst v15;
	v15 =	vld [tilespmem:s9+$0x6A50]  }
0x152: {  	v8 =	vadd.f32 v8, v18;
	[tilespmem:s9+$0x670] =	vst v7;
	v7 =	vld [tilespmem:s9+$0x6A60]  }
0x153: {  	v9 =	vadd.f32 v9, v19;
	[tilespmem:s9+$0x3840] =	vst v6;
	v6 =	vld [tilespmem:s9+$0x6A70]  }
0x154: {  	[tilespmem:s9+$0x3850] =	vst v8;
	v8 =	vld [tilespmem:s9+$0x9C40];
	v10 =	vadd.f32 v10, v12  }
0x155: {  	[tilespmem:s9+$0x3860] =	vst v9;
	v9 =	vld [tilespmem:s9+$0x9C50];
	v12 =	vadd.f32 v11, v14  }
0x156: {  	s8 =	simm.s32 $0x100;
	v11 =	vadd.f32 v13, v15;
	[tilespmem:s9+$0x3870] =	vst v10;
	v10 =	vld [tilespmem:s9+$0x9C60]  }
.LBB2_7:
0x157: {  	s23 =	sshra.s32 s8, $0x2;
	p0 =	sne.s32 s8, $0xC700;
	[tilespmem:s9+$0x6A40] =	vst v12;
	v5 =	vadd.f32 v5, v7;
	v7 =	vld [tilespmem:s9+$0x9C70]  }
0x158: {  	v12 =	vld [tilespmem:s23+$0x19640];
	[tilespmem:s9+$0x6A50] =	vst v11;
	v4 =	vadd.f32 v4, v6  }
0x159: {  	v6 =	vld [tilespmem:s23+$0x19650];
	[tilespmem:s9+$0x6A60] =	vst v5;
	v3 =	vadd.f32 v3, v8  }
0x15a: {  	v8 =	vld [tilespmem:s23+$0x19660];
	[tilespmem:s9+$0x6A70] =	vst v4;
	v2 =	vadd.f32 v2, v9  }
0x15b: {  	v9 =	vld [tilespmem:s23+$0x19670];
	[tilespmem:s9+$0x9C40] =	vst v3;
	v1 =	vadd.f32 v1, v10  }
0x15c: {  	v10 =	vld [tilespmem:s23+$0x19670];
	[tilespmem:s9+$0x9C50] =	vst v2;
	v0 =	vadd.f32 v0, v7  }
0x15d: {  	v11 =	vld [tilespmem:s23+$0x19640];
	[tilespmem:s9+$0x9C60] =	vst v1  }
0x15e: {  	v13 =	vld [tilespmem:s23+$0x19650];
	[tilespmem:s9+$0x9C70] =	vst v0;
	s9 =	smov.u32 s23  }
0x15f: {  	v5 =	vld [tilespmem:s9+$0x19660]  }
0x160: {  	v4 =	vld [tilespmem:s9+$0x19670]  }
0x161: {  	v3 =	vld [tilespmem:s9+$0x19640]  }
0x162: {  	v2 =	vld [tilespmem:s9+$0x19650]  }
0x163: {  	v1 =	vld [tilespmem:s9+$0x19660]  }
0x164: {  	v0 =	vld [tilespmem:s9+$0x19670]  }
0x165: {  	v7 =	vld [tilespmem:s9+$0x640]  }
0x166: {  	v14 =	vld [tilespmem:s9+$0x650]  }
0x167: {  	v15 =	vld [tilespmem:s9+$0x660]  }
0x168: {  	v16 =	vld [tilespmem:s9+$0x670]  }
0x169: {  	v17 =	vld [tilespmem:s9+$0x3840]  }
0x16a: {  	v7 =	vadd.f32 v12, v7;
	v18 =	vld [tilespmem:s9+$0x3850]  }
0x16b: {  	v14 =	vadd.f32 v6, v14;
	v19 =	vld [tilespmem:s9+$0x3860]  }
0x16c: {  	[tilespmem:s9+$0x640] =	vst v7;
	v7 =	vadd.f32 v8, v15;
	v15 =	vld [tilespmem:s9+$0x3870]  }
0x16d: {  	[tilespmem:s9+$0x650] =	vst v14;
	v9 =	vadd.f32 v9, v16;
	v14 =	vld [tilespmem:s9+$0x6A40]  }
0x16e: {  	[tilespmem:s9+$0x660] =	vst v7;
	v12 =	vadd.f32 v12, v17;
	v16 =	vld [tilespmem:s9+$0x6A50]  }
.Ltmp2:
0x16f: {  	[tilespmem:s9+$0x670] =	vst v9;
	v9 =	vadd.f32 v6, v18;
	v7 =	vld [tilespmem:s9+$0x6A60];
	(pc) =	sbr.rel @p0 .LBB2_7-.Ltmp2, $4  }
0x170: {  	[tilespmem:s9+$0x3840] =	vst v12;
	v12 =	vadd.f32 v8, v19;
	v6 =	vld [tilespmem:s9+$0x6A70]  }
0x171: {  	[tilespmem:s9+$0x3850] =	vst v9;
	v10 =	vadd.f32 v10, v15;
	v8 =	vld [tilespmem:s9+$0x9C40]  }
0x172: {  	[tilespmem:s9+$0x3860] =	vst v12;
	v12 =	vadd.f32 v11, v14;
	v9 =	vld [tilespmem:s9+$0x9C50]  }
0x173: {  	s8 =	sadd.s32 $0x100, s8;
	[tilespmem:s9+$0x3870] =	vst v10;
	v11 =	vadd.f32 v13, v16;
	v10 =	vld [tilespmem:s9+$0x9C60]  }
0x174: {  	[tilespmem:s9+$0x6A40] =	vst v12;
	v5 =	vadd.f32 v5, v7;
	v7 =	vld [tilespmem:s9+$0x9C70]  }
0x175: {  	[tilespmem:s9+$0x6A50] =	vst v11;
	v4 =	vadd.f32 v4, v6  }
0x176: {  	s8 =	smul.u32 $0x640, s17;
	[tilespmem:s9+$0x6A60] =	vst v5;
	v3 =	vadd.f32 v3, v8  }
0x177: {  	[tilespmem:s9+$0x6A70] =	vst v4;
	v2 =	vadd.f32 v2, v9  }
0x178: {  	s23 =	sadd.s32 s4, s8;
	[tilespmem:s9+$0x9C40] =	vst v3;
	v1 =	vadd.f32 v1, v10  }
0x179: {  	s23 =	sshll.u32 s23, $0x3;
	[tilespmem:s9+$0x9C50] =	vst v2;
	v0 =	vadd.f32 v0, v7  }
0x17a: {  	s23 =	sand.u32 $0x1FFFFE00, s23;
	[tilespmem:s9+$0x9C60] =	vst v1  }
0x17b: {  	s24 =	simm.s32 $0x0;
	s23 =	sadd.s32 s2, s23;
	[tilespmem:s9+$0x9C70] =	vst v0  }
0x17c: {  	[hbm4b:s23+s24] =	stream.linear.scatter [tilespmem:s21], [sflag:$0x3], $0xC800, $0x38;
	[tilespmem:$0x1C840] =	vst v63  }
0x17d: {  	_ =	swait.ge [sflag:s7], $0x2000  }
0x17e: {  	[sflag:s7] =	ssyncset.done $0x0  }
0x17f: {  	[sflag:s7] =	ssyncadd.s32 $0xFFFFE000  }
0x180: {  	_ =	swait.ge [sflag:s7], $0x1200  }
0x181: {  	[sflag:s7] =	ssyncset.done $0x0  }
0x182: {  	[sflag:s7] =	ssyncadd.s32 $0xFFFFEE00  }
0x183: {  	_ =	swait.ge [sflag:s7], $0x2000  }
0x184: {  	[sflag:s7] =	ssyncset.done $0x0  }
0x185: {  	[sflag:s7] =	ssyncadd.s32 $0xFFFFE000  }
0x186: {  	_ =	swait.ge [sflag:s7], $0x1200  }
0x187: {  	[sflag:s7] =	ssyncset.done $0x0  }
0x188: {  	[sflag:s7] =	ssyncadd.s32 $0xFFFFEE00  }
0x189: {  	_ =	swait.ge [sflag:s7], $0x2000  }
0x18a: {  	[sflag:s7] =	ssyncset.done $0x0  }
0x18b: {  	[sflag:s7] =	ssyncadd.s32 $0xFFFFE000  }
0x18c: {  	_ =	swait.ge [sflag:s7], $0x1200  }
0x18d: {  	[sflag:s7] =	ssyncset.done $0x0  }
0x18e: {  	[sflag:s7] =	ssyncadd.s32 $0xFFFFEE00  }
0x18f: {  	_ =	swait.ge [sflag:s7], $0x2000  }
0x190: {  	[sflag:s7] =	ssyncset.done $0x0  }
0x191: {  	[sflag:s7] =	ssyncadd.s32 $0xFFFFE000  }
0x192: {  	_ =	swait.ge [sflag:s7], $0x1200  }
0x193: {  	[sflag:s7] =	ssyncset.done $0x0  }
0x194: {  	s9 =	simm.s32 $0x0;
	[sflag:s7] =	ssyncadd.s32 $0xFFFFEE00  }
0x195: {  	v6 =	vld [tilespmem:s9+$0x19640]  }
0x196: {  	v8 =	vld [tilespmem:s9+$0x19650]  }
0x197: {  	v9 =	vld [tilespmem:s9+$0x19660]  }
0x198: {  	v7 =	vld [tilespmem:s9+$0x19670]  }
0x199: {  	v10 =	vld [tilespmem:s9+$0x19670]  }
0x19a: {  	v11 =	vld [tilespmem:s9+$0x19640]  }
0x19b: {  	v13 =	vld [tilespmem:s9+$0x19650]  }
0x19c: {  	v5 =	vld [tilespmem:s9+$0x19660]  }
0x19d: {  	v4 =	vld [tilespmem:s9+$0x19670]  }
0x19e: {  	v3 =	vld [tilespmem:s9+$0x19640]  }
0x19f: {  	v2 =	vld [tilespmem:s9+$0x19650]  }
0x1a0: {  	v1 =	vld [tilespmem:s9+$0x19660]  }
0x1a1: {  	v0 =	vld [tilespmem:s9+$0x19670]  }
0x1a2: {  	v12 =	vld [tilespmem:s9+$0xCE40]  }
0x1a3: {  	v14 =	vld [tilespmem:s9+$0xCE50]  }
0x1a4: {  	v15 =	vld [tilespmem:s9+$0xCE60]  }
0x1a5: {  	v16 =	vld [tilespmem:s9+$0xCE70]  }
0x1a6: {  	v17 =	vld [tilespmem:s9+$0x10040]  }
0x1a7: {  	v18 =	vld [tilespmem:s9+$0x10050];
	v12 =	vadd.f32 v6, v12  }
0x1a8: {  	v19 =	vld [tilespmem:s9+$0x10060];
	v14 =	vadd.f32 v8, v14  }
0x1a9: {  	v15 =	vadd.f32 v9, v15;
	[tilespmem:s9+$0xCE40] =	vst v12;
	v12 =	vld [tilespmem:s9+$0x10070]  }
0x1aa: {  	v7 =	vadd.f32 v7, v16;
	[tilespmem:s9+$0xCE50] =	vst v14;
	v14 =	vld [tilespmem:s9+$0x13240]  }
0x1ab: {  	v6 =	vadd.f32 v6, v17;
	[tilespmem:s9+$0xCE60] =	vst v15;
	v15 =	vld [tilespmem:s9+$0x13250]  }
0x1ac: {  	v8 =	vadd.f32 v8, v18;
	[tilespmem:s9+$0xCE70] =	vst v7;
	v7 =	vld [tilespmem:s9+$0x13260]  }
0x1ad: {  	v9 =	vadd.f32 v9, v19;
	[tilespmem:s9+$0x10040] =	vst v6;
	v6 =	vld [tilespmem:s9+$0x13270]  }
0x1ae: {  	[tilespmem:s9+$0x10050] =	vst v8;
	v8 =	vld [tilespmem:s9+$0x16440];
	v10 =	vadd.f32 v10, v12  }
0x1af: {  	[tilespmem:s9+$0x10060] =	vst v9;
	v9 =	vld [tilespmem:s9+$0x16450];
	v12 =	vadd.f32 v11, v14  }
0x1b0: {  	s23 =	simm.s32 $0x100;
	v11 =	vadd.f32 v13, v15;
	[tilespmem:s9+$0x10070] =	vst v10;
	v10 =	vld [tilespmem:s9+$0x16460]  }
.LBB2_9:
0x1b1: {  	s24 =	sshra.s32 s23, $0x2;
	p0 =	sne.s32 s23, $0xC700;
	[tilespmem:s9+$0x13240] =	vst v12;
	v5 =	vadd.f32 v5, v7;
	v7 =	vld [tilespmem:s9+$0x16470]  }
0x1b2: {  	v12 =	vld [tilespmem:s24+$0x19640];
	[tilespmem:s9+$0x13250] =	vst v11;
	v4 =	vadd.f32 v4, v6  }
0x1b3: {  	v6 =	vld [tilespmem:s24+$0x19650];
	[tilespmem:s9+$0x13260] =	vst v5;
	v3 =	vadd.f32 v3, v8  }
0x1b4: {  	v8 =	vld [tilespmem:s24+$0x19660];
	[tilespmem:s9+$0x13270] =	vst v4;
	v2 =	vadd.f32 v2, v9  }
0x1b5: {  	v9 =	vld [tilespmem:s24+$0x19670];
	[tilespmem:s9+$0x16440] =	vst v3;
	v1 =	vadd.f32 v1, v10  }
0x1b6: {  	v10 =	vld [tilespmem:s24+$0x19670];
	[tilespmem:s9+$0x16450] =	vst v2;
	v0 =	vadd.f32 v0, v7  }
0x1b7: {  	v11 =	vld [tilespmem:s24+$0x19640];
	[tilespmem:s9+$0x16460] =	vst v1  }
0x1b8: {  	v13 =	vld [tilespmem:s24+$0x19650];
	[tilespmem:s9+$0x16470] =	vst v0;
	s9 =	smov.u32 s24  }
0x1b9: {  	v5 =	vld [tilespmem:s9+$0x19660]  }
0x1ba: {  	v4 =	vld [tilespmem:s9+$0x19670]  }
0x1bb: {  	v3 =	vld [tilespmem:s9+$0x19640]  }
0x1bc: {  	v2 =	vld [tilespmem:s9+$0x19650]  }
0x1bd: {  	v1 =	vld [tilespmem:s9+$0x19660]  }
0x1be: {  	v0 =	vld [tilespmem:s9+$0x19670]  }
0x1bf: {  	v7 =	vld [tilespmem:s9+$0xCE40]  }
0x1c0: {  	v14 =	vld [tilespmem:s9+$0xCE50]  }
0x1c1: {  	v15 =	vld [tilespmem:s9+$0xCE60]  }
0x1c2: {  	v16 =	vld [tilespmem:s9+$0xCE70]  }
0x1c3: {  	v17 =	vld [tilespmem:s9+$0x10040]  }
0x1c4: {  	v7 =	vadd.f32 v12, v7;
	v18 =	vld [tilespmem:s9+$0x10050]  }
0x1c5: {  	v14 =	vadd.f32 v6, v14;
	v19 =	vld [tilespmem:s9+$0x10060]  }
0x1c6: {  	[tilespmem:s9+$0xCE40] =	vst v7;
	v7 =	vadd.f32 v8, v15;
	v15 =	vld [tilespmem:s9+$0x10070]  }
0x1c7: {  	[tilespmem:s9+$0xCE50] =	vst v14;
	v9 =	vadd.f32 v9, v16;
	v14 =	vld [tilespmem:s9+$0x13240]  }
0x1c8: {  	[tilespmem:s9+$0xCE60] =	vst v7;
	v12 =	vadd.f32 v12, v17;
	v16 =	vld [tilespmem:s9+$0x13250]  }
.Ltmp3:
0x1c9: {  	[tilespmem:s9+$0xCE70] =	vst v9;
	v9 =	vadd.f32 v6, v18;
	v7 =	vld [tilespmem:s9+$0x13260];
	(pc) =	sbr.rel @p0 .LBB2_9-.Ltmp3, $4  }
0x1ca: {  	[tilespmem:s9+$0x10040] =	vst v12;
	v12 =	vadd.f32 v8, v19;
	v6 =	vld [tilespmem:s9+$0x13270]  }
0x1cb: {  	[tilespmem:s9+$0x10050] =	vst v9;
	v10 =	vadd.f32 v10, v15;
	v8 =	vld [tilespmem:s9+$0x16440]  }
0x1cc: {  	[tilespmem:s9+$0x10060] =	vst v12;
	v12 =	vadd.f32 v11, v14;
	v9 =	vld [tilespmem:s9+$0x16450]  }
0x1cd: {  	s23 =	sadd.s32 $0x100, s23;
	[tilespmem:s9+$0x10070] =	vst v10;
	v11 =	vadd.f32 v13, v16;
	v10 =	vld [tilespmem:s9+$0x16460]  }
0x1ce: {  	[tilespmem:s9+$0x13240] =	vst v12;
	v5 =	vadd.f32 v5, v7;
	v63 =	vld [tilespmem:s9+$0x16470]  }
0x1cf: {  	[tilespmem:s9+$0x13250] =	vst v11;
	v4 =	vadd.f32 v4, v6  }
0x1d0: {  	[tilespmem:s9+$0x13260] =	vst v5;
	v3 =	vadd.f32 v3, v8  }
0x1d1: {  	[tilespmem:s9+$0x13270] =	vst v4;
	v2 =	vadd.f32 v2, v9  }
0x1d2: {  	s8 =	sadd.s32 s8, s14;
	[tilespmem:s9+$0x16440] =	vst v3;
	v1 =	vadd.f32 v1, v10  }
0x1d3: {  	s8 =	sshll.u32 s8, $0x3;
	[tilespmem:s9+$0x16450] =	vst v2;
	v0 =	vadd.f32 v0, v63  }
0x1d4: {  	s8 =	sand.u32 $0x1FFFFF00, s8;
	[tilespmem:s9+$0x16460] =	vst v1  }
0x1d5: {  	s8 =	sadd.s32 s2, s8;
	[tilespmem:s9+$0x16470] =	vst v0;
	s9 =	sshll.u32 s17, $0x1  }
0x1d6: {  	[hbm4b:s8+s3] =	stream.linear.scatter [tilespmem:s12], [sflag:$0x4], $0xC800, $0x38;
	[tilespmem:$0x1C840] =	vst v63  }
0x1d7: {  	s24 =	smin.u32 s9, $0x1D  }
0x1d8: {  	s8 =	sshll.u32 s24, $0x2  }
0x1d9: {  	s8 =	sadd.s32 s8, s15  }
0x1da: {  	_ =	swait.ge [sflag:s10], $0xC800;
	s8 =	smul.u32 $0x19, s8  }
0x1db: {  	[sflag:s10] =	ssyncset.done $0x0  }
0x1dc: {  	[sflag:s10] =	ssyncadd.s32 $0xFFFF3800;
	s8 =	sadd.s32 s6, s8  }
0x1dd: {  	[tilespmem:s3], [sflag:$0x5] =	stream.linear.gather [hbm4b:s8+s3], $0x320, $0x38;
	[tilespmem:$0x1C840] =	vst v63  }
0x1de: {  	_ =	swait.ge [sflag:s19], $0x320  }
0x1df: {  	[sflag:s19] =	ssyncset.done $0x0  }
0x1e0: {  	[sflag:s19] =	ssyncadd.s32 $0xFFFFFCE0  }
0x1e1: {  	[tilespmem:s21], [sflag:$0x1] =	stream.indirect.gather [hbm4b:s5+s20], $0x40, s3, s20, $0xb8;
	[tilespmem:$0x1C840] =	vst v63  }
0x1e2: {  	s23 =	simm.s32 $0x2640  }
0x1e3: {  	[tilespmem:s23], [sflag:$0x1] =	stream.indirect.gather [hbm4b:s5+s22], $0x40, s20, s22, $0xb8;
	[tilespmem:$0x1C840] =	vst v63  }
0x1e4: {  	s24 =	simm.s32 $0xC8;
	s23 =	simm.s32 $0x3840  }
0x1e5: {  	[tilespmem:s23], [sflag:$0x1] =	stream.indirect.gather [hbm4b:s5+s20], $0x40, s24, s20, $0xb8;
	[tilespmem:$0x1C840] =	vst v63  }
0x1e6: {  	s23 =	simm.s32 $0x148;
	s24 =	simm.s32 $0x5840  }
0x1e7: {  	[tilespmem:s24], [sflag:$0x1] =	stream.indirect.gather [hbm4b:s5+s22], $0x40, s23, s22, $0xb8;
	[tilespmem:$0x1C840] =	vst v63  }
0x1e8: {  	s23 =	simm.s32 $0x190;
	s24 =	simm.s32 $0x6A40  }
0x1e9: {  	[tilespmem:s24], [sflag:$0x1] =	stream.indirect.gather [hbm4b:s5+s20], $0x40, s23, s20, $0xb8;
	[tilespmem:$0x1C840] =	vst v63  }
0x1ea: {  	s9 =	smin.u32 s9, $0x1C;
	s23 =	simm.s32 $0x210;
	s24 =	simm.s32 $0x8A40  }
0x1eb: {  	[tilespmem:s24], [sflag:$0x1] =	stream.indirect.gather [hbm4b:s5+s22], $0x40, s23, s22, $0xb8;
	[tilespmem:$0x1C840] =	vst v63  }
0x1ec: {  	s8 =	sshll.u32 s9, $0x2;
	s23 =	simm.s32 $0x258;
	s24 =	simm.s32 $0x9C40  }
0x1ed: {  	[tilespmem:s24], [sflag:$0x1] =	stream.indirect.gather [hbm4b:s5+s20], $0x40, s23, s20, $0xb8;
	[tilespmem:$0x1C840] =	vst v63  }
0x1ee: {  	s8 =	sadd.s32 s8, s16;
	s23 =	simm.s32 $0x2D8;
	s24 =	simm.s32 $0xBC40  }
0x1ef: {  	[tilespmem:s24], [sflag:$0x1] =	stream.indirect.gather [hbm4b:s5+s22], $0x40, s23, s22, $0xb8;
	[tilespmem:$0x1C840] =	vst v63  }
0x1f0: {  	s8 =	smul.u32 $0x19, s8;
	_ =	swait.ge [sflag:s13], $0xC800  }
0x1f1: {  	[sflag:s13] =	ssyncset.done $0x0  }
0x1f2: {  	s8 =	sadd.s32 s6, s8;
	[sflag:s13] =	ssyncadd.s32 $0xFFFF3800  }
0x1f3: {  	[tilespmem:s11], [sflag:$0x5] =	stream.linear.gather [hbm4b:s8+s3], $0x320, $0x38;
	[tilespmem:$0x1C840] =	vst v63  }
0x1f4: {  	_ =	swait.ge [sflag:s19], $0x320  }
0x1f5: {  	[sflag:s19] =	ssyncset.done $0x0  }
0x1f6: {  	[sflag:s19] =	ssyncadd.s32 $0xFFFFFCE0  }
0x1f7: {  	[tilespmem:s12], [sflag:$0x2] =	stream.indirect.gather [hbm4b:s5+s20], $0x40, s11, s20, $0xb8;
	[tilespmem:$0x1C840] =	vst v63  }
0x1f8: {  	s23 =	simm.s32 $0x3A0;
	s24 =	simm.s32 $0xEE40  }
0x1f9: {  	[tilespmem:s24], [sflag:$0x2] =	stream.indirect.gather [hbm4b:s5+s22], $0x40, s23, s22, $0xb8;
	[tilespmem:$0x1C840] =	vst v63  }
0x1fa: {  	s23 =	simm.s32 $0x3E8;
	s24 =	simm.s32 $0x10040  }
0x1fb: {  	[tilespmem:s24], [sflag:$0x2] =	stream.indirect.gather [hbm4b:s5+s20], $0x40, s23, s20, $0xb8;
	[tilespmem:$0x1C840] =	vst v63  }
0x1fc: {  	s23 =	simm.s32 $0x468;
	s24 =	simm.s32 $0x12040  }
0x1fd: {  	[tilespmem:s24], [sflag:$0x2] =	stream.indirect.gather [hbm4b:s5+s22], $0x40, s23, s22, $0xb8;
	[tilespmem:$0x1C840] =	vst v63  }
0x1fe: {  	s17 =	sadd.s32 $0x1, s17  }
0x1ff: {  	[tilespmem:s26], [sflag:$0x2] =	stream.indirect.gather [hbm4b:s5+s20], $0x40, s25, s20, $0xb8;
	[tilespmem:$0x1C840] =	vst v63  }
0x200: {  	p0 =	sne.s32 s17, $0x10  }
0x201: {  	[tilespmem:s29], [sflag:$0x2] =	stream.indirect.gather [hbm4b:s5+s22], $0x40, s28, s22, $0xb8;
	[tilespmem:$0x1C840] =	vst v63  }
.Ltmp4:
0x202: {  	_ = 	snop;
	(pc) =	sbr.rel @p0 .LBB2_6-.Ltmp4, $4  }
0x203: {  	_ = 	snop  }
0x204: {  	[tilespmem:s31], [sflag:$0x2] =	stream.indirect.gather [hbm4b:s5+s20], $0x40, s30, s20, $0xb8;
	[tilespmem:$0x1C840] =	vst v63  }
0x205: {  	_ = 	snop  }
0x206: {  	[tilespmem:s1], [sflag:$0x2] =	stream.indirect.gather [hbm4b:s5+s22], $0x40, s0, s22, $0xb8;
	[tilespmem:$0x1C840] =	vst v63  }
0x207: {  	_ =	swait.ge [sflag:s18], $0x2000  }
0x208: {  	[sflag:s18] =	ssyncset.done $0x0  }
0x209: {  	[sflag:s18] =	ssyncadd.s32 $0xFFFFE000  }
0x20a: {  	_ =	swait.ge [sflag:s18], $0x1200  }
0x20b: {  	[sflag:s18] =	ssyncset.done $0x0  }
0x20c: {  	[sflag:s18] =	ssyncadd.s32 $0xFFFFEE00  }
0x20d: {  	_ =	swait.ge [sflag:s18], $0x2000  }
0x20e: {  	[sflag:s18] =	ssyncset.done $0x0  }
0x20f: {  	[sflag:s18] =	ssyncadd.s32 $0xFFFFE000  }
0x210: {  	_ =	swait.ge [sflag:s18], $0x1200  }
0x211: {  	[sflag:s18] =	ssyncset.done $0x0  }
0x212: {  	[sflag:s18] =	ssyncadd.s32 $0xFFFFEE00  }
0x213: {  	_ =	swait.ge [sflag:s18], $0x2000  }
0x214: {  	[sflag:s18] =	ssyncset.done $0x0  }
0x215: {  	[sflag:s18] =	ssyncadd.s32 $0xFFFFE000  }
0x216: {  	_ =	swait.ge [sflag:s18], $0x1200  }
0x217: {  	[sflag:s18] =	ssyncset.done $0x0  }
0x218: {  	[sflag:s18] =	ssyncadd.s32 $0xFFFFEE00  }
0x219: {  	_ =	swait.ge [sflag:s18], $0x2000  }
0x21a: {  	[sflag:s18] =	ssyncset.done $0x0  }
0x21b: {  	[sflag:s18] =	ssyncadd.s32 $0xFFFFE000  }
0x21c: {  	_ =	swait.ge [sflag:s18], $0x1200  }
0x21d: {  	[sflag:s18] =	ssyncset.done $0x0  }
0x21e: {  	[sflag:s18] =	ssyncadd.s32 $0xFFFFEE00  }
0x21f: {  	_ =	swait.ge [sflag:s7], $0x2000  }
0x220: {  	[sflag:s7] =	ssyncset.done $0x0  }
0x221: {  	[sflag:s7] =	ssyncadd.s32 $0xFFFFE000  }
0x222: {  	_ =	swait.ge [sflag:s7], $0x1200  }
0x223: {  	[sflag:s7] =	ssyncset.done $0x0  }
0x224: {  	[sflag:s7] =	ssyncadd.s32 $0xFFFFEE00  }
0x225: {  	_ =	swait.ge [sflag:s7], $0x2000  }
0x226: {  	[sflag:s7] =	ssyncset.done $0x0  }
0x227: {  	[sflag:s7] =	ssyncadd.s32 $0xFFFFE000  }
0x228: {  	_ =	swait.ge [sflag:s7], $0x1200  }
0x229: {  	[sflag:s7] =	ssyncset.done $0x0  }
0x22a: {  	[sflag:s7] =	ssyncadd.s32 $0xFFFFEE00  }
0x22b: {  	_ =	swait.ge [sflag:s7], $0x2000  }
0x22c: {  	[sflag:s7] =	ssyncset.done $0x0  }
0x22d: {  	[sflag:s7] =	ssyncadd.s32 $0xFFFFE000  }
0x22e: {  	_ =	swait.ge [sflag:s7], $0x1200  }
0x22f: {  	[sflag:s7] =	ssyncset.done $0x0  }
0x230: {  	[sflag:s7] =	ssyncadd.s32 $0xFFFFEE00  }
0x231: {  	_ =	swait.ge [sflag:s7], $0x2000  }
0x232: {  	[sflag:s7] =	ssyncset.done $0x0  }
0x233: {  	[sflag:s7] =	ssyncadd.s32 $0xFFFFE000  }
0x234: {  	_ =	swait.ge [sflag:s7], $0x1200  }
0x235: {  	s9 =	rddreg [dreg:$0xb]  }
0x236: {  	s8 =	rddreg [dreg:$0xa];
	s9 =	sadd.s32 $0x1, s9  }
0x237: {  	p0 =	sne.s32 s9, s8  }
.Ltmp5:
0x238: {  	_ = 	snop;
	(pc) =	sbr.rel @p0 .LBB2_1-.Ltmp5, $3  }
0x239: {  	_ =	sdelay $0x1  }
0x23a: {  	[sflag:s7] =	ssyncset.done $0x0  }
0x23b: {  	[sflag:s7] =	ssyncadd.s32 $0xFFFFEE00  }
0x23c: {  	_ =	sfence.sel $0x180000  }
0x23d: {  	[bflag:$0x0] =	sbarrier.arrive $0xFFFF  }
0x23e: {  	_ =	strace $0x90000047  }
0x23f: {  	s0 =	stileid.u32;
	[bflag:$0x2] =	sbarrier.arrive $0xFFFF  }
0x240: {  	p0 =	sne.s32 s0, $0x0;
	s0 =	rddreg [dreg:$0x2]  }
0x241: {  	s0 =	sadd.s32 @!p0 $0x100000, s0  }
0x242: {  	[sflag:s0] =	ssyncadd.tile.s32 @!p0 $0x1;
	_ =	shalt  }
.Lfunc_end2:
_tile_overlayer_lowered:
.L_overlay_start_2:
0x243: {  	(tag) =	ssettag $0x2  }
0x244: {  	s0 =	rddreg [dreg:$0x0];
	s2 =	stileid.u32  }
0x245: {  	s1 =	rddreg [dreg:$0x1];
	p0 =	sne.s32 s2, $0x0  }
0x246: {  	s3 =	rddreg [dreg:$0x2];
	[bflag:$0x3] =	sbarrier.arrive $0xFFFF;
	s2 =	simm.s32 @!p0 $0x1C05  }
0x247: {  	[timem:s3], [sflag:s2] =	dma.local @!p0 [hbm:s0], s1  }
0x248: {  	s0 =	simm.s32 @!p0 $0x5  }
0x249: {  	_ =	swait.ge @!p0 [sflag:s0], s1  }
0x24a: {  	s1 =	ssub.s32 @!p0 $0x0, s1;
	[sflag:s0] =	ssyncset.done @!p0 $0x0  }
0x24b: {  	[sflag:s0] =	ssyncadd.s32 @!p0 s1  }
0x24c: {  	[bflag:$0x3] =	sbarrier.arrive $0xFFFF  }
0x24d: {  	_ =	shalt  }

// kernel: sparse-core-data-format-call.cloned.1.call-start
scs
called_computation_lowered:
.L_overlay_start_0:
0x0: {  	s2 =	sld [smem:$0x3FD9]  }
0x1: {  	s3 =	sld [smem:$0x3FFE];
	_ =	sdelay $0x1  }
0x2: {  	s1 =	srdreg.scid  }
0x3: {  	s0 =	sand.u32 $0x1, s1  }
0x4: {  	s18 =	sshll.u32 s0, $0xA;
	s2 =	sadd.s32 s3, s2  }
0x5: {  	s2 =	sadd.s32 s2, s18  }
0x6: {  	[smem:$0x3FC6] =	sst s2  }
0x7: {  	_ = 	snop  }
0x8: {  	s2 =	sld [smem:$0x3FD0];
	(tm) =	ssettm $0x1  }
0x9: {  	s19 =	sld [smem:$0x3FFB];
	_ =	sdelay $0x3  }
0xa: {  	_ =	strace s19  }
0xb: {  	s3 =	sld [smem:$0x3FFC];
	_ =	sdelay $0x3  }
0xc: {  	_ =	strace s3  }
0xd: {  	s3 =	sld [smem:$0x3FFD];
	_ =	sdelay $0x3  }
0xe: {  	_ =	strace s3  }
0xf: {  	_ =	strace $0x8FFFFFFF  }
0x10: {  	s20 =	sld [smem:$0x3FDB];
	_ =	sdelay $0x1  }
0x11: {  	s4 =	simm.s32 $_scs_section_size  }
0x12: {  	s5 =	simm.s32 $_size__tile_overlayer_lowered;
	s6 =	simm.s32 $_tile_overlayer_lowered  }
0x13: {  	s23 =	simm.s32 $0x1BFF;
	s22 =	sshll.u32 s6, $0x1;
	s3 =	sadd.s32 s4, s20  }
0x14: {  	s7 =	simm.s32 $0x0;
	s21 =	sshll.u32 s5, $0x1;
	s5 =	sadd.s32 s22, s3  }
0x15: {  	[timem:s7], [sflag:s23] =	dma.local [hbm:s5], s21  }
0x16: {  	_ =	swait.ge [sflag:s23], s21  }
0x17: {  	s4 =	ssub.s32 $0x0, s21;
	[sflag:s23] =	ssyncset.done $0x0  }
0x18: {  	[sflag:s23] =	ssyncadd.s32 s4;
	_ =	sdelay $0x1  }
0x19: {  	s24 =	simm.s32 $0x1B8B  }
0x1a: {  	_ =	swait.ge [sflag:s24], $0x1  }
0x1b: {  	[sflag:s24] =	ssyncset.done $0x0  }
0x1c: {  	s26 =	simm.s32 $0x1B8E;
	s25 =	sld [smem:$0x3FFE];
	[sflag:s24] =	ssyncadd.s32 $0xFFFFFFFF  }
0x1d: {  	s27 =	simm.s32 $execute0_lowered;
	[smem:$0x3FD2] =	sst s26  }
0x1e: {  	s5 =	sshll.u32 s27, $0x1;
	_ =	strace $0x80000049;
	[dreg:$0x1] =	wrdreg $0xFFFFFFFF  }
0x1f: {  	s28 =	simm.s32 $_size_execute0_lowered;
	s3 =	sadd.s32 s3, s5;
	[dreg:$0x0] =	wrdreg $0x0  }
0x20: {  	s5 =	sshll.u32 s28, $0x1;
	[dreg:$0x2] =	wrdreg s3  }
0x21: {  	[dreg:$0x3] =	wrdreg s5  }
0x22: {  	[dreg:$0x4] =	wrdreg $0xC0  }
0x23: {  	_ =	task [dreg:s7], $0x5FFFF  }
0x24: {  	[dreg:$0x1] =	wrdreg $0xFFFFFFFF  }
0x25: {  	[dreg:$0x0] =	wrdreg $0x60  }
0x26: {  	[dreg:$0x2] =	wrdreg s25  }
0x27: {  	[dreg:$0x3] =	wrdreg s2  }
0x28: {  	[dreg:$0x4] =	wrdreg $0x9  }
0x29: {  	_ =	task.clear_ibuf [dreg:s7], $0x5FFFF;
	_ =	strace $0x90000049  }
0x2a: {  	s29 =	simm.s32 $0x9;
	_ =	strace $0x8000004B  }
0x2b: {  	_ =	swait.ge [sflag:s29], $0x1  }
0x2c: {  	[sflag:s29] =	ssyncadd.s32 $0xFFFFFFFF  }
0x2d: {  	_ =	strace $0x9000004B  }
0x2e: {  	_ =	sfence  }
0x2f: {  	s30 =	sld [smem:$0x0];
	_ =	sdelay $0x2  }
0x30: {  	s31 =	sshll.u32 s1, $0xD;
	s1 =	sshrl.u32 s1, $0x2  }
0x31: {  	s3 =	sand.u32 $0x4000, s31;
	s1 =	sadd.s32 s1, s30  }
0x32: {  	s0 =	sor.u32 s3, s0;
	s1 =	sshll.u32 s1, $0x11  }
0x33: {  	s0 =	sor.u32 s1, s0  }
0x34: {  	s0 =	sadd.s32 $0x8F2B, s0  }
0x35: {  	[sflag:s0] =	ssyncadd.remote.s32 $0x1  }
0x36: {  	_ =	sfence.sel $0xFFFF  }
0x37: {  	[dreg:$0x0] =	wrdreg $0xFFFFFFFF;
	(pc) =	sbr.abs _section_cstart, $3  }
0x38: {  	[dreg:$0x1] =	wrdreg $0xFFFFFFFF  }
0x39: {  	_ =	task.clear_ibuf [dreg:s7], $0x2FFFF;
	_ =	strace $0x9FFFFFFF  }
0x3a: {  	(tm) =	ssettm $0x7FFFFFFF  }
0x3b: {  	_ =	shalt  }
tec
execute0_lowered:
.L_overlay_start_1:
0x0: {  	(tag) =	ssettag $0x1  }
0x1: {  	s0 =	srdreg.scid  }
0x2: {  	s1 =	sshll.u32 s0, $0x4  }
0x3: {  	s0 =	stileid.u32;
	s1 =	sand.u32 $0x10, s1  }
0x4: {  	s1 =	sor.u32 s0, s1  }
0x5: {  	s6 =	rddreg [dreg:$0x0];
	s4 =	simm.s32 $0x1;
	s2 =	sshll.u32 s1, $0x7  }
0x6: {  	s7 =	simm.s32 $0x2;
	s12 =	simm.s32 $0x0;
	s1 =	ssub.s32 $0x1000, s2  }
0x7: {  	s8 =	simm.s32 $0x8000;
	s13 =	simm.s32 $0x0;
	s3 =	sand.u32 $0xF80, s1  }
0x8: {  	s9 =	simm.s32 $0x0;
	s5 =	sshrl.u32 s1, $0xC;
	p0 =	sne.s32 s3, $0x0  }
.Ltmp0:
0x9: {  	s1 =	rddreg [dreg:$0x2];
	s4 =	simm.s32 @!p0 $0x0;
	(pc) =	sbr.rel .LBB1_1-.Ltmp0, $4  }
0xa: {  	s11 =	simm.s32 $0x0;
	s3 =	rddreg [dreg:$0x1];
	s5 =	sadd.s32 s4, s5  }
0xb: {  	_ =	strace $0x8000004A;
	s4 =	simm.s32 $0x1;
	s5 =	smul.u32 $0xC8, s5  }
0xc: {  	s6 =	sadd.s32 $0xC00, s6;
	s10 =	smov.u32 s2;
	[sflag:s4] =	ssyncpa.u1 $0x0  }
0xd: {  	p0 =	por $0x0, $0x0;
	[sflag:s7] =	ssyncpa.u1 $0x0;
	s7 =	sor.u32 $0x1, s5  }
.LBB1_4:
0xe: {  	s16 =	sshll.u32 s13, $0x3;
	s17 =	sand.u32 $0x78, s13  }
0xf: {  	s30 =	sand.u32 $0x7E00, s13;
	s12 =	sshll.u32 s12, $0xF;
	s16 =	sand.u32 $0xC00, s16  }
0x10: {  	[tilespmem:s15+$0x810 ss:$0x81] =	vst.msk $0xffff, v2;
	s31 =	sand.u32 $0x7, s13;
	s16 =	sor.u32 s17, s16;
	s17 =	sadd.s32 s3, s30  }
0x11: {  	[tilespmem:s15+$0x1020 ss:$0x81] =	vst.msk $0xffff, v0;
	s13 =	sshll.u32 s31, $0x12;
	s12 =	sadd.s32 s12, s17;
	s16 =	sshrl.u32 s16, $0x3  }
0x12: {  	[tilespmem:s15+$0x0 ss:$0x81] =	vst.msk $0xffff, v1;
	s13 =	sor.u32 $0x400, s13;
	s12 =	sadd.s32 s16, s12  }
0x13: {  	[hbm4b:s12+s13] =	stream.strided.scatter [tilespmem:s14], [sflag:$0x2], $0x2000, s8, s13, $0x20;
	[tilespmem:$0x8080] =	vst v63  }
.LBB1_5:
0x14: {  	s14 =	sadd.s32 $0x1, s9  }
0x15: {  	s12 =	sadd.s32 $0x1000, s10;
	s16 =	smov.u32 s10;
	p2 =	sgt.s32 s14, $0xC7  }
0x16: {  	s16 =	smov.u32 @p2 s12  }
0x17: {  	s14 =	simm.s32 @p2 $0x0;
	p2 =	sgt.s32 s16, $0xFFF  }
0x18: {  	s16 =	smov.u32 @p2 s2;
	p2 =	sne.s32 s11, s7  }
.Ltmp1:
0x19: {  	p1 =	slt.u32 s11, $0x2;
	(pc) =	sbr.rel @!p2 .LBB1_6-.Ltmp1, $4  }
0x1a: {  	s15 =	simm.s32 @!p1 $0x2  }
0x1b: {  	s13 =	smov.u32 s10;
	p0 =	por !p0, !p0;
	_ =	swait.ge @!p1 [sflag:s15], $0x2000  }
0x1c: {  	s12 =	smov.u32 s9;
	[sflag:s15] =	ssyncset.done @!p1 $0x0;
	s9 =	smov.u32 s14  }
0x1d: {  	s11 =	sadd.s32 $0x1, s11;
	[sflag:s15] =	ssyncadd.s32 @!p1 $0xFFFFE000;
	s10 =	smov.u32 s16  }
.LBB1_1:
0x1e: {  	p1 =	sge.u32 s11, s5  }
0x1f: {  	s14 =	sand.u32 @!p1 $0x1FFFFFF, s9  }
0x20: {  	s15 =	smulhi.u32 @!p1 $0x147AE15, s14;
	_ =	sdelay $0x1  }
0x21: {  	s15 =	smul.u32 @!p1 $0xC8, s15  }
0x22: {  	s16 =	sxor.u32 @!p1 $0xFFFFFFFF, s11;
	s17 =	smul.u32 @!p1 $0xC80, s10  }
0x23: {  	s31 =	sadd.s32 $0xFFFFFFFF, s11;
	s16 =	sshll.u32 @!p1 s16, $0xD;
	s14 =	ssub.s32 @!p1 s14, s15  }
0x24: {  	s15 =	sand.u32 @!p1 $0x2000, s16;
	s16 =	sadd.s32 @!p1 s6, s17;
	s14 =	sshll.u32 @!p1 s14, $0x4  }
0x25: {  	s17 =	simm.s32 @!p1 $0x6400;
	s14 =	sadd.s32 @!p1 s14, s16;
	s16 =	simm.s32 @!p1 $0x40  }
0x26: {  	[tilespmem:s15], [sflag:$0x1] =	stream.strided.gather @!p1 [hbm4b:s14+s16], $0x2000, s17, s16, $0x38;
	[tilespmem:$0x8080] =	vst v63  }
0x27: {  	p1 =	sge.u32 s31, s5  }
.Ltmp2:
0x28: {  	_ = 	snop;
	(pc) =	sbr.rel @p1 .LBB1_5-.Ltmp2, $1  }
0x29: {  	_ =	sdelay $0x3  }
0x2a: {  	s14 =	simm.s32 $0x1  }
0x2b: {  	_ =	swait.ge [sflag:s4], $0x2000;
	s14 =	simm.s32 @!p0 $0x0  }
0x2c: {  	[sflag:s4] =	ssyncset.done $0x0;
	s15 =	sshll.u32 s14, $0xD  }
0x2d: {  	[sflag:s4] =	ssyncadd.s32 $0xFFFFE000;
	s18 =	sor.u32 $0x20, s15  }
0x2e: {  	s14 =	smul.u32 $0x8100, s14;
	v3 =	vld [tilespmem:s18+$0x10]  }
0x2f: {  	s30 =	sand.u32 $0x1, s11;
	v2 =	vld [tilespmem:s18+$0xFFFFFFF0]  }
0x30: {  	s15 =	smul.u32 $0x8100, s30;
	s14 =	sshrl.u32 s14, $0x2;
	v0 =	vld [tilespmem:s18+$0x0]  }
0x31: {  	v1 =	vld [tilespmem:s18+$0xFFFFFFE0];
	s16 =	sor.u32 $0x4000, s14  }
0x32: {  	s31 =	sshrl.u32 s15, $0x2;
	s15 =	sadd.s32 $0x0, s16  }
0x33: {  	s17 =	simm.s32 $0x4;
	s18 =	sadd.s32 $0x40, s18;
	s14 =	sor.u32 $0x4000, s31;
	[tilespmem:s15+$0x1830 ss:$0x81] =	vst.msk $0xffff, v3  }
.LBB1_3:
0x34: {  	v3 =	vld [tilespmem:s18+$0x10];
	p1 =	sne.s32 s17, $0x1FC;
	[tilespmem:s15+$0x810 ss:$0x81] =	vst.msk $0xffff, v2;
	s19 =	smov.u32 s17;
	s17 =	sadd.s32 $0x4, s17  }
.Ltmp3:
0x35: {  	v2 =	vld [tilespmem:s18+$0xFFFFFFF0];
	[tilespmem:s15+$0x1020 ss:$0x81] =	vst.msk $0xffff, v0;
	(pc) =	sbr.rel @p1 .LBB1_3-.Ltmp3, $4  }
0x36: {  	v0 =	vld [tilespmem:s18+$0x0];
	[tilespmem:s15+$0x0 ss:$0x81] =	vst.msk $0xffff, v1  }
0x37: {  	s15 =	sshra.s32 s19, $0x2;
	v1 =	vld [tilespmem:s18+$0xFFFFFFE0]  }
0x38: {  	s15 =	sadd.s32 s15, s16  }
0x39: {  	s18 =	sadd.s32 $0x40, s18;
	[tilespmem:s15+$0x1830 ss:$0x81] =	vst.msk $0xffff, v3  }
.Ltmp4:
0x3a: {  	_ = 	snop;
	(pc) =	sbr.rel .LBB1_4-.Ltmp4, $1  }
0x3b: {  	_ =	sdelay $0x3  }
.LBB1_6:
0x3c: {  	_ =	sfence.sel $0x180000  }
0x3d: {  	s2 =	simm.s32 $0x1;
	[bflag:$0x0] =	sbarrier.arrive $0xFFFF  }
0x3e: {  	s31 =	simm.s32 $0x2;
	[sflag:s2] =	ssyncpa.u1 $0x1  }
0x3f: {  	[sflag:s31] =	ssyncpa.u1 $0x1  }
0x40: {  	p0 =	sne.s32 s0, $0x0;
	_ =	strace $0x9000004A  }
0x41: {  	s0 =	sadd.s32 @!p0 $0x100000, s1;
	[bflag:$0x2] =	sbarrier.arrive $0xFFFF  }
0x42: {  	[sflag:s0] =	ssyncadd.tile.s32 @!p0 $0x1;
	_ =	shalt  }
.Lfunc_end1:
_tile_overlayer_lowered:
.L_overlay_start_2:
0x43: {  	(tag) =	ssettag $0x2  }
0x44: {  	s0 =	rddreg [dreg:$0x0];
	s2 =	stileid.u32  }
0x45: {  	s1 =	rddreg [dreg:$0x1];
	p0 =	sne.s32 s2, $0x0  }
0x46: {  	s3 =	rddreg [dreg:$0x2];
	[bflag:$0x3] =	sbarrier.arrive $0xFFFF;
	s2 =	simm.s32 @!p0 $0x1C01  }
0x47: {  	[timem:s3], [sflag:s2] =	dma.local @!p0 [hbm:s0], s1  }
0x48: {  	s0 =	simm.s32 @!p0 $0x1  }
0x49: {  	_ =	swait.ge @!p0 [sflag:s0], s1  }
0x4a: {  	s1 =	ssub.s32 @!p0 $0x0, s1;
	[sflag:s0] =	ssyncset.done @!p0 $0x0  }
0x4b: {  	[sflag:s0] =	ssyncadd.s32 @!p0 s1  }
0x4c: {  	[bflag:$0x3] =	sbarrier.arrive $0xFFFF  }
0x4d: {  	_ =	shalt  }

</sc_bundles>
